<compile_context>
chip_gen: v7x
topology: tpu7x:2x2x1
jax: 0.10.2.dev20260603
libtpu: 0.0.44.dev20260713+nightly
codegen_flags: <defaults>
</compile_context>

<pallas_src>
import functools

import jax
import jax.numpy as jnp
from jax import lax
from jax.experimental import pallas as pl
from jax.experimental.pallas import tpu as pltpu
from jax.experimental.pallas import tpu_sc as plsc

NC, NS = 2, 16
NW = NC * NS
EC = 128
RC = 80
ROW_BLK = 1000
N_GR = 64
DEG_K = 4
GRP = 16


def _stripes(n_nodes):
    full = ((n_nodes // NS) + RC - 1) // RC * RC
    tail = n_nodes - (NS - 1) * full
    assert tail > 0 and tail % RC == 0 and full % RC == 0
    return full, full // RC, tail // RC


DUMMY_ROWS = 64


def _acc_rows(n_nodes):
    return n_nodes + DUMMY_ROWS


def _make_sc_agg1(n_nodes, e_pad, d):
    full, fullc, tailc = _stripes(n_nodes)
    n_acc = _acc_rows(n_nodes)
    cpw = e_pad // (NW * EC)
    assert cpw % GRP == 0
    ngrp = cpw // GRP
    mesh = plsc.VectorSubcoreMesh(core_axis_name="c", subcore_axis_name="s",
                                  num_cores=NC, num_subcores=NS)

    @functools.partial(
        pl.kernel,
        out_type=(
            jax.ShapeDtypeStruct((NC, n_nodes, d), jnp.float32),
            jax.ShapeDtypeStruct((NC, n_nodes, d), jnp.float32),
        ),
        mesh=mesh,
        scratch_types=[
            pltpu.VMEM((GRP, EC), jnp.int32),
            pltpu.VMEM((GRP, EC), jnp.int32),
            pltpu.VMEM((EC, d), jnp.float32),
            pltpu.VMEM((EC, d), jnp.float32),
            pltpu.VMEM_SHARED((n_acc, d), jnp.float32),
            pltpu.SemaphoreType.DMA,
            pltpu.SemaphoreType.DMA,
            pltpu.SemaphoreType.DMA,
        ],
    )
    def sc_agg1(x_hbm, src_hbm, dst_hbm, zd_hbm, ones_hbm,
                agg_out, deg_out,
                idxs_v, idxd_v, rows0, rows1, acc_sh,
                gsem0, gsem1, ssem):
        c = lax.axis_index("c")
        s = lax.axis_index("s")
        wid = s * NC + c
        nchunks = jnp.where(s < NS - 1, fullc, tailc)
        rbase = s * full

        def zero_acc():
            def zstep(j, carry):
                pltpu.sync_copy(rows0.at[pl.ds(0, RC)],
                                acc_sh.at[pl.ds(rbase + j * RC, RC)])
                return carry

            lax.fori_loop(0, nchunks, zstep, 0)

        def publish(out_hbm):
            def pstep(j, carry):
                sl = pl.ds(rbase + j * RC, RC)
                pltpu.sync_copy(acc_sh.at[sl], rows0.at[pl.ds(0, RC)])
                pltpu.sync_copy(rows0.at[pl.ds(0, RC)], out_hbm.at[c, sl])
                return carry

            lax.fori_loop(0, nchunks, pstep, 0)

        pltpu.sync_copy(zd_hbm, rows0)
        pltpu.sync_copy(ones_hbm, rows1)
        zero_acc()
        plsc.subcore_barrier()

        def dgrp(g, carry):
            pltpu.sync_copy(dst_hbm.at[wid, pl.ds(g * GRP, GRP)], idxd_v)

            def dstep(q, carry2):
                descs = []
                for i in range(DEG_K):
                    descs.append(pltpu.async_copy(
                        rows1, acc_sh.at[idxd_v.at[q * DEG_K + i]], ssem,
                        add=True))
                for desc in descs:
                    desc.wait()
                return carry2

            lax.fori_loop(0, GRP // DEG_K, dstep, 0)
            return carry

        lax.fori_loop(0, ngrp, dgrp, 0)
        plsc.subcore_barrier()
        publish(deg_out)
        plsc.subcore_barrier()

        pltpu.sync_copy(zd_hbm, rows0)
        zero_acc()
        plsc.subcore_barrier()

        def agrp(g, carry):
            pltpu.sync_copy(src_hbm.at[wid, pl.ds(g * GRP, GRP)], idxs_v)
            pltpu.sync_copy(dst_hbm.at[wid, pl.ds(g * GRP, GRP)], idxd_v)

            def astep(p, carry2):
                j0 = 2 * p
                g0 = pltpu.async_copy(x_hbm.at[idxs_v.at[j0]], rows0, gsem0)
                g1 = pltpu.async_copy(x_hbm.at[idxs_v.at[j0 + 1]], rows1,
                                      gsem1)
                g0.wait()
                s0 = pltpu.async_copy(rows0, acc_sh.at[idxd_v.at[j0]], ssem,
                                      add=True)
                g1.wait()
                s1 = pltpu.async_copy(rows1, acc_sh.at[idxd_v.at[j0 + 1]],
                                      ssem, add=True)
                s0.wait()
                s1.wait()
                return carry2

            lax.fori_loop(0, GRP // 2, astep, 0)
            return carry

        lax.fori_loop(0, ngrp, agrp, 0)
        plsc.subcore_barrier()
        publish(agg_out)

    return sc_agg1


def _make_sc_agg2(n_nodes, e_pad, d):
    full, fullc, tailc = _stripes(n_nodes)
    n_acc = _acc_rows(n_nodes)
    cps = e_pad // (NS * EC)
    assert cps % GRP == 0
    ngrp = cps // GRP
    mesh = plsc.VectorSubcoreMesh(core_axis_name="c", subcore_axis_name="s",
                                  num_cores=NC, num_subcores=NS)

    @functools.partial(
        pl.kernel,
        out_type=jax.ShapeDtypeStruct((NC, n_nodes, d), jnp.float32),
        mesh=mesh,
        scratch_types=[
            pltpu.VMEM((GRP, EC), jnp.int32),
            pltpu.VMEM((GRP, EC), jnp.int32),
            pltpu.VMEM((EC, d), jnp.float32),
            pltpu.VMEM((EC, d), jnp.float32),
            pltpu.VMEM_SHARED((n_acc, d), jnp.float32),
            pltpu.SemaphoreType.DMA,
            pltpu.SemaphoreType.DMA,
            pltpu.SemaphoreType.DMA,
        ],
    )
    def sc_agg2(hlo_hbm, hhi_hbm, src_hbm, dst_hbm, zd_hbm,
                agg_out,
                idxs_v, idxd_v, rows0, rows1, acc_sh,
                gsem0, gsem1, ssem):
        c = lax.axis_index("c")
        s = lax.axis_index("s")
        nchunks = jnp.where(s < NS - 1, fullc, tailc)
        rbase = s * full

        pltpu.sync_copy(zd_hbm, rows0)

        def zstep(j, carry):
            pltpu.sync_copy(rows0.at[pl.ds(0, RC)],
                            acc_sh.at[pl.ds(rbase + j * RC, RC)])
            return carry

        lax.fori_loop(0, nchunks, zstep, 0)
        plsc.subcore_barrier()

        def run(table_hbm):
            def agrp(g, carry):
                pltpu.sync_copy(src_hbm.at[s, pl.ds(g * GRP, GRP)], idxs_v)
                pltpu.sync_copy(dst_hbm.at[s, pl.ds(g * GRP, GRP)], idxd_v)

                def astep(p, carry2):
                    j0 = 2 * p
                    g0 = pltpu.async_copy(table_hbm.at[idxs_v.at[j0]], rows0,
                                          gsem0)
                    g1 = pltpu.async_copy(table_hbm.at[idxs_v.at[j0 + 1]],
                                          rows1, gsem1)
                    g0.wait()
                    s0 = pltpu.async_copy(rows0, acc_sh.at[idxd_v.at[j0]],
                                          ssem, add=True)
                    g1.wait()
                    s1 = pltpu.async_copy(rows1, acc_sh.at[idxd_v.at[j0 + 1]],
                                          ssem, add=True)
                    s0.wait()
                    s1.wait()
                    return carry2

                lax.fori_loop(0, GRP // 2, astep, 0)
                return carry

            lax.fori_loop(0, ngrp, agrp, 0)

        @pl.when(c == 0)
        def _():
            run(hlo_hbm)

        @pl.when(c == 1)
        def _():
            run(hhi_hbm)

        plsc.subcore_barrier()

        def pstep(j, carry):
            sl = pl.ds(rbase + j * RC, RC)
            pltpu.sync_copy(acc_sh.at[sl], rows0.at[pl.ds(0, RC)])
            pltpu.sync_copy(rows0.at[pl.ds(0, RC)], agg_out.at[c, sl])
            return carry

        lax.fori_loop(0, nchunks, pstep, 0)

    return sc_agg2


def _tc1_body(agg_ref, deg_ref, x_ref, w1l_ref, w1r_ref, b1_ref,
              lo_ref, hi_ref):
    deg = jnp.maximum(deg_ref[0, :, 0:1] + deg_ref[1, :, 0:1], 1.0)
    agg = (agg_ref[0] + agg_ref[1]) / deg
    h = jnp.dot(agg, w1l_ref[...], preferred_element_type=jnp.float32)
    h += jnp.dot(x_ref[...], w1r_ref[...], preferred_element_type=jnp.float32)
    h = jnp.maximum(h + b1_ref[...], 0.0)
    d = h.shape[1] // 2
    lo_ref[...] = h[:, :d]
    hi_ref[...] = h[:, d:]


def _tc1(agg1, deg, x, W1l, W1r, b1):
    n, din = x.shape
    dh = W1l.shape[1]
    grid = (n // ROW_BLK,)
    return pl.pallas_call(
        _tc1_body,
        grid=grid,
        in_specs=[
            pl.BlockSpec((NC, ROW_BLK, din), lambda i: (0, i, 0)),
            pl.BlockSpec((NC, ROW_BLK, din), lambda i: (0, i, 0)),
            pl.BlockSpec((ROW_BLK, din), lambda i: (i, 0)),
            pl.BlockSpec((din, dh), lambda i: (0, 0)),
            pl.BlockSpec((din, dh), lambda i: (0, 0)),
            pl.BlockSpec((1, dh), lambda i: (0, 0)),
        ],
        out_specs=[
            pl.BlockSpec((ROW_BLK, dh // 2), lambda i: (i, 0)),
            pl.BlockSpec((ROW_BLK, dh // 2), lambda i: (i, 0)),
        ],
        out_shape=[
            jax.ShapeDtypeStruct((n, dh // 2), jnp.float32),
            jax.ShapeDtypeStruct((n, dh // 2), jnp.float32),
        ],
    )(agg1, deg, x, W1l, W1r, b1)


def _tc2_body(agg_ref, deg_ref, lo_ref, hi_ref, batch_ref,
              w2l_ref, w2r_ref, b2_ref, wfc_ref, bfc_ref,
              out_ref, pooled_acc, cnt_acc):
    i = pl.program_id(0)
    dhalf = agg_ref.shape[2]
    deg = jnp.maximum(deg_ref[0, :, 0:1] + deg_ref[1, :, 0:1], 1.0)
    h = jnp.dot(agg_ref[0] / deg, w2l_ref[:dhalf, :],
                preferred_element_type=jnp.float32)
    h += jnp.dot(agg_ref[1] / deg, w2l_ref[dhalf:, :],
                 preferred_element_type=jnp.float32)
    h += jnp.dot(lo_ref[...], w2r_ref[:dhalf, :],
                 preferred_element_type=jnp.float32)
    h += jnp.dot(hi_ref[...], w2r_ref[dhalf:, :],
                 preferred_element_type=jnp.float32)
    h = jnp.maximum(h + b2_ref[...], 0.0)

    b = batch_ref[0]
    onehot = (lax.broadcasted_iota(jnp.int32, (N_GR, 1), 0) == b
              ).astype(jnp.float32)
    ps = jnp.dot(onehot, h, preferred_element_type=jnp.float32)
    cs = jnp.sum(onehot, axis=1, keepdims=True)

    @pl.when(i == 0)
    def _():
        pooled_acc[...] = ps
        cnt_acc[...] = cs

    @pl.when(i > 0)
    def _():
        pooled_acc[...] += ps
        cnt_acc[...] += cs

    @pl.when(i == pl.num_programs(0) - 1)
    def _():
        pooled = pooled_acc[...] / jnp.maximum(cnt_acc[...], 1.0)
        out_ref[...] = jnp.dot(pooled, wfc_ref[...],
                               preferred_element_type=jnp.float32) + bfc_ref[...]


def _tc2(agg2, deg, hlo, hhi, batch3, W2l, W2r, b2, Wfc, bfc):
    n = hlo.shape[0]
    dhalf = hlo.shape[1]
    dh = W2l.shape[0]
    ncls = Wfc.shape[1]
    grid = (n // ROW_BLK,)
    return pl.pallas_call(
        _tc2_body,
        grid=grid,
        in_specs=[
            pl.BlockSpec((NC, ROW_BLK, dhalf), lambda i: (0, i, 0)),
            pl.BlockSpec((NC, ROW_BLK, dhalf), lambda i: (0, i, 0)),
            pl.BlockSpec((ROW_BLK, dhalf), lambda i: (i, 0)),
            pl.BlockSpec((ROW_BLK, dhalf), lambda i: (i, 0)),
            pl.BlockSpec((1, 1, ROW_BLK), lambda i: (i, 0, 0)),
            pl.BlockSpec((dh, dh), lambda i: (0, 0)),
            pl.BlockSpec((dh, dh), lambda i: (0, 0)),
            pl.BlockSpec((1, dh), lambda i: (0, 0)),
            pl.BlockSpec((dh, ncls), lambda i: (0, 0)),
            pl.BlockSpec((1, ncls), lambda i: (0, 0)),
        ],
        out_specs=pl.BlockSpec((N_GR, ncls), lambda i: (0, 0)),
        out_shape=jax.ShapeDtypeStruct((N_GR, ncls), jnp.float32),
        scratch_shapes=[
            pltpu.VMEM((N_GR, dh), jnp.float32),
            pltpu.VMEM((N_GR, 1), jnp.float32),
        ],
    )(agg2, deg, hlo, hhi, batch3, W2l, W2r, b2, Wfc, bfc)


def kernel(x, edge_index, batch, W1l, W1r, b1, W2l, W2r, b2, Wfc, bfc):
    n, din = x.shape
    e = edge_index.shape[1]
    dh = W1l.shape[1]
    src = edge_index[0].astype(jnp.int32)
    dst = edge_index[1].astype(jnp.int32)

    quantum = NW * EC * GRP
    e_pad = -(-e // quantum) * quantum
    pad_src = jnp.arange(e_pad - e, dtype=jnp.int32) % n
    src_p = jnp.concatenate([src, pad_src])
    pad_dst = n + (jnp.arange(e_pad - e, dtype=jnp.int32) % DUMMY_ROWS)
    dst_p = jnp.concatenate([dst, pad_dst])
    src3w = src_p.reshape(NW, e_pad // (NW * EC), EC)
    dst3w = dst_p.reshape(NW, e_pad // (NW * EC), EC)
    src3s = src_p.reshape(NS, e_pad // (NS * EC), EC)
    dst3s = dst_p.reshape(NS, e_pad // (NS * EC), EC)

    z_din = jnp.zeros((EC, din), jnp.float32)
    ones_din = jnp.ones((EC, din), jnp.float32)
    z_half = jnp.zeros((EC, dh // 2), jnp.float32)

    agg1, deg = _make_sc_agg1(n, e_pad, din)(x, src3w, dst3w, z_din, ones_din)
    hlo, hhi = _tc1(agg1, deg, x, W1l, W1r, b1.reshape(1, -1))
    agg2 = _make_sc_agg2(n, e_pad, dh // 2)(hlo, hhi, src3s, dst3s, z_half)
    batch3 = batch.astype(jnp.int32).reshape(n // ROW_BLK, 1, ROW_BLK)
    return _tc2(agg2, deg, hlo, hhi, batch3,
                W2l, W2r, b2.reshape(1, -1), Wfc, bfc.reshape(1, -1))

# --- scband reference (transcript-rebuilt; emitter-appended) ---
"""Pipeline reference for scband-gnnclassifier-64544768524950 (READ-ONLY COPY).

The authoritative reference and input builder live on the scoring server;
editing this copy changes nothing except your own understanding.
"""

import jax, jax.numpy as jnp
import numpy as np

N_NODES = 10000
N_EDGES = 320000
D_IN = 128
D_HID = 256
N_CLASSES = 16
N_GRAPHS = 64


def setup_inputs(seed: int = 0) -> dict:
    key = jax.random.key(seed)
    ks = jax.random.split(key, 12)
    x = jax.random.normal(ks[0], (N_NODES, D_IN), dtype=jnp.float32)
    edge_index = jax.random.randint(ks[1], (2, N_EDGES), 0, N_NODES, dtype=jnp.int64)
    batch = jnp.sort(jax.random.randint(ks[2], (N_NODES,), 0, N_GRAPHS, dtype=jnp.int64))
    s1 = 1.0 / np.sqrt(D_IN)
    s2 = 1.0 / np.sqrt(D_HID)
    W1l = jax.random.uniform(ks[3], (D_IN, D_HID), jnp.float32, -s1, s1)
    W1r = jax.random.uniform(ks[4], (D_IN, D_HID), jnp.float32, -s1, s1)
    b1 = jax.random.uniform(ks[5], (D_HID,), jnp.float32, -s1, s1)
    W2l = jax.random.uniform(ks[6], (D_HID, D_HID), jnp.float32, -s2, s2)
    W2r = jax.random.uniform(ks[7], (D_HID, D_HID), jnp.float32, -s2, s2)
    b2 = jax.random.uniform(ks[8], (D_HID,), jnp.float32, -s2, s2)
    Wfc = jax.random.uniform(ks[9], (D_HID, N_CLASSES), jnp.float32, -s2, s2)
    bfc = jax.random.uniform(ks[10], (N_CLASSES,), jnp.float32, -s2, s2)
    return {"x": x, "edge_index": edge_index, "batch": batch,
            "W1l": W1l, "W1r": W1r, "b1": b1,
            "W2l": W2l, "W2r": W2r, "b2": b2,
            "Wfc": Wfc, "bfc": bfc}


def _sage_conv(x, src, dst, Wl, Wr, b, n_nodes):
    # PyG SAGEConv (mean aggregation): out = lin_l(mean_j x_j) + lin_r(x_i) + b
    msg = jnp.take(x, src, axis=0)
    agg = jax.ops.segment_sum(msg, dst, num_segments=n_nodes)
    deg = jax.ops.segment_sum(jnp.ones((src.shape[0],), x.dtype), dst, num_segments=n_nodes)
    agg = agg / jnp.clip(deg, 1.0, None)[:, None]
    return agg @ Wl + x @ Wr + b


def reference(x, edge_index, batch, W1l, W1r, b1, W2l, W2r, b2, Wfc, bfc):
    n_nodes = x.shape[0]
    src = edge_index[0]
    dst = edge_index[1]
    h = jax.nn.relu(_sage_conv(x, src, dst, W1l, W1r, b1, n_nodes))
    h = jax.nn.relu(_sage_conv(h, src, dst, W2l, W2r, b2, n_nodes))
    pooled_sum = jax.ops.segment_sum(h, batch, num_segments=N_GRAPHS)
    counts = jax.ops.segment_sum(jnp.ones((n_nodes,), h.dtype), batch, num_segments=N_GRAPHS)
    pooled = pooled_sum / jnp.clip(counts, 1.0, None)[:, None]
    return pooled @ Wfc + bfc

if __name__ == "__main__":
    import jax
    _d = setup_inputs()
    print(jax.jit(kernel)(*tuple(_d.values())))

</pallas_src>

<mosaic_0001>
#map = affine_map<(d0, d1) -> (0, 0)>
#map1 = affine_map<(d0, d1) -> (0, 0, 0)>
module attributes {stable_mosaic.version = 14 : i64} {
  func.func @sc_agg1(%arg0: i32, %arg1: i32, %arg2: memref<10000x128xf32, #tpu.memory_space<hbm>>, %arg3: memref<32x80x128xi32, #tpu.memory_space<hbm>>, %arg4: memref<32x80x128xi32, #tpu.memory_space<hbm>>, %arg5: memref<128x128xf32, #tpu.memory_space<hbm>>, %arg6: memref<128x128xf32, #tpu.memory_space<hbm>>, %arg7: memref<2x10000x128xf32, #tpu.memory_space<hbm>>, %arg8: memref<2x10000x128xf32, #tpu.memory_space<hbm>>, %arg9: memref<16x128xi32, #tpu.memory_space<vmem>>, %arg10: memref<16x128xi32, #tpu.memory_space<vmem>>, %arg11: memref<128x128xf32, #tpu.memory_space<vmem>>, %arg12: memref<128x128xf32, #tpu.memory_space<vmem>>, %arg13: memref<10064x128xf32, #tpu.memory_space<vmem_shared>>, %arg14: memref<!tpu.dma_semaphore, #tpu.memory_space<semaphore_mem>>, %arg15: memref<!tpu.dma_semaphore, #tpu.memory_space<semaphore_mem>>, %arg16: memref<!tpu.dma_semaphore, #tpu.memory_space<semaphore_mem>>) attributes {dimension_semantics = [#tpu.dimension_semantics<core_parallel>, #tpu.dimension_semantics<subcore_parallel>], iteration_bounds = array<i64: 2, 16>, scalar_prefetch = 0 : i64, scratch_operands = 8 : i64, tpu.core_type = #tpu.core_type<sc_vector_subcore>, window_params = [{transform_indices = #map}, {transform_indices = #map1}, {transform_indices = #map1}, {transform_indices = #map}, {transform_indices = #map}, {transform_indices = #map1}, {transform_indices = #map1}]} {
    %mul3A = arith.constant 2 : i32
    %mul3A_0 = arith.muli %arg1, %mul3A : i32
    %add3A = arith.addi %mul3A_0, %arg0 : i32
    %lt3A = arith.constant 15 : i32
    %lt3A_1 = arith.cmpi slt, %arg1, %lt3A : i32
    %jit3A = arith.constant 8 : i32
    %jit3A_2 = arith.constant 5 : i32
    %select_n3A = arith.select %lt3A_1, %jit3A, %jit3A_2 : i32
    %mul3A_3 = arith.constant 640 : i32
    %mul3A_4 = arith.muli %arg1, %mul3A_3 : i32
    "tpu.region"() ({
      %run_scoped3A = tpu.sem_alloc : memref<!tpu.dma_semaphore, #tpu.memory_space<semaphore_mem>>
      tpu.enqueue_dma source(%arg5 : memref<128x128xf32, #tpu.memory_space<hbm>>) target(%arg11 : memref<128x128xf32, #tpu.memory_space<vmem>>) target_semaphore(%run_scoped3A : memref<!tpu.dma_semaphore, #tpu.memory_space<semaphore_mem>>)
      tpu.wait_dma2 semaphore(%run_scoped3A : memref<!tpu.dma_semaphore, #tpu.memory_space<semaphore_mem>>) src(%arg5 : memref<128x128xf32, #tpu.memory_space<hbm>>) dst(%arg11 : memref<128x128xf32, #tpu.memory_space<vmem>>)
      tpu.yield
    }) : () -> ()
    "tpu.region"() ({
      %run_scoped3A = tpu.sem_alloc : memref<!tpu.dma_semaphore, #tpu.memory_space<semaphore_mem>>
      tpu.enqueue_dma source(%arg6 : memref<128x128xf32, #tpu.memory_space<hbm>>) target(%arg12 : memref<128x128xf32, #tpu.memory_space<vmem>>) target_semaphore(%run_scoped3A : memref<!tpu.dma_semaphore, #tpu.memory_space<semaphore_mem>>)
      tpu.wait_dma2 semaphore(%run_scoped3A : memref<!tpu.dma_semaphore, #tpu.memory_space<semaphore_mem>>) src(%arg6 : memref<128x128xf32, #tpu.memory_space<hbm>>) dst(%arg12 : memref<128x128xf32, #tpu.memory_space<vmem>>)
      tpu.yield
    }) : () -> ()
    %while3A = arith.constant 0 : i32
    %while3A_5 = arith.constant 0 : i32
    %while3A_6 = arith.subi %select_n3A, %while3A_5 : i32
    %while3A_7 = arith.addi %while3A_5, %while3A_6 : i32
    %while3A_8 = arith.constant 1 : i32
    %while3A_9 = arith.divsi %while3A_6, %while3A_8 : i32
    %while3A_10 = arith.muli %while3A_9, %while3A_8 : i32
    %while3A_11 = arith.addi %while3A_5, %while3A_10 : i32
    %while3A_12 = arith.constant 1 : i32
    scf.for %while3A_59 = %while3A_5 to %while3A_11 step %while3A_12  : i32 {
      %mul3A_60 = arith.constant 80 : i32
      %mul3A_61 = arith.muli %while3A_59, %mul3A_60 : i32
      %add3A_62 = arith.addi %mul3A_4, %mul3A_61 : i32
      "tpu.region"() ({
        %run_scoped3A = tpu.sem_alloc : memref<!tpu.dma_semaphore, #tpu.memory_space<semaphore_mem>>
        %dma_start3A = arith.constant 0 : i32
        %dma_start3A_63 = arith.constant 0 : i32
        %dma_start3A_64 = tpu.memref_slice %arg11[%dma_start3A, %dma_start3A_63] : memref<128x128xf32, #tpu.memory_space<vmem>> -> memref<80x128xf32, #tpu.memory_space<vmem>>
        %dma_start3A_65 = arith.constant 0 : i32
        %dma_start3A_66 = tpu.memref_slice %arg13[%add3A_62, %dma_start3A_65] : memref<10064x128xf32, #tpu.memory_space<vmem_shared>> -> memref<80x128xf32, #tpu.memory_space<vmem_shared>>
        %dma_start3A_67 = arith.constant 0 : i32
        %dma_start3A_68 = tpu.memref_slice %arg13[%add3A_62, %dma_start3A_67] : memref<10064x128xf32, #tpu.memory_space<vmem_shared>> -> memref<80x128xf32, #tpu.memory_space<vmem_shared>>
        %dma_start3A_69 = arith.constant 0 : i32
        %dma_start3A_70 = arith.constant 0 : i32
        %dma_start3A_71 = tpu.memref_slice %arg11[%dma_start3A_69, %dma_start3A_70] : memref<128x128xf32, #tpu.memory_space<vmem>> -> memref<80x128xf32, #tpu.memory_space<vmem>>
        tpu.enqueue_dma source(%dma_start3A_71 : memref<80x128xf32, #tpu.memory_space<vmem>>) target(%dma_start3A_68 : memref<80x128xf32, #tpu.memory_space<vmem_shared>>) target_semaphore(%run_scoped3A : memref<!tpu.dma_semaphore, #tpu.memory_space<semaphore_mem>>)
        %dma_wait3A = arith.constant 0 : i32
        %dma_wait3A_72 = arith.constant 0 : i32
        %dma_wait3A_73 = tpu.memref_slice %arg11[%dma_wait3A, %dma_wait3A_72] : memref<128x128xf32, #tpu.memory_space<vmem>> -> memref<80x128xf32, #tpu.memory_space<vmem>>
        %dma_wait3A_74 = arith.constant 0 : i32
        %dma_wait3A_75 = tpu.memref_slice %arg13[%add3A_62, %dma_wait3A_74] : memref<10064x128xf32, #tpu.memory_space<vmem_shared>> -> memref<80x128xf32, #tpu.memory_space<vmem_shared>>
        %dma_wait3A_76 = arith.constant 0 : i32
        %dma_wait3A_77 = tpu.memref_slice %arg13[%add3A_62, %dma_wait3A_76] : memref<10064x128xf32, #tpu.memory_space<vmem_shared>> -> memref<80x128xf32, #tpu.memory_space<vmem_shared>>
        %dma_wait3A_78 = arith.constant 0 : i32
        %dma_wait3A_79 = arith.constant 0 : i32
        %dma_wait3A_80 = tpu.memref_slice %arg11[%dma_wait3A_78, %dma_wait3A_79] : memref<128x128xf32, #tpu.memory_space<vmem>> -> memref<80x128xf32, #tpu.memory_space<vmem>>
        tpu.wait_dma2 semaphore(%run_scoped3A : memref<!tpu.dma_semaphore, #tpu.memory_space<semaphore_mem>>) src(%dma_wait3A_80 : memref<80x128xf32, #tpu.memory_space<vmem>>) dst(%dma_wait3A_77 : memref<80x128xf32, #tpu.memory_space<vmem_shared>>)
        tpu.yield
      }) : () -> ()
    }
    %while3A_13 = arith.constant 1 : i32
    scf.for %while3A_59 = %while3A_11 to %while3A_7 step %while3A_13  : i32 {
      %mul3A_60 = arith.constant 80 : i32
      %mul3A_61 = arith.muli %while3A_59, %mul3A_60 : i32
      %add3A_62 = arith.addi %mul3A_4, %mul3A_61 : i32
      "tpu.region"() ({
        %run_scoped3A = tpu.sem_alloc : memref<!tpu.dma_semaphore, #tpu.memory_space<semaphore_mem>>
        %dma_start3A = arith.constant 0 : i32
        %dma_start3A_63 = arith.constant 0 : i32
        %dma_start3A_64 = tpu.memref_slice %arg11[%dma_start3A, %dma_start3A_63] : memref<128x128xf32, #tpu.memory_space<vmem>> -> memref<80x128xf32, #tpu.memory_space<vmem>>
        %dma_start3A_65 = arith.constant 0 : i32
        %dma_start3A_66 = tpu.memref_slice %arg13[%add3A_62, %dma_start3A_65] : memref<10064x128xf32, #tpu.memory_space<vmem_shared>> -> memref<80x128xf32, #tpu.memory_space<vmem_shared>>
        %dma_start3A_67 = arith.constant 0 : i32
        %dma_start3A_68 = tpu.memref_slice %arg13[%add3A_62, %dma_start3A_67] : memref<10064x128xf32, #tpu.memory_space<vmem_shared>> -> memref<80x128xf32, #tpu.memory_space<vmem_shared>>
        %dma_start3A_69 = arith.constant 0 : i32
        %dma_start3A_70 = arith.constant 0 : i32
        %dma_start3A_71 = tpu.memref_slice %arg11[%dma_start3A_69, %dma_start3A_70] : memref<128x128xf32, #tpu.memory_space<vmem>> -> memref<80x128xf32, #tpu.memory_space<vmem>>
        tpu.enqueue_dma source(%dma_start3A_71 : memref<80x128xf32, #tpu.memory_space<vmem>>) target(%dma_start3A_68 : memref<80x128xf32, #tpu.memory_space<vmem_shared>>) target_semaphore(%run_scoped3A : memref<!tpu.dma_semaphore, #tpu.memory_space<semaphore_mem>>)
        %dma_wait3A = arith.constant 0 : i32
        %dma_wait3A_72 = arith.constant 0 : i32
        %dma_wait3A_73 = tpu.memref_slice %arg11[%dma_wait3A, %dma_wait3A_72] : memref<128x128xf32, #tpu.memory_space<vmem>> -> memref<80x128xf32, #tpu.memory_space<vmem>>
        %dma_wait3A_74 = arith.constant 0 : i32
        %dma_wait3A_75 = tpu.memref_slice %arg13[%add3A_62, %dma_wait3A_74] : memref<10064x128xf32, #tpu.memory_space<vmem_shared>> -> memref<80x128xf32, #tpu.memory_space<vmem_shared>>
        %dma_wait3A_76 = arith.constant 0 : i32
        %dma_wait3A_77 = tpu.memref_slice %arg13[%add3A_62, %dma_wait3A_76] : memref<10064x128xf32, #tpu.memory_space<vmem_shared>> -> memref<80x128xf32, #tpu.memory_space<vmem_shared>>
        %dma_wait3A_78 = arith.constant 0 : i32
        %dma_wait3A_79 = arith.constant 0 : i32
        %dma_wait3A_80 = tpu.memref_slice %arg11[%dma_wait3A_78, %dma_wait3A_79] : memref<128x128xf32, #tpu.memory_space<vmem>> -> memref<80x128xf32, #tpu.memory_space<vmem>>
        tpu.wait_dma2 semaphore(%run_scoped3A : memref<!tpu.dma_semaphore, #tpu.memory_space<semaphore_mem>>) src(%dma_wait3A_80 : memref<80x128xf32, #tpu.memory_space<vmem>>) dst(%dma_wait3A_77 : memref<80x128xf32, #tpu.memory_space<vmem_shared>>)
        tpu.yield
      }) : () -> ()
    }
    %barrier3A = arith.constant 0 : index
    tpu.barrier barrier_id(%barrier3A)
    %scan3A = arith.constant 0 : i32
    %scan3A_14 = arith.constant 0 : i32
    %scan3A_15 = arith.constant 5 : i32
    %scan3A_16 = arith.addi %scan3A_14, %scan3A_15 : i32
    %scan3A_17 = arith.constant 1 : i32
    scf.for %scan3A_59 = %scan3A_14 to %scan3A_16 step %scan3A_17  : i32 {
      %mul3A_60 = arith.constant 16 : i32
      %mul3A_61 = arith.muli %scan3A_59, %mul3A_60 : i32
      "tpu.region"() ({
        %run_scoped3A = tpu.sem_alloc : memref<!tpu.dma_semaphore, #tpu.memory_space<semaphore_mem>>
        %dma_start3A = arith.constant 0 : i32
        %dma_start3A_68 = tpu.memref_slice %arg4[%add3A, %mul3A_61, %dma_start3A] : memref<32x80x128xi32, #tpu.memory_space<hbm>> -> memref<1x16x128xi32, #tpu.memory_space<hbm>>
        %dma_start3A_69 = tpu.memref_squeeze %dma_start3A_68 : memref<1x16x128xi32, #tpu.memory_space<hbm>> -> memref<16x128xi32, #tpu.memory_space<hbm>>
        %dma_start3A_70 = arith.constant 0 : i32
        %dma_start3A_71 = tpu.memref_slice %arg4[%add3A, %mul3A_61, %dma_start3A_70] : memref<32x80x128xi32, #tpu.memory_space<hbm>> -> memref<1x16x128xi32, #tpu.memory_space<hbm>>
        %dma_start3A_72 = tpu.memref_squeeze %dma_start3A_71 : memref<1x16x128xi32, #tpu.memory_space<hbm>> -> memref<16x128xi32, #tpu.memory_space<hbm>>
        tpu.enqueue_dma source(%dma_start3A_72 : memref<16x128xi32, #tpu.memory_space<hbm>>) target(%arg10 : memref<16x128xi32, #tpu.memory_space<vmem>>) target_semaphore(%run_scoped3A : memref<!tpu.dma_semaphore, #tpu.memory_space<semaphore_mem>>)
        %dma_wait3A = arith.constant 0 : i32
        %dma_wait3A_73 = tpu.memref_slice %arg4[%add3A, %mul3A_61, %dma_wait3A] : memref<32x80x128xi32, #tpu.memory_space<hbm>> -> memref<1x16x128xi32, #tpu.memory_space<hbm>>
        %dma_wait3A_74 = tpu.memref_squeeze %dma_wait3A_73 : memref<1x16x128xi32, #tpu.memory_space<hbm>> -> memref<16x128xi32, #tpu.memory_space<hbm>>
        %dma_wait3A_75 = arith.constant 0 : i32
        %dma_wait3A_76 = tpu.memref_slice %arg4[%add3A, %mul3A_61, %dma_wait3A_75] : memref<32x80x128xi32, #tpu.memory_space<hbm>> -> memref<1x16x128xi32, #tpu.memory_space<hbm>>
        %dma_wait3A_77 = tpu.memref_squeeze %dma_wait3A_76 : memref<1x16x128xi32, #tpu.memory_space<hbm>> -> memref<16x128xi32, #tpu.memory_space<hbm>>
        tpu.wait_dma2 semaphore(%run_scoped3A : memref<!tpu.dma_semaphore, #tpu.memory_space<semaphore_mem>>) src(%dma_wait3A_77 : memref<16x128xi32, #tpu.memory_space<hbm>>) dst(%arg10 : memref<16x128xi32, #tpu.memory_space<vmem>>)
        tpu.yield
      }) : () -> ()
      %scan3A_62 = arith.constant 0 : i32
      %scan3A_63 = arith.constant 0 : i32
      %scan3A_64 = arith.constant 4 : i32
      %scan3A_65 = arith.addi %scan3A_63, %scan3A_64 : i32
      %scan3A_66 = arith.constant 1 : i32
      scf.for %scan3A_68 = %scan3A_63 to %scan3A_65 step %scan3A_66  : i32 {
        %mul3A_69 = arith.constant 4 : i32
        %mul3A_70 = arith.muli %scan3A_68, %mul3A_69 : i32
        %add3A_71 = arith.constant 0 : i32
        %add3A_72 = arith.addi %mul3A_70, %add3A_71 : i32
        %dma_start3A = arith.constant 0 : i32
        %dma_start3A_73 = tpu.memref_slice %arg10[%add3A_72, %dma_start3A] : memref<16x128xi32, #tpu.memory_space<vmem>> -> memref<1x128xi32, #tpu.memory_space<vmem>>
        %dma_start3A_74 = tpu.memref_squeeze %dma_start3A_73 : memref<1x128xi32, #tpu.memory_space<vmem>> -> memref<128xi32, #tpu.memory_space<vmem>>
        %dma_start3A_75 = arith.constant 0 : i32
        %dma_start3A_76 = arith.constant 0 : i32
        %dma_start3A_77 = tpu.memref_slice %arg13[%dma_start3A_75, %dma_start3A_76] : memref<10064x128xf32, #tpu.memory_space<vmem_shared>> -> memref<10064x128xf32, #tpu.memory_space<vmem_shared>>
        tpu.enqueue_indirect_dma source(%arg12 : memref<128x128xf32, #tpu.memory_space<vmem>>) target(%dma_start3A_77 : memref<10064x128xf32, #tpu.memory_space<vmem_shared>>) offsets(%dma_start3A_74 : memref<128xi32, #tpu.memory_space<vmem>>) semaphore(%arg16 : memref<!tpu.dma_semaphore, #tpu.memory_space<semaphore_mem>>) {add = true}
        %mul3A_78 = arith.constant 4 : i32
        %mul3A_79 = arith.muli %scan3A_68, %mul3A_78 : i32
        %add3A_80 = arith.constant 1 : i32
        %add3A_81 = arith.addi %mul3A_79, %add3A_80 : i32
        %dma_start3A_82 = arith.constant 0 : i32
        %dma_start3A_83 = tpu.memref_slice %arg10[%add3A_81, %dma_start3A_82] : memref<16x128xi32, #tpu.memory_space<vmem>> -> memref<1x128xi32, #tpu.memory_space<vmem>>
        %dma_start3A_84 = tpu.memref_squeeze %dma_start3A_83 : memref<1x128xi32, #tpu.memory_space<vmem>> -> memref<128xi32, #tpu.memory_space<vmem>>
        %dma_start3A_85 = arith.constant 0 : i32
        %dma_start3A_86 = arith.constant 0 : i32
        %dma_start3A_87 = tpu.memref_slice %arg13[%dma_start3A_85, %dma_start3A_86] : memref<10064x128xf32, #tpu.memory_space<vmem_shared>> -> memref<10064x128xf32, #tpu.memory_space<vmem_shared>>
        tpu.enqueue_indirect_dma source(%arg12 : memref<128x128xf32, #tpu.memory_space<vmem>>) target(%dma_start3A_87 : memref<10064x128xf32, #tpu.memory_space<vmem_shared>>) offsets(%dma_start3A_84 : memref<128xi32, #tpu.memory_space<vmem>>) semaphore(%arg16 : memref<!tpu.dma_semaphore, #tpu.memory_space<semaphore_mem>>) {add = true}
        %mul3A_88 = arith.constant 4 : i32
        %mul3A_89 = arith.muli %scan3A_68, %mul3A_88 : i32
        %add3A_90 = arith.constant 2 : i32
        %add3A_91 = arith.addi %mul3A_89, %add3A_90 : i32
        %dma_start3A_92 = arith.constant 0 : i32
        %dma_start3A_93 = tpu.memref_slice %arg10[%add3A_91, %dma_start3A_92] : memref<16x128xi32, #tpu.memory_space<vmem>> -> memref<1x128xi32, #tpu.memory_space<vmem>>
        %dma_start3A_94 = tpu.memref_squeeze %dma_start3A_93 : memref<1x128xi32, #tpu.memory_space<vmem>> -> memref<128xi32, #tpu.memory_space<vmem>>
        %dma_start3A_95 = arith.constant 0 : i32
        %dma_start3A_96 = arith.constant 0 : i32
        %dma_start3A_97 = tpu.memref_slice %arg13[%dma_start3A_95, %dma_start3A_96] : memref<10064x128xf32, #tpu.memory_space<vmem_shared>> -> memref<10064x128xf32, #tpu.memory_space<vmem_shared>>
        tpu.enqueue_indirect_dma source(%arg12 : memref<128x128xf32, #tpu.memory_space<vmem>>) target(%dma_start3A_97 : memref<10064x128xf32, #tpu.memory_space<vmem_shared>>) offsets(%dma_start3A_94 : memref<128xi32, #tpu.memory_space<vmem>>) semaphore(%arg16 : memref<!tpu.dma_semaphore, #tpu.memory_space<semaphore_mem>>) {add = true}
        %mul3A_98 = arith.constant 4 : i32
        %mul3A_99 = arith.muli %scan3A_68, %mul3A_98 : i32
        %add3A_100 = arith.constant 3 : i32
        %add3A_101 = arith.addi %mul3A_99, %add3A_100 : i32
        %dma_start3A_102 = arith.constant 0 : i32
        %dma_start3A_103 = tpu.memref_slice %arg10[%add3A_101, %dma_start3A_102] : memref<16x128xi32, #tpu.memory_space<vmem>> -> memref<1x128xi32, #tpu.memory_space<vmem>>
        %dma_start3A_104 = tpu.memref_squeeze %dma_start3A_103 : memref<1x128xi32, #tpu.memory_space<vmem>> -> memref<128xi32, #tpu.memory_space<vmem>>
        %dma_start3A_105 = arith.constant 0 : i32
        %dma_start3A_106 = arith.constant 0 : i32
        %dma_start3A_107 = tpu.memref_slice %arg13[%dma_start3A_105, %dma_start3A_106] : memref<10064x128xf32, #tpu.memory_space<vmem_shared>> -> memref<10064x128xf32, #tpu.memory_space<vmem_shared>>
        tpu.enqueue_indirect_dma source(%arg12 : memref<128x128xf32, #tpu.memory_space<vmem>>) target(%dma_start3A_107 : memref<10064x128xf32, #tpu.memory_space<vmem_shared>>) offsets(%dma_start3A_104 : memref<128xi32, #tpu.memory_space<vmem>>) semaphore(%arg16 : memref<!tpu.dma_semaphore, #tpu.memory_space<semaphore_mem>>) {add = true}
        %dma_wait3A = arith.constant 0 : i32
        %dma_wait3A_108 = tpu.memref_slice %arg10[%add3A_72, %dma_wait3A] : memref<16x128xi32, #tpu.memory_space<vmem>> -> memref<1x128xi32, #tpu.memory_space<vmem>>
        %dma_wait3A_109 = tpu.memref_squeeze %dma_wait3A_108 : memref<1x128xi32, #tpu.memory_space<vmem>> -> memref<128xi32, #tpu.memory_space<vmem>>
        %dma_wait3A_110 = arith.constant 0 : i32
        %dma_wait3A_111 = arith.constant 0 : i32
        %dma_wait3A_112 = tpu.memref_slice %arg13[%dma_wait3A_110, %dma_wait3A_111] : memref<10064x128xf32, #tpu.memory_space<vmem_shared>> -> memref<10064x128xf32, #tpu.memory_space<vmem_shared>>
        tpu.wait_indirect_dma semaphore(%arg16 : memref<!tpu.dma_semaphore, #tpu.memory_space<semaphore_mem>>) src(%arg12 : memref<128x128xf32, #tpu.memory_space<vmem>>) dst(%dma_wait3A_112 : memref<10064x128xf32, #tpu.memory_space<vmem_shared>>)
        %dma_wait3A_113 = arith.constant 0 : i32
        %dma_wait3A_114 = tpu.memref_slice %arg10[%add3A_81, %dma_wait3A_113] : memref<16x128xi32, #tpu.memory_space<vmem>> -> memref<1x128xi32, #tpu.memory_space<vmem>>
        %dma_wait3A_115 = tpu.memref_squeeze %dma_wait3A_114 : memref<1x128xi32, #tpu.memory_space<vmem>> -> memref<128xi32, #tpu.memory_space<vmem>>
        %dma_wait3A_116 = arith.constant 0 : i32
        %dma_wait3A_117 = arith.constant 0 : i32
        %dma_wait3A_118 = tpu.memref_slice %arg13[%dma_wait3A_116, %dma_wait3A_117] : memref<10064x128xf32, #tpu.memory_space<vmem_shared>> -> memref<10064x128xf32, #tpu.memory_space<vmem_shared>>
        tpu.wait_indirect_dma semaphore(%arg16 : memref<!tpu.dma_semaphore, #tpu.memory_space<semaphore_mem>>) src(%arg12 : memref<128x128xf32, #tpu.memory_space<vmem>>) dst(%dma_wait3A_118 : memref<10064x128xf32, #tpu.memory_space<vmem_shared>>)
        %dma_wait3A_119 = arith.constant 0 : i32
        %dma_wait3A_120 = tpu.memref_slice %arg10[%add3A_91, %dma_wait3A_119] : memref<16x128xi32, #tpu.memory_space<vmem>> -> memref<1x128xi32, #tpu.memory_space<vmem>>
        %dma_wait3A_121 = tpu.memref_squeeze %dma_wait3A_120 : memref<1x128xi32, #tpu.memory_space<vmem>> -> memref<128xi32, #tpu.memory_space<vmem>>
        %dma_wait3A_122 = arith.constant 0 : i32
        %dma_wait3A_123 = arith.constant 0 : i32
        %dma_wait3A_124 = tpu.memref_slice %arg13[%dma_wait3A_122, %dma_wait3A_123] : memref<10064x128xf32, #tpu.memory_space<vmem_shared>> -> memref<10064x128xf32, #tpu.memory_space<vmem_shared>>
        tpu.wait_indirect_dma semaphore(%arg16 : memref<!tpu.dma_semaphore, #tpu.memory_space<semaphore_mem>>) src(%arg12 : memref<128x128xf32, #tpu.memory_space<vmem>>) dst(%dma_wait3A_124 : memref<10064x128xf32, #tpu.memory_space<vmem_shared>>)
        %dma_wait3A_125 = arith.constant 0 : i32
        %dma_wait3A_126 = tpu.memref_slice %arg10[%add3A_101, %dma_wait3A_125] : memref<16x128xi32, #tpu.memory_space<vmem>> -> memref<1x128xi32, #tpu.memory_space<vmem>>
        %dma_wait3A_127 = tpu.memref_squeeze %dma_wait3A_126 : memref<1x128xi32, #tpu.memory_space<vmem>> -> memref<128xi32, #tpu.memory_space<vmem>>
        %dma_wait3A_128 = arith.constant 0 : i32
        %dma_wait3A_129 = arith.constant 0 : i32
        %dma_wait3A_130 = tpu.memref_slice %arg13[%dma_wait3A_128, %dma_wait3A_129] : memref<10064x128xf32, #tpu.memory_space<vmem_shared>> -> memref<10064x128xf32, #tpu.memory_space<vmem_shared>>
        tpu.wait_indirect_dma semaphore(%arg16 : memref<!tpu.dma_semaphore, #tpu.memory_space<semaphore_mem>>) src(%arg12 : memref<128x128xf32, #tpu.memory_space<vmem>>) dst(%dma_wait3A_130 : memref<10064x128xf32, #tpu.memory_space<vmem_shared>>)
      }
      %scan3A_67 = arith.constant 4 : i32
    }
    %scan3A_18 = arith.constant 5 : i32
    %barrier3A_19 = arith.constant 0 : index
    tpu.barrier barrier_id(%barrier3A_19)
    %while3A_20 = arith.constant 0 : i32
    %while3A_21 = arith.constant 0 : i32
    %while3A_22 = arith.subi %select_n3A, %while3A_21 : i32
    %while3A_23 = arith.addi %while3A_21, %while3A_22 : i32
    %while3A_24 = arith.constant 1 : i32
    %while3A_25 = arith.divsi %while3A_22, %while3A_24 : i32
    %while3A_26 = arith.muli %while3A_25, %while3A_24 : i32
    %while3A_27 = arith.addi %while3A_21, %while3A_26 : i32
    %while3A_28 = arith.constant 1 : i32
    scf.for %while3A_59 = %while3A_21 to %while3A_27 step %while3A_28  : i32 {
      %mul3A_60 = arith.constant 80 : i32
      %mul3A_61 = arith.muli %while3A_59, %mul3A_60 : i32
      %add3A_62 = arith.addi %mul3A_4, %mul3A_61 : i32
      "tpu.region"() ({
        %run_scoped3A = tpu.sem_alloc : memref<!tpu.dma_semaphore, #tpu.memory_space<semaphore_mem>>
        %dma_start3A = arith.constant 0 : i32
        %dma_start3A_63 = arith.constant 0 : i32
        %dma_start3A_64 = tpu.memref_slice %arg11[%dma_start3A, %dma_start3A_63] : memref<128x128xf32, #tpu.memory_space<vmem>> -> memref<80x128xf32, #tpu.memory_space<vmem>>
        %dma_start3A_65 = arith.constant 0 : i32
        %dma_start3A_66 = tpu.memref_slice %arg13[%add3A_62, %dma_start3A_65] : memref<10064x128xf32, #tpu.memory_space<vmem_shared>> -> memref<80x128xf32, #tpu.memory_space<vmem_shared>>
        %dma_start3A_67 = arith.constant 0 : i32
        %dma_start3A_68 = arith.constant 0 : i32
        %dma_start3A_69 = tpu.memref_slice %arg11[%dma_start3A_67, %dma_start3A_68] : memref<128x128xf32, #tpu.memory_space<vmem>> -> memref<80x128xf32, #tpu.memory_space<vmem>>
        %dma_start3A_70 = arith.constant 0 : i32
        %dma_start3A_71 = tpu.memref_slice %arg13[%add3A_62, %dma_start3A_70] : memref<10064x128xf32, #tpu.memory_space<vmem_shared>> -> memref<80x128xf32, #tpu.memory_space<vmem_shared>>
        tpu.enqueue_dma source(%dma_start3A_71 : memref<80x128xf32, #tpu.memory_space<vmem_shared>>) target(%dma_start3A_69 : memref<80x128xf32, #tpu.memory_space<vmem>>) target_semaphore(%run_scoped3A : memref<!tpu.dma_semaphore, #tpu.memory_space<semaphore_mem>>)
        %dma_wait3A = arith.constant 0 : i32
        %dma_wait3A_72 = arith.constant 0 : i32
        %dma_wait3A_73 = tpu.memref_slice %arg11[%dma_wait3A, %dma_wait3A_72] : memref<128x128xf32, #tpu.memory_space<vmem>> -> memref<80x128xf32, #tpu.memory_space<vmem>>
        %dma_wait3A_74 = arith.constant 0 : i32
        %dma_wait3A_75 = tpu.memref_slice %arg13[%add3A_62, %dma_wait3A_74] : memref<10064x128xf32, #tpu.memory_space<vmem_shared>> -> memref<80x128xf32, #tpu.memory_space<vmem_shared>>
        %dma_wait3A_76 = arith.constant 0 : i32
        %dma_wait3A_77 = arith.constant 0 : i32
        %dma_wait3A_78 = tpu.memref_slice %arg11[%dma_wait3A_76, %dma_wait3A_77] : memref<128x128xf32, #tpu.memory_space<vmem>> -> memref<80x128xf32, #tpu.memory_space<vmem>>
        %dma_wait3A_79 = arith.constant 0 : i32
        %dma_wait3A_80 = tpu.memref_slice %arg13[%add3A_62, %dma_wait3A_79] : memref<10064x128xf32, #tpu.memory_space<vmem_shared>> -> memref<80x128xf32, #tpu.memory_space<vmem_shared>>
        tpu.wait_dma2 semaphore(%run_scoped3A : memref<!tpu.dma_semaphore, #tpu.memory_space<semaphore_mem>>) src(%dma_wait3A_80 : memref<80x128xf32, #tpu.memory_space<vmem_shared>>) dst(%dma_wait3A_78 : memref<80x128xf32, #tpu.memory_space<vmem>>)
        tpu.yield
      }) : () -> ()
      "tpu.region"() ({
        %run_scoped3A = tpu.sem_alloc : memref<!tpu.dma_semaphore, #tpu.memory_space<semaphore_mem>>
        %dma_start3A = arith.constant 0 : i32
        %dma_start3A_63 = arith.constant 0 : i32
        %dma_start3A_64 = tpu.memref_slice %arg11[%dma_start3A, %dma_start3A_63] : memref<128x128xf32, #tpu.memory_space<vmem>> -> memref<80x128xf32, #tpu.memory_space<vmem>>
        %dma_start3A_65 = arith.constant 0 : i32
        %dma_start3A_66 = tpu.memref_slice %arg8[%arg0, %add3A_62, %dma_start3A_65] : memref<2x10000x128xf32, #tpu.memory_space<hbm>> -> memref<1x80x128xf32, #tpu.memory_space<hbm>>
        %dma_start3A_67 = tpu.memref_squeeze %dma_start3A_66 : memref<1x80x128xf32, #tpu.memory_space<hbm>> -> memref<80x128xf32, #tpu.memory_space<hbm>>
        %dma_start3A_68 = arith.constant 0 : i32
        %dma_start3A_69 = tpu.memref_slice %arg8[%arg0, %add3A_62, %dma_start3A_68] : memref<2x10000x128xf32, #tpu.memory_space<hbm>> -> memref<1x80x128xf32, #tpu.memory_space<hbm>>
        %dma_start3A_70 = tpu.memref_squeeze %dma_start3A_69 : memref<1x80x128xf32, #tpu.memory_space<hbm>> -> memref<80x128xf32, #tpu.memory_space<hbm>>
        %dma_start3A_71 = arith.constant 0 : i32
        %dma_start3A_72 = arith.constant 0 : i32
        %dma_start3A_73 = tpu.memref_slice %arg11[%dma_start3A_71, %dma_start3A_72] : memref<128x128xf32, #tpu.memory_space<vmem>> -> memref<80x128xf32, #tpu.memory_space<vmem>>
        tpu.enqueue_dma source(%dma_start3A_73 : memref<80x128xf32, #tpu.memory_space<vmem>>) target(%dma_start3A_70 : memref<80x128xf32, #tpu.memory_space<hbm>>) target_semaphore(%run_scoped3A : memref<!tpu.dma_semaphore, #tpu.memory_space<semaphore_mem>>)
        %dma_wait3A = arith.constant 0 : i32
        %dma_wait3A_74 = arith.constant 0 : i32
        %dma_wait3A_75 = tpu.memref_slice %arg11[%dma_wait3A, %dma_wait3A_74] : memref<128x128xf32, #tpu.memory_space<vmem>> -> memref<80x128xf32, #tpu.memory_space<vmem>>
        %dma_wait3A_76 = arith.constant 0 : i32
        %dma_wait3A_77 = tpu.memref_slice %arg8[%arg0, %add3A_62, %dma_wait3A_76] : memref<2x10000x128xf32, #tpu.memory_space<hbm>> -> memref<1x80x128xf32, #tpu.memory_space<hbm>>
        %dma_wait3A_78 = tpu.memref_squeeze %dma_wait3A_77 : memref<1x80x128xf32, #tpu.memory_space<hbm>> -> memref<80x128xf32, #tpu.memory_space<hbm>>
        %dma_wait3A_79 = arith.constant 0 : i32
        %dma_wait3A_80 = tpu.memref_slice %arg8[%arg0, %add3A_62, %dma_wait3A_79] : memref<2x10000x128xf32, #tpu.memory_space<hbm>> -> memref<1x80x128xf32, #tpu.memory_space<hbm>>
        %dma_wait3A_81 = tpu.memref_squeeze %dma_wait3A_80 : memref<1x80x128xf32, #tpu.memory_space<hbm>> -> memref<80x128xf32, #tpu.memory_space<hbm>>
        %dma_wait3A_82 = arith.constant 0 : i32
        %dma_wait3A_83 = arith.constant 0 : i32
        %dma_wait3A_84 = tpu.memref_slice %arg11[%dma_wait3A_82, %dma_wait3A_83] : memref<128x128xf32, #tpu.memory_space<vmem>> -> memref<80x128xf32, #tpu.memory_space<vmem>>
        tpu.wait_dma2 semaphore(%run_scoped3A : memref<!tpu.dma_semaphore, #tpu.memory_space<semaphore_mem>>) src(%dma_wait3A_84 : memref<80x128xf32, #tpu.memory_space<vmem>>) dst(%dma_wait3A_81 : memref<80x128xf32, #tpu.memory_space<hbm>>)
        tpu.yield
      }) : () -> ()
    }
    %while3A_29 = arith.constant 1 : i32
    scf.for %while3A_59 = %while3A_27 to %while3A_23 step %while3A_29  : i32 {
      %mul3A_60 = arith.constant 80 : i32
      %mul3A_61 = arith.muli %while3A_59, %mul3A_60 : i32
      %add3A_62 = arith.addi %mul3A_4, %mul3A_61 : i32
      "tpu.region"() ({
        %run_scoped3A = tpu.sem_alloc : memref<!tpu.dma_semaphore, #tpu.memory_space<semaphore_mem>>
        %dma_start3A = arith.constant 0 : i32
        %dma_start3A_63 = arith.constant 0 : i32
        %dma_start3A_64 = tpu.memref_slice %arg11[%dma_start3A, %dma_start3A_63] : memref<128x128xf32, #tpu.memory_space<vmem>> -> memref<80x128xf32, #tpu.memory_space<vmem>>
        %dma_start3A_65 = arith.constant 0 : i32
        %dma_start3A_66 = tpu.memref_slice %arg13[%add3A_62, %dma_start3A_65] : memref<10064x128xf32, #tpu.memory_space<vmem_shared>> -> memref<80x128xf32, #tpu.memory_space<vmem_shared>>
        %dma_start3A_67 = arith.constant 0 : i32
        %dma_start3A_68 = arith.constant 0 : i32
        %dma_start3A_69 = tpu.memref_slice %arg11[%dma_start3A_67, %dma_start3A_68] : memref<128x128xf32, #tpu.memory_space<vmem>> -> memref<80x128xf32, #tpu.memory_space<vmem>>
        %dma_start3A_70 = arith.constant 0 : i32
        %dma_start3A_71 = tpu.memref_slice %arg13[%add3A_62, %dma_start3A_70] : memref<10064x128xf32, #tpu.memory_space<vmem_shared>> -> memref<80x128xf32, #tpu.memory_space<vmem_shared>>
        tpu.enqueue_dma source(%dma_start3A_71 : memref<80x128xf32, #tpu.memory_space<vmem_shared>>) target(%dma_start3A_69 : memref<80x128xf32, #tpu.memory_space<vmem>>) target_semaphore(%run_scoped3A : memref<!tpu.dma_semaphore, #tpu.memory_space<semaphore_mem>>)
        %dma_wait3A = arith.constant 0 : i32
        %dma_wait3A_72 = arith.constant 0 : i32
        %dma_wait3A_73 = tpu.memref_slice %arg11[%dma_wait3A, %dma_wait3A_72] : memref<128x128xf32, #tpu.memory_space<vmem>> -> memref<80x128xf32, #tpu.memory_space<vmem>>
        %dma_wait3A_74 = arith.constant 0 : i32
        %dma_wait3A_75 = tpu.memref_slice %arg13[%add3A_62, %dma_wait3A_74] : memref<10064x128xf32, #tpu.memory_space<vmem_shared>> -> memref<80x128xf32, #tpu.memory_space<vmem_shared>>
        %dma_wait3A_76 = arith.constant 0 : i32
        %dma_wait3A_77 = arith.constant 0 : i32
        %dma_wait3A_78 = tpu.memref_slice %arg11[%dma_wait3A_76, %dma_wait3A_77] : memref<128x128xf32, #tpu.memory_space<vmem>> -> memref<80x128xf32, #tpu.memory_space<vmem>>
        %dma_wait3A_79 = arith.constant 0 : i32
        %dma_wait3A_80 = tpu.memref_slice %arg13[%add3A_62, %dma_wait3A_79] : memref<10064x128xf32, #tpu.memory_space<vmem_shared>> -> memref<80x128xf32, #tpu.memory_space<vmem_shared>>
        tpu.wait_dma2 semaphore(%run_scoped3A : memref<!tpu.dma_semaphore, #tpu.memory_space<semaphore_mem>>) src(%dma_wait3A_80 : memref<80x128xf32, #tpu.memory_space<vmem_shared>>) dst(%dma_wait3A_78 : memref<80x128xf32, #tpu.memory_space<vmem>>)
        tpu.yield
      }) : () -> ()
      "tpu.region"() ({
        %run_scoped3A = tpu.sem_alloc : memref<!tpu.dma_semaphore, #tpu.memory_space<semaphore_mem>>
        %dma_start3A = arith.constant 0 : i32
        %dma_start3A_63 = arith.constant 0 : i32
        %dma_start3A_64 = tpu.memref_slice %arg11[%dma_start3A, %dma_start3A_63] : memref<128x128xf32, #tpu.memory_space<vmem>> -> memref<80x128xf32, #tpu.memory_space<vmem>>
        %dma_start3A_65 = arith.constant 0 : i32
        %dma_start3A_66 = tpu.memref_slice %arg8[%arg0, %add3A_62, %dma_start3A_65] : memref<2x10000x128xf32, #tpu.memory_space<hbm>> -> memref<1x80x128xf32, #tpu.memory_space<hbm>>
        %dma_start3A_67 = tpu.memref_squeeze %dma_start3A_66 : memref<1x80x128xf32, #tpu.memory_space<hbm>> -> memref<80x128xf32, #tpu.memory_space<hbm>>
        %dma_start3A_68 = arith.constant 0 : i32
        %dma_start3A_69 = tpu.memref_slice %arg8[%arg0, %add3A_62, %dma_start3A_68] : memref<2x10000x128xf32, #tpu.memory_space<hbm>> -> memref<1x80x128xf32, #tpu.memory_space<hbm>>
        %dma_start3A_70 = tpu.memref_squeeze %dma_start3A_69 : memref<1x80x128xf32, #tpu.memory_space<hbm>> -> memref<80x128xf32, #tpu.memory_space<hbm>>
        %dma_start3A_71 = arith.constant 0 : i32
        %dma_start3A_72 = arith.constant 0 : i32
        %dma_start3A_73 = tpu.memref_slice %arg11[%dma_start3A_71, %dma_start3A_72] : memref<128x128xf32, #tpu.memory_space<vmem>> -> memref<80x128xf32, #tpu.memory_space<vmem>>
        tpu.enqueue_dma source(%dma_start3A_73 : memref<80x128xf32, #tpu.memory_space<vmem>>) target(%dma_start3A_70 : memref<80x128xf32, #tpu.memory_space<hbm>>) target_semaphore(%run_scoped3A : memref<!tpu.dma_semaphore, #tpu.memory_space<semaphore_mem>>)
        %dma_wait3A = arith.constant 0 : i32
        %dma_wait3A_74 = arith.constant 0 : i32
        %dma_wait3A_75 = tpu.memref_slice %arg11[%dma_wait3A, %dma_wait3A_74] : memref<128x128xf32, #tpu.memory_space<vmem>> -> memref<80x128xf32, #tpu.memory_space<vmem>>
        %dma_wait3A_76 = arith.constant 0 : i32
        %dma_wait3A_77 = tpu.memref_slice %arg8[%arg0, %add3A_62, %dma_wait3A_76] : memref<2x10000x128xf32, #tpu.memory_space<hbm>> -> memref<1x80x128xf32, #tpu.memory_space<hbm>>
        %dma_wait3A_78 = tpu.memref_squeeze %dma_wait3A_77 : memref<1x80x128xf32, #tpu.memory_space<hbm>> -> memref<80x128xf32, #tpu.memory_space<hbm>>
        %dma_wait3A_79 = arith.constant 0 : i32
        %dma_wait3A_80 = tpu.memref_slice %arg8[%arg0, %add3A_62, %dma_wait3A_79] : memref<2x10000x128xf32, #tpu.memory_space<hbm>> -> memref<1x80x128xf32, #tpu.memory_space<hbm>>
        %dma_wait3A_81 = tpu.memref_squeeze %dma_wait3A_80 : memref<1x80x128xf32, #tpu.memory_space<hbm>> -> memref<80x128xf32, #tpu.memory_space<hbm>>
        %dma_wait3A_82 = arith.constant 0 : i32
        %dma_wait3A_83 = arith.constant 0 : i32
        %dma_wait3A_84 = tpu.memref_slice %arg11[%dma_wait3A_82, %dma_wait3A_83] : memref<128x128xf32, #tpu.memory_space<vmem>> -> memref<80x128xf32, #tpu.memory_space<vmem>>
        tpu.wait_dma2 semaphore(%run_scoped3A : memref<!tpu.dma_semaphore, #tpu.memory_space<semaphore_mem>>) src(%dma_wait3A_84 : memref<80x128xf32, #tpu.memory_space<vmem>>) dst(%dma_wait3A_81 : memref<80x128xf32, #tpu.memory_space<hbm>>)
        tpu.yield
      }) : () -> ()
    }
    %barrier3A_30 = arith.constant 0 : index
    tpu.barrier barrier_id(%barrier3A_30)
    "tpu.region"() ({
      %run_scoped3A = tpu.sem_alloc : memref<!tpu.dma_semaphore, #tpu.memory_space<semaphore_mem>>
      tpu.enqueue_dma source(%arg5 : memref<128x128xf32, #tpu.memory_space<hbm>>) target(%arg11 : memref<128x128xf32, #tpu.memory_space<vmem>>) target_semaphore(%run_scoped3A : memref<!tpu.dma_semaphore, #tpu.memory_space<semaphore_mem>>)
      tpu.wait_dma2 semaphore(%run_scoped3A : memref<!tpu.dma_semaphore, #tpu.memory_space<semaphore_mem>>) src(%arg5 : memref<128x128xf32, #tpu.memory_space<hbm>>) dst(%arg11 : memref<128x128xf32, #tpu.memory_space<vmem>>)
      tpu.yield
    }) : () -> ()
    %while3A_31 = arith.constant 0 : i32
    %while3A_32 = arith.constant 0 : i32
    %while3A_33 = arith.subi %select_n3A, %while3A_32 : i32
    %while3A_34 = arith.addi %while3A_32, %while3A_33 : i32
    %while3A_35 = arith.constant 1 : i32
    %while3A_36 = arith.divsi %while3A_33, %while3A_35 : i32
    %while3A_37 = arith.muli %while3A_36, %while3A_35 : i32
    %while3A_38 = arith.addi %while3A_32, %while3A_37 : i32
    %while3A_39 = arith.constant 1 : i32
    scf.for %while3A_59 = %while3A_32 to %while3A_38 step %while3A_39  : i32 {
      %mul3A_60 = arith.constant 80 : i32
      %mul3A_61 = arith.muli %while3A_59, %mul3A_60 : i32
      %add3A_62 = arith.addi %mul3A_4, %mul3A_61 : i32
      "tpu.region"() ({
        %run_scoped3A = tpu.sem_alloc : memref<!tpu.dma_semaphore, #tpu.memory_space<semaphore_mem>>
        %dma_start3A = arith.constant 0 : i32
        %dma_start3A_63 = arith.constant 0 : i32
        %dma_start3A_64 = tpu.memref_slice %arg11[%dma_start3A, %dma_start3A_63] : memref<128x128xf32, #tpu.memory_space<vmem>> -> memref<80x128xf32, #tpu.memory_space<vmem>>
        %dma_start3A_65 = arith.constant 0 : i32
        %dma_start3A_66 = tpu.memref_slice %arg13[%add3A_62, %dma_start3A_65] : memref<10064x128xf32, #tpu.memory_space<vmem_shared>> -> memref<80x128xf32, #tpu.memory_space<vmem_shared>>
        %dma_start3A_67 = arith.constant 0 : i32
        %dma_start3A_68 = tpu.memref_slice %arg13[%add3A_62, %dma_start3A_67] : memref<10064x128xf32, #tpu.memory_space<vmem_shared>> -> memref<80x128xf32, #tpu.memory_space<vmem_shared>>
        %dma_start3A_69 = arith.constant 0 : i32
        %dma_start3A_70 = arith.constant 0 : i32
        %dma_start3A_71 = tpu.memref_slice %arg11[%dma_start3A_69, %dma_start3A_70] : memref<128x128xf32, #tpu.memory_space<vmem>> -> memref<80x128xf32, #tpu.memory_space<vmem>>
        tpu.enqueue_dma source(%dma_start3A_71 : memref<80x128xf32, #tpu.memory_space<vmem>>) target(%dma_start3A_68 : memref<80x128xf32, #tpu.memory_space<vmem_shared>>) target_semaphore(%run_scoped3A : memref<!tpu.dma_semaphore, #tpu.memory_space<semaphore_mem>>)
        %dma_wait3A = arith.constant 0 : i32
        %dma_wait3A_72 = arith.constant 0 : i32
        %dma_wait3A_73 = tpu.memref_slice %arg11[%dma_wait3A, %dma_wait3A_72] : memref<128x128xf32, #tpu.memory_space<vmem>> -> memref<80x128xf32, #tpu.memory_space<vmem>>
        %dma_wait3A_74 = arith.constant 0 : i32
        %dma_wait3A_75 = tpu.memref_slice %arg13[%add3A_62, %dma_wait3A_74] : memref<10064x128xf32, #tpu.memory_space<vmem_shared>> -> memref<80x128xf32, #tpu.memory_space<vmem_shared>>
        %dma_wait3A_76 = arith.constant 0 : i32
        %dma_wait3A_77 = tpu.memref_slice %arg13[%add3A_62, %dma_wait3A_76] : memref<10064x128xf32, #tpu.memory_space<vmem_shared>> -> memref<80x128xf32, #tpu.memory_space<vmem_shared>>
        %dma_wait3A_78 = arith.constant 0 : i32
        %dma_wait3A_79 = arith.constant 0 : i32
        %dma_wait3A_80 = tpu.memref_slice %arg11[%dma_wait3A_78, %dma_wait3A_79] : memref<128x128xf32, #tpu.memory_space<vmem>> -> memref<80x128xf32, #tpu.memory_space<vmem>>
        tpu.wait_dma2 semaphore(%run_scoped3A : memref<!tpu.dma_semaphore, #tpu.memory_space<semaphore_mem>>) src(%dma_wait3A_80 : memref<80x128xf32, #tpu.memory_space<vmem>>) dst(%dma_wait3A_77 : memref<80x128xf32, #tpu.memory_space<vmem_shared>>)
        tpu.yield
      }) : () -> ()
    }
    %while3A_40 = arith.constant 1 : i32
    scf.for %while3A_59 = %while3A_38 to %while3A_34 step %while3A_40  : i32 {
      %mul3A_60 = arith.constant 80 : i32
      %mul3A_61 = arith.muli %while3A_59, %mul3A_60 : i32
      %add3A_62 = arith.addi %mul3A_4, %mul3A_61 : i32
      "tpu.region"() ({
        %run_scoped3A = tpu.sem_alloc : memref<!tpu.dma_semaphore, #tpu.memory_space<semaphore_mem>>
        %dma_start3A = arith.constant 0 : i32
        %dma_start3A_63 = arith.constant 0 : i32
        %dma_start3A_64 = tpu.memref_slice %arg11[%dma_start3A, %dma_start3A_63] : memref<128x128xf32, #tpu.memory_space<vmem>> -> memref<80x128xf32, #tpu.memory_space<vmem>>
        %dma_start3A_65 = arith.constant 0 : i32
        %dma_start3A_66 = tpu.memref_slice %arg13[%add3A_62, %dma_start3A_65] : memref<10064x128xf32, #tpu.memory_space<vmem_shared>> -> memref<80x128xf32, #tpu.memory_space<vmem_shared>>
        %dma_start3A_67 = arith.constant 0 : i32
        %dma_start3A_68 = tpu.memref_slice %arg13[%add3A_62, %dma_start3A_67] : memref<10064x128xf32, #tpu.memory_space<vmem_shared>> -> memref<80x128xf32, #tpu.memory_space<vmem_shared>>
        %dma_start3A_69 = arith.constant 0 : i32
        %dma_start3A_70 = arith.constant 0 : i32
        %dma_start3A_71 = tpu.memref_slice %arg11[%dma_start3A_69, %dma_start3A_70] : memref<128x128xf32, #tpu.memory_space<vmem>> -> memref<80x128xf32, #tpu.memory_space<vmem>>
        tpu.enqueue_dma source(%dma_start3A_71 : memref<80x128xf32, #tpu.memory_space<vmem>>) target(%dma_start3A_68 : memref<80x128xf32, #tpu.memory_space<vmem_shared>>) target_semaphore(%run_scoped3A : memref<!tpu.dma_semaphore, #tpu.memory_space<semaphore_mem>>)
        %dma_wait3A = arith.constant 0 : i32
        %dma_wait3A_72 = arith.constant 0 : i32
        %dma_wait3A_73 = tpu.memref_slice %arg11[%dma_wait3A, %dma_wait3A_72] : memref<128x128xf32, #tpu.memory_space<vmem>> -> memref<80x128xf32, #tpu.memory_space<vmem>>
        %dma_wait3A_74 = arith.constant 0 : i32
        %dma_wait3A_75 = tpu.memref_slice %arg13[%add3A_62, %dma_wait3A_74] : memref<10064x128xf32, #tpu.memory_space<vmem_shared>> -> memref<80x128xf32, #tpu.memory_space<vmem_shared>>
        %dma_wait3A_76 = arith.constant 0 : i32
        %dma_wait3A_77 = tpu.memref_slice %arg13[%add3A_62, %dma_wait3A_76] : memref<10064x128xf32, #tpu.memory_space<vmem_shared>> -> memref<80x128xf32, #tpu.memory_space<vmem_shared>>
        %dma_wait3A_78 = arith.constant 0 : i32
        %dma_wait3A_79 = arith.constant 0 : i32
        %dma_wait3A_80 = tpu.memref_slice %arg11[%dma_wait3A_78, %dma_wait3A_79] : memref<128x128xf32, #tpu.memory_space<vmem>> -> memref<80x128xf32, #tpu.memory_space<vmem>>
        tpu.wait_dma2 semaphore(%run_scoped3A : memref<!tpu.dma_semaphore, #tpu.memory_space<semaphore_mem>>) src(%dma_wait3A_80 : memref<80x128xf32, #tpu.memory_space<vmem>>) dst(%dma_wait3A_77 : memref<80x128xf32, #tpu.memory_space<vmem_shared>>)
        tpu.yield
      }) : () -> ()
    }
    %barrier3A_41 = arith.constant 0 : index
    tpu.barrier barrier_id(%barrier3A_41)
    %scan3A_42 = arith.constant 0 : i32
    %scan3A_43 = arith.constant 0 : i32
    %scan3A_44 = arith.constant 5 : i32
    %scan3A_45 = arith.addi %scan3A_43, %scan3A_44 : i32
    %scan3A_46 = arith.constant 1 : i32
    scf.for %scan3A_59 = %scan3A_43 to %scan3A_45 step %scan3A_46  : i32 {
      %mul3A_60 = arith.constant 16 : i32
      %mul3A_61 = arith.muli %scan3A_59, %mul3A_60 : i32
      "tpu.region"() ({
        %run_scoped3A = tpu.sem_alloc : memref<!tpu.dma_semaphore, #tpu.memory_space<semaphore_mem>>
        %dma_start3A = arith.constant 0 : i32
        %dma_start3A_70 = tpu.memref_slice %arg3[%add3A, %mul3A_61, %dma_start3A] : memref<32x80x128xi32, #tpu.memory_space<hbm>> -> memref<1x16x128xi32, #tpu.memory_space<hbm>>
        %dma_start3A_71 = tpu.memref_squeeze %dma_start3A_70 : memref<1x16x128xi32, #tpu.memory_space<hbm>> -> memref<16x128xi32, #tpu.memory_space<hbm>>
        %dma_start3A_72 = arith.constant 0 : i32
        %dma_start3A_73 = tpu.memref_slice %arg3[%add3A, %mul3A_61, %dma_start3A_72] : memref<32x80x128xi32, #tpu.memory_space<hbm>> -> memref<1x16x128xi32, #tpu.memory_space<hbm>>
        %dma_start3A_74 = tpu.memref_squeeze %dma_start3A_73 : memref<1x16x128xi32, #tpu.memory_space<hbm>> -> memref<16x128xi32, #tpu.memory_space<hbm>>
        tpu.enqueue_dma source(%dma_start3A_74 : memref<16x128xi32, #tpu.memory_space<hbm>>) target(%arg9 : memref<16x128xi32, #tpu.memory_space<vmem>>) target_semaphore(%run_scoped3A : memref<!tpu.dma_semaphore, #tpu.memory_space<semaphore_mem>>)
        %dma_wait3A = arith.constant 0 : i32
        %dma_wait3A_75 = tpu.memref_slice %arg3[%add3A, %mul3A_61, %dma_wait3A] : memref<32x80x128xi32, #tpu.memory_space<hbm>> -> memref<1x16x128xi32, #tpu.memory_space<hbm>>
        %dma_wait3A_76 = tpu.memref_squeeze %dma_wait3A_75 : memref<1x16x128xi32, #tpu.memory_space<hbm>> -> memref<16x128xi32, #tpu.memory_space<hbm>>
        %dma_wait3A_77 = arith.constant 0 : i32
        %dma_wait3A_78 = tpu.memref_slice %arg3[%add3A, %mul3A_61, %dma_wait3A_77] : memref<32x80x128xi32, #tpu.memory_space<hbm>> -> memref<1x16x128xi32, #tpu.memory_space<hbm>>
        %dma_wait3A_79 = tpu.memref_squeeze %dma_wait3A_78 : memref<1x16x128xi32, #tpu.memory_space<hbm>> -> memref<16x128xi32, #tpu.memory_space<hbm>>
        tpu.wait_dma2 semaphore(%run_scoped3A : memref<!tpu.dma_semaphore, #tpu.memory_space<semaphore_mem>>) src(%dma_wait3A_79 : memref<16x128xi32, #tpu.memory_space<hbm>>) dst(%arg9 : memref<16x128xi32, #tpu.memory_space<vmem>>)
        tpu.yield
      }) : () -> ()
      %mul3A_62 = arith.constant 16 : i32
      %mul3A_63 = arith.muli %scan3A_59, %mul3A_62 : i32
      "tpu.region"() ({
        %run_scoped3A = tpu.sem_alloc : memref<!tpu.dma_semaphore, #tpu.memory_space<semaphore_mem>>
        %dma_start3A = arith.constant 0 : i32
        %dma_start3A_70 = tpu.memref_slice %arg4[%add3A, %mul3A_63, %dma_start3A] : memref<32x80x128xi32, #tpu.memory_space<hbm>> -> memref<1x16x128xi32, #tpu.memory_space<hbm>>
        %dma_start3A_71 = tpu.memref_squeeze %dma_start3A_70 : memref<1x16x128xi32, #tpu.memory_space<hbm>> -> memref<16x128xi32, #tpu.memory_space<hbm>>
        %dma_start3A_72 = arith.constant 0 : i32
        %dma_start3A_73 = tpu.memref_slice %arg4[%add3A, %mul3A_63, %dma_start3A_72] : memref<32x80x128xi32, #tpu.memory_space<hbm>> -> memref<1x16x128xi32, #tpu.memory_space<hbm>>
        %dma_start3A_74 = tpu.memref_squeeze %dma_start3A_73 : memref<1x16x128xi32, #tpu.memory_space<hbm>> -> memref<16x128xi32, #tpu.memory_space<hbm>>
        tpu.enqueue_dma source(%dma_start3A_74 : memref<16x128xi32, #tpu.memory_space<hbm>>) target(%arg10 : memref<16x128xi32, #tpu.memory_space<vmem>>) target_semaphore(%run_scoped3A : memref<!tpu.dma_semaphore, #tpu.memory_space<semaphore_mem>>)
        %dma_wait3A = arith.constant 0 : i32
        %dma_wait3A_75 = tpu.memref_slice %arg4[%add3A, %mul3A_63, %dma_wait3A] : memref<32x80x128xi32, #tpu.memory_space<hbm>> -> memref<1x16x128xi32, #tpu.memory_space<hbm>>
        %dma_wait3A_76 = tpu.memref_squeeze %dma_wait3A_75 : memref<1x16x128xi32, #tpu.memory_space<hbm>> -> memref<16x128xi32, #tpu.memory_space<hbm>>
        %dma_wait3A_77 = arith.constant 0 : i32
        %dma_wait3A_78 = tpu.memref_slice %arg4[%add3A, %mul3A_63, %dma_wait3A_77] : memref<32x80x128xi32, #tpu.memory_space<hbm>> -> memref<1x16x128xi32, #tpu.memory_space<hbm>>
        %dma_wait3A_79 = tpu.memref_squeeze %dma_wait3A_78 : memref<1x16x128xi32, #tpu.memory_space<hbm>> -> memref<16x128xi32, #tpu.memory_space<hbm>>
        tpu.wait_dma2 semaphore(%run_scoped3A : memref<!tpu.dma_semaphore, #tpu.memory_space<semaphore_mem>>) src(%dma_wait3A_79 : memref<16x128xi32, #tpu.memory_space<hbm>>) dst(%arg10 : memref<16x128xi32, #tpu.memory_space<vmem>>)
        tpu.yield
      }) : () -> ()
      %scan3A_64 = arith.constant 0 : i32
      %scan3A_65 = arith.constant 0 : i32
      %scan3A_66 = arith.constant 8 : i32
      %scan3A_67 = arith.addi %scan3A_65, %scan3A_66 : i32
      %scan3A_68 = arith.constant 1 : i32
      scf.for %scan3A_70 = %scan3A_65 to %scan3A_67 step %scan3A_68  : i32 {
        %mul3A_71 = arith.constant 2 : i32
        %mul3A_72 = arith.muli %mul3A_71, %scan3A_70 : i32
        %dma_start3A = arith.constant 0 : i32
        %dma_start3A_73 = tpu.memref_slice %arg9[%mul3A_72, %dma_start3A] : memref<16x128xi32, #tpu.memory_space<vmem>> -> memref<1x128xi32, #tpu.memory_space<vmem>>
        %dma_start3A_74 = tpu.memref_squeeze %dma_start3A_73 : memref<1x128xi32, #tpu.memory_space<vmem>> -> memref<128xi32, #tpu.memory_space<vmem>>
        %dma_start3A_75 = arith.constant 0 : i32
        %dma_start3A_76 = arith.constant 0 : i32
        %dma_start3A_77 = tpu.memref_slice %arg2[%dma_start3A_75, %dma_start3A_76] : memref<10000x128xf32, #tpu.memory_space<hbm>> -> memref<10000x128xf32, #tpu.memory_space<hbm>>
        tpu.enqueue_indirect_dma source(%dma_start3A_77 : memref<10000x128xf32, #tpu.memory_space<hbm>>) target(%arg11 : memref<128x128xf32, #tpu.memory_space<vmem>>) offsets(%dma_start3A_74 : memref<128xi32, #tpu.memory_space<vmem>>) semaphore(%arg14 : memref<!tpu.dma_semaphore, #tpu.memory_space<semaphore_mem>>)
        %add3A_78 = arith.constant 1 : i32
        %add3A_79 = arith.addi %mul3A_72, %add3A_78 : i32
        %dma_start3A_80 = arith.constant 0 : i32
        %dma_start3A_81 = tpu.memref_slice %arg9[%add3A_79, %dma_start3A_80] : memref<16x128xi32, #tpu.memory_space<vmem>> -> memref<1x128xi32, #tpu.memory_space<vmem>>
        %dma_start3A_82 = tpu.memref_squeeze %dma_start3A_81 : memref<1x128xi32, #tpu.memory_space<vmem>> -> memref<128xi32, #tpu.memory_space<vmem>>
        %dma_start3A_83 = arith.constant 0 : i32
        %dma_start3A_84 = arith.constant 0 : i32
        %dma_start3A_85 = tpu.memref_slice %arg2[%dma_start3A_83, %dma_start3A_84] : memref<10000x128xf32, #tpu.memory_space<hbm>> -> memref<10000x128xf32, #tpu.memory_space<hbm>>
        tpu.enqueue_indirect_dma source(%dma_start3A_85 : memref<10000x128xf32, #tpu.memory_space<hbm>>) target(%arg12 : memref<128x128xf32, #tpu.memory_space<vmem>>) offsets(%dma_start3A_82 : memref<128xi32, #tpu.memory_space<vmem>>) semaphore(%arg15 : memref<!tpu.dma_semaphore, #tpu.memory_space<semaphore_mem>>)
        %dma_wait3A = arith.constant 0 : i32
        %dma_wait3A_86 = tpu.memref_slice %arg9[%mul3A_72, %dma_wait3A] : memref<16x128xi32, #tpu.memory_space<vmem>> -> memref<1x128xi32, #tpu.memory_space<vmem>>
        %dma_wait3A_87 = tpu.memref_squeeze %dma_wait3A_86 : memref<1x128xi32, #tpu.memory_space<vmem>> -> memref<128xi32, #tpu.memory_space<vmem>>
        %dma_wait3A_88 = arith.constant 0 : i32
        %dma_wait3A_89 = arith.constant 0 : i32
        %dma_wait3A_90 = tpu.memref_slice %arg2[%dma_wait3A_88, %dma_wait3A_89] : memref<10000x128xf32, #tpu.memory_space<hbm>> -> memref<10000x128xf32, #tpu.memory_space<hbm>>
        tpu.wait_indirect_dma semaphore(%arg14 : memref<!tpu.dma_semaphore, #tpu.memory_space<semaphore_mem>>) src(%dma_wait3A_90 : memref<10000x128xf32, #tpu.memory_space<hbm>>) dst(%arg11 : memref<128x128xf32, #tpu.memory_space<vmem>>)
        %dma_start3A_91 = arith.constant 0 : i32
        %dma_start3A_92 = tpu.memref_slice %arg10[%mul3A_72, %dma_start3A_91] : memref<16x128xi32, #tpu.memory_space<vmem>> -> memref<1x128xi32, #tpu.memory_space<vmem>>
        %dma_start3A_93 = tpu.memref_squeeze %dma_start3A_92 : memref<1x128xi32, #tpu.memory_space<vmem>> -> memref<128xi32, #tpu.memory_space<vmem>>
        %dma_start3A_94 = arith.constant 0 : i32
        %dma_start3A_95 = arith.constant 0 : i32
        %dma_start3A_96 = tpu.memref_slice %arg13[%dma_start3A_94, %dma_start3A_95] : memref<10064x128xf32, #tpu.memory_space<vmem_shared>> -> memref<10064x128xf32, #tpu.memory_space<vmem_shared>>
        tpu.enqueue_indirect_dma source(%arg11 : memref<128x128xf32, #tpu.memory_space<vmem>>) target(%dma_start3A_96 : memref<10064x128xf32, #tpu.memory_space<vmem_shared>>) offsets(%dma_start3A_93 : memref<128xi32, #tpu.memory_space<vmem>>) semaphore(%arg16 : memref<!tpu.dma_semaphore, #tpu.memory_space<semaphore_mem>>) {add = true}
        %dma_wait3A_97 = arith.constant 0 : i32
        %dma_wait3A_98 = tpu.memref_slice %arg9[%add3A_79, %dma_wait3A_97] : memref<16x128xi32, #tpu.memory_space<vmem>> -> memref<1x128xi32, #tpu.memory_space<vmem>>
        %dma_wait3A_99 = tpu.memref_squeeze %dma_wait3A_98 : memref<1x128xi32, #tpu.memory_space<vmem>> -> memref<128xi32, #tpu.memory_space<vmem>>
        %dma_wait3A_100 = arith.constant 0 : i32
        %dma_wait3A_101 = arith.constant 0 : i32
        %dma_wait3A_102 = tpu.memref_slice %arg2[%dma_wait3A_100, %dma_wait3A_101] : memref<10000x128xf32, #tpu.memory_space<hbm>> -> memref<10000x128xf32, #tpu.memory_space<hbm>>
        tpu.wait_indirect_dma semaphore(%arg15 : memref<!tpu.dma_semaphore, #tpu.memory_space<semaphore_mem>>) src(%dma_wait3A_102 : memref<10000x128xf32, #tpu.memory_space<hbm>>) dst(%arg12 : memref<128x128xf32, #tpu.memory_space<vmem>>)
        %add3A_103 = arith.constant 1 : i32
        %add3A_104 = arith.addi %mul3A_72, %add3A_103 : i32
        %dma_start3A_105 = arith.constant 0 : i32
        %dma_start3A_106 = tpu.memref_slice %arg10[%add3A_104, %dma_start3A_105] : memref<16x128xi32, #tpu.memory_space<vmem>> -> memref<1x128xi32, #tpu.memory_space<vmem>>
        %dma_start3A_107 = tpu.memref_squeeze %dma_start3A_106 : memref<1x128xi32, #tpu.memory_space<vmem>> -> memref<128xi32, #tpu.memory_space<vmem>>
        %dma_start3A_108 = arith.constant 0 : i32
        %dma_start3A_109 = arith.constant 0 : i32
        %dma_start3A_110 = tpu.memref_slice %arg13[%dma_start3A_108, %dma_start3A_109] : memref<10064x128xf32, #tpu.memory_space<vmem_shared>> -> memref<10064x128xf32, #tpu.memory_space<vmem_shared>>
        tpu.enqueue_indirect_dma source(%arg12 : memref<128x128xf32, #tpu.memory_space<vmem>>) target(%dma_start3A_110 : memref<10064x128xf32, #tpu.memory_space<vmem_shared>>) offsets(%dma_start3A_107 : memref<128xi32, #tpu.memory_space<vmem>>) semaphore(%arg16 : memref<!tpu.dma_semaphore, #tpu.memory_space<semaphore_mem>>) {add = true}
        %dma_wait3A_111 = arith.constant 0 : i32
        %dma_wait3A_112 = tpu.memref_slice %arg10[%mul3A_72, %dma_wait3A_111] : memref<16x128xi32, #tpu.memory_space<vmem>> -> memref<1x128xi32, #tpu.memory_space<vmem>>
        %dma_wait3A_113 = tpu.memref_squeeze %dma_wait3A_112 : memref<1x128xi32, #tpu.memory_space<vmem>> -> memref<128xi32, #tpu.memory_space<vmem>>
        %dma_wait3A_114 = arith.constant 0 : i32
        %dma_wait3A_115 = arith.constant 0 : i32
        %dma_wait3A_116 = tpu.memref_slice %arg13[%dma_wait3A_114, %dma_wait3A_115] : memref<10064x128xf32, #tpu.memory_space<vmem_shared>> -> memref<10064x128xf32, #tpu.memory_space<vmem_shared>>
        tpu.wait_indirect_dma semaphore(%arg16 : memref<!tpu.dma_semaphore, #tpu.memory_space<semaphore_mem>>) src(%arg11 : memref<128x128xf32, #tpu.memory_space<vmem>>) dst(%dma_wait3A_116 : memref<10064x128xf32, #tpu.memory_space<vmem_shared>>)
        %dma_wait3A_117 = arith.constant 0 : i32
        %dma_wait3A_118 = tpu.memref_slice %arg10[%add3A_104, %dma_wait3A_117] : memref<16x128xi32, #tpu.memory_space<vmem>> -> memref<1x128xi32, #tpu.memory_space<vmem>>
        %dma_wait3A_119 = tpu.memref_squeeze %dma_wait3A_118 : memref<1x128xi32, #tpu.memory_space<vmem>> -> memref<128xi32, #tpu.memory_space<vmem>>
        %dma_wait3A_120 = arith.constant 0 : i32
        %dma_wait3A_121 = arith.constant 0 : i32
        %dma_wait3A_122 = tpu.memref_slice %arg13[%dma_wait3A_120, %dma_wait3A_121] : memref<10064x128xf32, #tpu.memory_space<vmem_shared>> -> memref<10064x128xf32, #tpu.memory_space<vmem_shared>>
        tpu.wait_indirect_dma semaphore(%arg16 : memref<!tpu.dma_semaphore, #tpu.memory_space<semaphore_mem>>) src(%arg12 : memref<128x128xf32, #tpu.memory_space<vmem>>) dst(%dma_wait3A_122 : memref<10064x128xf32, #tpu.memory_space<vmem_shared>>)
      }
      %scan3A_69 = arith.constant 8 : i32
    }
    %scan3A_47 = arith.constant 5 : i32
    %barrier3A_48 = arith.constant 0 : index
    tpu.barrier barrier_id(%barrier3A_48)
    %while3A_49 = arith.constant 0 : i32
    %while3A_50 = arith.constant 0 : i32
    %while3A_51 = arith.subi %select_n3A, %while3A_50 : i32
    %while3A_52 = arith.addi %while3A_50, %while3A_51 : i32
    %while3A_53 = arith.constant 1 : i32
    %while3A_54 = arith.divsi %while3A_51, %while3A_53 : i32
    %while3A_55 = arith.muli %while3A_54, %while3A_53 : i32
    %while3A_56 = arith.addi %while3A_50, %while3A_55 : i32
    %while3A_57 = arith.constant 1 : i32
    scf.for %while3A_59 = %while3A_50 to %while3A_56 step %while3A_57  : i32 {
      %mul3A_60 = arith.constant 80 : i32
      %mul3A_61 = arith.muli %while3A_59, %mul3A_60 : i32
      %add3A_62 = arith.addi %mul3A_4, %mul3A_61 : i32
      "tpu.region"() ({
        %run_scoped3A = tpu.sem_alloc : memref<!tpu.dma_semaphore, #tpu.memory_space<semaphore_mem>>
        %dma_start3A = arith.constant 0 : i32
        %dma_start3A_63 = arith.constant 0 : i32
        %dma_start3A_64 = tpu.memref_slice %arg11[%dma_start3A, %dma_start3A_63] : memref<128x128xf32, #tpu.memory_space<vmem>> -> memref<80x128xf32, #tpu.memory_space<vmem>>
        %dma_start3A_65 = arith.constant 0 : i32
        %dma_start3A_66 = tpu.memref_slice %arg13[%add3A_62, %dma_start3A_65] : memref<10064x128xf32, #tpu.memory_space<vmem_shared>> -> memref<80x128xf32, #tpu.memory_space<vmem_shared>>
        %dma_start3A_67 = arith.constant 0 : i32
        %dma_start3A_68 = arith.constant 0 : i32
        %dma_start3A_69 = tpu.memref_slice %arg11[%dma_start3A_67, %dma_start3A_68] : memref<128x128xf32, #tpu.memory_space<vmem>> -> memref<80x128xf32, #tpu.memory_space<vmem>>
        %dma_start3A_70 = arith.constant 0 : i32
        %dma_start3A_71 = tpu.memref_slice %arg13[%add3A_62, %dma_start3A_70] : memref<10064x128xf32, #tpu.memory_space<vmem_shared>> -> memref<80x128xf32, #tpu.memory_space<vmem_shared>>
        tpu.enqueue_dma source(%dma_start3A_71 : memref<80x128xf32, #tpu.memory_space<vmem_shared>>) target(%dma_start3A_69 : memref<80x128xf32, #tpu.memory_space<vmem>>) target_semaphore(%run_scoped3A : memref<!tpu.dma_semaphore, #tpu.memory_space<semaphore_mem>>)
        %dma_wait3A = arith.constant 0 : i32
        %dma_wait3A_72 = arith.constant 0 : i32
        %dma_wait3A_73 = tpu.memref_slice %arg11[%dma_wait3A, %dma_wait3A_72] : memref<128x128xf32, #tpu.memory_space<vmem>> -> memref<80x128xf32, #tpu.memory_space<vmem>>
        %dma_wait3A_74 = arith.constant 0 : i32
        %dma_wait3A_75 = tpu.memref_slice %arg13[%add3A_62, %dma_wait3A_74] : memref<10064x128xf32, #tpu.memory_space<vmem_shared>> -> memref<80x128xf32, #tpu.memory_space<vmem_shared>>
        %dma_wait3A_76 = arith.constant 0 : i32
        %dma_wait3A_77 = arith.constant 0 : i32
        %dma_wait3A_78 = tpu.memref_slice %arg11[%dma_wait3A_76, %dma_wait3A_77] : memref<128x128xf32, #tpu.memory_space<vmem>> -> memref<80x128xf32, #tpu.memory_space<vmem>>
        %dma_wait3A_79 = arith.constant 0 : i32
        %dma_wait3A_80 = tpu.memref_slice %arg13[%add3A_62, %dma_wait3A_79] : memref<10064x128xf32, #tpu.memory_space<vmem_shared>> -> memref<80x128xf32, #tpu.memory_space<vmem_shared>>
        tpu.wait_dma2 semaphore(%run_scoped3A : memref<!tpu.dma_semaphore, #tpu.memory_space<semaphore_mem>>) src(%dma_wait3A_80 : memref<80x128xf32, #tpu.memory_space<vmem_shared>>) dst(%dma_wait3A_78 : memref<80x128xf32, #tpu.memory_space<vmem>>)
        tpu.yield
      }) : () -> ()
      "tpu.region"() ({
        %run_scoped3A = tpu.sem_alloc : memref<!tpu.dma_semaphore, #tpu.memory_space<semaphore_mem>>
        %dma_start3A = arith.constant 0 : i32
        %dma_start3A_63 = arith.constant 0 : i32
        %dma_start3A_64 = tpu.memref_slice %arg11[%dma_start3A, %dma_start3A_63] : memref<128x128xf32, #tpu.memory_space<vmem>> -> memref<80x128xf32, #tpu.memory_space<vmem>>
        %dma_start3A_65 = arith.constant 0 : i32
        %dma_start3A_66 = tpu.memref_slice %arg7[%arg0, %add3A_62, %dma_start3A_65] : memref<2x10000x128xf32, #tpu.memory_space<hbm>> -> memref<1x80x128xf32, #tpu.memory_space<hbm>>
        %dma_start3A_67 = tpu.memref_squeeze %dma_start3A_66 : memref<1x80x128xf32, #tpu.memory_space<hbm>> -> memref<80x128xf32, #tpu.memory_space<hbm>>
        %dma_start3A_68 = arith.constant 0 : i32
        %dma_start3A_69 = tpu.memref_slice %arg7[%arg0, %add3A_62, %dma_start3A_68] : memref<2x10000x128xf32, #tpu.memory_space<hbm>> -> memref<1x80x128xf32, #tpu.memory_space<hbm>>
        %dma_start3A_70 = tpu.memref_squeeze %dma_start3A_69 : memref<1x80x128xf32, #tpu.memory_space<hbm>> -> memref<80x128xf32, #tpu.memory_space<hbm>>
        %dma_start3A_71 = arith.constant 0 : i32
        %dma_start3A_72 = arith.constant 0 : i32
        %dma_start3A_73 = tpu.memref_slice %arg11[%dma_start3A_71, %dma_start3A_72] : memref<128x128xf32, #tpu.memory_space<vmem>> -> memref<80x128xf32, #tpu.memory_space<vmem>>
        tpu.enqueue_dma source(%dma_start3A_73 : memref<80x128xf32, #tpu.memory_space<vmem>>) target(%dma_start3A_70 : memref<80x128xf32, #tpu.memory_space<hbm>>) target_semaphore(%run_scoped3A : memref<!tpu.dma_semaphore, #tpu.memory_space<semaphore_mem>>)
        %dma_wait3A = arith.constant 0 : i32
        %dma_wait3A_74 = arith.constant 0 : i32
        %dma_wait3A_75 = tpu.memref_slice %arg11[%dma_wait3A, %dma_wait3A_74] : memref<128x128xf32, #tpu.memory_space<vmem>> -> memref<80x128xf32, #tpu.memory_space<vmem>>
        %dma_wait3A_76 = arith.constant 0 : i32
        %dma_wait3A_77 = tpu.memref_slice %arg7[%arg0, %add3A_62, %dma_wait3A_76] : memref<2x10000x128xf32, #tpu.memory_space<hbm>> -> memref<1x80x128xf32, #tpu.memory_space<hbm>>
        %dma_wait3A_78 = tpu.memref_squeeze %dma_wait3A_77 : memref<1x80x128xf32, #tpu.memory_space<hbm>> -> memref<80x128xf32, #tpu.memory_space<hbm>>
        %dma_wait3A_79 = arith.constant 0 : i32
        %dma_wait3A_80 = tpu.memref_slice %arg7[%arg0, %add3A_62, %dma_wait3A_79] : memref<2x10000x128xf32, #tpu.memory_space<hbm>> -> memref<1x80x128xf32, #tpu.memory_space<hbm>>
        %dma_wait3A_81 = tpu.memref_squeeze %dma_wait3A_80 : memref<1x80x128xf32, #tpu.memory_space<hbm>> -> memref<80x128xf32, #tpu.memory_space<hbm>>
        %dma_wait3A_82 = arith.constant 0 : i32
        %dma_wait3A_83 = arith.constant 0 : i32
        %dma_wait3A_84 = tpu.memref_slice %arg11[%dma_wait3A_82, %dma_wait3A_83] : memref<128x128xf32, #tpu.memory_space<vmem>> -> memref<80x128xf32, #tpu.memory_space<vmem>>
        tpu.wait_dma2 semaphore(%run_scoped3A : memref<!tpu.dma_semaphore, #tpu.memory_space<semaphore_mem>>) src(%dma_wait3A_84 : memref<80x128xf32, #tpu.memory_space<vmem>>) dst(%dma_wait3A_81 : memref<80x128xf32, #tpu.memory_space<hbm>>)
        tpu.yield
      }) : () -> ()
    }
    %while3A_58 = arith.constant 1 : i32
    scf.for %while3A_59 = %while3A_56 to %while3A_52 step %while3A_58  : i32 {
      %mul3A_60 = arith.constant 80 : i32
      %mul3A_61 = arith.muli %while3A_59, %mul3A_60 : i32
      %add3A_62 = arith.addi %mul3A_4, %mul3A_61 : i32
      "tpu.region"() ({
        %run_scoped3A = tpu.sem_alloc : memref<!tpu.dma_semaphore, #tpu.memory_space<semaphore_mem>>
        %dma_start3A = arith.constant 0 : i32
        %dma_start3A_63 = arith.constant 0 : i32
        %dma_start3A_64 = tpu.memref_slice %arg11[%dma_start3A, %dma_start3A_63] : memref<128x128xf32, #tpu.memory_space<vmem>> -> memref<80x128xf32, #tpu.memory_space<vmem>>
        %dma_start3A_65 = arith.constant 0 : i32
        %dma_start3A_66 = tpu.memref_slice %arg13[%add3A_62, %dma_start3A_65] : memref<10064x128xf32, #tpu.memory_space<vmem_shared>> -> memref<80x128xf32, #tpu.memory_space<vmem_shared>>
        %dma_start3A_67 = arith.constant 0 : i32
        %dma_start3A_68 = arith.constant 0 : i32
        %dma_start3A_69 = tpu.memref_slice %arg11[%dma_start3A_67, %dma_start3A_68] : memref<128x128xf32, #tpu.memory_space<vmem>> -> memref<80x128xf32, #tpu.memory_space<vmem>>
        %dma_start3A_70 = arith.constant 0 : i32
        %dma_start3A_71 = tpu.memref_slice %arg13[%add3A_62, %dma_start3A_70] : memref<10064x128xf32, #tpu.memory_space<vmem_shared>> -> memref<80x128xf32, #tpu.memory_space<vmem_shared>>
        tpu.enqueue_dma source(%dma_start3A_71 : memref<80x128xf32, #tpu.memory_space<vmem_shared>>) target(%dma_start3A_69 : memref<80x128xf32, #tpu.memory_space<vmem>>) target_semaphore(%run_scoped3A : memref<!tpu.dma_semaphore, #tpu.memory_space<semaphore_mem>>)
        %dma_wait3A = arith.constant 0 : i32
        %dma_wait3A_72 = arith.constant 0 : i32
        %dma_wait3A_73 = tpu.memref_slice %arg11[%dma_wait3A, %dma_wait3A_72] : memref<128x128xf32, #tpu.memory_space<vmem>> -> memref<80x128xf32, #tpu.memory_space<vmem>>
        %dma_wait3A_74 = arith.constant 0 : i32
        %dma_wait3A_75 = tpu.memref_slice %arg13[%add3A_62, %dma_wait3A_74] : memref<10064x128xf32, #tpu.memory_space<vmem_shared>> -> memref<80x128xf32, #tpu.memory_space<vmem_shared>>
        %dma_wait3A_76 = arith.constant 0 : i32
        %dma_wait3A_77 = arith.constant 0 : i32
        %dma_wait3A_78 = tpu.memref_slice %arg11[%dma_wait3A_76, %dma_wait3A_77] : memref<128x128xf32, #tpu.memory_space<vmem>> -> memref<80x128xf32, #tpu.memory_space<vmem>>
        %dma_wait3A_79 = arith.constant 0 : i32
        %dma_wait3A_80 = tpu.memref_slice %arg13[%add3A_62, %dma_wait3A_79] : memref<10064x128xf32, #tpu.memory_space<vmem_shared>> -> memref<80x128xf32, #tpu.memory_space<vmem_shared>>
        tpu.wait_dma2 semaphore(%run_scoped3A : memref<!tpu.dma_semaphore, #tpu.memory_space<semaphore_mem>>) src(%dma_wait3A_80 : memref<80x128xf32, #tpu.memory_space<vmem_shared>>) dst(%dma_wait3A_78 : memref<80x128xf32, #tpu.memory_space<vmem>>)
        tpu.yield
      }) : () -> ()
      "tpu.region"() ({
        %run_scoped3A = tpu.sem_alloc : memref<!tpu.dma_semaphore, #tpu.memory_space<semaphore_mem>>
        %dma_start3A = arith.constant 0 : i32
        %dma_start3A_63 = arith.constant 0 : i32
        %dma_start3A_64 = tpu.memref_slice %arg11[%dma_start3A, %dma_start3A_63] : memref<128x128xf32, #tpu.memory_space<vmem>> -> memref<80x128xf32, #tpu.memory_space<vmem>>
        %dma_start3A_65 = arith.constant 0 : i32
        %dma_start3A_66 = tpu.memref_slice %arg7[%arg0, %add3A_62, %dma_start3A_65] : memref<2x10000x128xf32, #tpu.memory_space<hbm>> -> memref<1x80x128xf32, #tpu.memory_space<hbm>>
        %dma_start3A_67 = tpu.memref_squeeze %dma_start3A_66 : memref<1x80x128xf32, #tpu.memory_space<hbm>> -> memref<80x128xf32, #tpu.memory_space<hbm>>
        %dma_start3A_68 = arith.constant 0 : i32
        %dma_start3A_69 = tpu.memref_slice %arg7[%arg0, %add3A_62, %dma_start3A_68] : memref<2x10000x128xf32, #tpu.memory_space<hbm>> -> memref<1x80x128xf32, #tpu.memory_space<hbm>>
        %dma_start3A_70 = tpu.memref_squeeze %dma_start3A_69 : memref<1x80x128xf32, #tpu.memory_space<hbm>> -> memref<80x128xf32, #tpu.memory_space<hbm>>
        %dma_start3A_71 = arith.constant 0 : i32
        %dma_start3A_72 = arith.constant 0 : i32
        %dma_start3A_73 = tpu.memref_slice %arg11[%dma_start3A_71, %dma_start3A_72] : memref<128x128xf32, #tpu.memory_space<vmem>> -> memref<80x128xf32, #tpu.memory_space<vmem>>
        tpu.enqueue_dma source(%dma_start3A_73 : memref<80x128xf32, #tpu.memory_space<vmem>>) target(%dma_start3A_70 : memref<80x128xf32, #tpu.memory_space<hbm>>) target_semaphore(%run_scoped3A : memref<!tpu.dma_semaphore, #tpu.memory_space<semaphore_mem>>)
        %dma_wait3A = arith.constant 0 : i32
        %dma_wait3A_74 = arith.constant 0 : i32
        %dma_wait3A_75 = tpu.memref_slice %arg11[%dma_wait3A, %dma_wait3A_74] : memref<128x128xf32, #tpu.memory_space<vmem>> -> memref<80x128xf32, #tpu.memory_space<vmem>>
        %dma_wait3A_76 = arith.constant 0 : i32
        %dma_wait3A_77 = tpu.memref_slice %arg7[%arg0, %add3A_62, %dma_wait3A_76] : memref<2x10000x128xf32, #tpu.memory_space<hbm>> -> memref<1x80x128xf32, #tpu.memory_space<hbm>>
        %dma_wait3A_78 = tpu.memref_squeeze %dma_wait3A_77 : memref<1x80x128xf32, #tpu.memory_space<hbm>> -> memref<80x128xf32, #tpu.memory_space<hbm>>
        %dma_wait3A_79 = arith.constant 0 : i32
        %dma_wait3A_80 = tpu.memref_slice %arg7[%arg0, %add3A_62, %dma_wait3A_79] : memref<2x10000x128xf32, #tpu.memory_space<hbm>> -> memref<1x80x128xf32, #tpu.memory_space<hbm>>
        %dma_wait3A_81 = tpu.memref_squeeze %dma_wait3A_80 : memref<1x80x128xf32, #tpu.memory_space<hbm>> -> memref<80x128xf32, #tpu.memory_space<hbm>>
        %dma_wait3A_82 = arith.constant 0 : i32
        %dma_wait3A_83 = arith.constant 0 : i32
        %dma_wait3A_84 = tpu.memref_slice %arg11[%dma_wait3A_82, %dma_wait3A_83] : memref<128x128xf32, #tpu.memory_space<vmem>> -> memref<80x128xf32, #tpu.memory_space<vmem>>
        tpu.wait_dma2 semaphore(%run_scoped3A : memref<!tpu.dma_semaphore, #tpu.memory_space<semaphore_mem>>) src(%dma_wait3A_84 : memref<80x128xf32, #tpu.memory_space<vmem>>) dst(%dma_wait3A_81 : memref<80x128xf32, #tpu.memory_space<hbm>>)
        tpu.yield
      }) : () -> ()
    }
    return
  }
}

#map = affine_map<(d0, d1) -> (0, 0)>
#map1 = affine_map<(d0, d1) -> (0, 0, 0)>
module attributes {stable_mosaic.version = 14 : i64} {
  func.func @sc_agg2(%arg0: i32, %arg1: i32, %arg2: memref<10000x128xf32, #tpu.memory_space<hbm>>, %arg3: memref<10000x128xf32, #tpu.memory_space<hbm>>, %arg4: memref<16x160x128xi32, #tpu.memory_space<hbm>>, %arg5: memref<16x160x128xi32, #tpu.memory_space<hbm>>, %arg6: memref<128x128xf32, #tpu.memory_space<hbm>>, %arg7: memref<2x10000x128xf32, #tpu.memory_space<hbm>>, %arg8: memref<16x128xi32, #tpu.memory_space<vmem>>, %arg9: memref<16x128xi32, #tpu.memory_space<vmem>>, %arg10: memref<128x128xf32, #tpu.memory_space<vmem>>, %arg11: memref<128x128xf32, #tpu.memory_space<vmem>>, %arg12: memref<10064x128xf32, #tpu.memory_space<vmem_shared>>, %arg13: memref<!tpu.dma_semaphore, #tpu.memory_space<semaphore_mem>>, %arg14: memref<!tpu.dma_semaphore, #tpu.memory_space<semaphore_mem>>, %arg15: memref<!tpu.dma_semaphore, #tpu.memory_space<semaphore_mem>>) attributes {dimension_semantics = [#tpu.dimension_semantics<core_parallel>, #tpu.dimension_semantics<subcore_parallel>], iteration_bounds = array<i64: 2, 16>, scalar_prefetch = 0 : i64, scratch_operands = 8 : i64, tpu.core_type = #tpu.core_type<sc_vector_subcore>, window_params = [{transform_indices = #map}, {transform_indices = #map}, {transform_indices = #map1}, {transform_indices = #map1}, {transform_indices = #map}, {transform_indices = #map1}]} {
    %lt3A = arith.constant 15 : i32
    %lt3A_0 = arith.cmpi slt, %arg1, %lt3A : i32
    %jit3A = arith.constant 8 : i32
    %jit3A_1 = arith.constant 5 : i32
    %select_n3A = arith.select %lt3A_0, %jit3A, %jit3A_1 : i32
    %mul3A = arith.constant 640 : i32
    %mul3A_2 = arith.muli %arg1, %mul3A : i32
    "tpu.region"() ({
      %run_scoped3A = tpu.sem_alloc : memref<!tpu.dma_semaphore, #tpu.memory_space<semaphore_mem>>
      tpu.enqueue_dma source(%arg6 : memref<128x128xf32, #tpu.memory_space<hbm>>) target(%arg10 : memref<128x128xf32, #tpu.memory_space<vmem>>) target_semaphore(%run_scoped3A : memref<!tpu.dma_semaphore, #tpu.memory_space<semaphore_mem>>)
      tpu.wait_dma2 semaphore(%run_scoped3A : memref<!tpu.dma_semaphore, #tpu.memory_space<semaphore_mem>>) src(%arg6 : memref<128x128xf32, #tpu.memory_space<hbm>>) dst(%arg10 : memref<128x128xf32, #tpu.memory_space<vmem>>)
      tpu.yield
    }) : () -> ()
    %while3A = arith.constant 0 : i32
    %while3A_3 = arith.constant 0 : i32
    %while3A_4 = arith.subi %select_n3A, %while3A_3 : i32
    %while3A_5 = arith.addi %while3A_3, %while3A_4 : i32
    %while3A_6 = arith.constant 1 : i32
    %while3A_7 = arith.divsi %while3A_4, %while3A_6 : i32
    %while3A_8 = arith.muli %while3A_7, %while3A_6 : i32
    %while3A_9 = arith.addi %while3A_3, %while3A_8 : i32
    %while3A_10 = arith.constant 1 : i32
    scf.for %while3A_30 = %while3A_3 to %while3A_9 step %while3A_10  : i32 {
      %mul3A_31 = arith.constant 80 : i32
      %mul3A_32 = arith.muli %while3A_30, %mul3A_31 : i32
      %add3A = arith.addi %mul3A_2, %mul3A_32 : i32
      "tpu.region"() ({
        %run_scoped3A = tpu.sem_alloc : memref<!tpu.dma_semaphore, #tpu.memory_space<semaphore_mem>>
        %dma_start3A = arith.constant 0 : i32
        %dma_start3A_33 = arith.constant 0 : i32
        %dma_start3A_34 = tpu.memref_slice %arg10[%dma_start3A, %dma_start3A_33] : memref<128x128xf32, #tpu.memory_space<vmem>> -> memref<80x128xf32, #tpu.memory_space<vmem>>
        %dma_start3A_35 = arith.constant 0 : i32
        %dma_start3A_36 = tpu.memref_slice %arg12[%add3A, %dma_start3A_35] : memref<10064x128xf32, #tpu.memory_space<vmem_shared>> -> memref<80x128xf32, #tpu.memory_space<vmem_shared>>
        %dma_start3A_37 = arith.constant 0 : i32
        %dma_start3A_38 = tpu.memref_slice %arg12[%add3A, %dma_start3A_37] : memref<10064x128xf32, #tpu.memory_space<vmem_shared>> -> memref<80x128xf32, #tpu.memory_space<vmem_shared>>
        %dma_start3A_39 = arith.constant 0 : i32
        %dma_start3A_40 = arith.constant 0 : i32
        %dma_start3A_41 = tpu.memref_slice %arg10[%dma_start3A_39, %dma_start3A_40] : memref<128x128xf32, #tpu.memory_space<vmem>> -> memref<80x128xf32, #tpu.memory_space<vmem>>
        tpu.enqueue_dma source(%dma_start3A_41 : memref<80x128xf32, #tpu.memory_space<vmem>>) target(%dma_start3A_38 : memref<80x128xf32, #tpu.memory_space<vmem_shared>>) target_semaphore(%run_scoped3A : memref<!tpu.dma_semaphore, #tpu.memory_space<semaphore_mem>>)
        %dma_wait3A = arith.constant 0 : i32
        %dma_wait3A_42 = arith.constant 0 : i32
        %dma_wait3A_43 = tpu.memref_slice %arg10[%dma_wait3A, %dma_wait3A_42] : memref<128x128xf32, #tpu.memory_space<vmem>> -> memref<80x128xf32, #tpu.memory_space<vmem>>
        %dma_wait3A_44 = arith.constant 0 : i32
        %dma_wait3A_45 = tpu.memref_slice %arg12[%add3A, %dma_wait3A_44] : memref<10064x128xf32, #tpu.memory_space<vmem_shared>> -> memref<80x128xf32, #tpu.memory_space<vmem_shared>>
        %dma_wait3A_46 = arith.constant 0 : i32
        %dma_wait3A_47 = tpu.memref_slice %arg12[%add3A, %dma_wait3A_46] : memref<10064x128xf32, #tpu.memory_space<vmem_shared>> -> memref<80x128xf32, #tpu.memory_space<vmem_shared>>
        %dma_wait3A_48 = arith.constant 0 : i32
        %dma_wait3A_49 = arith.constant 0 : i32
        %dma_wait3A_50 = tpu.memref_slice %arg10[%dma_wait3A_48, %dma_wait3A_49] : memref<128x128xf32, #tpu.memory_space<vmem>> -> memref<80x128xf32, #tpu.memory_space<vmem>>
        tpu.wait_dma2 semaphore(%run_scoped3A : memref<!tpu.dma_semaphore, #tpu.memory_space<semaphore_mem>>) src(%dma_wait3A_50 : memref<80x128xf32, #tpu.memory_space<vmem>>) dst(%dma_wait3A_47 : memref<80x128xf32, #tpu.memory_space<vmem_shared>>)
        tpu.yield
      }) : () -> ()
    }
    %while3A_11 = arith.constant 1 : i32
    scf.for %while3A_30 = %while3A_9 to %while3A_5 step %while3A_11  : i32 {
      %mul3A_31 = arith.constant 80 : i32
      %mul3A_32 = arith.muli %while3A_30, %mul3A_31 : i32
      %add3A = arith.addi %mul3A_2, %mul3A_32 : i32
      "tpu.region"() ({
        %run_scoped3A = tpu.sem_alloc : memref<!tpu.dma_semaphore, #tpu.memory_space<semaphore_mem>>
        %dma_start3A = arith.constant 0 : i32
        %dma_start3A_33 = arith.constant 0 : i32
        %dma_start3A_34 = tpu.memref_slice %arg10[%dma_start3A, %dma_start3A_33] : memref<128x128xf32, #tpu.memory_space<vmem>> -> memref<80x128xf32, #tpu.memory_space<vmem>>
        %dma_start3A_35 = arith.constant 0 : i32
        %dma_start3A_36 = tpu.memref_slice %arg12[%add3A, %dma_start3A_35] : memref<10064x128xf32, #tpu.memory_space<vmem_shared>> -> memref<80x128xf32, #tpu.memory_space<vmem_shared>>
        %dma_start3A_37 = arith.constant 0 : i32
        %dma_start3A_38 = tpu.memref_slice %arg12[%add3A, %dma_start3A_37] : memref<10064x128xf32, #tpu.memory_space<vmem_shared>> -> memref<80x128xf32, #tpu.memory_space<vmem_shared>>
        %dma_start3A_39 = arith.constant 0 : i32
        %dma_start3A_40 = arith.constant 0 : i32
        %dma_start3A_41 = tpu.memref_slice %arg10[%dma_start3A_39, %dma_start3A_40] : memref<128x128xf32, #tpu.memory_space<vmem>> -> memref<80x128xf32, #tpu.memory_space<vmem>>
        tpu.enqueue_dma source(%dma_start3A_41 : memref<80x128xf32, #tpu.memory_space<vmem>>) target(%dma_start3A_38 : memref<80x128xf32, #tpu.memory_space<vmem_shared>>) target_semaphore(%run_scoped3A : memref<!tpu.dma_semaphore, #tpu.memory_space<semaphore_mem>>)
        %dma_wait3A = arith.constant 0 : i32
        %dma_wait3A_42 = arith.constant 0 : i32
        %dma_wait3A_43 = tpu.memref_slice %arg10[%dma_wait3A, %dma_wait3A_42] : memref<128x128xf32, #tpu.memory_space<vmem>> -> memref<80x128xf32, #tpu.memory_space<vmem>>
        %dma_wait3A_44 = arith.constant 0 : i32
        %dma_wait3A_45 = tpu.memref_slice %arg12[%add3A, %dma_wait3A_44] : memref<10064x128xf32, #tpu.memory_space<vmem_shared>> -> memref<80x128xf32, #tpu.memory_space<vmem_shared>>
        %dma_wait3A_46 = arith.constant 0 : i32
        %dma_wait3A_47 = tpu.memref_slice %arg12[%add3A, %dma_wait3A_46] : memref<10064x128xf32, #tpu.memory_space<vmem_shared>> -> memref<80x128xf32, #tpu.memory_space<vmem_shared>>
        %dma_wait3A_48 = arith.constant 0 : i32
        %dma_wait3A_49 = arith.constant 0 : i32
        %dma_wait3A_50 = tpu.memref_slice %arg10[%dma_wait3A_48, %dma_wait3A_49] : memref<128x128xf32, #tpu.memory_space<vmem>> -> memref<80x128xf32, #tpu.memory_space<vmem>>
        tpu.wait_dma2 semaphore(%run_scoped3A : memref<!tpu.dma_semaphore, #tpu.memory_space<semaphore_mem>>) src(%dma_wait3A_50 : memref<80x128xf32, #tpu.memory_space<vmem>>) dst(%dma_wait3A_47 : memref<80x128xf32, #tpu.memory_space<vmem_shared>>)
        tpu.yield
      }) : () -> ()
    }
    %barrier3A = arith.constant 0 : index
    tpu.barrier barrier_id(%barrier3A)
    %eq3A = arith.constant 0 : i32
    %eq3A_12 = arith.cmpi eq, %arg0, %eq3A : i32
    %convert_element_type3A = arith.extui %eq3A_12 : i1 to i32
    %cond3A = arith.constant 0 : i32
    %cond3A_13 = arith.cmpi ne, %convert_element_type3A, %cond3A : i32
    scf.if %cond3A_13 {
      %scan3A = arith.constant 0 : i32
      %scan3A_30 = arith.constant 0 : i32
      %scan3A_31 = arith.constant 10 : i32
      %scan3A_32 = arith.addi %scan3A_30, %scan3A_31 : i32
      %scan3A_33 = arith.constant 1 : i32
      scf.for %scan3A_35 = %scan3A_30 to %scan3A_32 step %scan3A_33  : i32 {
        %mul3A_36 = arith.constant 16 : i32
        %mul3A_37 = arith.muli %scan3A_35, %mul3A_36 : i32
        "tpu.region"() ({
          %run_scoped3A = tpu.sem_alloc : memref<!tpu.dma_semaphore, #tpu.memory_space<semaphore_mem>>
          %dma_start3A = arith.constant 0 : i32
          %dma_start3A_46 = tpu.memref_slice %arg4[%arg1, %mul3A_37, %dma_start3A] : memref<16x160x128xi32, #tpu.memory_space<hbm>> -> memref<1x16x128xi32, #tpu.memory_space<hbm>>
          %dma_start3A_47 = tpu.memref_squeeze %dma_start3A_46 : memref<1x16x128xi32, #tpu.memory_space<hbm>> -> memref<16x128xi32, #tpu.memory_space<hbm>>
          %dma_start3A_48 = arith.constant 0 : i32
          %dma_start3A_49 = tpu.memref_slice %arg4[%arg1, %mul3A_37, %dma_start3A_48] : memref<16x160x128xi32, #tpu.memory_space<hbm>> -> memref<1x16x128xi32, #tpu.memory_space<hbm>>
          %dma_start3A_50 = tpu.memref_squeeze %dma_start3A_49 : memref<1x16x128xi32, #tpu.memory_space<hbm>> -> memref<16x128xi32, #tpu.memory_space<hbm>>
          tpu.enqueue_dma source(%dma_start3A_50 : memref<16x128xi32, #tpu.memory_space<hbm>>) target(%arg8 : memref<16x128xi32, #tpu.memory_space<vmem>>) target_semaphore(%run_scoped3A : memref<!tpu.dma_semaphore, #tpu.memory_space<semaphore_mem>>)
          %dma_wait3A = arith.constant 0 : i32
          %dma_wait3A_51 = tpu.memref_slice %arg4[%arg1, %mul3A_37, %dma_wait3A] : memref<16x160x128xi32, #tpu.memory_space<hbm>> -> memref<1x16x128xi32, #tpu.memory_space<hbm>>
          %dma_wait3A_52 = tpu.memref_squeeze %dma_wait3A_51 : memref<1x16x128xi32, #tpu.memory_space<hbm>> -> memref<16x128xi32, #tpu.memory_space<hbm>>
          %dma_wait3A_53 = arith.constant 0 : i32
          %dma_wait3A_54 = tpu.memref_slice %arg4[%arg1, %mul3A_37, %dma_wait3A_53] : memref<16x160x128xi32, #tpu.memory_space<hbm>> -> memref<1x16x128xi32, #tpu.memory_space<hbm>>
          %dma_wait3A_55 = tpu.memref_squeeze %dma_wait3A_54 : memref<1x16x128xi32, #tpu.memory_space<hbm>> -> memref<16x128xi32, #tpu.memory_space<hbm>>
          tpu.wait_dma2 semaphore(%run_scoped3A : memref<!tpu.dma_semaphore, #tpu.memory_space<semaphore_mem>>) src(%dma_wait3A_55 : memref<16x128xi32, #tpu.memory_space<hbm>>) dst(%arg8 : memref<16x128xi32, #tpu.memory_space<vmem>>)
          tpu.yield
        }) : () -> ()
        %mul3A_38 = arith.constant 16 : i32
        %mul3A_39 = arith.muli %scan3A_35, %mul3A_38 : i32
        "tpu.region"() ({
          %run_scoped3A = tpu.sem_alloc : memref<!tpu.dma_semaphore, #tpu.memory_space<semaphore_mem>>
          %dma_start3A = arith.constant 0 : i32
          %dma_start3A_46 = tpu.memref_slice %arg5[%arg1, %mul3A_39, %dma_start3A] : memref<16x160x128xi32, #tpu.memory_space<hbm>> -> memref<1x16x128xi32, #tpu.memory_space<hbm>>
          %dma_start3A_47 = tpu.memref_squeeze %dma_start3A_46 : memref<1x16x128xi32, #tpu.memory_space<hbm>> -> memref<16x128xi32, #tpu.memory_space<hbm>>
          %dma_start3A_48 = arith.constant 0 : i32
          %dma_start3A_49 = tpu.memref_slice %arg5[%arg1, %mul3A_39, %dma_start3A_48] : memref<16x160x128xi32, #tpu.memory_space<hbm>> -> memref<1x16x128xi32, #tpu.memory_space<hbm>>
          %dma_start3A_50 = tpu.memref_squeeze %dma_start3A_49 : memref<1x16x128xi32, #tpu.memory_space<hbm>> -> memref<16x128xi32, #tpu.memory_space<hbm>>
          tpu.enqueue_dma source(%dma_start3A_50 : memref<16x128xi32, #tpu.memory_space<hbm>>) target(%arg9 : memref<16x128xi32, #tpu.memory_space<vmem>>) target_semaphore(%run_scoped3A : memref<!tpu.dma_semaphore, #tpu.memory_space<semaphore_mem>>)
          %dma_wait3A = arith.constant 0 : i32
          %dma_wait3A_51 = tpu.memref_slice %arg5[%arg1, %mul3A_39, %dma_wait3A] : memref<16x160x128xi32, #tpu.memory_space<hbm>> -> memref<1x16x128xi32, #tpu.memory_space<hbm>>
          %dma_wait3A_52 = tpu.memref_squeeze %dma_wait3A_51 : memref<1x16x128xi32, #tpu.memory_space<hbm>> -> memref<16x128xi32, #tpu.memory_space<hbm>>
          %dma_wait3A_53 = arith.constant 0 : i32
          %dma_wait3A_54 = tpu.memref_slice %arg5[%arg1, %mul3A_39, %dma_wait3A_53] : memref<16x160x128xi32, #tpu.memory_space<hbm>> -> memref<1x16x128xi32, #tpu.memory_space<hbm>>
          %dma_wait3A_55 = tpu.memref_squeeze %dma_wait3A_54 : memref<1x16x128xi32, #tpu.memory_space<hbm>> -> memref<16x128xi32, #tpu.memory_space<hbm>>
          tpu.wait_dma2 semaphore(%run_scoped3A : memref<!tpu.dma_semaphore, #tpu.memory_space<semaphore_mem>>) src(%dma_wait3A_55 : memref<16x128xi32, #tpu.memory_space<hbm>>) dst(%arg9 : memref<16x128xi32, #tpu.memory_space<vmem>>)
          tpu.yield
        }) : () -> ()
        %scan3A_40 = arith.constant 0 : i32
        %scan3A_41 = arith.constant 0 : i32
        %scan3A_42 = arith.constant 8 : i32
        %scan3A_43 = arith.addi %scan3A_41, %scan3A_42 : i32
        %scan3A_44 = arith.constant 1 : i32
        scf.for %scan3A_46 = %scan3A_41 to %scan3A_43 step %scan3A_44  : i32 {
          %mul3A_47 = arith.constant 2 : i32
          %mul3A_48 = arith.muli %mul3A_47, %scan3A_46 : i32
          %dma_start3A = arith.constant 0 : i32
          %dma_start3A_49 = tpu.memref_slice %arg8[%mul3A_48, %dma_start3A] : memref<16x128xi32, #tpu.memory_space<vmem>> -> memref<1x128xi32, #tpu.memory_space<vmem>>
          %dma_start3A_50 = tpu.memref_squeeze %dma_start3A_49 : memref<1x128xi32, #tpu.memory_space<vmem>> -> memref<128xi32, #tpu.memory_space<vmem>>
          %dma_start3A_51 = arith.constant 0 : i32
          %dma_start3A_52 = arith.constant 0 : i32
          %dma_start3A_53 = tpu.memref_slice %arg2[%dma_start3A_51, %dma_start3A_52] : memref<10000x128xf32, #tpu.memory_space<hbm>> -> memref<10000x128xf32, #tpu.memory_space<hbm>>
          tpu.enqueue_indirect_dma source(%dma_start3A_53 : memref<10000x128xf32, #tpu.memory_space<hbm>>) target(%arg10 : memref<128x128xf32, #tpu.memory_space<vmem>>) offsets(%dma_start3A_50 : memref<128xi32, #tpu.memory_space<vmem>>) semaphore(%arg13 : memref<!tpu.dma_semaphore, #tpu.memory_space<semaphore_mem>>)
          %add3A = arith.constant 1 : i32
          %add3A_54 = arith.addi %mul3A_48, %add3A : i32
          %dma_start3A_55 = arith.constant 0 : i32
          %dma_start3A_56 = tpu.memref_slice %arg8[%add3A_54, %dma_start3A_55] : memref<16x128xi32, #tpu.memory_space<vmem>> -> memref<1x128xi32, #tpu.memory_space<vmem>>
          %dma_start3A_57 = tpu.memref_squeeze %dma_start3A_56 : memref<1x128xi32, #tpu.memory_space<vmem>> -> memref<128xi32, #tpu.memory_space<vmem>>
          %dma_start3A_58 = arith.constant 0 : i32
          %dma_start3A_59 = arith.constant 0 : i32
          %dma_start3A_60 = tpu.memref_slice %arg2[%dma_start3A_58, %dma_start3A_59] : memref<10000x128xf32, #tpu.memory_space<hbm>> -> memref<10000x128xf32, #tpu.memory_space<hbm>>
          tpu.enqueue_indirect_dma source(%dma_start3A_60 : memref<10000x128xf32, #tpu.memory_space<hbm>>) target(%arg11 : memref<128x128xf32, #tpu.memory_space<vmem>>) offsets(%dma_start3A_57 : memref<128xi32, #tpu.memory_space<vmem>>) semaphore(%arg14 : memref<!tpu.dma_semaphore, #tpu.memory_space<semaphore_mem>>)
          %dma_wait3A = arith.constant 0 : i32
          %dma_wait3A_61 = tpu.memref_slice %arg8[%mul3A_48, %dma_wait3A] : memref<16x128xi32, #tpu.memory_space<vmem>> -> memref<1x128xi32, #tpu.memory_space<vmem>>
          %dma_wait3A_62 = tpu.memref_squeeze %dma_wait3A_61 : memref<1x128xi32, #tpu.memory_space<vmem>> -> memref<128xi32, #tpu.memory_space<vmem>>
          %dma_wait3A_63 = arith.constant 0 : i32
          %dma_wait3A_64 = arith.constant 0 : i32
          %dma_wait3A_65 = tpu.memref_slice %arg2[%dma_wait3A_63, %dma_wait3A_64] : memref<10000x128xf32, #tpu.memory_space<hbm>> -> memref<10000x128xf32, #tpu.memory_space<hbm>>
          tpu.wait_indirect_dma semaphore(%arg13 : memref<!tpu.dma_semaphore, #tpu.memory_space<semaphore_mem>>) src(%dma_wait3A_65 : memref<10000x128xf32, #tpu.memory_space<hbm>>) dst(%arg10 : memref<128x128xf32, #tpu.memory_space<vmem>>)
          %dma_start3A_66 = arith.constant 0 : i32
          %dma_start3A_67 = tpu.memref_slice %arg9[%mul3A_48, %dma_start3A_66] : memref<16x128xi32, #tpu.memory_space<vmem>> -> memref<1x128xi32, #tpu.memory_space<vmem>>
          %dma_start3A_68 = tpu.memref_squeeze %dma_start3A_67 : memref<1x128xi32, #tpu.memory_space<vmem>> -> memref<128xi32, #tpu.memory_space<vmem>>
          %dma_start3A_69 = arith.constant 0 : i32
          %dma_start3A_70 = arith.constant 0 : i32
          %dma_start3A_71 = tpu.memref_slice %arg12[%dma_start3A_69, %dma_start3A_70] : memref<10064x128xf32, #tpu.memory_space<vmem_shared>> -> memref<10064x128xf32, #tpu.memory_space<vmem_shared>>
          tpu.enqueue_indirect_dma source(%arg10 : memref<128x128xf32, #tpu.memory_space<vmem>>) target(%dma_start3A_71 : memref<10064x128xf32, #tpu.memory_space<vmem_shared>>) offsets(%dma_start3A_68 : memref<128xi32, #tpu.memory_space<vmem>>) semaphore(%arg15 : memref<!tpu.dma_semaphore, #tpu.memory_space<semaphore_mem>>) {add = true}
          %dma_wait3A_72 = arith.constant 0 : i32
          %dma_wait3A_73 = tpu.memref_slice %arg8[%add3A_54, %dma_wait3A_72] : memref<16x128xi32, #tpu.memory_space<vmem>> -> memref<1x128xi32, #tpu.memory_space<vmem>>
          %dma_wait3A_74 = tpu.memref_squeeze %dma_wait3A_73 : memref<1x128xi32, #tpu.memory_space<vmem>> -> memref<128xi32, #tpu.memory_space<vmem>>
          %dma_wait3A_75 = arith.constant 0 : i32
          %dma_wait3A_76 = arith.constant 0 : i32
          %dma_wait3A_77 = tpu.memref_slice %arg2[%dma_wait3A_75, %dma_wait3A_76] : memref<10000x128xf32, #tpu.memory_space<hbm>> -> memref<10000x128xf32, #tpu.memory_space<hbm>>
          tpu.wait_indirect_dma semaphore(%arg14 : memref<!tpu.dma_semaphore, #tpu.memory_space<semaphore_mem>>) src(%dma_wait3A_77 : memref<10000x128xf32, #tpu.memory_space<hbm>>) dst(%arg11 : memref<128x128xf32, #tpu.memory_space<vmem>>)
          %add3A_78 = arith.constant 1 : i32
          %add3A_79 = arith.addi %mul3A_48, %add3A_78 : i32
          %dma_start3A_80 = arith.constant 0 : i32
          %dma_start3A_81 = tpu.memref_slice %arg9[%add3A_79, %dma_start3A_80] : memref<16x128xi32, #tpu.memory_space<vmem>> -> memref<1x128xi32, #tpu.memory_space<vmem>>
          %dma_start3A_82 = tpu.memref_squeeze %dma_start3A_81 : memref<1x128xi32, #tpu.memory_space<vmem>> -> memref<128xi32, #tpu.memory_space<vmem>>
          %dma_start3A_83 = arith.constant 0 : i32
          %dma_start3A_84 = arith.constant 0 : i32
          %dma_start3A_85 = tpu.memref_slice %arg12[%dma_start3A_83, %dma_start3A_84] : memref<10064x128xf32, #tpu.memory_space<vmem_shared>> -> memref<10064x128xf32, #tpu.memory_space<vmem_shared>>
          tpu.enqueue_indirect_dma source(%arg11 : memref<128x128xf32, #tpu.memory_space<vmem>>) target(%dma_start3A_85 : memref<10064x128xf32, #tpu.memory_space<vmem_shared>>) offsets(%dma_start3A_82 : memref<128xi32, #tpu.memory_space<vmem>>) semaphore(%arg15 : memref<!tpu.dma_semaphore, #tpu.memory_space<semaphore_mem>>) {add = true}
          %dma_wait3A_86 = arith.constant 0 : i32
          %dma_wait3A_87 = tpu.memref_slice %arg9[%mul3A_48, %dma_wait3A_86] : memref<16x128xi32, #tpu.memory_space<vmem>> -> memref<1x128xi32, #tpu.memory_space<vmem>>
          %dma_wait3A_88 = tpu.memref_squeeze %dma_wait3A_87 : memref<1x128xi32, #tpu.memory_space<vmem>> -> memref<128xi32, #tpu.memory_space<vmem>>
          %dma_wait3A_89 = arith.constant 0 : i32
          %dma_wait3A_90 = arith.constant 0 : i32
          %dma_wait3A_91 = tpu.memref_slice %arg12[%dma_wait3A_89, %dma_wait3A_90] : memref<10064x128xf32, #tpu.memory_space<vmem_shared>> -> memref<10064x128xf32, #tpu.memory_space<vmem_shared>>
          tpu.wait_indirect_dma semaphore(%arg15 : memref<!tpu.dma_semaphore, #tpu.memory_space<semaphore_mem>>) src(%arg10 : memref<128x128xf32, #tpu.memory_space<vmem>>) dst(%dma_wait3A_91 : memref<10064x128xf32, #tpu.memory_space<vmem_shared>>)
          %dma_wait3A_92 = arith.constant 0 : i32
          %dma_wait3A_93 = tpu.memref_slice %arg9[%add3A_79, %dma_wait3A_92] : memref<16x128xi32, #tpu.memory_space<vmem>> -> memref<1x128xi32, #tpu.memory_space<vmem>>
          %dma_wait3A_94 = tpu.memref_squeeze %dma_wait3A_93 : memref<1x128xi32, #tpu.memory_space<vmem>> -> memref<128xi32, #tpu.memory_space<vmem>>
          %dma_wait3A_95 = arith.constant 0 : i32
          %dma_wait3A_96 = arith.constant 0 : i32
          %dma_wait3A_97 = tpu.memref_slice %arg12[%dma_wait3A_95, %dma_wait3A_96] : memref<10064x128xf32, #tpu.memory_space<vmem_shared>> -> memref<10064x128xf32, #tpu.memory_space<vmem_shared>>
          tpu.wait_indirect_dma semaphore(%arg15 : memref<!tpu.dma_semaphore, #tpu.memory_space<semaphore_mem>>) src(%arg11 : memref<128x128xf32, #tpu.memory_space<vmem>>) dst(%dma_wait3A_97 : memref<10064x128xf32, #tpu.memory_space<vmem_shared>>)
        }
        %scan3A_45 = arith.constant 8 : i32
      }
      %scan3A_34 = arith.constant 10 : i32
    } else {
    }
    %eq3A_14 = arith.constant 1 : i32
    %eq3A_15 = arith.cmpi eq, %arg0, %eq3A_14 : i32
    %convert_element_type3A_16 = arith.extui %eq3A_15 : i1 to i32
    %cond3A_17 = arith.constant 0 : i32
    %cond3A_18 = arith.cmpi ne, %convert_element_type3A_16, %cond3A_17 : i32
    scf.if %cond3A_18 {
      %scan3A = arith.constant 0 : i32
      %scan3A_30 = arith.constant 0 : i32
      %scan3A_31 = arith.constant 10 : i32
      %scan3A_32 = arith.addi %scan3A_30, %scan3A_31 : i32
      %scan3A_33 = arith.constant 1 : i32
      scf.for %scan3A_35 = %scan3A_30 to %scan3A_32 step %scan3A_33  : i32 {
        %mul3A_36 = arith.constant 16 : i32
        %mul3A_37 = arith.muli %scan3A_35, %mul3A_36 : i32
        "tpu.region"() ({
          %run_scoped3A = tpu.sem_alloc : memref<!tpu.dma_semaphore, #tpu.memory_space<semaphore_mem>>
          %dma_start3A = arith.constant 0 : i32
          %dma_start3A_46 = tpu.memref_slice %arg4[%arg1, %mul3A_37, %dma_start3A] : memref<16x160x128xi32, #tpu.memory_space<hbm>> -> memref<1x16x128xi32, #tpu.memory_space<hbm>>
          %dma_start3A_47 = tpu.memref_squeeze %dma_start3A_46 : memref<1x16x128xi32, #tpu.memory_space<hbm>> -> memref<16x128xi32, #tpu.memory_space<hbm>>
          %dma_start3A_48 = arith.constant 0 : i32
          %dma_start3A_49 = tpu.memref_slice %arg4[%arg1, %mul3A_37, %dma_start3A_48] : memref<16x160x128xi32, #tpu.memory_space<hbm>> -> memref<1x16x128xi32, #tpu.memory_space<hbm>>
          %dma_start3A_50 = tpu.memref_squeeze %dma_start3A_49 : memref<1x16x128xi32, #tpu.memory_space<hbm>> -> memref<16x128xi32, #tpu.memory_space<hbm>>
          tpu.enqueue_dma source(%dma_start3A_50 : memref<16x128xi32, #tpu.memory_space<hbm>>) target(%arg8 : memref<16x128xi32, #tpu.memory_space<vmem>>) target_semaphore(%run_scoped3A : memref<!tpu.dma_semaphore, #tpu.memory_space<semaphore_mem>>)
          %dma_wait3A = arith.constant 0 : i32
          %dma_wait3A_51 = tpu.memref_slice %arg4[%arg1, %mul3A_37, %dma_wait3A] : memref<16x160x128xi32, #tpu.memory_space<hbm>> -> memref<1x16x128xi32, #tpu.memory_space<hbm>>
          %dma_wait3A_52 = tpu.memref_squeeze %dma_wait3A_51 : memref<1x16x128xi32, #tpu.memory_space<hbm>> -> memref<16x128xi32, #tpu.memory_space<hbm>>
          %dma_wait3A_53 = arith.constant 0 : i32
          %dma_wait3A_54 = tpu.memref_slice %arg4[%arg1, %mul3A_37, %dma_wait3A_53] : memref<16x160x128xi32, #tpu.memory_space<hbm>> -> memref<1x16x128xi32, #tpu.memory_space<hbm>>
          %dma_wait3A_55 = tpu.memref_squeeze %dma_wait3A_54 : memref<1x16x128xi32, #tpu.memory_space<hbm>> -> memref<16x128xi32, #tpu.memory_space<hbm>>
          tpu.wait_dma2 semaphore(%run_scoped3A : memref<!tpu.dma_semaphore, #tpu.memory_space<semaphore_mem>>) src(%dma_wait3A_55 : memref<16x128xi32, #tpu.memory_space<hbm>>) dst(%arg8 : memref<16x128xi32, #tpu.memory_space<vmem>>)
          tpu.yield
        }) : () -> ()
        %mul3A_38 = arith.constant 16 : i32
        %mul3A_39 = arith.muli %scan3A_35, %mul3A_38 : i32
        "tpu.region"() ({
          %run_scoped3A = tpu.sem_alloc : memref<!tpu.dma_semaphore, #tpu.memory_space<semaphore_mem>>
          %dma_start3A = arith.constant 0 : i32
          %dma_start3A_46 = tpu.memref_slice %arg5[%arg1, %mul3A_39, %dma_start3A] : memref<16x160x128xi32, #tpu.memory_space<hbm>> -> memref<1x16x128xi32, #tpu.memory_space<hbm>>
          %dma_start3A_47 = tpu.memref_squeeze %dma_start3A_46 : memref<1x16x128xi32, #tpu.memory_space<hbm>> -> memref<16x128xi32, #tpu.memory_space<hbm>>
          %dma_start3A_48 = arith.constant 0 : i32
          %dma_start3A_49 = tpu.memref_slice %arg5[%arg1, %mul3A_39, %dma_start3A_48] : memref<16x160x128xi32, #tpu.memory_space<hbm>> -> memref<1x16x128xi32, #tpu.memory_space<hbm>>
          %dma_start3A_50 = tpu.memref_squeeze %dma_start3A_49 : memref<1x16x128xi32, #tpu.memory_space<hbm>> -> memref<16x128xi32, #tpu.memory_space<hbm>>
          tpu.enqueue_dma source(%dma_start3A_50 : memref<16x128xi32, #tpu.memory_space<hbm>>) target(%arg9 : memref<16x128xi32, #tpu.memory_space<vmem>>) target_semaphore(%run_scoped3A : memref<!tpu.dma_semaphore, #tpu.memory_space<semaphore_mem>>)
          %dma_wait3A = arith.constant 0 : i32
          %dma_wait3A_51 = tpu.memref_slice %arg5[%arg1, %mul3A_39, %dma_wait3A] : memref<16x160x128xi32, #tpu.memory_space<hbm>> -> memref<1x16x128xi32, #tpu.memory_space<hbm>>
          %dma_wait3A_52 = tpu.memref_squeeze %dma_wait3A_51 : memref<1x16x128xi32, #tpu.memory_space<hbm>> -> memref<16x128xi32, #tpu.memory_space<hbm>>
          %dma_wait3A_53 = arith.constant 0 : i32
          %dma_wait3A_54 = tpu.memref_slice %arg5[%arg1, %mul3A_39, %dma_wait3A_53] : memref<16x160x128xi32, #tpu.memory_space<hbm>> -> memref<1x16x128xi32, #tpu.memory_space<hbm>>
          %dma_wait3A_55 = tpu.memref_squeeze %dma_wait3A_54 : memref<1x16x128xi32, #tpu.memory_space<hbm>> -> memref<16x128xi32, #tpu.memory_space<hbm>>
          tpu.wait_dma2 semaphore(%run_scoped3A : memref<!tpu.dma_semaphore, #tpu.memory_space<semaphore_mem>>) src(%dma_wait3A_55 : memref<16x128xi32, #tpu.memory_space<hbm>>) dst(%arg9 : memref<16x128xi32, #tpu.memory_space<vmem>>)
          tpu.yield
        }) : () -> ()
        %scan3A_40 = arith.constant 0 : i32
        %scan3A_41 = arith.constant 0 : i32
        %scan3A_42 = arith.constant 8 : i32
        %scan3A_43 = arith.addi %scan3A_41, %scan3A_42 : i32
        %scan3A_44 = arith.constant 1 : i32
        scf.for %scan3A_46 = %scan3A_41 to %scan3A_43 step %scan3A_44  : i32 {
          %mul3A_47 = arith.constant 2 : i32
          %mul3A_48 = arith.muli %mul3A_47, %scan3A_46 : i32
          %dma_start3A = arith.constant 0 : i32
          %dma_start3A_49 = tpu.memref_slice %arg8[%mul3A_48, %dma_start3A] : memref<16x128xi32, #tpu.memory_space<vmem>> -> memref<1x128xi32, #tpu.memory_space<vmem>>
          %dma_start3A_50 = tpu.memref_squeeze %dma_start3A_49 : memref<1x128xi32, #tpu.memory_space<vmem>> -> memref<128xi32, #tpu.memory_space<vmem>>
          %dma_start3A_51 = arith.constant 0 : i32
          %dma_start3A_52 = arith.constant 0 : i32
          %dma_start3A_53 = tpu.memref_slice %arg3[%dma_start3A_51, %dma_start3A_52] : memref<10000x128xf32, #tpu.memory_space<hbm>> -> memref<10000x128xf32, #tpu.memory_space<hbm>>
          tpu.enqueue_indirect_dma source(%dma_start3A_53 : memref<10000x128xf32, #tpu.memory_space<hbm>>) target(%arg10 : memref<128x128xf32, #tpu.memory_space<vmem>>) offsets(%dma_start3A_50 : memref<128xi32, #tpu.memory_space<vmem>>) semaphore(%arg13 : memref<!tpu.dma_semaphore, #tpu.memory_space<semaphore_mem>>)
          %add3A = arith.constant 1 : i32
          %add3A_54 = arith.addi %mul3A_48, %add3A : i32
          %dma_start3A_55 = arith.constant 0 : i32
          %dma_start3A_56 = tpu.memref_slice %arg8[%add3A_54, %dma_start3A_55] : memref<16x128xi32, #tpu.memory_space<vmem>> -> memref<1x128xi32, #tpu.memory_space<vmem>>
          %dma_start3A_57 = tpu.memref_squeeze %dma_start3A_56 : memref<1x128xi32, #tpu.memory_space<vmem>> -> memref<128xi32, #tpu.memory_space<vmem>>
          %dma_start3A_58 = arith.constant 0 : i32
          %dma_start3A_59 = arith.constant 0 : i32
          %dma_start3A_60 = tpu.memref_slice %arg3[%dma_start3A_58, %dma_start3A_59] : memref<10000x128xf32, #tpu.memory_space<hbm>> -> memref<10000x128xf32, #tpu.memory_space<hbm>>
          tpu.enqueue_indirect_dma source(%dma_start3A_60 : memref<10000x128xf32, #tpu.memory_space<hbm>>) target(%arg11 : memref<128x128xf32, #tpu.memory_space<vmem>>) offsets(%dma_start3A_57 : memref<128xi32, #tpu.memory_space<vmem>>) semaphore(%arg14 : memref<!tpu.dma_semaphore, #tpu.memory_space<semaphore_mem>>)
          %dma_wait3A = arith.constant 0 : i32
          %dma_wait3A_61 = tpu.memref_slice %arg8[%mul3A_48, %dma_wait3A] : memref<16x128xi32, #tpu.memory_space<vmem>> -> memref<1x128xi32, #tpu.memory_space<vmem>>
          %dma_wait3A_62 = tpu.memref_squeeze %dma_wait3A_61 : memref<1x128xi32, #tpu.memory_space<vmem>> -> memref<128xi32, #tpu.memory_space<vmem>>
          %dma_wait3A_63 = arith.constant 0 : i32
          %dma_wait3A_64 = arith.constant 0 : i32
          %dma_wait3A_65 = tpu.memref_slice %arg3[%dma_wait3A_63, %dma_wait3A_64] : memref<10000x128xf32, #tpu.memory_space<hbm>> -> memref<10000x128xf32, #tpu.memory_space<hbm>>
          tpu.wait_indirect_dma semaphore(%arg13 : memref<!tpu.dma_semaphore, #tpu.memory_space<semaphore_mem>>) src(%dma_wait3A_65 : memref<10000x128xf32, #tpu.memory_space<hbm>>) dst(%arg10 : memref<128x128xf32, #tpu.memory_space<vmem>>)
          %dma_start3A_66 = arith.constant 0 : i32
          %dma_start3A_67 = tpu.memref_slice %arg9[%mul3A_48, %dma_start3A_66] : memref<16x128xi32, #tpu.memory_space<vmem>> -> memref<1x128xi32, #tpu.memory_space<vmem>>
          %dma_start3A_68 = tpu.memref_squeeze %dma_start3A_67 : memref<1x128xi32, #tpu.memory_space<vmem>> -> memref<128xi32, #tpu.memory_space<vmem>>
          %dma_start3A_69 = arith.constant 0 : i32
          %dma_start3A_70 = arith.constant 0 : i32
          %dma_start3A_71 = tpu.memref_slice %arg12[%dma_start3A_69, %dma_start3A_70] : memref<10064x128xf32, #tpu.memory_space<vmem_shared>> -> memref<10064x128xf32, #tpu.memory_space<vmem_shared>>
          tpu.enqueue_indirect_dma source(%arg10 : memref<128x128xf32, #tpu.memory_space<vmem>>) target(%dma_start3A_71 : memref<10064x128xf32, #tpu.memory_space<vmem_shared>>) offsets(%dma_start3A_68 : memref<128xi32, #tpu.memory_space<vmem>>) semaphore(%arg15 : memref<!tpu.dma_semaphore, #tpu.memory_space<semaphore_mem>>) {add = true}
          %dma_wait3A_72 = arith.constant 0 : i32
          %dma_wait3A_73 = tpu.memref_slice %arg8[%add3A_54, %dma_wait3A_72] : memref<16x128xi32, #tpu.memory_space<vmem>> -> memref<1x128xi32, #tpu.memory_space<vmem>>
          %dma_wait3A_74 = tpu.memref_squeeze %dma_wait3A_73 : memref<1x128xi32, #tpu.memory_space<vmem>> -> memref<128xi32, #tpu.memory_space<vmem>>
          %dma_wait3A_75 = arith.constant 0 : i32
          %dma_wait3A_76 = arith.constant 0 : i32
          %dma_wait3A_77 = tpu.memref_slice %arg3[%dma_wait3A_75, %dma_wait3A_76] : memref<10000x128xf32, #tpu.memory_space<hbm>> -> memref<10000x128xf32, #tpu.memory_space<hbm>>
          tpu.wait_indirect_dma semaphore(%arg14 : memref<!tpu.dma_semaphore, #tpu.memory_space<semaphore_mem>>) src(%dma_wait3A_77 : memref<10000x128xf32, #tpu.memory_space<hbm>>) dst(%arg11 : memref<128x128xf32, #tpu.memory_space<vmem>>)
          %add3A_78 = arith.constant 1 : i32
          %add3A_79 = arith.addi %mul3A_48, %add3A_78 : i32
          %dma_start3A_80 = arith.constant 0 : i32
          %dma_start3A_81 = tpu.memref_slice %arg9[%add3A_79, %dma_start3A_80] : memref<16x128xi32, #tpu.memory_space<vmem>> -> memref<1x128xi32, #tpu.memory_space<vmem>>
          %dma_start3A_82 = tpu.memref_squeeze %dma_start3A_81 : memref<1x128xi32, #tpu.memory_space<vmem>> -> memref<128xi32, #tpu.memory_space<vmem>>
          %dma_start3A_83 = arith.constant 0 : i32
          %dma_start3A_84 = arith.constant 0 : i32
          %dma_start3A_85 = tpu.memref_slice %arg12[%dma_start3A_83, %dma_start3A_84] : memref<10064x128xf32, #tpu.memory_space<vmem_shared>> -> memref<10064x128xf32, #tpu.memory_space<vmem_shared>>
          tpu.enqueue_indirect_dma source(%arg11 : memref<128x128xf32, #tpu.memory_space<vmem>>) target(%dma_start3A_85 : memref<10064x128xf32, #tpu.memory_space<vmem_shared>>) offsets(%dma_start3A_82 : memref<128xi32, #tpu.memory_space<vmem>>) semaphore(%arg15 : memref<!tpu.dma_semaphore, #tpu.memory_space<semaphore_mem>>) {add = true}
          %dma_wait3A_86 = arith.constant 0 : i32
          %dma_wait3A_87 = tpu.memref_slice %arg9[%mul3A_48, %dma_wait3A_86] : memref<16x128xi32, #tpu.memory_space<vmem>> -> memref<1x128xi32, #tpu.memory_space<vmem>>
          %dma_wait3A_88 = tpu.memref_squeeze %dma_wait3A_87 : memref<1x128xi32, #tpu.memory_space<vmem>> -> memref<128xi32, #tpu.memory_space<vmem>>
          %dma_wait3A_89 = arith.constant 0 : i32
          %dma_wait3A_90 = arith.constant 0 : i32
          %dma_wait3A_91 = tpu.memref_slice %arg12[%dma_wait3A_89, %dma_wait3A_90] : memref<10064x128xf32, #tpu.memory_space<vmem_shared>> -> memref<10064x128xf32, #tpu.memory_space<vmem_shared>>
          tpu.wait_indirect_dma semaphore(%arg15 : memref<!tpu.dma_semaphore, #tpu.memory_space<semaphore_mem>>) src(%arg10 : memref<128x128xf32, #tpu.memory_space<vmem>>) dst(%dma_wait3A_91 : memref<10064x128xf32, #tpu.memory_space<vmem_shared>>)
          %dma_wait3A_92 = arith.constant 0 : i32
          %dma_wait3A_93 = tpu.memref_slice %arg9[%add3A_79, %dma_wait3A_92] : memref<16x128xi32, #tpu.memory_space<vmem>> -> memref<1x128xi32, #tpu.memory_space<vmem>>
          %dma_wait3A_94 = tpu.memref_squeeze %dma_wait3A_93 : memref<1x128xi32, #tpu.memory_space<vmem>> -> memref<128xi32, #tpu.memory_space<vmem>>
          %dma_wait3A_95 = arith.constant 0 : i32
          %dma_wait3A_96 = arith.constant 0 : i32
          %dma_wait3A_97 = tpu.memref_slice %arg12[%dma_wait3A_95, %dma_wait3A_96] : memref<10064x128xf32, #tpu.memory_space<vmem_shared>> -> memref<10064x128xf32, #tpu.memory_space<vmem_shared>>
          tpu.wait_indirect_dma semaphore(%arg15 : memref<!tpu.dma_semaphore, #tpu.memory_space<semaphore_mem>>) src(%arg11 : memref<128x128xf32, #tpu.memory_space<vmem>>) dst(%dma_wait3A_97 : memref<10064x128xf32, #tpu.memory_space<vmem_shared>>)
        }
        %scan3A_45 = arith.constant 8 : i32
      }
      %scan3A_34 = arith.constant 10 : i32
    } else {
    }
    %barrier3A_19 = arith.constant 0 : index
    tpu.barrier barrier_id(%barrier3A_19)
    %while3A_20 = arith.constant 0 : i32
    %while3A_21 = arith.constant 0 : i32
    %while3A_22 = arith.subi %select_n3A, %while3A_21 : i32
    %while3A_23 = arith.addi %while3A_21, %while3A_22 : i32
    %while3A_24 = arith.constant 1 : i32
    %while3A_25 = arith.divsi %while3A_22, %while3A_24 : i32
    %while3A_26 = arith.muli %while3A_25, %while3A_24 : i32
    %while3A_27 = arith.addi %while3A_21, %while3A_26 : i32
    %while3A_28 = arith.constant 1 : i32
    scf.for %while3A_30 = %while3A_21 to %while3A_27 step %while3A_28  : i32 {
      %mul3A_31 = arith.constant 80 : i32
      %mul3A_32 = arith.muli %while3A_30, %mul3A_31 : i32
      %add3A = arith.addi %mul3A_2, %mul3A_32 : i32
      "tpu.region"() ({
        %run_scoped3A = tpu.sem_alloc : memref<!tpu.dma_semaphore, #tpu.memory_space<semaphore_mem>>
        %dma_start3A = arith.constant 0 : i32
        %dma_start3A_33 = arith.constant 0 : i32
        %dma_start3A_34 = tpu.memref_slice %arg10[%dma_start3A, %dma_start3A_33] : memref<128x128xf32, #tpu.memory_space<vmem>> -> memref<80x128xf32, #tpu.memory_space<vmem>>
        %dma_start3A_35 = arith.constant 0 : i32
        %dma_start3A_36 = tpu.memref_slice %arg12[%add3A, %dma_start3A_35] : memref<10064x128xf32, #tpu.memory_space<vmem_shared>> -> memref<80x128xf32, #tpu.memory_space<vmem_shared>>
        %dma_start3A_37 = arith.constant 0 : i32
        %dma_start3A_38 = arith.constant 0 : i32
        %dma_start3A_39 = tpu.memref_slice %arg10[%dma_start3A_37, %dma_start3A_38] : memref<128x128xf32, #tpu.memory_space<vmem>> -> memref<80x128xf32, #tpu.memory_space<vmem>>
        %dma_start3A_40 = arith.constant 0 : i32
        %dma_start3A_41 = tpu.memref_slice %arg12[%add3A, %dma_start3A_40] : memref<10064x128xf32, #tpu.memory_space<vmem_shared>> -> memref<80x128xf32, #tpu.memory_space<vmem_shared>>
        tpu.enqueue_dma source(%dma_start3A_41 : memref<80x128xf32, #tpu.memory_space<vmem_shared>>) target(%dma_start3A_39 : memref<80x128xf32, #tpu.memory_space<vmem>>) target_semaphore(%run_scoped3A : memref<!tpu.dma_semaphore, #tpu.memory_space<semaphore_mem>>)
        %dma_wait3A = arith.constant 0 : i32
        %dma_wait3A_42 = arith.constant 0 : i32
        %dma_wait3A_43 = tpu.memref_slice %arg10[%dma_wait3A, %dma_wait3A_42] : memref<128x128xf32, #tpu.memory_space<vmem>> -> memref<80x128xf32, #tpu.memory_space<vmem>>
        %dma_wait3A_44 = arith.constant 0 : i32
        %dma_wait3A_45 = tpu.memref_slice %arg12[%add3A, %dma_wait3A_44] : memref<10064x128xf32, #tpu.memory_space<vmem_shared>> -> memref<80x128xf32, #tpu.memory_space<vmem_shared>>
        %dma_wait3A_46 = arith.constant 0 : i32
        %dma_wait3A_47 = arith.constant 0 : i32
        %dma_wait3A_48 = tpu.memref_slice %arg10[%dma_wait3A_46, %dma_wait3A_47] : memref<128x128xf32, #tpu.memory_space<vmem>> -> memref<80x128xf32, #tpu.memory_space<vmem>>
        %dma_wait3A_49 = arith.constant 0 : i32
        %dma_wait3A_50 = tpu.memref_slice %arg12[%add3A, %dma_wait3A_49] : memref<10064x128xf32, #tpu.memory_space<vmem_shared>> -> memref<80x128xf32, #tpu.memory_space<vmem_shared>>
        tpu.wait_dma2 semaphore(%run_scoped3A : memref<!tpu.dma_semaphore, #tpu.memory_space<semaphore_mem>>) src(%dma_wait3A_50 : memref<80x128xf32, #tpu.memory_space<vmem_shared>>) dst(%dma_wait3A_48 : memref<80x128xf32, #tpu.memory_space<vmem>>)
        tpu.yield
      }) : () -> ()
      "tpu.region"() ({
        %run_scoped3A = tpu.sem_alloc : memref<!tpu.dma_semaphore, #tpu.memory_space<semaphore_mem>>
        %dma_start3A = arith.constant 0 : i32
        %dma_start3A_33 = arith.constant 0 : i32
        %dma_start3A_34 = tpu.memref_slice %arg10[%dma_start3A, %dma_start3A_33] : memref<128x128xf32, #tpu.memory_space<vmem>> -> memref<80x128xf32, #tpu.memory_space<vmem>>
        %dma_start3A_35 = arith.constant 0 : i32
        %dma_start3A_36 = tpu.memref_slice %arg7[%arg0, %add3A, %dma_start3A_35] : memref<2x10000x128xf32, #tpu.memory_space<hbm>> -> memref<1x80x128xf32, #tpu.memory_space<hbm>>
        %dma_start3A_37 = tpu.memref_squeeze %dma_start3A_36 : memref<1x80x128xf32, #tpu.memory_space<hbm>> -> memref<80x128xf32, #tpu.memory_space<hbm>>
        %dma_start3A_38 = arith.constant 0 : i32
        %dma_start3A_39 = tpu.memref_slice %arg7[%arg0, %add3A, %dma_start3A_38] : memref<2x10000x128xf32, #tpu.memory_space<hbm>> -> memref<1x80x128xf32, #tpu.memory_space<hbm>>
        %dma_start3A_40 = tpu.memref_squeeze %dma_start3A_39 : memref<1x80x128xf32, #tpu.memory_space<hbm>> -> memref<80x128xf32, #tpu.memory_space<hbm>>
        %dma_start3A_41 = arith.constant 0 : i32
        %dma_start3A_42 = arith.constant 0 : i32
        %dma_start3A_43 = tpu.memref_slice %arg10[%dma_start3A_41, %dma_start3A_42] : memref<128x128xf32, #tpu.memory_space<vmem>> -> memref<80x128xf32, #tpu.memory_space<vmem>>
        tpu.enqueue_dma source(%dma_start3A_43 : memref<80x128xf32, #tpu.memory_space<vmem>>) target(%dma_start3A_40 : memref<80x128xf32, #tpu.memory_space<hbm>>) target_semaphore(%run_scoped3A : memref<!tpu.dma_semaphore, #tpu.memory_space<semaphore_mem>>)
        %dma_wait3A = arith.constant 0 : i32
        %dma_wait3A_44 = arith.constant 0 : i32
        %dma_wait3A_45 = tpu.memref_slice %arg10[%dma_wait3A, %dma_wait3A_44] : memref<128x128xf32, #tpu.memory_space<vmem>> -> memref<80x128xf32, #tpu.memory_space<vmem>>
        %dma_wait3A_46 = arith.constant 0 : i32
        %dma_wait3A_47 = tpu.memref_slice %arg7[%arg0, %add3A, %dma_wait3A_46] : memref<2x10000x128xf32, #tpu.memory_space<hbm>> -> memref<1x80x128xf32, #tpu.memory_space<hbm>>
        %dma_wait3A_48 = tpu.memref_squeeze %dma_wait3A_47 : memref<1x80x128xf32, #tpu.memory_space<hbm>> -> memref<80x128xf32, #tpu.memory_space<hbm>>
        %dma_wait3A_49 = arith.constant 0 : i32
        %dma_wait3A_50 = tpu.memref_slice %arg7[%arg0, %add3A, %dma_wait3A_49] : memref<2x10000x128xf32, #tpu.memory_space<hbm>> -> memref<1x80x128xf32, #tpu.memory_space<hbm>>
        %dma_wait3A_51 = tpu.memref_squeeze %dma_wait3A_50 : memref<1x80x128xf32, #tpu.memory_space<hbm>> -> memref<80x128xf32, #tpu.memory_space<hbm>>
        %dma_wait3A_52 = arith.constant 0 : i32
        %dma_wait3A_53 = arith.constant 0 : i32
        %dma_wait3A_54 = tpu.memref_slice %arg10[%dma_wait3A_52, %dma_wait3A_53] : memref<128x128xf32, #tpu.memory_space<vmem>> -> memref<80x128xf32, #tpu.memory_space<vmem>>
        tpu.wait_dma2 semaphore(%run_scoped3A : memref<!tpu.dma_semaphore, #tpu.memory_space<semaphore_mem>>) src(%dma_wait3A_54 : memref<80x128xf32, #tpu.memory_space<vmem>>) dst(%dma_wait3A_51 : memref<80x128xf32, #tpu.memory_space<hbm>>)
        tpu.yield
      }) : () -> ()
    }
    %while3A_29 = arith.constant 1 : i32
    scf.for %while3A_30 = %while3A_27 to %while3A_23 step %while3A_29  : i32 {
      %mul3A_31 = arith.constant 80 : i32
      %mul3A_32 = arith.muli %while3A_30, %mul3A_31 : i32
      %add3A = arith.addi %mul3A_2, %mul3A_32 : i32
      "tpu.region"() ({
        %run_scoped3A = tpu.sem_alloc : memref<!tpu.dma_semaphore, #tpu.memory_space<semaphore_mem>>
        %dma_start3A = arith.constant 0 : i32
        %dma_start3A_33 = arith.constant 0 : i32
        %dma_start3A_34 = tpu.memref_slice %arg10[%dma_start3A, %dma_start3A_33] : memref<128x128xf32, #tpu.memory_space<vmem>> -> memref<80x128xf32, #tpu.memory_space<vmem>>
        %dma_start3A_35 = arith.constant 0 : i32
        %dma_start3A_36 = tpu.memref_slice %arg12[%add3A, %dma_start3A_35] : memref<10064x128xf32, #tpu.memory_space<vmem_shared>> -> memref<80x128xf32, #tpu.memory_space<vmem_shared>>
        %dma_start3A_37 = arith.constant 0 : i32
        %dma_start3A_38 = arith.constant 0 : i32
        %dma_start3A_39 = tpu.memref_slice %arg10[%dma_start3A_37, %dma_start3A_38] : memref<128x128xf32, #tpu.memory_space<vmem>> -> memref<80x128xf32, #tpu.memory_space<vmem>>
        %dma_start3A_40 = arith.constant 0 : i32
        %dma_start3A_41 = tpu.memref_slice %arg12[%add3A, %dma_start3A_40] : memref<10064x128xf32, #tpu.memory_space<vmem_shared>> -> memref<80x128xf32, #tpu.memory_space<vmem_shared>>
        tpu.enqueue_dma source(%dma_start3A_41 : memref<80x128xf32, #tpu.memory_space<vmem_shared>>) target(%dma_start3A_39 : memref<80x128xf32, #tpu.memory_space<vmem>>) target_semaphore(%run_scoped3A : memref<!tpu.dma_semaphore, #tpu.memory_space<semaphore_mem>>)
        %dma_wait3A = arith.constant 0 : i32
        %dma_wait3A_42 = arith.constant 0 : i32
        %dma_wait3A_43 = tpu.memref_slice %arg10[%dma_wait3A, %dma_wait3A_42] : memref<128x128xf32, #tpu.memory_space<vmem>> -> memref<80x128xf32, #tpu.memory_space<vmem>>
        %dma_wait3A_44 = arith.constant 0 : i32
        %dma_wait3A_45 = tpu.memref_slice %arg12[%add3A, %dma_wait3A_44] : memref<10064x128xf32, #tpu.memory_space<vmem_shared>> -> memref<80x128xf32, #tpu.memory_space<vmem_shared>>
        %dma_wait3A_46 = arith.constant 0 : i32
        %dma_wait3A_47 = arith.constant 0 : i32
        %dma_wait3A_48 = tpu.memref_slice %arg10[%dma_wait3A_46, %dma_wait3A_47] : memref<128x128xf32, #tpu.memory_space<vmem>> -> memref<80x128xf32, #tpu.memory_space<vmem>>
        %dma_wait3A_49 = arith.constant 0 : i32
        %dma_wait3A_50 = tpu.memref_slice %arg12[%add3A, %dma_wait3A_49] : memref<10064x128xf32, #tpu.memory_space<vmem_shared>> -> memref<80x128xf32, #tpu.memory_space<vmem_shared>>
        tpu.wait_dma2 semaphore(%run_scoped3A : memref<!tpu.dma_semaphore, #tpu.memory_space<semaphore_mem>>) src(%dma_wait3A_50 : memref<80x128xf32, #tpu.memory_space<vmem_shared>>) dst(%dma_wait3A_48 : memref<80x128xf32, #tpu.memory_space<vmem>>)
        tpu.yield
      }) : () -> ()
      "tpu.region"() ({
        %run_scoped3A = tpu.sem_alloc : memref<!tpu.dma_semaphore, #tpu.memory_space<semaphore_mem>>
        %dma_start3A = arith.constant 0 : i32
        %dma_start3A_33 = arith.constant 0 : i32
        %dma_start3A_34 = tpu.memref_slice %arg10[%dma_start3A, %dma_start3A_33] : memref<128x128xf32, #tpu.memory_space<vmem>> -> memref<80x128xf32, #tpu.memory_space<vmem>>
        %dma_start3A_35 = arith.constant 0 : i32
        %dma_start3A_36 = tpu.memref_slice %arg7[%arg0, %add3A, %dma_start3A_35] : memref<2x10000x128xf32, #tpu.memory_space<hbm>> -> memref<1x80x128xf32, #tpu.memory_space<hbm>>
        %dma_start3A_37 = tpu.memref_squeeze %dma_start3A_36 : memref<1x80x128xf32, #tpu.memory_space<hbm>> -> memref<80x128xf32, #tpu.memory_space<hbm>>
        %dma_start3A_38 = arith.constant 0 : i32
        %dma_start3A_39 = tpu.memref_slice %arg7[%arg0, %add3A, %dma_start3A_38] : memref<2x10000x128xf32, #tpu.memory_space<hbm>> -> memref<1x80x128xf32, #tpu.memory_space<hbm>>
        %dma_start3A_40 = tpu.memref_squeeze %dma_start3A_39 : memref<1x80x128xf32, #tpu.memory_space<hbm>> -> memref<80x128xf32, #tpu.memory_space<hbm>>
        %dma_start3A_41 = arith.constant 0 : i32
        %dma_start3A_42 = arith.constant 0 : i32
        %dma_start3A_43 = tpu.memref_slice %arg10[%dma_start3A_41, %dma_start3A_42] : memref<128x128xf32, #tpu.memory_space<vmem>> -> memref<80x128xf32, #tpu.memory_space<vmem>>
        tpu.enqueue_dma source(%dma_start3A_43 : memref<80x128xf32, #tpu.memory_space<vmem>>) target(%dma_start3A_40 : memref<80x128xf32, #tpu.memory_space<hbm>>) target_semaphore(%run_scoped3A : memref<!tpu.dma_semaphore, #tpu.memory_space<semaphore_mem>>)
        %dma_wait3A = arith.constant 0 : i32
        %dma_wait3A_44 = arith.constant 0 : i32
        %dma_wait3A_45 = tpu.memref_slice %arg10[%dma_wait3A, %dma_wait3A_44] : memref<128x128xf32, #tpu.memory_space<vmem>> -> memref<80x128xf32, #tpu.memory_space<vmem>>
        %dma_wait3A_46 = arith.constant 0 : i32
        %dma_wait3A_47 = tpu.memref_slice %arg7[%arg0, %add3A, %dma_wait3A_46] : memref<2x10000x128xf32, #tpu.memory_space<hbm>> -> memref<1x80x128xf32, #tpu.memory_space<hbm>>
        %dma_wait3A_48 = tpu.memref_squeeze %dma_wait3A_47 : memref<1x80x128xf32, #tpu.memory_space<hbm>> -> memref<80x128xf32, #tpu.memory_space<hbm>>
        %dma_wait3A_49 = arith.constant 0 : i32
        %dma_wait3A_50 = tpu.memref_slice %arg7[%arg0, %add3A, %dma_wait3A_49] : memref<2x10000x128xf32, #tpu.memory_space<hbm>> -> memref<1x80x128xf32, #tpu.memory_space<hbm>>
        %dma_wait3A_51 = tpu.memref_squeeze %dma_wait3A_50 : memref<1x80x128xf32, #tpu.memory_space<hbm>> -> memref<80x128xf32, #tpu.memory_space<hbm>>
        %dma_wait3A_52 = arith.constant 0 : i32
        %dma_wait3A_53 = arith.constant 0 : i32
        %dma_wait3A_54 = tpu.memref_slice %arg10[%dma_wait3A_52, %dma_wait3A_53] : memref<128x128xf32, #tpu.memory_space<vmem>> -> memref<80x128xf32, #tpu.memory_space<vmem>>
        tpu.wait_dma2 semaphore(%run_scoped3A : memref<!tpu.dma_semaphore, #tpu.memory_space<semaphore_mem>>) src(%dma_wait3A_54 : memref<80x128xf32, #tpu.memory_space<vmem>>) dst(%dma_wait3A_51 : memref<80x128xf32, #tpu.memory_space<hbm>>)
        tpu.yield
      }) : () -> ()
    }
    return
  }
}

module attributes {stable_mosaic.version = 14 : i64} {
  func.func @_tc1_body(%arg0: i32, %arg1: memref<2x1000x128xf32, #tpu.memory_space<vmem>>, %arg2: memref<2x1000x128xf32, #tpu.memory_space<vmem>>, %arg3: memref<1000x128xf32, #tpu.memory_space<vmem>>, %arg4: memref<128x256xf32, #tpu.memory_space<vmem>>, %arg5: memref<128x256xf32, #tpu.memory_space<vmem>>, %arg6: memref<1x256xf32, #tpu.memory_space<vmem>>, %arg7: memref<1000x128xf32, #tpu.memory_space<vmem>>, %arg8: memref<1000x128xf32, #tpu.memory_space<vmem>>) attributes {dimension_semantics = [#tpu.dimension_semantics<arbitrary>], iteration_bounds = array<i64: 10>, scalar_prefetch = 0 : i64, scratch_operands = 0 : i64, tpu.core_type = #tpu.core_type<tc>, window_params = [{transform_indices = @transform_0, window_bounds = array<i64: 2, 1000, 128>}, {transform_indices = @transform_1, window_bounds = array<i64: 2, 1000, 128>}, {transform_indices = @transform_2, window_bounds = array<i64: 1000, 128>}, {pipeline_mode = #tpu.pipeline_mode<synchronous>, transform_indices = @transform_3, window_bounds = array<i64: 128, 256>}, {pipeline_mode = #tpu.pipeline_mode<synchronous>, transform_indices = @transform_4, window_bounds = array<i64: 128, 256>}, {pipeline_mode = #tpu.pipeline_mode<synchronous>, transform_indices = @transform_5, window_bounds = array<i64: 1, 256>}, {transform_indices = @transform_6, window_bounds = array<i64: 1000, 128>}, {transform_indices = @transform_7, window_bounds = array<i64: 1000, 128>}]} {
    %get3A = arith.constant 0 : index
    %get3A_0 = arith.constant 0 : index
    %get3A_1 = arith.constant 0 : index
    %get3A_2 = vector.load %arg2[%get3A, %get3A_0, %get3A_1] : memref<2x1000x128xf32, #tpu.memory_space<vmem>>, vector<1x1000x1xf32>
    %get3A_3 = vector.shape_cast %get3A_2 : vector<1x1000x1xf32> to vector<1000x1xf32>
    %get3A_4 = arith.constant 1 : index
    %get3A_5 = arith.constant 0 : index
    %get3A_6 = arith.constant 0 : index
    %get3A_7 = vector.load %arg2[%get3A_4, %get3A_5, %get3A_6] : memref<2x1000x128xf32, #tpu.memory_space<vmem>>, vector<1x1000x1xf32>
    %get3A_8 = vector.shape_cast %get3A_7 : vector<1x1000x1xf32> to vector<1000x1xf32>
    %add3A = arith.addf %get3A_3, %get3A_8 : vector<1000x1xf32>
    %max3A = arith.constant 1.000000e+00 : f32
    %max3A_9 = vector.broadcast %max3A : f32 to vector<1000x1xf32>
    %max3A_10 = arith.maximumf %add3A, %max3A_9 : vector<1000x1xf32>
    %get3A_11 = arith.constant 0 : index
    %get3A_12 = arith.constant 0 : index
    %get3A_13 = arith.constant 0 : index
    %get3A_14 = vector.load %arg1[%get3A_11, %get3A_12, %get3A_13] : memref<2x1000x128xf32, #tpu.memory_space<vmem>>, vector<1x1000x128xf32>
    %get3A_15 = vector.shape_cast %get3A_14 : vector<1x1000x128xf32> to vector<1000x128xf32>
    %get3A_16 = arith.constant 1 : index
    %get3A_17 = arith.constant 0 : index
    %get3A_18 = arith.constant 0 : index
    %get3A_19 = vector.load %arg1[%get3A_16, %get3A_17, %get3A_18] : memref<2x1000x128xf32, #tpu.memory_space<vmem>>, vector<1x1000x128xf32>
    %get3A_20 = vector.shape_cast %get3A_19 : vector<1x1000x128xf32> to vector<1000x128xf32>
    %add3A_21 = arith.addf %get3A_15, %get3A_20 : vector<1000x128xf32>
    %div3A = vector.broadcast %max3A_10 : vector<1000x1xf32> to vector<1000x128xf32>
    %div3A_22 = arith.divf %add3A_21, %div3A : vector<1000x128xf32>
    %get3A_23 = arith.constant 0 : index
    %get3A_24 = arith.constant 0 : index
    %get3A_25 = vector.load %arg4[%get3A_23, %get3A_24] : memref<128x256xf32, #tpu.memory_space<vmem>>, vector<128x256xf32>
    %dot_general3A = arith.constant dense<0.000000e+00> : vector<1000x256xf32>
    %dot_general3A_26 = tpu.matmul %div3A_22, %get3A_25, %dot_general3A {dimension_numbers = #tpu.dot_dimension_numbers<[1], [0], [0], [1], [0, 0, 1, 1], [], []>, transpose_lhs_hint = false} : vector<1000x128xf32>, vector<128x256xf32>, vector<1000x256xf32> -> vector<1000x256xf32>
    %get3A_27 = arith.constant 0 : index
    %get3A_28 = arith.constant 0 : index
    %get3A_29 = vector.load %arg3[%get3A_27, %get3A_28] : memref<1000x128xf32, #tpu.memory_space<vmem>>, vector<1000x128xf32>
    %get3A_30 = arith.constant 0 : index
    %get3A_31 = arith.constant 0 : index
    %get3A_32 = vector.load %arg5[%get3A_30, %get3A_31] : memref<128x256xf32, #tpu.memory_space<vmem>>, vector<128x256xf32>
    %dot_general3A_33 = arith.constant dense<0.000000e+00> : vector<1000x256xf32>
    %dot_general3A_34 = tpu.matmul %get3A_29, %get3A_32, %dot_general3A_33 {dimension_numbers = #tpu.dot_dimension_numbers<[1], [0], [0], [1], [0, 0, 1, 1], [], []>, transpose_lhs_hint = false} : vector<1000x128xf32>, vector<128x256xf32>, vector<1000x256xf32> -> vector<1000x256xf32>
    %add3A_35 = arith.addf %dot_general3A_26, %dot_general3A_34 : vector<1000x256xf32>
    %get3A_36 = arith.constant 0 : index
    %get3A_37 = arith.constant 0 : index
    %get3A_38 = vector.load %arg6[%get3A_36, %get3A_37] : memref<1x256xf32, #tpu.memory_space<vmem>>, vector<1x256xf32>
    %add3A_39 = vector.broadcast %get3A_38 : vector<1x256xf32> to vector<1000x256xf32>
    %add3A_40 = arith.addf %add3A_35, %add3A_39 : vector<1000x256xf32>
    %max3A_41 = arith.constant 0.000000e+00 : f32
    %max3A_42 = vector.broadcast %max3A_41 : f32 to vector<1000x256xf32>
    %max3A_43 = arith.maximumf %add3A_40, %max3A_42 : vector<1000x256xf32>
    %slice3A = vector.extract_strided_slice %max3A_43 {offsets = [0, 0], sizes = [1000, 128], strides = [1, 1]} : vector<1000x256xf32> to vector<1000x128xf32>
    %swap3A = arith.constant 0 : index
    %swap3A_44 = arith.constant 0 : index
    %swap3A_45 = vector.load %arg7[%swap3A, %swap3A_44] : memref<1000x128xf32, #tpu.memory_space<vmem>>, vector<1000x128xf32>
    tpu.vector_store %arg7[%swap3A, %swap3A_44], %slice3A {strides = array<i32>} : memref<1000x128xf32, #tpu.memory_space<vmem>>, vector<1000x128xf32>,
    %slice3A_46 = vector.extract_strided_slice %max3A_43 {offsets = [0, 128], sizes = [1000, 128], strides = [1, 1]} : vector<1000x256xf32> to vector<1000x128xf32>
    %swap3A_47 = arith.constant 0 : index
    %swap3A_48 = arith.constant 0 : index
    %swap3A_49 = vector.load %arg8[%swap3A_47, %swap3A_48] : memref<1000x128xf32, #tpu.memory_space<vmem>>, vector<1000x128xf32>
    tpu.vector_store %arg8[%swap3A_47, %swap3A_48], %slice3A_46 {strides = array<i32>} : memref<1000x128xf32, #tpu.memory_space<vmem>>, vector<1000x128xf32>,
    return
  }
  func.func @transform_0(%arg0: i32) -> (i32, i32, i32) {
    %c0_i32 = arith.constant 0 : i32
    %c0_i32_0 = arith.constant 0 : i32
    %c0_i32_1 = arith.constant 0 : i32
    return %c0_i32, %arg0, %c0_i32_0 : i32, i32, i32
  }
  func.func @transform_1(%arg0: i32) -> (i32, i32, i32) {
    %c0_i32 = arith.constant 0 : i32
    %c0_i32_0 = arith.constant 0 : i32
    %c0_i32_1 = arith.constant 0 : i32
    return %c0_i32, %arg0, %c0_i32_0 : i32, i32, i32
  }
  func.func @transform_2(%arg0: i32) -> (i32, i32) {
    %c0_i32 = arith.constant 0 : i32
    %c0_i32_0 = arith.constant 0 : i32
    return %arg0, %c0_i32 : i32, i32
  }
  func.func @transform_3(%arg0: i32) -> (i32, i32) {
    %c0_i32 = arith.constant 0 : i32
    %c0_i32_0 = arith.constant 0 : i32
    %c0_i32_1 = arith.constant 0 : i32
    return %c0_i32, %c0_i32_0 : i32, i32
  }
  func.func @transform_4(%arg0: i32) -> (i32, i32) {
    %c0_i32 = arith.constant 0 : i32
    %c0_i32_0 = arith.constant 0 : i32
    %c0_i32_1 = arith.constant 0 : i32
    return %c0_i32, %c0_i32_0 : i32, i32
  }
  func.func @transform_5(%arg0: i32) -> (i32, i32) {
    %c0_i32 = arith.constant 0 : i32
    %c0_i32_0 = arith.constant 0 : i32
    %c0_i32_1 = arith.constant 0 : i32
    return %c0_i32, %c0_i32_0 : i32, i32
  }
  func.func @transform_6(%arg0: i32) -> (i32, i32) {
    %c0_i32 = arith.constant 0 : i32
    %c0_i32_0 = arith.constant 0 : i32
    return %arg0, %c0_i32 : i32, i32
  }
  func.func @transform_7(%arg0: i32) -> (i32, i32) {
    %c0_i32 = arith.constant 0 : i32
    %c0_i32_0 = arith.constant 0 : i32
    return %arg0, %c0_i32 : i32, i32
  }
}

module attributes {stable_mosaic.version = 14 : i64} {
  func.func @_tc2_body(%arg0: i32, %arg1: memref<2x1000x128xf32, #tpu.memory_space<vmem>>, %arg2: memref<2x1000x128xf32, #tpu.memory_space<vmem>>, %arg3: memref<1000x128xf32, #tpu.memory_space<vmem>>, %arg4: memref<1000x128xf32, #tpu.memory_space<vmem>>, %arg5: memref<1x1x1000xi32, #tpu.memory_space<vmem>>, %arg6: memref<256x256xf32, #tpu.memory_space<vmem>>, %arg7: memref<256x256xf32, #tpu.memory_space<vmem>>, %arg8: memref<1x256xf32, #tpu.memory_space<vmem>>, %arg9: memref<256x16xf32, #tpu.memory_space<vmem>>, %arg10: memref<1x16xf32, #tpu.memory_space<vmem>>, %arg11: memref<64x16xf32, #tpu.memory_space<vmem>>, %arg12: memref<64x256xf32, #tpu.memory_space<vmem>>, %arg13: memref<64x1xf32, #tpu.memory_space<vmem>>) attributes {dimension_semantics = [#tpu.dimension_semantics<arbitrary>], iteration_bounds = array<i64: 10>, scalar_prefetch = 0 : i64, scratch_operands = 2 : i64, tpu.core_type = #tpu.core_type<tc>, window_params = [{transform_indices = @transform_0, window_bounds = array<i64: 2, 1000, 128>}, {transform_indices = @transform_1, window_bounds = array<i64: 2, 1000, 128>}, {transform_indices = @transform_2, window_bounds = array<i64: 1000, 128>}, {transform_indices = @transform_3, window_bounds = array<i64: 1000, 128>}, {transform_indices = @transform_4, window_bounds = array<i64: 1, 1, 1000>}, {pipeline_mode = #tpu.pipeline_mode<synchronous>, transform_indices = @transform_5, window_bounds = array<i64: 256, 256>}, {pipeline_mode = #tpu.pipeline_mode<synchronous>, transform_indices = @transform_6, window_bounds = array<i64: 256, 256>}, {pipeline_mode = #tpu.pipeline_mode<synchronous>, transform_indices = @transform_7, window_bounds = array<i64: 1, 256>}, {pipeline_mode = #tpu.pipeline_mode<synchronous>, transform_indices = @transform_8, window_bounds = array<i64: 256, 16>}, {pipeline_mode = #tpu.pipeline_mode<synchronous>, transform_indices = @transform_9, window_bounds = array<i64: 1, 16>}, {pipeline_mode = #tpu.pipeline_mode<synchronous>, transform_indices = @transform_10, window_bounds = array<i64: 64, 16>}]} {
    %get3A = arith.constant 0 : index
    %get3A_0 = arith.constant 0 : index
    %get3A_1 = arith.constant 0 : index
    %get3A_2 = vector.load %arg2[%get3A, %get3A_0, %get3A_1] : memref<2x1000x128xf32, #tpu.memory_space<vmem>>, vector<1x1000x1xf32>
    %get3A_3 = vector.shape_cast %get3A_2 : vector<1x1000x1xf32> to vector<1000x1xf32>
    %get3A_4 = arith.constant 1 : index
    %get3A_5 = arith.constant 0 : index
    %get3A_6 = arith.constant 0 : index
    %get3A_7 = vector.load %arg2[%get3A_4, %get3A_5, %get3A_6] : memref<2x1000x128xf32, #tpu.memory_space<vmem>>, vector<1x1000x1xf32>
    %get3A_8 = vector.shape_cast %get3A_7 : vector<1x1000x1xf32> to vector<1000x1xf32>
    %add3A = arith.addf %get3A_3, %get3A_8 : vector<1000x1xf32>
    %max3A = arith.constant 1.000000e+00 : f32
    %max3A_9 = vector.broadcast %max3A : f32 to vector<1000x1xf32>
    %max3A_10 = arith.maximumf %add3A, %max3A_9 : vector<1000x1xf32>
    %get3A_11 = arith.constant 0 : index
    %get3A_12 = arith.constant 0 : index
    %get3A_13 = arith.constant 0 : index
    %get3A_14 = vector.load %arg1[%get3A_11, %get3A_12, %get3A_13] : memref<2x1000x128xf32, #tpu.memory_space<vmem>>, vector<1x1000x128xf32>
    %get3A_15 = vector.shape_cast %get3A_14 : vector<1x1000x128xf32> to vector<1000x128xf32>
    %div3A = vector.broadcast %max3A_10 : vector<1000x1xf32> to vector<1000x128xf32>
    %div3A_16 = arith.divf %get3A_15, %div3A : vector<1000x128xf32>
    %get3A_17 = arith.constant 0 : index
    %get3A_18 = arith.constant 0 : index
    %get3A_19 = vector.load %arg6[%get3A_17, %get3A_18] : memref<256x256xf32, #tpu.memory_space<vmem>>, vector<128x256xf32>
    %dot_general3A = arith.constant dense<0.000000e+00> : vector<1000x256xf32>
    %dot_general3A_20 = tpu.matmul %div3A_16, %get3A_19, %dot_general3A {dimension_numbers = #tpu.dot_dimension_numbers<[1], [0], [0], [1], [0, 0, 1, 1], [], []>, transpose_lhs_hint = false} : vector<1000x128xf32>, vector<128x256xf32>, vector<1000x256xf32> -> vector<1000x256xf32>
    %get3A_21 = arith.constant 1 : index
    %get3A_22 = arith.constant 0 : index
    %get3A_23 = arith.constant 0 : index
    %get3A_24 = vector.load %arg1[%get3A_21, %get3A_22, %get3A_23] : memref<2x1000x128xf32, #tpu.memory_space<vmem>>, vector<1x1000x128xf32>
    %get3A_25 = vector.shape_cast %get3A_24 : vector<1x1000x128xf32> to vector<1000x128xf32>
    %div3A_26 = vector.broadcast %max3A_10 : vector<1000x1xf32> to vector<1000x128xf32>
    %div3A_27 = arith.divf %get3A_25, %div3A_26 : vector<1000x128xf32>
    %get3A_28 = arith.constant 128 : index
    %get3A_29 = arith.constant 0 : index
    %get3A_30 = vector.load %arg6[%get3A_28, %get3A_29] : memref<256x256xf32, #tpu.memory_space<vmem>>, vector<128x256xf32>
    %dot_general3A_31 = arith.constant dense<0.000000e+00> : vector<1000x256xf32>
    %dot_general3A_32 = tpu.matmul %div3A_27, %get3A_30, %dot_general3A_31 {dimension_numbers = #tpu.dot_dimension_numbers<[1], [0], [0], [1], [0, 0, 1, 1], [], []>, transpose_lhs_hint = false} : vector<1000x128xf32>, vector<128x256xf32>, vector<1000x256xf32> -> vector<1000x256xf32>
    %add3A_33 = arith.addf %dot_general3A_20, %dot_general3A_32 : vector<1000x256xf32>
    %get3A_34 = arith.constant 0 : index
    %get3A_35 = arith.constant 0 : index
    %get3A_36 = vector.load %arg3[%get3A_34, %get3A_35] : memref<1000x128xf32, #tpu.memory_space<vmem>>, vector<1000x128xf32>
    %get3A_37 = arith.constant 0 : index
    %get3A_38 = arith.constant 0 : index
    %get3A_39 = vector.load %arg7[%get3A_37, %get3A_38] : memref<256x256xf32, #tpu.memory_space<vmem>>, vector<128x256xf32>
    %dot_general3A_40 = arith.constant dense<0.000000e+00> : vector<1000x256xf32>
    %dot_general3A_41 = tpu.matmul %get3A_36, %get3A_39, %dot_general3A_40 {dimension_numbers = #tpu.dot_dimension_numbers<[1], [0], [0], [1], [0, 0, 1, 1], [], []>, transpose_lhs_hint = false} : vector<1000x128xf32>, vector<128x256xf32>, vector<1000x256xf32> -> vector<1000x256xf32>
    %add3A_42 = arith.addf %add3A_33, %dot_general3A_41 : vector<1000x256xf32>
    %get3A_43 = arith.constant 0 : index
    %get3A_44 = arith.constant 0 : index
    %get3A_45 = vector.load %arg4[%get3A_43, %get3A_44] : memref<1000x128xf32, #tpu.memory_space<vmem>>, vector<1000x128xf32>
    %get3A_46 = arith.constant 128 : index
    %get3A_47 = arith.constant 0 : index
    %get3A_48 = vector.load %arg7[%get3A_46, %get3A_47] : memref<256x256xf32, #tpu.memory_space<vmem>>, vector<128x256xf32>
    %dot_general3A_49 = arith.constant dense<0.000000e+00> : vector<1000x256xf32>
    %dot_general3A_50 = tpu.matmul %get3A_45, %get3A_48, %dot_general3A_49 {dimension_numbers = #tpu.dot_dimension_numbers<[1], [0], [0], [1], [0, 0, 1, 1], [], []>, transpose_lhs_hint = false} : vector<1000x128xf32>, vector<128x256xf32>, vector<1000x256xf32> -> vector<1000x256xf32>
    %add3A_51 = arith.addf %add3A_42, %dot_general3A_50 : vector<1000x256xf32>
    %get3A_52 = arith.constant 0 : index
    %get3A_53 = arith.constant 0 : index
    %get3A_54 = vector.load %arg8[%get3A_52, %get3A_53] : memref<1x256xf32, #tpu.memory_space<vmem>>, vector<1x256xf32>
    %add3A_55 = vector.broadcast %get3A_54 : vector<1x256xf32> to vector<1000x256xf32>
    %add3A_56 = arith.addf %add3A_51, %add3A_55 : vector<1000x256xf32>
    %max3A_57 = arith.constant 0.000000e+00 : f32
    %max3A_58 = vector.broadcast %max3A_57 : f32 to vector<1000x256xf32>
    %max3A_59 = arith.maximumf %add3A_56, %max3A_58 : vector<1000x256xf32>
    %get3A_60 = arith.constant 0 : index
    %get3A_61 = arith.constant 0 : index
    %get3A_62 = arith.constant 0 : index
    %get3A_63 = vector.load %arg5[%get3A_60, %get3A_61, %get3A_62] : memref<1x1x1000xi32, #tpu.memory_space<vmem>>, vector<1x1x1000xi32>
    %get3A_64 = vector.shape_cast %get3A_63 : vector<1x1x1000xi32> to vector<1x1000xi32>
    %iota3A = tpu.iota {dimensions = array<i32: 0>} : vector<64x1xi32>
    %eq3A = vector.broadcast %iota3A : vector<64x1xi32> to vector<64x1000xi32>
    %eq3A_65 = vector.broadcast %get3A_64 : vector<1x1000xi32> to vector<64x1000xi32>
    %eq3A_66 = arith.cmpi eq, %eq3A, %eq3A_65 : vector<64x1000xi32>
    %convert_element_type3A = arith.extui %eq3A_66 : vector<64x1000xi1> to vector<64x1000xi32>
    %convert_element_type3A_67 = arith.sitofp %convert_element_type3A : vector<64x1000xi32> to vector<64x1000xf32>
    %dot_general3A_68 = arith.constant dense<0.000000e+00> : vector<64x256xf32>
    %dot_general3A_69 = tpu.matmul %convert_element_type3A_67, %max3A_59, %dot_general3A_68 {dimension_numbers = #tpu.dot_dimension_numbers<[1], [0], [0], [1], [0, 0, 1, 1], [], []>, transpose_lhs_hint = false} : vector<64x1000xf32>, vector<1000x256xf32>, vector<64x256xf32> -> vector<64x256xf32>
    %reduce_sum3A = arith.constant dense<0.000000e+00> : vector<64xf32>
    %reduce_sum3A_70 = vector.multi_reduction <add>, %convert_element_type3A_67, %reduce_sum3A [1] : vector<64x1000xf32> to vector<64xf32>
    %broadcast_in_dim3A = vector.shape_cast %reduce_sum3A_70 : vector<64xf32> to vector<64x1xf32>
    %eq3A_71 = arith.constant 0 : i32
    %eq3A_72 = arith.cmpi eq, %arg0, %eq3A_71 : i32
    %convert_element_type3A_73 = arith.extui %eq3A_72 : i1 to i32
    %cond3A = arith.constant 0 : i32
    %cond3A_74 = arith.cmpi ne, %convert_element_type3A_73, %cond3A : i32
    scf.if %cond3A_74 {
      %swap3A = arith.constant 0 : index
      %swap3A_84 = arith.constant 0 : index
      %swap3A_85 = vector.load %arg12[%swap3A, %swap3A_84] : memref<64x256xf32, #tpu.memory_space<vmem>>, vector<64x256xf32>
      tpu.vector_store %arg12[%swap3A, %swap3A_84], %dot_general3A_69 {strides = array<i32>} : memref<64x256xf32, #tpu.memory_space<vmem>>, vector<64x256xf32>,
      %swap3A_86 = arith.constant 0 : index
      %swap3A_87 = arith.constant 0 : index
      %swap3A_88 = vector.load %arg13[%swap3A_86, %swap3A_87] : memref<64x1xf32, #tpu.memory_space<vmem>>, vector<64x1xf32>
      tpu.vector_store %arg13[%swap3A_86, %swap3A_87], %broadcast_in_dim3A {strides = array<i32>} : memref<64x1xf32, #tpu.memory_space<vmem>>, vector<64x1xf32>,
    } else {
    }
    %gt3A = arith.constant 0 : i32
    %gt3A_75 = arith.cmpi sgt, %arg0, %gt3A : i32
    %convert_element_type3A_76 = arith.extui %gt3A_75 : i1 to i32
    %cond3A_77 = arith.constant 0 : i32
    %cond3A_78 = arith.cmpi ne, %convert_element_type3A_76, %cond3A_77 : i32
    scf.if %cond3A_78 {
      %get3A_84 = arith.constant 0 : index
      %get3A_85 = arith.constant 0 : index
      %get3A_86 = vector.load %arg12[%get3A_84, %get3A_85] : memref<64x256xf32, #tpu.memory_space<vmem>>, vector<64x256xf32>
      %add3A_87 = arith.addf %get3A_86, %dot_general3A_69 : vector<64x256xf32>
      %swap3A = arith.constant 0 : index
      %swap3A_88 = arith.constant 0 : index
      %swap3A_89 = vector.load %arg12[%swap3A, %swap3A_88] : memref<64x256xf32, #tpu.memory_space<vmem>>, vector<64x256xf32>
      tpu.vector_store %arg12[%swap3A, %swap3A_88], %add3A_87 {strides = array<i32>} : memref<64x256xf32, #tpu.memory_space<vmem>>, vector<64x256xf32>,
      %get3A_90 = arith.constant 0 : index
      %get3A_91 = arith.constant 0 : index
      %get3A_92 = vector.load %arg13[%get3A_90, %get3A_91] : memref<64x1xf32, #tpu.memory_space<vmem>>, vector<64x1xf32>
      %add3A_93 = arith.addf %get3A_92, %broadcast_in_dim3A : vector<64x1xf32>
      %swap3A_94 = arith.constant 0 : index
      %swap3A_95 = arith.constant 0 : index
      %swap3A_96 = vector.load %arg13[%swap3A_94, %swap3A_95] : memref<64x1xf32, #tpu.memory_space<vmem>>, vector<64x1xf32>
      tpu.vector_store %arg13[%swap3A_94, %swap3A_95], %add3A_93 {strides = array<i32>} : memref<64x1xf32, #tpu.memory_space<vmem>>, vector<64x1xf32>,
    } else {
    }
    %eq3A_79 = arith.constant 9 : i32
    %eq3A_80 = arith.cmpi eq, %arg0, %eq3A_79 : i32
    %convert_element_type3A_81 = arith.extui %eq3A_80 : i1 to i32
    %cond3A_82 = arith.constant 0 : i32
    %cond3A_83 = arith.cmpi ne, %convert_element_type3A_81, %cond3A_82 : i32
    scf.if %cond3A_83 {
      %get3A_84 = arith.constant 0 : index
      %get3A_85 = arith.constant 0 : index
      %get3A_86 = vector.load %arg12[%get3A_84, %get3A_85] : memref<64x256xf32, #tpu.memory_space<vmem>>, vector<64x256xf32>
      %get3A_87 = arith.constant 0 : index
      %get3A_88 = arith.constant 0 : index
      %get3A_89 = vector.load %arg13[%get3A_87, %get3A_88] : memref<64x1xf32, #tpu.memory_space<vmem>>, vector<64x1xf32>
      %max3A_90 = arith.constant 1.000000e+00 : f32
      %max3A_91 = vector.broadcast %max3A_90 : f32 to vector<64x1xf32>
      %max3A_92 = arith.maximumf %get3A_89, %max3A_91 : vector<64x1xf32>
      %div3A_93 = vector.broadcast %max3A_92 : vector<64x1xf32> to vector<64x256xf32>
      %div3A_94 = arith.divf %get3A_86, %div3A_93 : vector<64x256xf32>
      %get3A_95 = arith.constant 0 : index
      %get3A_96 = arith.constant 0 : index
      %get3A_97 = vector.load %arg9[%get3A_95, %get3A_96] : memref<256x16xf32, #tpu.memory_space<vmem>>, vector<256x16xf32>
      %dot_general3A_98 = arith.constant dense<0.000000e+00> : vector<64x16xf32>
      %dot_general3A_99 = tpu.matmul %div3A_94, %get3A_97, %dot_general3A_98 {dimension_numbers = #tpu.dot_dimension_numbers<[1], [0], [0], [1], [0, 0, 1, 1], [], []>, transpose_lhs_hint = false} : vector<64x256xf32>, vector<256x16xf32>, vector<64x16xf32> -> vector<64x16xf32>
      %get3A_100 = arith.constant 0 : index
      %get3A_101 = arith.constant 0 : index
      %get3A_102 = vector.load %arg10[%get3A_100, %get3A_101] : memref<1x16xf32, #tpu.memory_space<vmem>>, vector<1x16xf32>
      %add3A_103 = vector.broadcast %get3A_102 : vector<1x16xf32> to vector<64x16xf32>
      %add3A_104 = arith.addf %dot_general3A_99, %add3A_103 : vector<64x16xf32>
      %swap3A = arith.constant 0 : index
      %swap3A_105 = arith.constant 0 : index
      %swap3A_106 = vector.load %arg11[%swap3A, %swap3A_105] : memref<64x16xf32, #tpu.memory_space<vmem>>, vector<64x16xf32>
      tpu.vector_store %arg11[%swap3A, %swap3A_105], %add3A_104 {strides = array<i32>} : memref<64x16xf32, #tpu.memory_space<vmem>>, vector<64x16xf32>,
    } else {
    }
    return
  }
  func.func @transform_0(%arg0: i32) -> (i32, i32, i32) {
    %c0_i32 = arith.constant 0 : i32
    %c0_i32_0 = arith.constant 0 : i32
    %c0_i32_1 = arith.constant 0 : i32
    return %c0_i32, %arg0, %c0_i32_0 : i32, i32, i32
  }
  func.func @transform_1(%arg0: i32) -> (i32, i32, i32) {
    %c0_i32 = arith.constant 0 : i32
    %c0_i32_0 = arith.constant 0 : i32
    %c0_i32_1 = arith.constant 0 : i32
    return %c0_i32, %arg0, %c0_i32_0 : i32, i32, i32
  }
  func.func @transform_2(%arg0: i32) -> (i32, i32) {
    %c0_i32 = arith.constant 0 : i32
    %c0_i32_0 = arith.constant 0 : i32
    return %arg0, %c0_i32 : i32, i32
  }
  func.func @transform_3(%arg0: i32) -> (i32, i32) {
    %c0_i32 = arith.constant 0 : i32
    %c0_i32_0 = arith.constant 0 : i32
    return %arg0, %c0_i32 : i32, i32
  }
  func.func @transform_4(%arg0: i32) -> (i32, i32, i32) {
    %c0_i32 = arith.constant 0 : i32
    %c0_i32_0 = arith.constant 0 : i32
    %c0_i32_1 = arith.constant 0 : i32
    return %arg0, %c0_i32, %c0_i32_0 : i32, i32, i32
  }
  func.func @transform_5(%arg0: i32) -> (i32, i32) {
    %c0_i32 = arith.constant 0 : i32
    %c0_i32_0 = arith.constant 0 : i32
    %c0_i32_1 = arith.constant 0 : i32
    return %c0_i32, %c0_i32_0 : i32, i32
  }
  func.func @transform_6(%arg0: i32) -> (i32, i32) {
    %c0_i32 = arith.constant 0 : i32
    %c0_i32_0 = arith.constant 0 : i32
    %c0_i32_1 = arith.constant 0 : i32
    return %c0_i32, %c0_i32_0 : i32, i32
  }
  func.func @transform_7(%arg0: i32) -> (i32, i32) {
    %c0_i32 = arith.constant 0 : i32
    %c0_i32_0 = arith.constant 0 : i32
    %c0_i32_1 = arith.constant 0 : i32
    return %c0_i32, %c0_i32_0 : i32, i32
  }
  func.func @transform_8(%arg0: i32) -> (i32, i32) {
    %c0_i32 = arith.constant 0 : i32
    %c0_i32_0 = arith.constant 0 : i32
    %c0_i32_1 = arith.constant 0 : i32
    return %c0_i32, %c0_i32_0 : i32, i32
  }
  func.func @transform_9(%arg0: i32) -> (i32, i32) {
    %c0_i32 = arith.constant 0 : i32
    %c0_i32_0 = arith.constant 0 : i32
    %c0_i32_1 = arith.constant 0 : i32
    return %c0_i32, %c0_i32_0 : i32, i32
  }
  func.func @transform_10(%arg0: i32) -> (i32, i32) {
    %c0_i32 = arith.constant 0 : i32
    %c0_i32_0 = arith.constant 0 : i32
    %c0_i32_1 = arith.constant 0 : i32
    return %c0_i32, %c0_i32_0 : i32, i32
  }
}

</mosaic_0001>

<sc_bundles>
// kernel: kernel.6.cloned.1.call-start
scs
__scs_entry_jumppad:
0x0: {  	(pc) =	sbr.rel $0x88, $3  }
0x1: {  	(tag) =	ssettag $0x0;
	lr =	simm.s32 $0x1  }
0x2: {  	[smem:$0x3F96] =	sst lr;
	_ =	strace $0xD0000000  }
0x3: {  	_ = 	snop  }
0x4: {  	_ = 	snop  }
0x5: {  	_ = 	snop  }
0x6: {  	_ = 	snop  }
0x7: {  	_ = 	snop  }
__scs_overlays_trampoline_lowered:
0x8: {  	[smem:$0x3FA5] =	sst s0  }
0x9: {  	[smem:$0x3FA6] =	sst s1  }
0xa: {  	[smem:$0x3FA7] =	sst s2  }
0xb: {  	[smem:$0x3FA8] =	sst s3  }
0xc: {  	[smem:$0x3FA9] =	sst s4  }
0xd: {  	[smem:$0x3FAA] =	sst s5  }
0xe: {  	[smem:$0x3FAB] =	sst s6  }
0xf: {  	[smem:$0x3FAC] =	sst s7  }
0x10: {  	[smem:$0x3FAD] =	sst s8  }
0x11: {  	[smem:$0x3FAE] =	sst s9;
	s0 =	simm.s32 @!p0 $0x0  }
0x12: {  	s1 =	sld [smem:$0x3F94];
	s0 =	simm.s32 @p0 $0x1  }
0x13: {  	[smem:$0x3FAF] =	sst s0;
	s0 =	simm.s32 @!p1 $0x0  }
0x14: {  	s2 =	sld [smem:$0x3F93];
	s0 =	simm.s32 @p1 $0x1  }
0x15: {  	[smem:$0x3FB0] =	sst s0;
	s0 =	simm.s32 @!p2 $0x0  }
0x16: {  	s3 =	sld [smem:$0x3FDB];
	s0 =	simm.s32 @p2 $0x1  }
0x17: {  	s4 =	simm.s32 $0x1BF5;
	[smem:$0x3FB2] =	sst s0  }
0x18: {  	s0 =	sld [smem:$0x3F95];
	_ =	swait.ge [sflag:s4], $0x0  }
0x19: {  	s7 =	sld [smem:$0x3F96]  }
0x1a: {  	s8 =	sadd.s32 $0xFFFFE003, lr  }
0x1b: {  	s9 =	sadd.s32 $0xFFFFFEF7, lr;
	s5 =	simm.s32 $0xFFFFFFFF;
	p2 =	slt.u32 s8, $0xFFFFF086  }
0x1c: {  	p1 =	slt.u32 s9, $0xF7A;
	s5 =	simm.s32 @!p2 $0x0  }
0x1d: {  	s5 =	simm.s32 @p1 $0x1;
	p0 =	seq.s32 s7, s2  }
0x1e: {  	s7 =	smul.u32 @!p0 $0xF7A, s2;
	p2 =	seq.s32 @!p0 s5, $0x0  }
0x1f: {  	s9 =	smul.u32 $0xF7A, s1;
	s8 =	simm.s32 @!p0 $0x1BF5;
	p2 =	por !p2, p0  }
0x20: {  	[sflag:s8] =	ssyncset.s32 @!p0 $0xFFFFF086;
	s6 =	sadd.s32 @!p0 s3, s7;
	s7 =	simm.s32 @!p0 $0x108  }
0x21: {  	s3 =	sadd.s32 s3, s9;
	s6 =	sadd.s32 @!p0 $0x88, s6;
	s7 =	simm.s32 @p2 $0x1082  }
0x22: {  	[simem:s7], [sflag:s8] =	dma.local @!p0 [hbm:s6], $0xF7A  }
0x23: {  	s9 =	sor.u32 $0xD0000000, s2;
	s6 =	simm.s32 $0x108;
	_ =	swait.ge @!p0 [sflag:s8], $0x0  }
0x24: {  	s3 =	sadd.s32 $0x88, s3;
	s6 =	simm.s32 @!p1 $0x1082;
	[sflag:s4] =	ssyncset.s32 $0xFFFFF086  }
0x25: {  	[simem:s6], [sflag:s4] =	dma.local [hbm:s3], $0xF7A  }
0x26: {  	[smem:$0x3F96] =	sst s1;
	(tag) =	ssettag s2;
	_ =	strace s9  }
0x27: {  	s1 =	sld [smem:$0x3FA6]  }
0x28: {  	s2 =	sld [smem:$0x3FA7]  }
0x29: {  	s4 =	sld [smem:$0x3FA9]  }
0x2a: {  	p0 =	seq.s32 s5, $0x0;
	s5 =	sld [smem:$0x3FAA]  }
0x2b: {  	s6 =	sld [smem:$0x3FAB]  }
0x2c: {  	s7 =	sld [smem:$0x3FAC]  }
0x2d: {  	s3 =	simm.s32 $0x108;
	s8 =	sld [smem:$0x3FAD]  }
0x2e: {  	s3 =	simm.s32 @!p0 $0x1082;
	s9 =	sld [smem:$0x3FAE]  }
0x2f: {  	lr =	sadd.s32 s0, s3;
	s0 =	sld [smem:$0x3FA5]  }
0x30: {  	s3 =	sld [smem:$0x3FA8]  }
0x31: {  	[smem:$0x3FB1] =	sst s10  }
0x32: {  	s10 =	sld [smem:$0x3FAF];
	_ =	sdelay $0x3  }
0x33: {  	p0 =	seq.s32 s10, $0x1;
	s10 =	sld [smem:$0x3FB1];
	_ =	sdelay $0x3  }
0x34: {  	[smem:$0x3FB1] =	sst s10  }
0x35: {  	s10 =	sld [smem:$0x3FB0];
	_ =	sdelay $0x3  }
0x36: {  	p1 =	seq.s32 s10, $0x1;
	s10 =	sld [smem:$0x3FB1];
	_ =	sdelay $0x3  }
0x37: {  	[smem:$0x3FB1] =	sst s10  }
0x38: {  	s10 =	sld [smem:$0x3FB2]  }
0x39: {  	_ = 	snop;
	(pc) =	sbr.ind lr, $3  }
0x3a: {  	_ = 	snop  }
0x3b: {  	_ = 	snop  }
0x3c: {  	p2 =	seq.s32 s10, $0x1;
	s10 =	sld [smem:$0x3FB1]  }
0x3d: {  	_ =	shalt  }
0x3e: {  	_ =	shalt  }
0x3f: {  	_ =	shalt  }
0x40: {  	_ =	shalt  }
0x41: {  	_ =	shalt  }
0x42: {  	_ =	shalt  }
0x43: {  	_ =	shalt  }
0x44: {  	_ =	shalt  }
0x45: {  	_ =	shalt  }
0x46: {  	_ =	shalt  }
0x47: {  	_ =	shalt  }
0x48: {  	_ =	shalt  }
0x49: {  	_ =	shalt  }
0x4a: {  	_ =	shalt  }
0x4b: {  	_ =	shalt  }
0x4c: {  	_ =	shalt  }
0x4d: {  	_ =	shalt  }
0x4e: {  	_ =	shalt  }
0x4f: {  	_ =	shalt  }
0x50: {  	_ =	shalt  }
0x51: {  	_ =	shalt  }
0x52: {  	_ =	shalt  }
0x53: {  	_ =	shalt  }
0x54: {  	_ =	shalt  }
0x55: {  	_ =	shalt  }
0x56: {  	_ =	shalt  }
0x57: {  	_ =	shalt  }
0x58: {  	_ =	shalt  }
0x59: {  	_ =	shalt  }
0x5a: {  	_ =	shalt  }
0x5b: {  	_ =	shalt  }
0x5c: {  	_ =	shalt  }
0x5d: {  	_ =	shalt  }
0x5e: {  	_ =	shalt  }
0x5f: {  	_ =	shalt  }
0x60: {  	_ =	shalt  }
0x61: {  	_ =	shalt  }
0x62: {  	_ =	shalt  }
0x63: {  	_ =	shalt  }
0x64: {  	_ =	shalt  }
0x65: {  	_ =	shalt  }
0x66: {  	_ =	shalt  }
0x67: {  	_ =	shalt  }
0x68: {  	_ =	shalt  }
0x69: {  	_ =	shalt  }
0x6a: {  	_ =	shalt  }
0x6b: {  	_ =	shalt  }
0x6c: {  	_ =	shalt  }
0x6d: {  	_ =	shalt  }
0x6e: {  	_ =	shalt  }
0x6f: {  	_ =	shalt  }
0x70: {  	_ =	shalt  }
0x71: {  	_ =	shalt  }
0x72: {  	_ =	shalt  }
0x73: {  	_ =	shalt  }
0x74: {  	_ =	shalt  }
0x75: {  	_ =	shalt  }
0x76: {  	_ =	shalt  }
0x77: {  	_ =	shalt  }
0x78: {  	_ =	shalt  }
0x79: {  	_ =	shalt  }
0x7a: {  	_ =	shalt  }
0x7b: {  	_ =	shalt  }
0x7c: {  	_ =	shalt  }
0x7d: {  	_ =	shalt  }
0x7e: {  	_ =	shalt  }
0x7f: {  	_ =	shalt  }
0x80: {  	_ =	shalt  }
0x81: {  	_ =	shalt  }
0x82: {  	_ =	shalt  }
0x83: {  	_ =	shalt  }
0x84: {  	_ =	shalt  }
0x85: {  	_ =	shalt  }
0x86: {  	_ =	shalt  }
0x87: {  	_ =	shalt  }
.Lfunc_end0:
.L_simem_size_0:
called_computation_lowered:
.L_overlay_start_0:
0x88: {  	s2 =	sld [smem:$0x3FD9]  }
0x89: {  	s3 =	sld [smem:$0x3FFE];
	_ =	sdelay $0x1  }
0x8a: {  	s1 =	srdreg.scid  }
0x8b: {  	s0 =	sand.u32 $0x1, s1  }
0x8c: {  	s17 =	sshll.u32 s0, $0xA;
	s2 =	sadd.s32 s3, s2  }
0x8d: {  	s2 =	sadd.s32 s2, s17  }
0x8e: {  	[smem:$0x3FBD] =	sst s2  }
0x8f: {  	_ = 	snop  }
0x90: {  	s2 =	sld [smem:$0x3FC9];
	(tm) =	ssettm $0x1  }
0x91: {  	s18 =	sld [smem:$0x3FFB];
	_ =	sdelay $0x3  }
0x92: {  	_ =	strace s18  }
0x93: {  	s3 =	sld [smem:$0x3FFC];
	_ =	sdelay $0x3  }
0x94: {  	_ =	strace s3  }
0x95: {  	s3 =	sld [smem:$0x3FFD];
	_ =	sdelay $0x3  }
0x96: {  	_ =	strace s3  }
0x97: {  	_ =	strace $0x8FFFFFFF  }
0x98: {  	s19 =	sld [smem:$0x3FDB];
	_ =	sdelay $0x1  }
0x99: {  	s4 =	simm.s32 $_scs_section_size  }
0x9a: {  	s5 =	simm.s32 $_size__tile_overlayer_lowered;
	s6 =	simm.s32 $_tile_overlayer_lowered  }
0x9b: {  	s22 =	simm.s32 $0x1BFF;
	s21 =	sshll.u32 s6, $0x1;
	s3 =	sadd.s32 s4, s19  }
0x9c: {  	s7 =	simm.s32 $0x0;
	s20 =	sshll.u32 s5, $0x1;
	s5 =	sadd.s32 s21, s3  }
0x9d: {  	[timem:s7], [sflag:s22] =	dma.local [hbm:s5], s20  }
0x9e: {  	_ =	swait.ge [sflag:s22], s20  }
0x9f: {  	s4 =	ssub.s32 $0x0, s20;
	[sflag:s22] =	ssyncset.done $0x0  }
0xa0: {  	[sflag:s22] =	ssyncadd.s32 s4;
	_ =	sdelay $0x1  }
0xa1: {  	s23 =	simm.s32 $0x1B8B  }
0xa2: {  	_ =	swait.ge [sflag:s23], $0x1  }
0xa3: {  	[sflag:s23] =	ssyncset.done $0x0  }
0xa4: {  	s25 =	simm.s32 $0x1B8E;
	s24 =	sld [smem:$0x3FFE];
	[sflag:s23] =	ssyncadd.s32 $0xFFFFFFFF  }
0xa5: {  	s26 =	simm.s32 $execute0_lowered;
	[smem:$0x3FD2] =	sst s25  }
0xa6: {  	s5 =	sshll.u32 s26, $0x1;
	_ =	strace $0x80000046;
	[dreg:$0x1] =	wrdreg $0xFFFFFFFF  }
0xa7: {  	s28 =	simm.s32 $_size_execute0_lowered;
	s3 =	sadd.s32 s3, s5;
	[dreg:$0x0] =	wrdreg $0x0  }
0xa8: {  	s5 =	sshll.u32 s28, $0x1;
	[dreg:$0x2] =	wrdreg s3  }
0xa9: {  	[dreg:$0x3] =	wrdreg s5  }
0xaa: {  	[dreg:$0x4] =	wrdreg $0xC0  }
0xab: {  	_ =	task [dreg:s7], $0x5FFFF  }
0xac: {  	[dreg:$0x1] =	wrdreg $0xFFFFFFFF  }
0xad: {  	[dreg:$0x0] =	wrdreg $0x60  }
0xae: {  	[dreg:$0x2] =	wrdreg s2  }
0xaf: {  	[dreg:$0x3] =	wrdreg s24  }
0xb0: {  	[dreg:$0x4] =	wrdreg $0x90000  }
0xb1: {  	[dreg:$0x5] =	wrdreg $0x9  }
0xb2: {  	_ =	task.clear_ibuf [dreg:s7], $0x6FFFF;
	_ =	strace $0x90000046  }
0xb3: {  	s29 =	simm.s32 $0x9;
	_ =	strace $0x80000048  }
0xb4: {  	_ =	swait.ge [sflag:s29], $0x1  }
0xb5: {  	[sflag:s29] =	ssyncadd.s32 $0xFFFFFFFF  }
0xb6: {  	_ =	strace $0x90000048  }
0xb7: {  	_ =	sfence  }
0xb8: {  	s30 =	sld [smem:$0x0];
	_ =	sdelay $0x2  }
0xb9: {  	s31 =	sshll.u32 s1, $0xD;
	s1 =	sshrl.u32 s1, $0x2  }
0xba: {  	s3 =	sand.u32 $0x4000, s31;
	s1 =	sadd.s32 s1, s30  }
0xbb: {  	s0 =	sor.u32 s3, s0;
	s1 =	sshll.u32 s1, $0x11  }
0xbc: {  	s0 =	sor.u32 s1, s0  }
0xbd: {  	s0 =	sadd.s32 $0x8F2B, s0  }
0xbe: {  	[sflag:s0] =	ssyncadd.remote.s32 $0x1  }
0xbf: {  	_ =	sfence.sel $0xFFFF  }
0xc0: {  	[dreg:$0x0] =	wrdreg $0xFFFFFFFF;
	(pc) =	sbr.abs _section_cstart, $3  }
0xc1: {  	[dreg:$0x1] =	wrdreg $0xFFFFFFFF  }
0xc2: {  	_ =	task.clear_ibuf [dreg:s7], $0x2FFFF;
	_ =	strace $0x9FFFFFFF  }
0xc3: {  	(tm) =	ssettm $0x7FFFFFFF  }
tec
execute0_lowered:
.L_overlay_start_1:
0x0: {  	(tag) =	ssettag $0x1  }
0x1: {  	s2 =	rddreg [dreg:$0x0]  }
0x2: {  	s5 =	rddreg [dreg:$0x1]  }
0x3: {  	s3 =	rddreg [dreg:$0x2];
	s4 =	simm.s32 $0x0  }
0x4: {  	[smem:$0x7FF] =	sst s4;
	s7 =	sadd.s32 $0x17800, s5  }
0x5: {  	s9 =	sadd.s32 $0x18000, s5;
	_ =	strace $0x80000047;
	[dreg:$0x13] =	wrdreg s7  }
0x6: {  	s15 =	simm.s32 $0x100;
	[dreg:$0x14] =	wrdreg s9  }
0x7: {  	s0 =	srdreg.scid;
	s17 =	simm.s32 $0x180;
	[dreg:$0x5] =	wrdreg s15  }
0x8: {  	s8 =	stileid.u32;
	s18 =	simm.s32 $0x200;
	[dreg:$0x6] =	wrdreg s17  }
0x9: {  	s20 =	simm.s32 $0x280;
	s21 =	simm.s32 $0x300;
	[dreg:$0x7] =	wrdreg s18  }
0xa: {  	s22 =	simm.s32 $0x380;
	s23 =	simm.s32 $0x400;
	[dreg:$0x8] =	wrdreg s20  }
0xb: {  	s24 =	simm.s32 $0x480;
	s25 =	simm.s32 $0x500;
	[dreg:$0x9] =	wrdreg s21  }
0xc: {  	s26 =	simm.s32 $0x580;
	s28 =	simm.s32 $0x600;
	[dreg:$0xa] =	wrdreg s22  }
0xd: {  	s29 =	simm.s32 $0x680;
	s30 =	simm.s32 $0x700;
	[dreg:$0xb] =	wrdreg s23  }
0xe: {  	s31 =	simm.s32 $0x780;
	s1 =	smul.u32 $0x5000, s8;
	[dreg:$0xc] =	wrdreg s24  }
0xf: {  	s0 =	sand.u32 $0x1, s0;
	s12 =	smul.u32 $0x50000, s8;
	[dreg:$0xd] =	wrdreg s25  }
0x10: {  	s19 =	sadd.s32 $0x66A00, s5;
	s16 =	smul.u32 $0x14000, s8;
	[dreg:$0xe] =	wrdreg s26  }
0x11: {  	p0 =	seq.s32 s8, $0xF;
	s6 =	smul.u32 $0x2800, s0;
	[dreg:$0xf] =	wrdreg s28  }
0x12: {  	s10 =	ssub.s32 $0x2, s0;
	s7 =	sadd.s32 $0x18800, s5;
	[dreg:$0x10] =	wrdreg s29  }
0x13: {  	s9 =	simm.s32 $0x5;
	s0 =	smul.u32 $0x138800, s0;
	[dreg:$0x11] =	wrdreg s30  }
0x14: {  	s15 =	simm.s32 $0x4;
	s17 =	simm.s32 $0x800;
	[dreg:$0x12] =	wrdreg s31  }
0x15: {  	s18 =	simm.s32 $0x80;
	s22 =	simm.s32 $0x3;
	[dreg:$0x16] =	wrdreg s19  }
0x16: {  	[dreg:$0x15] =	wrdreg s7;
	s9 =	simm.s32 @!p0 $0x8;
	s1 =	sadd.s32 s6, s1  }
0x17: {  	s11 =	sshrl.u32 s10, $0x1;
	[dreg:$0x17] =	wrdreg s9;
	s1 =	sshrl.u32 s1, $0x3  }
0x18: {  	s0 =	sadd.s32 s16, s0;
	s1 =	sadd.s32 s1, s5;
	s5 =	ssub.s32 s10, s11  }
0x19: {  	s13 =	sshrl.u32 s12, $0x2;
	[dreg:$0x1a] =	wrdreg s0;
	s5 =	smax.u32 s5, $0x1  }
0x1a: {  	s16 =	simm.s32 $0x5000;
	s14 =	sadd.s32 $0x3800, s1;
	[dreg:$0x18] =	wrdreg s5  }
0x1b: {  	s0 =	simm.s32 $0x0;
	s12 =	sadd.s32 $0xD800, s1;
	[dreg:$0x4] =	wrdreg s14  }
0x1c: {  	s5 =	sadd.s32 s13, s3;
	s14 =	simm.s32 $0x1000;
	[dreg:$0x1b] =	wrdreg s12  }
0x1d: {  	s13 =	simm.s32 $0x2;
	[dreg:$0x19] =	wrdreg s5;
	s5 =	simm.s32 $0x1  }
.LBB2_1:
0x1e: {  	[dreg:$0x1c] =	wrdreg s0  }
0x1f: {  	s7 =	rddreg [dreg:$0x13]  }
0x20: {  	[tilespmem:s14], [sflag:$0x4] =	stream.linear.gather [hbm4b:s7+s4], $0x4000, $0x38;
	[tilespmem:$0x1CA80] =	vst v63  }
0x21: {  	_ =	swait.ge [sflag:s15], $0x4000  }
0x22: {  	[sflag:s15] =	ssyncset.done $0x0  }
0x23: {  	s30 =	rddreg [dreg:$0x14];
	[sflag:s15] =	ssyncadd.s32 $0xFFFFC000  }
0x24: {  	[tilespmem:s16], [sflag:$0x4] =	stream.linear.gather [hbm4b:s30+s4], $0x4000, $0x38;
	[tilespmem:$0x1CA80] =	vst v63  }
0x25: {  	_ =	swait.ge [sflag:s15], $0x4000  }
0x26: {  	s31 =	rddreg [dreg:$0x17]  }
0x27: {  	p0 =	sne.s32 s31, $0x1  }
.Ltmp0:
0x28: {  	[sflag:s15] =	ssyncset.done $0x0;
	(pc) =	sbr.rel @!p0 .LBB2_3-.Ltmp0, $4  }
0x29: {  	s9 =	rddreg [dreg:$0x19];
	[sflag:s15] =	ssyncadd.s32 $0xFFFFC000  }
0x2a: {  	[spmem:s9] =	stream.linear.scatter [tilespmem:s14], [sflag:$0x4], $0x2800, $0x38;
	[tilespmem:$0x1CA80] =	vst v63  }
0x2b: {  	_ =	swait.ge [sflag:s15], $0x2800  }
0x2c: {  	s7 =	sadd.s32 $0xFFFFFFFF, s31;
	[sflag:s15] =	ssyncset.done $0x0  }
.LBB2_2:
0x2d: {  	p1 =	sne.s32 s7, $0x1;
	[sflag:s15] =	ssyncadd.s32 $0xFFFFD800;
	s9 =	sadd.s32 $0x2800, s9  }
.Ltmp1:
0x2e: {  	s7 =	sadd.s32 $0xFFFFFFFF, s7;
	(pc) =	sbr.rel @p1 .LBB2_2-.Ltmp1, $4  }
0x2f: {  	_ = 	snop  }
0x30: {  	[spmem:s9] =	stream.linear.scatter [tilespmem:s14], [sflag:$0x4], $0x2800, $0x38;
	[tilespmem:$0x1CA80] =	vst v63  }
0x31: {  	_ =	swait.ge [sflag:s15], $0x2800  }
0x32: {  	[sflag:s15] =	ssyncset.done $0x0  }
.LBB2_3:
0x33: {  	[sflag:s15] =	ssyncadd.s32 $0xFFFFD800  }
0x34: {  	s7 =	sadd.s32 $0x0, s12;
	[bflag:$0x0] =	sbarrier.arrive $0xFFFF  }
0x35: {  	[tilespmem:s17], [sflag:$0x4] =	stream.linear.gather [hbm4b:s7+s4], $0x800, $0x38;
	[tilespmem:$0x1CA80] =	vst v63  }
0x36: {  	_ =	swait.ge [sflag:s15], $0x800  }
0x37: {  	[sflag:s15] =	ssyncset.done $0x0  }
0x38: {  	[sflag:s15] =	ssyncadd.s32 $0xFFFFF800  }
0x39: {  	[spmem:s3] =	stream.indirect.scatter.add.f32 [tilespmem:s16], [sflag:$0x3], $0x80, s17, s18, $0xb8;
	[tilespmem:$0x1CA80] =	vst v63  }
0x3a: {  	s20 =	simm.s32 $0x880  }
0x3b: {  	[spmem:s3] =	stream.indirect.scatter.add.f32 [tilespmem:s16], [sflag:$0x3], $0x80, s20, s18, $0xb8;
	[tilespmem:$0x1CA80] =	vst v63  }
0x3c: {  	s21 =	simm.s32 $0x900  }
0x3d: {  	[spmem:s3] =	stream.indirect.scatter.add.f32 [tilespmem:s16], [sflag:$0x3], $0x80, s21, s18, $0xb8;
	[tilespmem:$0x1CA80] =	vst v63  }
0x3e: {  	s23 =	simm.s32 $0x980  }
0x3f: {  	[spmem:s3] =	stream.indirect.scatter.add.f32 [tilespmem:s16], [sflag:$0x3], $0x80, s23, s18, $0xb8;
	[tilespmem:$0x1CA80] =	vst v63  }
0x40: {  	_ =	swait.ge [sflag:s22], $0x4000  }
0x41: {  	[sflag:s22] =	ssyncset.done $0x0  }
0x42: {  	[sflag:s22] =	ssyncadd.s32 $0xFFFFC000  }
0x43: {  	_ =	swait.ge [sflag:s22], $0x4000  }
0x44: {  	[sflag:s22] =	ssyncset.done $0x0  }
0x45: {  	[sflag:s22] =	ssyncadd.s32 $0xFFFFC000  }
0x46: {  	_ =	swait.ge [sflag:s22], $0x4000  }
0x47: {  	[sflag:s22] =	ssyncset.done $0x0  }
0x48: {  	[sflag:s22] =	ssyncadd.s32 $0xFFFFC000  }
0x49: {  	_ =	swait.ge [sflag:s22], $0x4000  }
0x4a: {  	[sflag:s22] =	ssyncset.done $0x0  }
0x4b: {  	s24 =	simm.s32 $0xA00;
	[sflag:s22] =	ssyncadd.s32 $0xFFFFC000  }
0x4c: {  	[spmem:s3] =	stream.indirect.scatter.add.f32 [tilespmem:s16], [sflag:$0x3], $0x80, s24, s18, $0xb8;
	[tilespmem:$0x1CA80] =	vst v63  }
0x4d: {  	s25 =	simm.s32 $0xA80  }
0x4e: {  	[spmem:s3] =	stream.indirect.scatter.add.f32 [tilespmem:s16], [sflag:$0x3], $0x80, s25, s18, $0xb8;
	[tilespmem:$0x1CA80] =	vst v63  }
0x4f: {  	s26 =	simm.s32 $0xB00  }
0x50: {  	[spmem:s3] =	stream.indirect.scatter.add.f32 [tilespmem:s16], [sflag:$0x3], $0x80, s26, s18, $0xb8;
	[tilespmem:$0x1CA80] =	vst v63  }
0x51: {  	s28 =	simm.s32 $0xB80  }
0x52: {  	[spmem:s3] =	stream.indirect.scatter.add.f32 [tilespmem:s16], [sflag:$0x3], $0x80, s28, s18, $0xb8;
	[tilespmem:$0x1CA80] =	vst v63  }
0x53: {  	_ =	swait.ge [sflag:s22], $0x4000  }
0x54: {  	[sflag:s22] =	ssyncset.done $0x0  }
0x55: {  	[sflag:s22] =	ssyncadd.s32 $0xFFFFC000  }
0x56: {  	_ =	swait.ge [sflag:s22], $0x4000  }
0x57: {  	[sflag:s22] =	ssyncset.done $0x0  }
0x58: {  	[sflag:s22] =	ssyncadd.s32 $0xFFFFC000  }
0x59: {  	_ =	swait.ge [sflag:s22], $0x4000  }
0x5a: {  	[sflag:s22] =	ssyncset.done $0x0  }
0x5b: {  	[sflag:s22] =	ssyncadd.s32 $0xFFFFC000  }
0x5c: {  	_ =	swait.ge [sflag:s22], $0x4000  }
0x5d: {  	[sflag:s22] =	ssyncset.done $0x0  }
0x5e: {  	s29 =	simm.s32 $0xC00;
	[sflag:s22] =	ssyncadd.s32 $0xFFFFC000  }
0x5f: {  	[spmem:s3] =	stream.indirect.scatter.add.f32 [tilespmem:s16], [sflag:$0x3], $0x80, s29, s18, $0xb8;
	[tilespmem:$0x1CA80] =	vst v63  }
0x60: {  	s30 =	simm.s32 $0xC80  }
0x61: {  	[spmem:s3] =	stream.indirect.scatter.add.f32 [tilespmem:s16], [sflag:$0x3], $0x80, s30, s18, $0xb8;
	[tilespmem:$0x1CA80] =	vst v63  }
0x62: {  	s31 =	simm.s32 $0xD00  }
0x63: {  	[spmem:s3] =	stream.indirect.scatter.add.f32 [tilespmem:s16], [sflag:$0x3], $0x80, s31, s18, $0xb8;
	[tilespmem:$0x1CA80] =	vst v63  }
0x64: {  	s1 =	simm.s32 $0xD80  }
0x65: {  	[spmem:s3] =	stream.indirect.scatter.add.f32 [tilespmem:s16], [sflag:$0x3], $0x80, s1, s18, $0xb8;
	[tilespmem:$0x1CA80] =	vst v63  }
0x66: {  	_ =	swait.ge [sflag:s22], $0x4000  }
0x67: {  	[sflag:s22] =	ssyncset.done $0x0  }
0x68: {  	[sflag:s22] =	ssyncadd.s32 $0xFFFFC000  }
0x69: {  	_ =	swait.ge [sflag:s22], $0x4000  }
0x6a: {  	[sflag:s22] =	ssyncset.done $0x0  }
0x6b: {  	[sflag:s22] =	ssyncadd.s32 $0xFFFFC000  }
0x6c: {  	_ =	swait.ge [sflag:s22], $0x4000  }
0x6d: {  	[sflag:s22] =	ssyncset.done $0x0  }
0x6e: {  	[sflag:s22] =	ssyncadd.s32 $0xFFFFC000  }
0x6f: {  	_ =	swait.ge [sflag:s22], $0x4000  }
0x70: {  	[sflag:s22] =	ssyncset.done $0x0  }
0x71: {  	s0 =	simm.s32 $0xE00;
	[sflag:s22] =	ssyncadd.s32 $0xFFFFC000  }
0x72: {  	[spmem:s3] =	stream.indirect.scatter.add.f32 [tilespmem:s16], [sflag:$0x3], $0x80, s0, s18, $0xb8;
	[tilespmem:$0x1CA80] =	vst v63  }
0x73: {  	s6 =	simm.s32 $0xE80  }
0x74: {  	[spmem:s3] =	stream.indirect.scatter.add.f32 [tilespmem:s16], [sflag:$0x3], $0x80, s6, s18, $0xb8;
	[tilespmem:$0x1CA80] =	vst v63  }
0x75: {  	s10 =	simm.s32 $0xF00  }
0x76: {  	[spmem:s3] =	stream.indirect.scatter.add.f32 [tilespmem:s16], [sflag:$0x3], $0x80, s10, s18, $0xb8;
	[tilespmem:$0x1CA80] =	vst v63  }
0x77: {  	s17 =	simm.s32 $0xF80  }
0x78: {  	[spmem:s3] =	stream.indirect.scatter.add.f32 [tilespmem:s16], [sflag:$0x3], $0x80, s17, s18, $0xb8;
	[tilespmem:$0x1CA80] =	vst v63  }
0x79: {  	_ =	swait.ge [sflag:s22], $0x4000  }
0x7a: {  	[sflag:s22] =	ssyncset.done $0x0  }
0x7b: {  	[sflag:s22] =	ssyncadd.s32 $0xFFFFC000  }
0x7c: {  	_ =	swait.ge [sflag:s22], $0x4000  }
0x7d: {  	[sflag:s22] =	ssyncset.done $0x0  }
0x7e: {  	[sflag:s22] =	ssyncadd.s32 $0xFFFFC000  }
0x7f: {  	_ =	swait.ge [sflag:s22], $0x4000  }
0x80: {  	[sflag:s22] =	ssyncset.done $0x0  }
0x81: {  	[sflag:s22] =	ssyncadd.s32 $0xFFFFC000  }
0x82: {  	s9 =	simm.s32 $0x100;
	_ =	swait.ge [sflag:s22], $0x4000  }
0x83: {  	s7 =	simm.s32 $0x200;
	s0 =	simm.s32 $0x800;
	[sflag:s22] =	ssyncset.done $0x0  }
.LBB2_4:
0x84: {  	s8 =	sadd.s32 s9, s12  }
0x85: {  	[sflag:s22] =	ssyncadd.s32 $0xFFFFC000;
	s9 =	smov.u32 s7;
	s11 =	sadd.s32 $0x100, s7  }
0x86: {  	[tilespmem:s0], [sflag:$0x4] =	stream.linear.gather [hbm4b:s8+s4], $0x800, $0x38;
	[tilespmem:$0x1CA80] =	vst v63  }
0x87: {  	p1 =	sne.s32 s7, $0x400;
	_ =	swait.ge [sflag:s15], $0x800  }
0x88: {  	[sflag:s15] =	ssyncset.done $0x0  }
0x89: {  	[sflag:s15] =	ssyncadd.s32 $0xFFFFF800  }
0x8a: {  	[spmem:s3] =	stream.indirect.scatter.add.f32 [tilespmem:s16], [sflag:$0x3], $0x80, s0, s18, $0xb8;
	[tilespmem:$0x1CA80] =	vst v63  }
0x8b: {  	_ = 	snop  }
0x8c: {  	[spmem:s3] =	stream.indirect.scatter.add.f32 [tilespmem:s16], [sflag:$0x3], $0x80, s20, s18, $0xb8;
	[tilespmem:$0x1CA80] =	vst v63  }
0x8d: {  	_ = 	snop  }
0x8e: {  	[spmem:s3] =	stream.indirect.scatter.add.f32 [tilespmem:s16], [sflag:$0x3], $0x80, s21, s18, $0xb8;
	[tilespmem:$0x1CA80] =	vst v63  }
0x8f: {  	_ = 	snop  }
0x90: {  	[spmem:s3] =	stream.indirect.scatter.add.f32 [tilespmem:s16], [sflag:$0x3], $0x80, s23, s18, $0xb8;
	[tilespmem:$0x1CA80] =	vst v63  }
0x91: {  	_ =	swait.ge [sflag:s22], $0x4000  }
0x92: {  	[sflag:s22] =	ssyncset.done $0x0  }
0x93: {  	[sflag:s22] =	ssyncadd.s32 $0xFFFFC000  }
0x94: {  	_ =	swait.ge [sflag:s22], $0x4000  }
0x95: {  	[sflag:s22] =	ssyncset.done $0x0  }
0x96: {  	[sflag:s22] =	ssyncadd.s32 $0xFFFFC000  }
0x97: {  	_ =	swait.ge [sflag:s22], $0x4000  }
0x98: {  	[sflag:s22] =	ssyncset.done $0x0  }
0x99: {  	[sflag:s22] =	ssyncadd.s32 $0xFFFFC000  }
0x9a: {  	_ =	swait.ge [sflag:s22], $0x4000  }
0x9b: {  	[sflag:s22] =	ssyncset.done $0x0  }
0x9c: {  	[sflag:s22] =	ssyncadd.s32 $0xFFFFC000  }
0x9d: {  	[spmem:s3] =	stream.indirect.scatter.add.f32 [tilespmem:s16], [sflag:$0x3], $0x80, s24, s18, $0xb8;
	[tilespmem:$0x1CA80] =	vst v63  }
0x9e: {  	_ = 	snop  }
0x9f: {  	[spmem:s3] =	stream.indirect.scatter.add.f32 [tilespmem:s16], [sflag:$0x3], $0x80, s25, s18, $0xb8;
	[tilespmem:$0x1CA80] =	vst v63  }
0xa0: {  	_ = 	snop  }
0xa1: {  	[spmem:s3] =	stream.indirect.scatter.add.f32 [tilespmem:s16], [sflag:$0x3], $0x80, s26, s18, $0xb8;
	[tilespmem:$0x1CA80] =	vst v63  }
0xa2: {  	_ = 	snop  }
0xa3: {  	[spmem:s3] =	stream.indirect.scatter.add.f32 [tilespmem:s16], [sflag:$0x3], $0x80, s28, s18, $0xb8;
	[tilespmem:$0x1CA80] =	vst v63  }
0xa4: {  	_ =	swait.ge [sflag:s22], $0x4000  }
0xa5: {  	[sflag:s22] =	ssyncset.done $0x0  }
0xa6: {  	[sflag:s22] =	ssyncadd.s32 $0xFFFFC000  }
0xa7: {  	_ =	swait.ge [sflag:s22], $0x4000  }
0xa8: {  	[sflag:s22] =	ssyncset.done $0x0  }
0xa9: {  	[sflag:s22] =	ssyncadd.s32 $0xFFFFC000  }
0xaa: {  	_ =	swait.ge [sflag:s22], $0x4000  }
0xab: {  	[sflag:s22] =	ssyncset.done $0x0  }
0xac: {  	[sflag:s22] =	ssyncadd.s32 $0xFFFFC000  }
0xad: {  	_ =	swait.ge [sflag:s22], $0x4000  }
0xae: {  	[sflag:s22] =	ssyncset.done $0x0  }
0xaf: {  	[sflag:s22] =	ssyncadd.s32 $0xFFFFC000  }
0xb0: {  	[spmem:s3] =	stream.indirect.scatter.add.f32 [tilespmem:s16], [sflag:$0x3], $0x80, s29, s18, $0xb8;
	[tilespmem:$0x1CA80] =	vst v63  }
0xb1: {  	_ = 	snop  }
0xb2: {  	[spmem:s3] =	stream.indirect.scatter.add.f32 [tilespmem:s16], [sflag:$0x3], $0x80, s30, s18, $0xb8;
	[tilespmem:$0x1CA80] =	vst v63  }
0xb3: {  	_ = 	snop  }
0xb4: {  	[spmem:s3] =	stream.indirect.scatter.add.f32 [tilespmem:s16], [sflag:$0x3], $0x80, s31, s18, $0xb8;
	[tilespmem:$0x1CA80] =	vst v63  }
0xb5: {  	_ = 	snop  }
0xb6: {  	[spmem:s3] =	stream.indirect.scatter.add.f32 [tilespmem:s16], [sflag:$0x3], $0x80, s1, s18, $0xb8;
	[tilespmem:$0x1CA80] =	vst v63  }
0xb7: {  	_ =	swait.ge [sflag:s22], $0x4000  }
0xb8: {  	[sflag:s22] =	ssyncset.done $0x0  }
0xb9: {  	[sflag:s22] =	ssyncadd.s32 $0xFFFFC000  }
0xba: {  	_ =	swait.ge [sflag:s22], $0x4000  }
0xbb: {  	[sflag:s22] =	ssyncset.done $0x0  }
0xbc: {  	[sflag:s22] =	ssyncadd.s32 $0xFFFFC000  }
0xbd: {  	_ =	swait.ge [sflag:s22], $0x4000  }
0xbe: {  	[sflag:s22] =	ssyncset.done $0x0  }
0xbf: {  	[sflag:s22] =	ssyncadd.s32 $0xFFFFC000  }
0xc0: {  	_ =	swait.ge [sflag:s22], $0x4000  }
0xc1: {  	[sflag:s22] =	ssyncset.done $0x0  }
0xc2: {  	s7 =	simm.s32 $0xE00;
	[sflag:s22] =	ssyncadd.s32 $0xFFFFC000  }
0xc3: {  	[spmem:s3] =	stream.indirect.scatter.add.f32 [tilespmem:s16], [sflag:$0x3], $0x80, s7, s18, $0xb8;
	[tilespmem:$0x1CA80] =	vst v63  }
0xc4: {  	_ = 	snop  }
0xc5: {  	[spmem:s3] =	stream.indirect.scatter.add.f32 [tilespmem:s16], [sflag:$0x3], $0x80, s6, s18, $0xb8;
	[tilespmem:$0x1CA80] =	vst v63  }
0xc6: {  	_ = 	snop  }
0xc7: {  	[spmem:s3] =	stream.indirect.scatter.add.f32 [tilespmem:s16], [sflag:$0x3], $0x80, s10, s18, $0xb8;
	[tilespmem:$0x1CA80] =	vst v63  }
0xc8: {  	_ = 	snop  }
0xc9: {  	[spmem:s3] =	stream.indirect.scatter.add.f32 [tilespmem:s16], [sflag:$0x3], $0x80, s17, s18, $0xb8;
	[tilespmem:$0x1CA80] =	vst v63  }
0xca: {  	_ =	swait.ge [sflag:s22], $0x4000  }
0xcb: {  	[sflag:s22] =	ssyncset.done $0x0  }
0xcc: {  	[sflag:s22] =	ssyncadd.s32 $0xFFFFC000  }
0xcd: {  	_ =	swait.ge [sflag:s22], $0x4000  }
0xce: {  	[sflag:s22] =	ssyncset.done $0x0  }
0xcf: {  	[sflag:s22] =	ssyncadd.s32 $0xFFFFC000  }
.Ltmp2:
0xd0: {  	_ =	swait.ge [sflag:s22], $0x4000;
	(pc) =	sbr.rel @p1 .LBB2_4-.Ltmp2, $4  }
0xd1: {  	[sflag:s22] =	ssyncset.done $0x0  }
0xd2: {  	[sflag:s22] =	ssyncadd.s32 $0xFFFFC000  }
0xd3: {  	_ =	swait.ge [sflag:s22], $0x4000  }
0xd4: {  	s7 =	smov.u32 s11;
	[sflag:s22] =	ssyncset.done $0x0  }
0xd5: {  	s7 =	sadd.s32 s9, s12;
	[sflag:s22] =	ssyncadd.s32 $0xFFFFC000  }
0xd6: {  	[tilespmem:s0], [sflag:$0x4] =	stream.linear.gather [hbm4b:s7+s4], $0x800, $0x38;
	[tilespmem:$0x1CA80] =	vst v63  }
0xd7: {  	_ =	swait.ge [sflag:s15], $0x800  }
0xd8: {  	[sflag:s15] =	ssyncset.done $0x0  }
0xd9: {  	[sflag:s15] =	ssyncadd.s32 $0xFFFFF800  }
0xda: {  	[spmem:s3] =	stream.indirect.scatter.add.f32 [tilespmem:s16], [sflag:$0x3], $0x80, s0, s18, $0xb8;
	[tilespmem:$0x1CA80] =	vst v63  }
0xdb: {  	_ = 	snop  }
0xdc: {  	[spmem:s3] =	stream.indirect.scatter.add.f32 [tilespmem:s16], [sflag:$0x3], $0x80, s20, s18, $0xb8;
	[tilespmem:$0x1CA80] =	vst v63  }
0xdd: {  	_ = 	snop  }
0xde: {  	[spmem:s3] =	stream.indirect.scatter.add.f32 [tilespmem:s16], [sflag:$0x3], $0x80, s21, s18, $0xb8;
	[tilespmem:$0x1CA80] =	vst v63  }
0xdf: {  	_ = 	snop  }
0xe0: {  	[spmem:s3] =	stream.indirect.scatter.add.f32 [tilespmem:s16], [sflag:$0x3], $0x80, s23, s18, $0xb8;
	[tilespmem:$0x1CA80] =	vst v63  }
0xe1: {  	_ =	swait.ge [sflag:s22], $0x4000  }
0xe2: {  	[sflag:s22] =	ssyncset.done $0x0  }
0xe3: {  	[sflag:s22] =	ssyncadd.s32 $0xFFFFC000  }
0xe4: {  	_ =	swait.ge [sflag:s22], $0x4000  }
0xe5: {  	[sflag:s22] =	ssyncset.done $0x0  }
0xe6: {  	[sflag:s22] =	ssyncadd.s32 $0xFFFFC000  }
0xe7: {  	_ =	swait.ge [sflag:s22], $0x4000  }
0xe8: {  	[sflag:s22] =	ssyncset.done $0x0  }
0xe9: {  	[sflag:s22] =	ssyncadd.s32 $0xFFFFC000  }
0xea: {  	_ =	swait.ge [sflag:s22], $0x4000  }
0xeb: {  	[sflag:s22] =	ssyncset.done $0x0  }
0xec: {  	[sflag:s22] =	ssyncadd.s32 $0xFFFFC000  }
0xed: {  	[spmem:s3] =	stream.indirect.scatter.add.f32 [tilespmem:s16], [sflag:$0x3], $0x80, s24, s18, $0xb8;
	[tilespmem:$0x1CA80] =	vst v63  }
0xee: {  	_ = 	snop  }
0xef: {  	[spmem:s3] =	stream.indirect.scatter.add.f32 [tilespmem:s16], [sflag:$0x3], $0x80, s25, s18, $0xb8;
	[tilespmem:$0x1CA80] =	vst v63  }
0xf0: {  	_ = 	snop  }
0xf1: {  	[spmem:s3] =	stream.indirect.scatter.add.f32 [tilespmem:s16], [sflag:$0x3], $0x80, s26, s18, $0xb8;
	[tilespmem:$0x1CA80] =	vst v63  }
0xf2: {  	_ = 	snop  }
0xf3: {  	[spmem:s3] =	stream.indirect.scatter.add.f32 [tilespmem:s16], [sflag:$0x3], $0x80, s28, s18, $0xb8;
	[tilespmem:$0x1CA80] =	vst v63  }
0xf4: {  	_ =	swait.ge [sflag:s22], $0x4000  }
0xf5: {  	[sflag:s22] =	ssyncset.done $0x0  }
0xf6: {  	[sflag:s22] =	ssyncadd.s32 $0xFFFFC000  }
0xf7: {  	_ =	swait.ge [sflag:s22], $0x4000  }
0xf8: {  	[sflag:s22] =	ssyncset.done $0x0  }
0xf9: {  	[sflag:s22] =	ssyncadd.s32 $0xFFFFC000  }
0xfa: {  	_ =	swait.ge [sflag:s22], $0x4000  }
0xfb: {  	[sflag:s22] =	ssyncset.done $0x0  }
0xfc: {  	[sflag:s22] =	ssyncadd.s32 $0xFFFFC000  }
0xfd: {  	_ =	swait.ge [sflag:s22], $0x4000  }
0xfe: {  	[sflag:s22] =	ssyncset.done $0x0  }
0xff: {  	[sflag:s22] =	ssyncadd.s32 $0xFFFFC000  }
0x100: {  	[spmem:s3] =	stream.indirect.scatter.add.f32 [tilespmem:s16], [sflag:$0x3], $0x80, s29, s18, $0xb8;
	[tilespmem:$0x1CA80] =	vst v63  }
0x101: {  	_ = 	snop  }
0x102: {  	[spmem:s3] =	stream.indirect.scatter.add.f32 [tilespmem:s16], [sflag:$0x3], $0x80, s30, s18, $0xb8;
	[tilespmem:$0x1CA80] =	vst v63  }
0x103: {  	_ = 	snop  }
0x104: {  	[spmem:s3] =	stream.indirect.scatter.add.f32 [tilespmem:s16], [sflag:$0x3], $0x80, s31, s18, $0xb8;
	[tilespmem:$0x1CA80] =	vst v63  }
0x105: {  	_ = 	snop  }
0x106: {  	[spmem:s3] =	stream.indirect.scatter.add.f32 [tilespmem:s16], [sflag:$0x3], $0x80, s1, s18, $0xb8;
	[tilespmem:$0x1CA80] =	vst v63  }
0x107: {  	_ =	swait.ge [sflag:s22], $0x4000  }
0x108: {  	[sflag:s22] =	ssyncset.done $0x0  }
0x109: {  	[sflag:s22] =	ssyncadd.s32 $0xFFFFC000  }
0x10a: {  	_ =	swait.ge [sflag:s22], $0x4000  }
0x10b: {  	[sflag:s22] =	ssyncset.done $0x0  }
0x10c: {  	[sflag:s22] =	ssyncadd.s32 $0xFFFFC000  }
0x10d: {  	_ =	swait.ge [sflag:s22], $0x4000  }
0x10e: {  	[sflag:s22] =	ssyncset.done $0x0  }
0x10f: {  	[sflag:s22] =	ssyncadd.s32 $0xFFFFC000  }
0x110: {  	_ =	swait.ge [sflag:s22], $0x4000  }
0x111: {  	[sflag:s22] =	ssyncset.done $0x0  }
0x112: {  	s23 =	simm.s32 $0xE00;
	[sflag:s22] =	ssyncadd.s32 $0xFFFFC000  }
0x113: {  	[spmem:s3] =	stream.indirect.scatter.add.f32 [tilespmem:s16], [sflag:$0x3], $0x80, s23, s18, $0xb8;
	[tilespmem:$0x1CA80] =	vst v63  }
0x114: {  	_ = 	snop  }
0x115: {  	[spmem:s3] =	stream.indirect.scatter.add.f32 [tilespmem:s16], [sflag:$0x3], $0x80, s6, s18, $0xb8;
	[tilespmem:$0x1CA80] =	vst v63  }
0x116: {  	_ = 	snop  }
0x117: {  	[spmem:s3] =	stream.indirect.scatter.add.f32 [tilespmem:s16], [sflag:$0x3], $0x80, s10, s18, $0xb8;
	[tilespmem:$0x1CA80] =	vst v63  }
0x118: {  	_ = 	snop  }
0x119: {  	[spmem:s3] =	stream.indirect.scatter.add.f32 [tilespmem:s16], [sflag:$0x3], $0x80, s17, s18, $0xb8;
	[tilespmem:$0x1CA80] =	vst v63  }
0x11a: {  	_ =	swait.ge [sflag:s22], $0x4000  }
0x11b: {  	[sflag:s22] =	ssyncset.done $0x0  }
0x11c: {  	[sflag:s22] =	ssyncadd.s32 $0xFFFFC000  }
0x11d: {  	_ =	swait.ge [sflag:s22], $0x4000  }
0x11e: {  	[sflag:s22] =	ssyncset.done $0x0  }
0x11f: {  	[sflag:s22] =	ssyncadd.s32 $0xFFFFC000  }
0x120: {  	_ =	swait.ge [sflag:s22], $0x4000  }
0x121: {  	[sflag:s22] =	ssyncset.done $0x0  }
0x122: {  	[sflag:s22] =	ssyncadd.s32 $0xFFFFC000  }
0x123: {  	_ =	swait.ge [sflag:s22], $0x4000  }
0x124: {  	[sflag:s22] =	ssyncset.done $0x0  }
0x125: {  	s0 =	simm.s32 $0xE80;
	s20 =	simm.s32 $0x900;
	[sflag:s22] =	ssyncadd.s32 $0xFFFFC000  }
0x126: {  	s21 =	simm.s32 $0x980;
	s28 =	simm.s32 $0xC00;
	[bflag:$0x0] =	sbarrier.arrive $0xFFFF  }
0x127: {  	s29 =	simm.s32 $0xC80;
	s30 =	simm.s32 $0xD00;
	s8 =	rddreg [dreg:$0x19]  }
0x128: {  	[tilespmem:s14], [sflag:$0x4] =	stream.linear.gather [spmem:s8], $0x2800, $0x38;
	[tilespmem:$0x1CA80] =	vst v63  }
0x129: {  	s31 =	simm.s32 $0xD80;
	s1 =	simm.s32 $0xE00;
	_ =	swait.ge [sflag:s15], $0x2800  }
0x12a: {  	s23 =	simm.s32 $0xA00;
	[sflag:s15] =	ssyncset.done $0x0;
	s11 =	rddreg [dreg:$0x1a]  }
0x12b: {  	s6 =	simm.s32 $0xF00;
	s24 =	sshrl.u32 s11, $0x3;
	[sflag:s15] =	ssyncadd.s32 $0xFFFFD800  }
.Ltmp3:
0x12c: {  	[dreg:$0x1d] =	wrdreg s24;
	s25 =	sadd.s32 s19, s24;
	(pc) =	sbr.rel @!p0 .LBB2_7-.Ltmp3, $4  }
0x12d: {  	[hbm4b:s25+s4] =	stream.linear.scatter [tilespmem:s14], [sflag:$0x4], $0x2800, $0x38;
	[tilespmem:$0x1CA80] =	vst v63  }
0x12e: {  	s10 =	simm.s32 $0xF80;
	s7 =	smov.u32 s8;
	_ =	swait.ge [sflag:s15], $0x2800  }
0x12f: {  	s24 =	simm.s32 $0xA80;
	s25 =	simm.s32 $0xB00;
	s26 =	rddreg [dreg:$0x17]  }
0x130: {  	[sflag:s15] =	ssyncset.done $0x0;
	s9 =	sadd.s32 $0xFFFFFFFF, s26;
	s26 =	simm.s32 $0xB80  }
.LBB2_6:
0x131: {  	[sflag:s15] =	ssyncadd.s32 $0xFFFFD800;
	s11 =	sadd.s32 $0x2800, s11;
	s7 =	sadd.s32 $0x2800, s7  }
0x132: {  	[tilespmem:s14], [sflag:$0x4] =	stream.linear.gather [spmem:s7], $0x2800, $0x38;
	[tilespmem:$0x1CA80] =	vst v63  }
0x133: {  	p1 =	sne.s32 s9, $0x1;
	s9 =	sadd.s32 $0xFFFFFFFF, s9;
	_ =	swait.ge [sflag:s15], $0x2800  }
.Ltmp4:
0x134: {  	s8 =	sshrl.u32 s11, $0x3;
	[sflag:s15] =	ssyncset.done $0x0;
	(pc) =	sbr.rel @p1 .LBB2_6-.Ltmp4, $4  }
0x135: {  	s8 =	sadd.s32 s19, s8;
	[sflag:s15] =	ssyncadd.s32 $0xFFFFD800  }
0x136: {  	[hbm4b:s8+s4] =	stream.linear.scatter [tilespmem:s14], [sflag:$0x4], $0x2800, $0x38;
	[tilespmem:$0x1CA80] =	vst v63  }
0x137: {  	_ =	swait.ge [sflag:s15], $0x2800  }
0x138: {  	[sflag:s15] =	ssyncset.done $0x0  }
.LBB2_7:
0x139: {  	[sflag:s15] =	ssyncadd.s32 $0xFFFFD800  }
0x13a: {  	[bflag:$0x0] =	sbarrier.arrive $0xFFFF  }
0x13b: {  	s7 =	rddreg [dreg:$0x13]  }
0x13c: {  	[tilespmem:s14], [sflag:$0x4] =	stream.linear.gather [hbm4b:s7+s4], $0x4000, $0x38;
	[tilespmem:$0x1CA80] =	vst v63  }
0x13d: {  	_ =	swait.ge [sflag:s15], $0x4000  }
0x13e: {  	[sflag:s15] =	ssyncset.done $0x0  }
.Ltmp5:
0x13f: {  	s9 =	rddreg [dreg:$0x19];
	[sflag:s15] =	ssyncadd.s32 $0xFFFFC000;
	(pc) =	sbr.rel @!p0 .LBB2_9-.Ltmp5, $4  }
0x140: {  	[spmem:s9] =	stream.linear.scatter [tilespmem:s14], [sflag:$0x4], $0x2800, $0x38;
	[tilespmem:$0x1CA80] =	vst v63  }
0x141: {  	_ =	swait.ge [sflag:s15], $0x2800  }
0x142: {  	s19 =	rddreg [dreg:$0x17]  }
0x143: {  	[sflag:s15] =	ssyncset.done $0x0;
	s7 =	sadd.s32 $0xFFFFFFFF, s19  }
.LBB2_8:
0x144: {  	p1 =	sne.s32 s7, $0x1;
	[sflag:s15] =	ssyncadd.s32 $0xFFFFD800;
	s9 =	sadd.s32 $0x2800, s9  }
.Ltmp6:
0x145: {  	s7 =	sadd.s32 $0xFFFFFFFF, s7;
	(pc) =	sbr.rel @p1 .LBB2_8-.Ltmp6, $4  }
0x146: {  	_ = 	snop  }
0x147: {  	[spmem:s9] =	stream.linear.scatter [tilespmem:s14], [sflag:$0x4], $0x2800, $0x38;
	[tilespmem:$0x1CA80] =	vst v63  }
0x148: {  	_ =	swait.ge [sflag:s15], $0x2800  }
0x149: {  	[sflag:s15] =	ssyncset.done $0x0  }
.LBB2_9:
0x14a: {  	[sflag:s15] =	ssyncadd.s32 $0xFFFFD800  }
0x14b: {  	[bflag:$0x0] =	sbarrier.arrive $0xFFFF  }
0x14c: {  	s7 =	rddreg [dreg:$0x4]  }
0x14d: {  	s7 =	sadd.s32 $0x0, s7  }
0x14e: {  	[tilespmem:s4], [sflag:$0x4] =	stream.linear.gather [hbm4b:s7+s4], $0x800, $0x38;
	[tilespmem:$0x1CA80] =	vst v63  }
0x14f: {  	_ =	swait.ge [sflag:s15], $0x800  }
0x150: {  	[sflag:s15] =	ssyncset.done $0x0;
	s12 =	rddreg [dreg:$0x1b]  }
0x151: {  	s17 =	simm.s32 $0x800;
	[sflag:s15] =	ssyncadd.s32 $0xFFFFF800;
	s9 =	sadd.s32 $0x0, s12  }
0x152: {  	[tilespmem:s17], [sflag:$0x4] =	stream.linear.gather [hbm4b:s9+s4], $0x800, $0x38;
	[tilespmem:$0x1CA80] =	vst v63  }
0x153: {  	_ =	swait.ge [sflag:s15], $0x800  }
0x154: {  	[sflag:s15] =	ssyncset.done $0x0  }
0x155: {  	[sflag:s15] =	ssyncadd.s32 $0xFFFFF800  }
0x156: {  	[tilespmem:s14], [sflag:$0x1] =	stream.indirect.gather [hbm4b:s2+s18], $0x80, s4, s18, $0xb8;
	[tilespmem:$0x1CA80] =	vst v63  }
0x157: {  	_ = 	snop  }
0x158: {  	[tilespmem:s16], [sflag:$0x2] =	stream.indirect.gather [hbm4b:s2+s18], $0x80, s18, s18, $0xb8;
	[tilespmem:$0x1CA80] =	vst v63  }
0x159: {  	_ =	swait.ge [sflag:s5], $0x4000  }
0x15a: {  	[sflag:s5] =	ssyncset.done $0x0  }
0x15b: {  	[sflag:s5] =	ssyncadd.s32 $0xFFFFC000  }
0x15c: {  	[spmem:s3] =	stream.indirect.scatter.add.f32 [tilespmem:s14], [sflag:$0x3], $0x80, s17, s18, $0xb8;
	[tilespmem:$0x1CA80] =	vst v63  }
0x15d: {  	_ =	swait.ge [sflag:s13], $0x4000  }
0x15e: {  	[sflag:s13] =	ssyncset.done $0x0  }
0x15f: {  	s19 =	simm.s32 $0x880;
	[sflag:s13] =	ssyncadd.s32 $0xFFFFC000  }
0x160: {  	[spmem:s3] =	stream.indirect.scatter.add.f32 [tilespmem:s16], [sflag:$0x3], $0x80, s19, s18, $0xb8;
	[tilespmem:$0x1CA80] =	vst v63  }
0x161: {  	_ =	swait.ge [sflag:s22], $0x4000  }
0x162: {  	[sflag:s22] =	ssyncset.done $0x0  }
0x163: {  	[sflag:s22] =	ssyncadd.s32 $0xFFFFC000  }
0x164: {  	_ =	swait.ge [sflag:s22], $0x4000  }
0x165: {  	[sflag:s22] =	ssyncset.done $0x0  }
0x166: {  	s11 =	rddreg [dreg:$0x5];
	[sflag:s22] =	ssyncadd.s32 $0xFFFFC000  }
0x167: {  	[tilespmem:s14], [sflag:$0x1] =	stream.indirect.gather [hbm4b:s2+s18], $0x80, s11, s18, $0xb8;
	[tilespmem:$0x1CA80] =	vst v63  }
0x168: {  	s8 =	rddreg [dreg:$0x6]  }
0x169: {  	[tilespmem:s16], [sflag:$0x2] =	stream.indirect.gather [hbm4b:s2+s18], $0x80, s8, s18, $0xb8;
	[tilespmem:$0x1CA80] =	vst v63  }
0x16a: {  	_ =	swait.ge [sflag:s5], $0x4000  }
0x16b: {  	[sflag:s5] =	ssyncset.done $0x0  }
0x16c: {  	[sflag:s5] =	ssyncadd.s32 $0xFFFFC000  }
0x16d: {  	[spmem:s3] =	stream.indirect.scatter.add.f32 [tilespmem:s14], [sflag:$0x3], $0x80, s20, s18, $0xb8;
	[tilespmem:$0x1CA80] =	vst v63  }
0x16e: {  	_ =	swait.ge [sflag:s13], $0x4000  }
0x16f: {  	[sflag:s13] =	ssyncset.done $0x0  }
0x170: {  	[sflag:s13] =	ssyncadd.s32 $0xFFFFC000  }
0x171: {  	[spmem:s3] =	stream.indirect.scatter.add.f32 [tilespmem:s16], [sflag:$0x3], $0x80, s21, s18, $0xb8;
	[tilespmem:$0x1CA80] =	vst v63  }
0x172: {  	_ =	swait.ge [sflag:s22], $0x4000  }
0x173: {  	[sflag:s22] =	ssyncset.done $0x0  }
0x174: {  	[sflag:s22] =	ssyncadd.s32 $0xFFFFC000  }
0x175: {  	_ =	swait.ge [sflag:s22], $0x4000  }
0x176: {  	[sflag:s22] =	ssyncset.done $0x0  }
0x177: {  	s9 =	rddreg [dreg:$0x7];
	[sflag:s22] =	ssyncadd.s32 $0xFFFFC000  }
0x178: {  	[tilespmem:s14], [sflag:$0x1] =	stream.indirect.gather [hbm4b:s2+s18], $0x80, s9, s18, $0xb8;
	[tilespmem:$0x1CA80] =	vst v63  }
0x179: {  	s11 =	rddreg [dreg:$0x8]  }
0x17a: {  	[tilespmem:s16], [sflag:$0x2] =	stream.indirect.gather [hbm4b:s2+s18], $0x80, s11, s18, $0xb8;
	[tilespmem:$0x1CA80] =	vst v63  }
0x17b: {  	_ =	swait.ge [sflag:s5], $0x4000  }
0x17c: {  	[sflag:s5] =	ssyncset.done $0x0  }
0x17d: {  	[sflag:s5] =	ssyncadd.s32 $0xFFFFC000  }
0x17e: {  	[spmem:s3] =	stream.indirect.scatter.add.f32 [tilespmem:s14], [sflag:$0x3], $0x80, s23, s18, $0xb8;
	[tilespmem:$0x1CA80] =	vst v63  }
0x17f: {  	_ =	swait.ge [sflag:s13], $0x4000  }
0x180: {  	[sflag:s13] =	ssyncset.done $0x0  }
0x181: {  	[sflag:s13] =	ssyncadd.s32 $0xFFFFC000  }
0x182: {  	[spmem:s3] =	stream.indirect.scatter.add.f32 [tilespmem:s16], [sflag:$0x3], $0x80, s24, s18, $0xb8;
	[tilespmem:$0x1CA80] =	vst v63  }
0x183: {  	_ =	swait.ge [sflag:s22], $0x4000  }
0x184: {  	[sflag:s22] =	ssyncset.done $0x0  }
0x185: {  	[sflag:s22] =	ssyncadd.s32 $0xFFFFC000  }
0x186: {  	_ =	swait.ge [sflag:s22], $0x4000  }
0x187: {  	[sflag:s22] =	ssyncset.done $0x0  }
0x188: {  	s9 =	rddreg [dreg:$0x9];
	[sflag:s22] =	ssyncadd.s32 $0xFFFFC000  }
0x189: {  	[tilespmem:s14], [sflag:$0x1] =	stream.indirect.gather [hbm4b:s2+s18], $0x80, s9, s18, $0xb8;
	[tilespmem:$0x1CA80] =	vst v63  }
0x18a: {  	s11 =	rddreg [dreg:$0xa]  }
0x18b: {  	[tilespmem:s16], [sflag:$0x2] =	stream.indirect.gather [hbm4b:s2+s18], $0x80, s11, s18, $0xb8;
	[tilespmem:$0x1CA80] =	vst v63  }
0x18c: {  	_ =	swait.ge [sflag:s5], $0x4000  }
0x18d: {  	[sflag:s5] =	ssyncset.done $0x0  }
0x18e: {  	[sflag:s5] =	ssyncadd.s32 $0xFFFFC000  }
0x18f: {  	[spmem:s3] =	stream.indirect.scatter.add.f32 [tilespmem:s14], [sflag:$0x3], $0x80, s25, s18, $0xb8;
	[tilespmem:$0x1CA80] =	vst v63  }
0x190: {  	_ =	swait.ge [sflag:s13], $0x4000  }
0x191: {  	[sflag:s13] =	ssyncset.done $0x0  }
0x192: {  	[sflag:s13] =	ssyncadd.s32 $0xFFFFC000  }
0x193: {  	[spmem:s3] =	stream.indirect.scatter.add.f32 [tilespmem:s16], [sflag:$0x3], $0x80, s26, s18, $0xb8;
	[tilespmem:$0x1CA80] =	vst v63  }
0x194: {  	_ =	swait.ge [sflag:s22], $0x4000  }
0x195: {  	[sflag:s22] =	ssyncset.done $0x0  }
0x196: {  	[sflag:s22] =	ssyncadd.s32 $0xFFFFC000  }
0x197: {  	_ =	swait.ge [sflag:s22], $0x4000  }
0x198: {  	[sflag:s22] =	ssyncset.done $0x0  }
0x199: {  	s9 =	rddreg [dreg:$0xb];
	[sflag:s22] =	ssyncadd.s32 $0xFFFFC000  }
0x19a: {  	[tilespmem:s14], [sflag:$0x1] =	stream.indirect.gather [hbm4b:s2+s18], $0x80, s9, s18, $0xb8;
	[tilespmem:$0x1CA80] =	vst v63  }
0x19b: {  	s11 =	rddreg [dreg:$0xc]  }
0x19c: {  	[tilespmem:s16], [sflag:$0x2] =	stream.indirect.gather [hbm4b:s2+s18], $0x80, s11, s18, $0xb8;
	[tilespmem:$0x1CA80] =	vst v63  }
0x19d: {  	_ =	swait.ge [sflag:s5], $0x4000  }
0x19e: {  	[sflag:s5] =	ssyncset.done $0x0  }
0x19f: {  	[sflag:s5] =	ssyncadd.s32 $0xFFFFC000  }
0x1a0: {  	[spmem:s3] =	stream.indirect.scatter.add.f32 [tilespmem:s14], [sflag:$0x3], $0x80, s28, s18, $0xb8;
	[tilespmem:$0x1CA80] =	vst v63  }
0x1a1: {  	_ =	swait.ge [sflag:s13], $0x4000  }
0x1a2: {  	[sflag:s13] =	ssyncset.done $0x0  }
0x1a3: {  	[sflag:s13] =	ssyncadd.s32 $0xFFFFC000  }
0x1a4: {  	[spmem:s3] =	stream.indirect.scatter.add.f32 [tilespmem:s16], [sflag:$0x3], $0x80, s29, s18, $0xb8;
	[tilespmem:$0x1CA80] =	vst v63  }
0x1a5: {  	_ =	swait.ge [sflag:s22], $0x4000  }
0x1a6: {  	[sflag:s22] =	ssyncset.done $0x0  }
0x1a7: {  	[sflag:s22] =	ssyncadd.s32 $0xFFFFC000  }
0x1a8: {  	_ =	swait.ge [sflag:s22], $0x4000  }
0x1a9: {  	[sflag:s22] =	ssyncset.done $0x0  }
0x1aa: {  	s9 =	rddreg [dreg:$0xd];
	[sflag:s22] =	ssyncadd.s32 $0xFFFFC000  }
0x1ab: {  	[tilespmem:s14], [sflag:$0x1] =	stream.indirect.gather [hbm4b:s2+s18], $0x80, s9, s18, $0xb8;
	[tilespmem:$0x1CA80] =	vst v63  }
0x1ac: {  	s11 =	rddreg [dreg:$0xe]  }
0x1ad: {  	[tilespmem:s16], [sflag:$0x2] =	stream.indirect.gather [hbm4b:s2+s18], $0x80, s11, s18, $0xb8;
	[tilespmem:$0x1CA80] =	vst v63  }
0x1ae: {  	_ =	swait.ge [sflag:s5], $0x4000  }
0x1af: {  	[sflag:s5] =	ssyncset.done $0x0  }
0x1b0: {  	[sflag:s5] =	ssyncadd.s32 $0xFFFFC000  }
0x1b1: {  	[spmem:s3] =	stream.indirect.scatter.add.f32 [tilespmem:s14], [sflag:$0x3], $0x80, s30, s18, $0xb8;
	[tilespmem:$0x1CA80] =	vst v63  }
0x1b2: {  	_ =	swait.ge [sflag:s13], $0x4000  }
0x1b3: {  	[sflag:s13] =	ssyncset.done $0x0  }
0x1b4: {  	[sflag:s13] =	ssyncadd.s32 $0xFFFFC000  }
0x1b5: {  	[spmem:s3] =	stream.indirect.scatter.add.f32 [tilespmem:s16], [sflag:$0x3], $0x80, s31, s18, $0xb8;
	[tilespmem:$0x1CA80] =	vst v63  }
0x1b6: {  	_ =	swait.ge [sflag:s22], $0x4000  }
0x1b7: {  	[sflag:s22] =	ssyncset.done $0x0  }
0x1b8: {  	[sflag:s22] =	ssyncadd.s32 $0xFFFFC000  }
0x1b9: {  	_ =	swait.ge [sflag:s22], $0x4000  }
0x1ba: {  	[sflag:s22] =	ssyncset.done $0x0  }
0x1bb: {  	s9 =	rddreg [dreg:$0xf];
	[sflag:s22] =	ssyncadd.s32 $0xFFFFC000  }
0x1bc: {  	[tilespmem:s14], [sflag:$0x1] =	stream.indirect.gather [hbm4b:s2+s18], $0x80, s9, s18, $0xb8;
	[tilespmem:$0x1CA80] =	vst v63  }
0x1bd: {  	s11 =	rddreg [dreg:$0x10]  }
0x1be: {  	[tilespmem:s16], [sflag:$0x2] =	stream.indirect.gather [hbm4b:s2+s18], $0x80, s11, s18, $0xb8;
	[tilespmem:$0x1CA80] =	vst v63  }
0x1bf: {  	_ =	swait.ge [sflag:s5], $0x4000  }
0x1c0: {  	[sflag:s5] =	ssyncset.done $0x0  }
0x1c1: {  	[sflag:s5] =	ssyncadd.s32 $0xFFFFC000  }
0x1c2: {  	[spmem:s3] =	stream.indirect.scatter.add.f32 [tilespmem:s14], [sflag:$0x3], $0x80, s1, s18, $0xb8;
	[tilespmem:$0x1CA80] =	vst v63  }
0x1c3: {  	_ =	swait.ge [sflag:s13], $0x4000  }
0x1c4: {  	[sflag:s13] =	ssyncset.done $0x0  }
0x1c5: {  	[sflag:s13] =	ssyncadd.s32 $0xFFFFC000  }
0x1c6: {  	[spmem:s3] =	stream.indirect.scatter.add.f32 [tilespmem:s16], [sflag:$0x3], $0x80, s0, s18, $0xb8;
	[tilespmem:$0x1CA80] =	vst v63  }
0x1c7: {  	_ =	swait.ge [sflag:s22], $0x4000  }
0x1c8: {  	[sflag:s22] =	ssyncset.done $0x0  }
0x1c9: {  	[sflag:s22] =	ssyncadd.s32 $0xFFFFC000  }
0x1ca: {  	_ =	swait.ge [sflag:s22], $0x4000  }
0x1cb: {  	[sflag:s22] =	ssyncset.done $0x0  }
0x1cc: {  	s9 =	rddreg [dreg:$0x11];
	[sflag:s22] =	ssyncadd.s32 $0xFFFFC000  }
0x1cd: {  	[tilespmem:s14], [sflag:$0x1] =	stream.indirect.gather [hbm4b:s2+s18], $0x80, s9, s18, $0xb8;
	[tilespmem:$0x1CA80] =	vst v63  }
0x1ce: {  	s11 =	rddreg [dreg:$0x12]  }
0x1cf: {  	[tilespmem:s16], [sflag:$0x2] =	stream.indirect.gather [hbm4b:s2+s18], $0x80, s11, s18, $0xb8;
	[tilespmem:$0x1CA80] =	vst v63  }
0x1d0: {  	_ =	swait.ge [sflag:s5], $0x4000  }
0x1d1: {  	[sflag:s5] =	ssyncset.done $0x0  }
0x1d2: {  	[sflag:s5] =	ssyncadd.s32 $0xFFFFC000  }
0x1d3: {  	[spmem:s3] =	stream.indirect.scatter.add.f32 [tilespmem:s14], [sflag:$0x3], $0x80, s6, s18, $0xb8;
	[tilespmem:$0x1CA80] =	vst v63  }
0x1d4: {  	_ =	swait.ge [sflag:s13], $0x4000  }
0x1d5: {  	[sflag:s13] =	ssyncset.done $0x0  }
0x1d6: {  	[sflag:s13] =	ssyncadd.s32 $0xFFFFC000  }
0x1d7: {  	[spmem:s3] =	stream.indirect.scatter.add.f32 [tilespmem:s16], [sflag:$0x3], $0x80, s10, s18, $0xb8;
	[tilespmem:$0x1CA80] =	vst v63  }
0x1d8: {  	_ =	swait.ge [sflag:s22], $0x4000  }
0x1d9: {  	[sflag:s22] =	ssyncset.done $0x0  }
0x1da: {  	[sflag:s22] =	ssyncadd.s32 $0xFFFFC000  }
0x1db: {  	s9 =	simm.s32 $0x100;
	_ =	swait.ge [sflag:s22], $0x4000  }
0x1dc: {  	s11 =	simm.s32 $0x200;
	s7 =	rddreg [dreg:$0x4];
	[sflag:s22] =	ssyncset.done $0x0  }
.LBB2_10:
0x1dd: {  	[sflag:s22] =	ssyncadd.s32 $0xFFFFC000;
	s7 =	sadd.s32 s9, s7  }
0x1de: {  	[tilespmem:s4], [sflag:$0x4] =	stream.linear.gather [hbm4b:s7+s4], $0x800, $0x38;
	[tilespmem:$0x1CA80] =	vst v63  }
0x1df: {  	_ =	swait.ge [sflag:s15], $0x800  }
0x1e0: {  	[sflag:s15] =	ssyncset.done $0x0  }
0x1e1: {  	s7 =	sadd.s32 s9, s12;
	[sflag:s15] =	ssyncadd.s32 $0xFFFFF800  }
0x1e2: {  	[tilespmem:s17], [sflag:$0x4] =	stream.linear.gather [hbm4b:s7+s4], $0x800, $0x38;
	[tilespmem:$0x1CA80] =	vst v63  }
0x1e3: {  	_ =	swait.ge [sflag:s15], $0x800  }
0x1e4: {  	[sflag:s15] =	ssyncset.done $0x0  }
0x1e5: {  	[sflag:s15] =	ssyncadd.s32 $0xFFFFF800  }
0x1e6: {  	[tilespmem:s14], [sflag:$0x1] =	stream.indirect.gather [hbm4b:s2+s18], $0x80, s4, s18, $0xb8;
	[tilespmem:$0x1CA80] =	vst v63  }
0x1e7: {  	_ = 	snop  }
0x1e8: {  	[tilespmem:s16], [sflag:$0x2] =	stream.indirect.gather [hbm4b:s2+s18], $0x80, s18, s18, $0xb8;
	[tilespmem:$0x1CA80] =	vst v63  }
0x1e9: {  	_ =	swait.ge [sflag:s5], $0x4000  }
0x1ea: {  	[sflag:s5] =	ssyncset.done $0x0  }
0x1eb: {  	[sflag:s5] =	ssyncadd.s32 $0xFFFFC000  }
0x1ec: {  	[spmem:s3] =	stream.indirect.scatter.add.f32 [tilespmem:s14], [sflag:$0x3], $0x80, s17, s18, $0xb8;
	[tilespmem:$0x1CA80] =	vst v63  }
0x1ed: {  	_ =	swait.ge [sflag:s13], $0x4000  }
0x1ee: {  	[sflag:s13] =	ssyncset.done $0x0  }
0x1ef: {  	[sflag:s13] =	ssyncadd.s32 $0xFFFFC000  }
0x1f0: {  	[spmem:s3] =	stream.indirect.scatter.add.f32 [tilespmem:s16], [sflag:$0x3], $0x80, s19, s18, $0xb8;
	[tilespmem:$0x1CA80] =	vst v63  }
0x1f1: {  	_ =	swait.ge [sflag:s22], $0x4000  }
0x1f2: {  	[sflag:s22] =	ssyncset.done $0x0  }
0x1f3: {  	[sflag:s22] =	ssyncadd.s32 $0xFFFFC000  }
0x1f4: {  	_ =	swait.ge [sflag:s22], $0x4000  }
0x1f5: {  	[sflag:s22] =	ssyncset.done $0x0  }
0x1f6: {  	s8 =	smov.u32 s11;
	s7 =	rddreg [dreg:$0x5];
	[sflag:s22] =	ssyncadd.s32 $0xFFFFC000  }
0x1f7: {  	[tilespmem:s14], [sflag:$0x1] =	stream.indirect.gather [hbm4b:s2+s18], $0x80, s7, s18, $0xb8;
	[tilespmem:$0x1CA80] =	vst v63  }
0x1f8: {  	s9 =	smov.u32 s8;
	s8 =	rddreg [dreg:$0x6]  }
0x1f9: {  	[tilespmem:s16], [sflag:$0x2] =	stream.indirect.gather [hbm4b:s2+s18], $0x80, s8, s18, $0xb8;
	[tilespmem:$0x1CA80] =	vst v63  }
0x1fa: {  	_ =	swait.ge [sflag:s5], $0x4000  }
0x1fb: {  	[sflag:s5] =	ssyncset.done $0x0  }
0x1fc: {  	[sflag:s5] =	ssyncadd.s32 $0xFFFFC000  }
0x1fd: {  	[spmem:s3] =	stream.indirect.scatter.add.f32 [tilespmem:s14], [sflag:$0x3], $0x80, s20, s18, $0xb8;
	[tilespmem:$0x1CA80] =	vst v63  }
0x1fe: {  	_ =	swait.ge [sflag:s13], $0x4000  }
0x1ff: {  	[sflag:s13] =	ssyncset.done $0x0  }
0x200: {  	[sflag:s13] =	ssyncadd.s32 $0xFFFFC000  }
0x201: {  	[spmem:s3] =	stream.indirect.scatter.add.f32 [tilespmem:s16], [sflag:$0x3], $0x80, s21, s18, $0xb8;
	[tilespmem:$0x1CA80] =	vst v63  }
0x202: {  	_ =	swait.ge [sflag:s22], $0x4000  }
0x203: {  	[sflag:s22] =	ssyncset.done $0x0  }
0x204: {  	[sflag:s22] =	ssyncadd.s32 $0xFFFFC000  }
0x205: {  	_ =	swait.ge [sflag:s22], $0x4000  }
0x206: {  	[sflag:s22] =	ssyncset.done $0x0  }
0x207: {  	s7 =	rddreg [dreg:$0x7];
	[sflag:s22] =	ssyncadd.s32 $0xFFFFC000  }
0x208: {  	[tilespmem:s14], [sflag:$0x1] =	stream.indirect.gather [hbm4b:s2+s18], $0x80, s7, s18, $0xb8;
	[tilespmem:$0x1CA80] =	vst v63  }
0x209: {  	s8 =	rddreg [dreg:$0x8]  }
0x20a: {  	[tilespmem:s16], [sflag:$0x2] =	stream.indirect.gather [hbm4b:s2+s18], $0x80, s8, s18, $0xb8;
	[tilespmem:$0x1CA80] =	vst v63  }
0x20b: {  	_ =	swait.ge [sflag:s5], $0x4000  }
0x20c: {  	[sflag:s5] =	ssyncset.done $0x0  }
0x20d: {  	[sflag:s5] =	ssyncadd.s32 $0xFFFFC000  }
0x20e: {  	[spmem:s3] =	stream.indirect.scatter.add.f32 [tilespmem:s14], [sflag:$0x3], $0x80, s23, s18, $0xb8;
	[tilespmem:$0x1CA80] =	vst v63  }
0x20f: {  	_ =	swait.ge [sflag:s13], $0x4000  }
0x210: {  	[sflag:s13] =	ssyncset.done $0x0  }
0x211: {  	[sflag:s13] =	ssyncadd.s32 $0xFFFFC000  }
0x212: {  	[spmem:s3] =	stream.indirect.scatter.add.f32 [tilespmem:s16], [sflag:$0x3], $0x80, s24, s18, $0xb8;
	[tilespmem:$0x1CA80] =	vst v63  }
0x213: {  	_ =	swait.ge [sflag:s22], $0x4000  }
0x214: {  	[sflag:s22] =	ssyncset.done $0x0  }
0x215: {  	[sflag:s22] =	ssyncadd.s32 $0xFFFFC000  }
0x216: {  	_ =	swait.ge [sflag:s22], $0x4000  }
0x217: {  	[sflag:s22] =	ssyncset.done $0x0  }
0x218: {  	s7 =	rddreg [dreg:$0x9];
	[sflag:s22] =	ssyncadd.s32 $0xFFFFC000  }
0x219: {  	[tilespmem:s14], [sflag:$0x1] =	stream.indirect.gather [hbm4b:s2+s18], $0x80, s7, s18, $0xb8;
	[tilespmem:$0x1CA80] =	vst v63  }
0x21a: {  	s8 =	rddreg [dreg:$0xa]  }
0x21b: {  	[tilespmem:s16], [sflag:$0x2] =	stream.indirect.gather [hbm4b:s2+s18], $0x80, s8, s18, $0xb8;
	[tilespmem:$0x1CA80] =	vst v63  }
0x21c: {  	_ =	swait.ge [sflag:s5], $0x4000  }
0x21d: {  	[sflag:s5] =	ssyncset.done $0x0  }
0x21e: {  	[sflag:s5] =	ssyncadd.s32 $0xFFFFC000  }
0x21f: {  	[spmem:s3] =	stream.indirect.scatter.add.f32 [tilespmem:s14], [sflag:$0x3], $0x80, s25, s18, $0xb8;
	[tilespmem:$0x1CA80] =	vst v63  }
0x220: {  	_ =	swait.ge [sflag:s13], $0x4000  }
0x221: {  	[sflag:s13] =	ssyncset.done $0x0  }
0x222: {  	[sflag:s13] =	ssyncadd.s32 $0xFFFFC000  }
0x223: {  	[spmem:s3] =	stream.indirect.scatter.add.f32 [tilespmem:s16], [sflag:$0x3], $0x80, s26, s18, $0xb8;
	[tilespmem:$0x1CA80] =	vst v63  }
0x224: {  	_ =	swait.ge [sflag:s22], $0x4000  }
0x225: {  	[sflag:s22] =	ssyncset.done $0x0  }
0x226: {  	[sflag:s22] =	ssyncadd.s32 $0xFFFFC000  }
0x227: {  	_ =	swait.ge [sflag:s22], $0x4000  }
0x228: {  	[sflag:s22] =	ssyncset.done $0x0  }
0x229: {  	s7 =	rddreg [dreg:$0xb];
	[sflag:s22] =	ssyncadd.s32 $0xFFFFC000  }
0x22a: {  	[tilespmem:s14], [sflag:$0x1] =	stream.indirect.gather [hbm4b:s2+s18], $0x80, s7, s18, $0xb8;
	[tilespmem:$0x1CA80] =	vst v63  }
0x22b: {  	s8 =	rddreg [dreg:$0xc]  }
0x22c: {  	[tilespmem:s16], [sflag:$0x2] =	stream.indirect.gather [hbm4b:s2+s18], $0x80, s8, s18, $0xb8;
	[tilespmem:$0x1CA80] =	vst v63  }
0x22d: {  	_ =	swait.ge [sflag:s5], $0x4000  }
0x22e: {  	[sflag:s5] =	ssyncset.done $0x0  }
0x22f: {  	[sflag:s5] =	ssyncadd.s32 $0xFFFFC000  }
0x230: {  	[spmem:s3] =	stream.indirect.scatter.add.f32 [tilespmem:s14], [sflag:$0x3], $0x80, s28, s18, $0xb8;
	[tilespmem:$0x1CA80] =	vst v63  }
0x231: {  	_ =	swait.ge [sflag:s13], $0x4000  }
0x232: {  	[sflag:s13] =	ssyncset.done $0x0  }
0x233: {  	[sflag:s13] =	ssyncadd.s32 $0xFFFFC000  }
0x234: {  	[spmem:s3] =	stream.indirect.scatter.add.f32 [tilespmem:s16], [sflag:$0x3], $0x80, s29, s18, $0xb8;
	[tilespmem:$0x1CA80] =	vst v63  }
0x235: {  	_ =	swait.ge [sflag:s22], $0x4000  }
0x236: {  	[sflag:s22] =	ssyncset.done $0x0  }
0x237: {  	[sflag:s22] =	ssyncadd.s32 $0xFFFFC000  }
0x238: {  	_ =	swait.ge [sflag:s22], $0x4000  }
0x239: {  	[sflag:s22] =	ssyncset.done $0x0  }
0x23a: {  	s7 =	rddreg [dreg:$0xd];
	[sflag:s22] =	ssyncadd.s32 $0xFFFFC000  }
0x23b: {  	[tilespmem:s14], [sflag:$0x1] =	stream.indirect.gather [hbm4b:s2+s18], $0x80, s7, s18, $0xb8;
	[tilespmem:$0x1CA80] =	vst v63  }
0x23c: {  	s8 =	rddreg [dreg:$0xe]  }
0x23d: {  	[tilespmem:s16], [sflag:$0x2] =	stream.indirect.gather [hbm4b:s2+s18], $0x80, s8, s18, $0xb8;
	[tilespmem:$0x1CA80] =	vst v63  }
0x23e: {  	_ =	swait.ge [sflag:s5], $0x4000  }
0x23f: {  	[sflag:s5] =	ssyncset.done $0x0  }
0x240: {  	[sflag:s5] =	ssyncadd.s32 $0xFFFFC000  }
0x241: {  	[spmem:s3] =	stream.indirect.scatter.add.f32 [tilespmem:s14], [sflag:$0x3], $0x80, s30, s18, $0xb8;
	[tilespmem:$0x1CA80] =	vst v63  }
0x242: {  	_ =	swait.ge [sflag:s13], $0x4000  }
0x243: {  	[sflag:s13] =	ssyncset.done $0x0  }
0x244: {  	[sflag:s13] =	ssyncadd.s32 $0xFFFFC000  }
0x245: {  	[spmem:s3] =	stream.indirect.scatter.add.f32 [tilespmem:s16], [sflag:$0x3], $0x80, s31, s18, $0xb8;
	[tilespmem:$0x1CA80] =	vst v63  }
0x246: {  	_ =	swait.ge [sflag:s22], $0x4000  }
0x247: {  	[sflag:s22] =	ssyncset.done $0x0  }
0x248: {  	[sflag:s22] =	ssyncadd.s32 $0xFFFFC000  }
0x249: {  	_ =	swait.ge [sflag:s22], $0x4000  }
0x24a: {  	[sflag:s22] =	ssyncset.done $0x0  }
0x24b: {  	s7 =	rddreg [dreg:$0xf];
	[sflag:s22] =	ssyncadd.s32 $0xFFFFC000  }
0x24c: {  	[tilespmem:s14], [sflag:$0x1] =	stream.indirect.gather [hbm4b:s2+s18], $0x80, s7, s18, $0xb8;
	[tilespmem:$0x1CA80] =	vst v63  }
0x24d: {  	s8 =	rddreg [dreg:$0x10]  }
0x24e: {  	[tilespmem:s16], [sflag:$0x2] =	stream.indirect.gather [hbm4b:s2+s18], $0x80, s8, s18, $0xb8;
	[tilespmem:$0x1CA80] =	vst v63  }
0x24f: {  	_ =	swait.ge [sflag:s5], $0x4000  }
0x250: {  	[sflag:s5] =	ssyncset.done $0x0  }
0x251: {  	[sflag:s5] =	ssyncadd.s32 $0xFFFFC000  }
0x252: {  	[spmem:s3] =	stream.indirect.scatter.add.f32 [tilespmem:s14], [sflag:$0x3], $0x80, s1, s18, $0xb8;
	[tilespmem:$0x1CA80] =	vst v63  }
0x253: {  	_ =	swait.ge [sflag:s13], $0x4000  }
0x254: {  	[sflag:s13] =	ssyncset.done $0x0  }
0x255: {  	[sflag:s13] =	ssyncadd.s32 $0xFFFFC000  }
0x256: {  	[spmem:s3] =	stream.indirect.scatter.add.f32 [tilespmem:s16], [sflag:$0x3], $0x80, s0, s18, $0xb8;
	[tilespmem:$0x1CA80] =	vst v63  }
0x257: {  	_ =	swait.ge [sflag:s22], $0x4000  }
0x258: {  	[sflag:s22] =	ssyncset.done $0x0  }
0x259: {  	[sflag:s22] =	ssyncadd.s32 $0xFFFFC000  }
0x25a: {  	_ =	swait.ge [sflag:s22], $0x4000  }
0x25b: {  	[sflag:s22] =	ssyncset.done $0x0  }
0x25c: {  	s7 =	rddreg [dreg:$0x11];
	[sflag:s22] =	ssyncadd.s32 $0xFFFFC000  }
0x25d: {  	[tilespmem:s14], [sflag:$0x1] =	stream.indirect.gather [hbm4b:s2+s18], $0x80, s7, s18, $0xb8;
	[tilespmem:$0x1CA80] =	vst v63  }
0x25e: {  	s8 =	rddreg [dreg:$0x12]  }
0x25f: {  	[tilespmem:s16], [sflag:$0x2] =	stream.indirect.gather [hbm4b:s2+s18], $0x80, s8, s18, $0xb8;
	[tilespmem:$0x1CA80] =	vst v63  }
0x260: {  	_ =	swait.ge [sflag:s5], $0x4000  }
0x261: {  	[sflag:s5] =	ssyncset.done $0x0  }
0x262: {  	[sflag:s5] =	ssyncadd.s32 $0xFFFFC000  }
0x263: {  	[spmem:s3] =	stream.indirect.scatter.add.f32 [tilespmem:s14], [sflag:$0x3], $0x80, s6, s18, $0xb8;
	[tilespmem:$0x1CA80] =	vst v63  }
0x264: {  	_ =	swait.ge [sflag:s13], $0x4000  }
0x265: {  	[sflag:s13] =	ssyncset.done $0x0  }
0x266: {  	p1 =	sne.s32 s11, $0x400;
	[sflag:s13] =	ssyncadd.s32 $0xFFFFC000  }
0x267: {  	[spmem:s3] =	stream.indirect.scatter.add.f32 [tilespmem:s16], [sflag:$0x3], $0x80, s10, s18, $0xb8;
	[tilespmem:$0x1CA80] =	vst v63  }
.Ltmp7:
0x268: {  	_ =	swait.ge [sflag:s22], $0x4000;
	(pc) =	sbr.rel @p1 .LBB2_10-.Ltmp7, $4  }
0x269: {  	[sflag:s22] =	ssyncset.done $0x0  }
0x26a: {  	[sflag:s22] =	ssyncadd.s32 $0xFFFFC000  }
0x26b: {  	_ =	swait.ge [sflag:s22], $0x4000  }
0x26c: {  	s11 =	sadd.s32 $0x100, s11;
	s7 =	rddreg [dreg:$0x4];
	[sflag:s22] =	ssyncset.done $0x0  }
0x26d: {  	[sflag:s22] =	ssyncadd.s32 $0xFFFFC000;
	s7 =	sadd.s32 s9, s7  }
0x26e: {  	[tilespmem:s4], [sflag:$0x4] =	stream.linear.gather [hbm4b:s7+s4], $0x800, $0x38;
	[tilespmem:$0x1CA80] =	vst v63  }
0x26f: {  	_ =	swait.ge [sflag:s15], $0x800  }
0x270: {  	[sflag:s15] =	ssyncset.done $0x0  }
0x271: {  	s11 =	sadd.s32 s9, s12;
	[sflag:s15] =	ssyncadd.s32 $0xFFFFF800  }
0x272: {  	[tilespmem:s17], [sflag:$0x4] =	stream.linear.gather [hbm4b:s11+s4], $0x800, $0x38;
	[tilespmem:$0x1CA80] =	vst v63  }
0x273: {  	_ =	swait.ge [sflag:s15], $0x800  }
0x274: {  	[sflag:s15] =	ssyncset.done $0x0  }
0x275: {  	[sflag:s15] =	ssyncadd.s32 $0xFFFFF800  }
0x276: {  	[tilespmem:s14], [sflag:$0x1] =	stream.indirect.gather [hbm4b:s2+s18], $0x80, s4, s18, $0xb8;
	[tilespmem:$0x1CA80] =	vst v63  }
0x277: {  	_ = 	snop  }
0x278: {  	[tilespmem:s16], [sflag:$0x2] =	stream.indirect.gather [hbm4b:s2+s18], $0x80, s18, s18, $0xb8;
	[tilespmem:$0x1CA80] =	vst v63  }
0x279: {  	_ =	swait.ge [sflag:s5], $0x4000  }
0x27a: {  	[sflag:s5] =	ssyncset.done $0x0  }
0x27b: {  	[sflag:s5] =	ssyncadd.s32 $0xFFFFC000  }
0x27c: {  	[spmem:s3] =	stream.indirect.scatter.add.f32 [tilespmem:s14], [sflag:$0x3], $0x80, s17, s18, $0xb8;
	[tilespmem:$0x1CA80] =	vst v63  }
0x27d: {  	_ =	swait.ge [sflag:s13], $0x4000  }
0x27e: {  	[sflag:s13] =	ssyncset.done $0x0  }
0x27f: {  	[sflag:s13] =	ssyncadd.s32 $0xFFFFC000  }
0x280: {  	[spmem:s3] =	stream.indirect.scatter.add.f32 [tilespmem:s16], [sflag:$0x3], $0x80, s19, s18, $0xb8;
	[tilespmem:$0x1CA80] =	vst v63  }
0x281: {  	_ =	swait.ge [sflag:s22], $0x4000  }
0x282: {  	[sflag:s22] =	ssyncset.done $0x0  }
0x283: {  	[sflag:s22] =	ssyncadd.s32 $0xFFFFC000  }
0x284: {  	_ =	swait.ge [sflag:s22], $0x4000  }
0x285: {  	[sflag:s22] =	ssyncset.done $0x0  }
0x286: {  	s19 =	rddreg [dreg:$0x5];
	[sflag:s22] =	ssyncadd.s32 $0xFFFFC000  }
0x287: {  	[tilespmem:s14], [sflag:$0x1] =	stream.indirect.gather [hbm4b:s2+s18], $0x80, s19, s18, $0xb8;
	[tilespmem:$0x1CA80] =	vst v63  }
0x288: {  	s8 =	rddreg [dreg:$0x6]  }
0x289: {  	[tilespmem:s16], [sflag:$0x2] =	stream.indirect.gather [hbm4b:s2+s18], $0x80, s8, s18, $0xb8;
	[tilespmem:$0x1CA80] =	vst v63  }
0x28a: {  	_ =	swait.ge [sflag:s5], $0x4000  }
0x28b: {  	[sflag:s5] =	ssyncset.done $0x0  }
0x28c: {  	[sflag:s5] =	ssyncadd.s32 $0xFFFFC000  }
0x28d: {  	[spmem:s3] =	stream.indirect.scatter.add.f32 [tilespmem:s14], [sflag:$0x3], $0x80, s20, s18, $0xb8;
	[tilespmem:$0x1CA80] =	vst v63  }
0x28e: {  	_ =	swait.ge [sflag:s13], $0x4000  }
0x28f: {  	[sflag:s13] =	ssyncset.done $0x0  }
0x290: {  	[sflag:s13] =	ssyncadd.s32 $0xFFFFC000  }
0x291: {  	[spmem:s3] =	stream.indirect.scatter.add.f32 [tilespmem:s16], [sflag:$0x3], $0x80, s21, s18, $0xb8;
	[tilespmem:$0x1CA80] =	vst v63  }
0x292: {  	_ =	swait.ge [sflag:s22], $0x4000  }
0x293: {  	[sflag:s22] =	ssyncset.done $0x0  }
0x294: {  	[sflag:s22] =	ssyncadd.s32 $0xFFFFC000  }
0x295: {  	_ =	swait.ge [sflag:s22], $0x4000  }
0x296: {  	[sflag:s22] =	ssyncset.done $0x0  }
0x297: {  	s20 =	rddreg [dreg:$0x7];
	[sflag:s22] =	ssyncadd.s32 $0xFFFFC000  }
0x298: {  	[tilespmem:s14], [sflag:$0x1] =	stream.indirect.gather [hbm4b:s2+s18], $0x80, s20, s18, $0xb8;
	[tilespmem:$0x1CA80] =	vst v63  }
0x299: {  	s21 =	rddreg [dreg:$0x8]  }
0x29a: {  	[tilespmem:s16], [sflag:$0x2] =	stream.indirect.gather [hbm4b:s2+s18], $0x80, s21, s18, $0xb8;
	[tilespmem:$0x1CA80] =	vst v63  }
0x29b: {  	_ =	swait.ge [sflag:s5], $0x4000  }
0x29c: {  	[sflag:s5] =	ssyncset.done $0x0  }
0x29d: {  	[sflag:s5] =	ssyncadd.s32 $0xFFFFC000  }
0x29e: {  	[spmem:s3] =	stream.indirect.scatter.add.f32 [tilespmem:s14], [sflag:$0x3], $0x80, s23, s18, $0xb8;
	[tilespmem:$0x1CA80] =	vst v63  }
0x29f: {  	_ =	swait.ge [sflag:s13], $0x4000  }
0x2a0: {  	[sflag:s13] =	ssyncset.done $0x0  }
0x2a1: {  	[sflag:s13] =	ssyncadd.s32 $0xFFFFC000  }
0x2a2: {  	[spmem:s3] =	stream.indirect.scatter.add.f32 [tilespmem:s16], [sflag:$0x3], $0x80, s24, s18, $0xb8;
	[tilespmem:$0x1CA80] =	vst v63  }
0x2a3: {  	_ =	swait.ge [sflag:s22], $0x4000  }
0x2a4: {  	[sflag:s22] =	ssyncset.done $0x0  }
0x2a5: {  	[sflag:s22] =	ssyncadd.s32 $0xFFFFC000  }
0x2a6: {  	_ =	swait.ge [sflag:s22], $0x4000  }
0x2a7: {  	[sflag:s22] =	ssyncset.done $0x0  }
0x2a8: {  	s8 =	rddreg [dreg:$0x9];
	[sflag:s22] =	ssyncadd.s32 $0xFFFFC000  }
0x2a9: {  	[tilespmem:s14], [sflag:$0x1] =	stream.indirect.gather [hbm4b:s2+s18], $0x80, s8, s18, $0xb8;
	[tilespmem:$0x1CA80] =	vst v63  }
0x2aa: {  	s9 =	rddreg [dreg:$0xa]  }
0x2ab: {  	[tilespmem:s16], [sflag:$0x2] =	stream.indirect.gather [hbm4b:s2+s18], $0x80, s9, s18, $0xb8;
	[tilespmem:$0x1CA80] =	vst v63  }
0x2ac: {  	_ =	swait.ge [sflag:s5], $0x4000  }
0x2ad: {  	[sflag:s5] =	ssyncset.done $0x0  }
0x2ae: {  	[sflag:s5] =	ssyncadd.s32 $0xFFFFC000  }
0x2af: {  	[spmem:s3] =	stream.indirect.scatter.add.f32 [tilespmem:s14], [sflag:$0x3], $0x80, s25, s18, $0xb8;
	[tilespmem:$0x1CA80] =	vst v63  }
0x2b0: {  	_ =	swait.ge [sflag:s13], $0x4000  }
0x2b1: {  	[sflag:s13] =	ssyncset.done $0x0  }
0x2b2: {  	[sflag:s13] =	ssyncadd.s32 $0xFFFFC000  }
0x2b3: {  	[spmem:s3] =	stream.indirect.scatter.add.f32 [tilespmem:s16], [sflag:$0x3], $0x80, s26, s18, $0xb8;
	[tilespmem:$0x1CA80] =	vst v63  }
0x2b4: {  	_ =	swait.ge [sflag:s22], $0x4000  }
0x2b5: {  	[sflag:s22] =	ssyncset.done $0x0  }
0x2b6: {  	[sflag:s22] =	ssyncadd.s32 $0xFFFFC000  }
0x2b7: {  	_ =	swait.ge [sflag:s22], $0x4000  }
0x2b8: {  	[sflag:s22] =	ssyncset.done $0x0  }
0x2b9: {  	s11 =	rddreg [dreg:$0xb];
	[sflag:s22] =	ssyncadd.s32 $0xFFFFC000  }
0x2ba: {  	[tilespmem:s14], [sflag:$0x1] =	stream.indirect.gather [hbm4b:s2+s18], $0x80, s11, s18, $0xb8;
	[tilespmem:$0x1CA80] =	vst v63  }
0x2bb: {  	s19 =	rddreg [dreg:$0xc]  }
0x2bc: {  	[tilespmem:s16], [sflag:$0x2] =	stream.indirect.gather [hbm4b:s2+s18], $0x80, s19, s18, $0xb8;
	[tilespmem:$0x1CA80] =	vst v63  }
0x2bd: {  	_ =	swait.ge [sflag:s5], $0x4000  }
0x2be: {  	[sflag:s5] =	ssyncset.done $0x0  }
0x2bf: {  	[sflag:s5] =	ssyncadd.s32 $0xFFFFC000  }
0x2c0: {  	[spmem:s3] =	stream.indirect.scatter.add.f32 [tilespmem:s14], [sflag:$0x3], $0x80, s28, s18, $0xb8;
	[tilespmem:$0x1CA80] =	vst v63  }
0x2c1: {  	_ =	swait.ge [sflag:s13], $0x4000  }
0x2c2: {  	[sflag:s13] =	ssyncset.done $0x0  }
0x2c3: {  	[sflag:s13] =	ssyncadd.s32 $0xFFFFC000  }
0x2c4: {  	[spmem:s3] =	stream.indirect.scatter.add.f32 [tilespmem:s16], [sflag:$0x3], $0x80, s29, s18, $0xb8;
	[tilespmem:$0x1CA80] =	vst v63  }
0x2c5: {  	_ =	swait.ge [sflag:s22], $0x4000  }
0x2c6: {  	[sflag:s22] =	ssyncset.done $0x0  }
0x2c7: {  	[sflag:s22] =	ssyncadd.s32 $0xFFFFC000  }
0x2c8: {  	_ =	swait.ge [sflag:s22], $0x4000  }
0x2c9: {  	[sflag:s22] =	ssyncset.done $0x0  }
0x2ca: {  	s20 =	rddreg [dreg:$0xd];
	[sflag:s22] =	ssyncadd.s32 $0xFFFFC000  }
0x2cb: {  	[tilespmem:s14], [sflag:$0x1] =	stream.indirect.gather [hbm4b:s2+s18], $0x80, s20, s18, $0xb8;
	[tilespmem:$0x1CA80] =	vst v63  }
0x2cc: {  	s21 =	rddreg [dreg:$0xe]  }
0x2cd: {  	[tilespmem:s16], [sflag:$0x2] =	stream.indirect.gather [hbm4b:s2+s18], $0x80, s21, s18, $0xb8;
	[tilespmem:$0x1CA80] =	vst v63  }
0x2ce: {  	_ =	swait.ge [sflag:s5], $0x4000  }
0x2cf: {  	[sflag:s5] =	ssyncset.done $0x0  }
0x2d0: {  	[sflag:s5] =	ssyncadd.s32 $0xFFFFC000  }
0x2d1: {  	[spmem:s3] =	stream.indirect.scatter.add.f32 [tilespmem:s14], [sflag:$0x3], $0x80, s30, s18, $0xb8;
	[tilespmem:$0x1CA80] =	vst v63  }
0x2d2: {  	_ =	swait.ge [sflag:s13], $0x4000  }
0x2d3: {  	[sflag:s13] =	ssyncset.done $0x0  }
0x2d4: {  	[sflag:s13] =	ssyncadd.s32 $0xFFFFC000  }
0x2d5: {  	[spmem:s3] =	stream.indirect.scatter.add.f32 [tilespmem:s16], [sflag:$0x3], $0x80, s31, s18, $0xb8;
	[tilespmem:$0x1CA80] =	vst v63  }
0x2d6: {  	_ =	swait.ge [sflag:s22], $0x4000  }
0x2d7: {  	[sflag:s22] =	ssyncset.done $0x0  }
0x2d8: {  	[sflag:s22] =	ssyncadd.s32 $0xFFFFC000  }
0x2d9: {  	_ =	swait.ge [sflag:s22], $0x4000  }
0x2da: {  	[sflag:s22] =	ssyncset.done $0x0  }
0x2db: {  	s23 =	rddreg [dreg:$0xf];
	[sflag:s22] =	ssyncadd.s32 $0xFFFFC000  }
0x2dc: {  	[tilespmem:s14], [sflag:$0x1] =	stream.indirect.gather [hbm4b:s2+s18], $0x80, s23, s18, $0xb8;
	[tilespmem:$0x1CA80] =	vst v63  }
0x2dd: {  	s24 =	rddreg [dreg:$0x10]  }
0x2de: {  	[tilespmem:s16], [sflag:$0x2] =	stream.indirect.gather [hbm4b:s2+s18], $0x80, s24, s18, $0xb8;
	[tilespmem:$0x1CA80] =	vst v63  }
0x2df: {  	_ =	swait.ge [sflag:s5], $0x4000  }
0x2e0: {  	[sflag:s5] =	ssyncset.done $0x0  }
0x2e1: {  	[sflag:s5] =	ssyncadd.s32 $0xFFFFC000  }
0x2e2: {  	[spmem:s3] =	stream.indirect.scatter.add.f32 [tilespmem:s14], [sflag:$0x3], $0x80, s1, s18, $0xb8;
	[tilespmem:$0x1CA80] =	vst v63  }
0x2e3: {  	_ =	swait.ge [sflag:s13], $0x4000  }
0x2e4: {  	[sflag:s13] =	ssyncset.done $0x0  }
0x2e5: {  	[sflag:s13] =	ssyncadd.s32 $0xFFFFC000  }
0x2e6: {  	[spmem:s3] =	stream.indirect.scatter.add.f32 [tilespmem:s16], [sflag:$0x3], $0x80, s0, s18, $0xb8;
	[tilespmem:$0x1CA80] =	vst v63  }
0x2e7: {  	_ =	swait.ge [sflag:s22], $0x4000  }
0x2e8: {  	[sflag:s22] =	ssyncset.done $0x0  }
0x2e9: {  	[sflag:s22] =	ssyncadd.s32 $0xFFFFC000  }
0x2ea: {  	_ =	swait.ge [sflag:s22], $0x4000  }
0x2eb: {  	[sflag:s22] =	ssyncset.done $0x0  }
0x2ec: {  	s25 =	rddreg [dreg:$0x11];
	[sflag:s22] =	ssyncadd.s32 $0xFFFFC000  }
0x2ed: {  	[tilespmem:s14], [sflag:$0x1] =	stream.indirect.gather [hbm4b:s2+s18], $0x80, s25, s18, $0xb8;
	[tilespmem:$0x1CA80] =	vst v63  }
0x2ee: {  	s26 =	rddreg [dreg:$0x12]  }
0x2ef: {  	[tilespmem:s16], [sflag:$0x2] =	stream.indirect.gather [hbm4b:s2+s18], $0x80, s26, s18, $0xb8;
	[tilespmem:$0x1CA80] =	vst v63  }
0x2f0: {  	_ =	swait.ge [sflag:s5], $0x4000  }
0x2f1: {  	[sflag:s5] =	ssyncset.done $0x0  }
0x2f2: {  	[sflag:s5] =	ssyncadd.s32 $0xFFFFC000  }
0x2f3: {  	[spmem:s3] =	stream.indirect.scatter.add.f32 [tilespmem:s14], [sflag:$0x3], $0x80, s6, s18, $0xb8;
	[tilespmem:$0x1CA80] =	vst v63  }
0x2f4: {  	_ =	swait.ge [sflag:s13], $0x4000  }
0x2f5: {  	[sflag:s13] =	ssyncset.done $0x0  }
0x2f6: {  	[sflag:s13] =	ssyncadd.s32 $0xFFFFC000  }
0x2f7: {  	[spmem:s3] =	stream.indirect.scatter.add.f32 [tilespmem:s16], [sflag:$0x3], $0x80, s10, s18, $0xb8;
	[tilespmem:$0x1CA80] =	vst v63  }
0x2f8: {  	_ =	swait.ge [sflag:s22], $0x4000  }
0x2f9: {  	[sflag:s22] =	ssyncset.done $0x0  }
0x2fa: {  	[sflag:s22] =	ssyncadd.s32 $0xFFFFC000  }
0x2fb: {  	_ =	swait.ge [sflag:s22], $0x4000  }
0x2fc: {  	[sflag:s22] =	ssyncset.done $0x0  }
0x2fd: {  	[sflag:s22] =	ssyncadd.s32 $0xFFFFC000  }
0x2fe: {  	[bflag:$0x0] =	sbarrier.arrive $0xFFFF  }
0x2ff: {  	s28 =	rddreg [dreg:$0x19]  }
0x300: {  	[tilespmem:s14], [sflag:$0x4] =	stream.linear.gather [spmem:s28], $0x2800, $0x38;
	[tilespmem:$0x1CA80] =	vst v63  }
0x301: {  	_ =	swait.ge [sflag:s15], $0x2800  }
0x302: {  	s19 =	rddreg [dreg:$0x15]  }
0x303: {  	[sflag:s15] =	ssyncset.done $0x0;
	s29 =	rddreg [dreg:$0x1d]  }
.Ltmp8:
0x304: {  	[sflag:s15] =	ssyncadd.s32 $0xFFFFD800;
	s30 =	sadd.s32 s19, s29;
	(pc) =	sbr.rel @!p0 .LBB2_13-.Ltmp8, $4  }
0x305: {  	[hbm4b:s30+s4] =	stream.linear.scatter [tilespmem:s14], [sflag:$0x4], $0x2800, $0x38;
	[tilespmem:$0x1CA80] =	vst v63  }
0x306: {  	_ =	swait.ge [sflag:s15], $0x2800  }
0x307: {  	s7 =	smov.u32 s28;
	s31 =	rddreg [dreg:$0x17]  }
0x308: {  	[sflag:s15] =	ssyncset.done $0x0;
	s11 =	rddreg [dreg:$0x1a];
	s9 =	sadd.s32 $0xFFFFFFFF, s31  }
.LBB2_12:
0x309: {  	[sflag:s15] =	ssyncadd.s32 $0xFFFFD800;
	s11 =	sadd.s32 $0x2800, s11;
	s7 =	sadd.s32 $0x2800, s7  }
0x30a: {  	[tilespmem:s14], [sflag:$0x4] =	stream.linear.gather [spmem:s7], $0x2800, $0x38;
	[tilespmem:$0x1CA80] =	vst v63  }
0x30b: {  	p0 =	sne.s32 s9, $0x1;
	s9 =	sadd.s32 $0xFFFFFFFF, s9;
	_ =	swait.ge [sflag:s15], $0x2800  }
.Ltmp9:
0x30c: {  	s8 =	sshrl.u32 s11, $0x3;
	[sflag:s15] =	ssyncset.done $0x0;
	(pc) =	sbr.rel @p0 .LBB2_12-.Ltmp9, $4  }
0x30d: {  	s8 =	sadd.s32 s19, s8;
	[sflag:s15] =	ssyncadd.s32 $0xFFFFD800  }
0x30e: {  	[hbm4b:s8+s4] =	stream.linear.scatter [tilespmem:s14], [sflag:$0x4], $0x2800, $0x38;
	[tilespmem:$0x1CA80] =	vst v63  }
0x30f: {  	_ =	swait.ge [sflag:s15], $0x2800  }
0x310: {  	[sflag:s15] =	ssyncset.done $0x0  }
.LBB2_13:
0x311: {  	s0 =	rddreg [dreg:$0x1c]  }
0x312: {  	s7 =	rddreg [dreg:$0x18];
	s0 =	sadd.s32 $0x1, s0  }
0x313: {  	p0 =	sne.s32 s0, s7  }
.Ltmp10:
0x314: {  	_ = 	snop;
	(pc) =	sbr.rel @p0 .LBB2_1-.Ltmp10, $2  }
0x315: {  	_ =	sdelay $0x2  }
0x316: {  	[sflag:s15] =	ssyncadd.s32 $0xFFFFD800;
	s19 =	rddreg [dreg:$0x16]  }
0x317: {  	_ =	sfence.sel $0x180000  }
0x318: {  	[bflag:$0x0] =	sbarrier.arrive $0xFFFF  }
0x319: {  	_ =	strace $0x90000047  }
0x31a: {  	s0 =	stileid.u32;
	[bflag:$0x2] =	sbarrier.arrive $0xFFFF  }
0x31b: {  	p0 =	sne.s32 s0, $0x0;
	s0 =	rddreg [dreg:$0x3]  }
0x31c: {  	s0 =	sadd.s32 @!p0 $0x100000, s0  }
0x31d: {  	[sflag:s0] =	ssyncadd.tile.s32 @!p0 $0x1;
	_ =	shalt  }
.Lfunc_end2:
_tile_overlayer_lowered:
.L_overlay_start_2:
0x31e: {  	(tag) =	ssettag $0x2  }
0x31f: {  	s0 =	rddreg [dreg:$0x0];
	s2 =	stileid.u32  }
0x320: {  	s1 =	rddreg [dreg:$0x1];
	p0 =	sne.s32 s2, $0x0  }
0x321: {  	s3 =	rddreg [dreg:$0x2];
	[bflag:$0x3] =	sbarrier.arrive $0xFFFF;
	s2 =	simm.s32 @!p0 $0x1C04  }
0x322: {  	[timem:s3], [sflag:s2] =	dma.local @!p0 [hbm:s0], s1  }
0x323: {  	s0 =	simm.s32 @!p0 $0x4  }
0x324: {  	_ =	swait.ge @!p0 [sflag:s0], s1  }
0x325: {  	s1 =	ssub.s32 @!p0 $0x0, s1;
	[sflag:s0] =	ssyncset.done @!p0 $0x0  }
0x326: {  	[sflag:s0] =	ssyncadd.s32 @!p0 s1  }
0x327: {  	[bflag:$0x3] =	sbarrier.arrive $0xFFFF  }
0x328: {  	_ =	shalt  }

// kernel: kernel.9.cloned.1.call-start
scs
__scs_entry_jumppad:
0x0: {  	(pc) =	sbr.rel $0x88, $3  }
0x1: {  	(tag) =	ssettag $0x0;
	lr =	simm.s32 $0x1  }
0x2: {  	[smem:$0x3F96] =	sst lr;
	_ =	strace $0xD0000000  }
0x3: {  	_ = 	snop  }
0x4: {  	_ = 	snop  }
0x5: {  	_ = 	snop  }
0x6: {  	_ = 	snop  }
0x7: {  	_ = 	snop  }
__scs_overlays_trampoline_lowered:
0x8: {  	[smem:$0x3FA5] =	sst s0  }
0x9: {  	[smem:$0x3FA6] =	sst s1  }
0xa: {  	[smem:$0x3FA7] =	sst s2  }
0xb: {  	[smem:$0x3FA8] =	sst s3  }
0xc: {  	[smem:$0x3FA9] =	sst s4  }
0xd: {  	[smem:$0x3FAA] =	sst s5  }
0xe: {  	[smem:$0x3FAB] =	sst s6  }
0xf: {  	[smem:$0x3FAC] =	sst s7  }
0x10: {  	[smem:$0x3FAD] =	sst s8  }
0x11: {  	[smem:$0x3FAE] =	sst s9;
	s0 =	simm.s32 @!p0 $0x0  }
0x12: {  	s1 =	sld [smem:$0x3F94];
	s0 =	simm.s32 @p0 $0x1  }
0x13: {  	[smem:$0x3FAF] =	sst s0;
	s0 =	simm.s32 @!p1 $0x0  }
0x14: {  	s2 =	sld [smem:$0x3F93];
	s0 =	simm.s32 @p1 $0x1  }
0x15: {  	[smem:$0x3FB0] =	sst s0;
	s0 =	simm.s32 @!p2 $0x0  }
0x16: {  	s3 =	sld [smem:$0x3FDB];
	s0 =	simm.s32 @p2 $0x1  }
0x17: {  	s4 =	simm.s32 $0x1BF5;
	[smem:$0x3FB2] =	sst s0  }
0x18: {  	s0 =	sld [smem:$0x3F95];
	_ =	swait.ge [sflag:s4], $0x0  }
0x19: {  	s7 =	sld [smem:$0x3F96]  }
0x1a: {  	s8 =	sadd.s32 $0xFFFFE003, lr  }
0x1b: {  	s9 =	sadd.s32 $0xFFFFFEF7, lr;
	s5 =	simm.s32 $0xFFFFFFFF;
	p2 =	slt.u32 s8, $0xFFFFF086  }
0x1c: {  	p1 =	slt.u32 s9, $0xF7A;
	s5 =	simm.s32 @!p2 $0x0  }
0x1d: {  	s5 =	simm.s32 @p1 $0x1;
	p0 =	seq.s32 s7, s2  }
0x1e: {  	s7 =	smul.u32 @!p0 $0xF7A, s2;
	p2 =	seq.s32 @!p0 s5, $0x0  }
0x1f: {  	s9 =	smul.u32 $0xF7A, s1;
	s8 =	simm.s32 @!p0 $0x1BF5;
	p2 =	por !p2, p0  }
0x20: {  	[sflag:s8] =	ssyncset.s32 @!p0 $0xFFFFF086;
	s6 =	sadd.s32 @!p0 s3, s7;
	s7 =	simm.s32 @!p0 $0x108  }
0x21: {  	s3 =	sadd.s32 s3, s9;
	s6 =	sadd.s32 @!p0 $0x88, s6;
	s7 =	simm.s32 @p2 $0x1082  }
0x22: {  	[simem:s7], [sflag:s8] =	dma.local @!p0 [hbm:s6], $0xF7A  }
0x23: {  	s9 =	sor.u32 $0xD0000000, s2;
	s6 =	simm.s32 $0x108;
	_ =	swait.ge @!p0 [sflag:s8], $0x0  }
0x24: {  	s3 =	sadd.s32 $0x88, s3;
	s6 =	simm.s32 @!p1 $0x1082;
	[sflag:s4] =	ssyncset.s32 $0xFFFFF086  }
0x25: {  	[simem:s6], [sflag:s4] =	dma.local [hbm:s3], $0xF7A  }
0x26: {  	[smem:$0x3F96] =	sst s1;
	(tag) =	ssettag s2;
	_ =	strace s9  }
0x27: {  	s1 =	sld [smem:$0x3FA6]  }
0x28: {  	s2 =	sld [smem:$0x3FA7]  }
0x29: {  	s4 =	sld [smem:$0x3FA9]  }
0x2a: {  	p0 =	seq.s32 s5, $0x0;
	s5 =	sld [smem:$0x3FAA]  }
0x2b: {  	s6 =	sld [smem:$0x3FAB]  }
0x2c: {  	s7 =	sld [smem:$0x3FAC]  }
0x2d: {  	s3 =	simm.s32 $0x108;
	s8 =	sld [smem:$0x3FAD]  }
0x2e: {  	s3 =	simm.s32 @!p0 $0x1082;
	s9 =	sld [smem:$0x3FAE]  }
0x2f: {  	lr =	sadd.s32 s0, s3;
	s0 =	sld [smem:$0x3FA5]  }
0x30: {  	s3 =	sld [smem:$0x3FA8]  }
0x31: {  	[smem:$0x3FB1] =	sst s10  }
0x32: {  	s10 =	sld [smem:$0x3FAF];
	_ =	sdelay $0x3  }
0x33: {  	p0 =	seq.s32 s10, $0x1;
	s10 =	sld [smem:$0x3FB1];
	_ =	sdelay $0x3  }
0x34: {  	[smem:$0x3FB1] =	sst s10  }
0x35: {  	s10 =	sld [smem:$0x3FB0];
	_ =	sdelay $0x3  }
0x36: {  	p1 =	seq.s32 s10, $0x1;
	s10 =	sld [smem:$0x3FB1];
	_ =	sdelay $0x3  }
0x37: {  	[smem:$0x3FB1] =	sst s10  }
0x38: {  	s10 =	sld [smem:$0x3FB2]  }
0x39: {  	_ = 	snop;
	(pc) =	sbr.ind lr, $3  }
0x3a: {  	_ = 	snop  }
0x3b: {  	_ = 	snop  }
0x3c: {  	p2 =	seq.s32 s10, $0x1;
	s10 =	sld [smem:$0x3FB1]  }
0x3d: {  	_ =	shalt  }
0x3e: {  	_ =	shalt  }
0x3f: {  	_ =	shalt  }
0x40: {  	_ =	shalt  }
0x41: {  	_ =	shalt  }
0x42: {  	_ =	shalt  }
0x43: {  	_ =	shalt  }
0x44: {  	_ =	shalt  }
0x45: {  	_ =	shalt  }
0x46: {  	_ =	shalt  }
0x47: {  	_ =	shalt  }
0x48: {  	_ =	shalt  }
0x49: {  	_ =	shalt  }
0x4a: {  	_ =	shalt  }
0x4b: {  	_ =	shalt  }
0x4c: {  	_ =	shalt  }
0x4d: {  	_ =	shalt  }
0x4e: {  	_ =	shalt  }
0x4f: {  	_ =	shalt  }
0x50: {  	_ =	shalt  }
0x51: {  	_ =	shalt  }
0x52: {  	_ =	shalt  }
0x53: {  	_ =	shalt  }
0x54: {  	_ =	shalt  }
0x55: {  	_ =	shalt  }
0x56: {  	_ =	shalt  }
0x57: {  	_ =	shalt  }
0x58: {  	_ =	shalt  }
0x59: {  	_ =	shalt  }
0x5a: {  	_ =	shalt  }
0x5b: {  	_ =	shalt  }
0x5c: {  	_ =	shalt  }
0x5d: {  	_ =	shalt  }
0x5e: {  	_ =	shalt  }
0x5f: {  	_ =	shalt  }
0x60: {  	_ =	shalt  }
0x61: {  	_ =	shalt  }
0x62: {  	_ =	shalt  }
0x63: {  	_ =	shalt  }
0x64: {  	_ =	shalt  }
0x65: {  	_ =	shalt  }
0x66: {  	_ =	shalt  }
0x67: {  	_ =	shalt  }
0x68: {  	_ =	shalt  }
0x69: {  	_ =	shalt  }
0x6a: {  	_ =	shalt  }
0x6b: {  	_ =	shalt  }
0x6c: {  	_ =	shalt  }
0x6d: {  	_ =	shalt  }
0x6e: {  	_ =	shalt  }
0x6f: {  	_ =	shalt  }
0x70: {  	_ =	shalt  }
0x71: {  	_ =	shalt  }
0x72: {  	_ =	shalt  }
0x73: {  	_ =	shalt  }
0x74: {  	_ =	shalt  }
0x75: {  	_ =	shalt  }
0x76: {  	_ =	shalt  }
0x77: {  	_ =	shalt  }
0x78: {  	_ =	shalt  }
0x79: {  	_ =	shalt  }
0x7a: {  	_ =	shalt  }
0x7b: {  	_ =	shalt  }
0x7c: {  	_ =	shalt  }
0x7d: {  	_ =	shalt  }
0x7e: {  	_ =	shalt  }
0x7f: {  	_ =	shalt  }
0x80: {  	_ =	shalt  }
0x81: {  	_ =	shalt  }
0x82: {  	_ =	shalt  }
0x83: {  	_ =	shalt  }
0x84: {  	_ =	shalt  }
0x85: {  	_ =	shalt  }
0x86: {  	_ =	shalt  }
0x87: {  	_ =	shalt  }
.Lfunc_end0:
.L_simem_size_0:
called_computation.1_lowered:
.L_overlay_start_0:
0x88: {  	s2 =	sld [smem:$0x3FD9]  }
0x89: {  	s3 =	sld [smem:$0x3FFE];
	_ =	sdelay $0x1  }
0x8a: {  	s1 =	srdreg.scid  }
0x8b: {  	s0 =	sand.u32 $0x1, s1  }
0x8c: {  	s16 =	sshll.u32 s0, $0xA;
	s2 =	sadd.s32 s3, s2  }
0x8d: {  	s2 =	sadd.s32 s2, s16  }
0x8e: {  	[smem:$0x3FBD] =	sst s2  }
0x8f: {  	_ = 	snop  }
0x90: {  	(tm) =	ssettm $0x1  }
0x91: {  	s17 =	sld [smem:$0x3FFB];
	_ =	sdelay $0x3  }
0x92: {  	_ =	strace s17  }
0x93: {  	s2 =	sld [smem:$0x3FFC];
	_ =	sdelay $0x3  }
0x94: {  	_ =	strace s2  }
0x95: {  	s2 =	sld [smem:$0x3FFD];
	_ =	sdelay $0x3  }
0x96: {  	_ =	strace s2  }
0x97: {  	_ =	strace $0x8FFFFFFF  }
0x98: {  	s18 =	sld [smem:$0x3FDB];
	_ =	sdelay $0x1  }
0x99: {  	s19 =	simm.s32 $_scs_section_size  }
0x9a: {  	s4 =	simm.s32 $_size__tile_overlayer_lowered;
	s5 =	simm.s32 $_tile_overlayer_lowered  }
0x9b: {  	s22 =	simm.s32 $0x1BFF;
	s21 =	sshll.u32 s5, $0x1;
	s2 =	sadd.s32 s19, s18  }
0x9c: {  	s6 =	simm.s32 $0x0;
	s20 =	sshll.u32 s4, $0x1;
	s4 =	sadd.s32 s21, s2  }
0x9d: {  	[timem:s6], [sflag:s22] =	dma.local [hbm:s4], s20  }
0x9e: {  	_ =	swait.ge [sflag:s22], s20  }
0x9f: {  	s3 =	ssub.s32 $0x0, s20;
	[sflag:s22] =	ssyncset.done $0x0  }
0xa0: {  	[sflag:s22] =	ssyncadd.s32 s3;
	_ =	sdelay $0x1  }
0xa1: {  	s23 =	simm.s32 $0x1B8B  }
0xa2: {  	_ =	swait.ge [sflag:s23], $0x1  }
0xa3: {  	[sflag:s23] =	ssyncset.done $0x0  }
0xa4: {  	s25 =	simm.s32 $0x1B8E;
	s24 =	sld [smem:$0x3FFE];
	[sflag:s23] =	ssyncadd.s32 $0xFFFFFFFF  }
0xa5: {  	s26 =	simm.s32 $execute0_lowered;
	[smem:$0x3FD2] =	sst s25  }
0xa6: {  	s4 =	sshll.u32 s26, $0x1;
	_ =	strace $0x80000049;
	[dreg:$0x1] =	wrdreg $0xFFFFFFFF  }
0xa7: {  	s28 =	simm.s32 $_size_execute0_lowered;
	s2 =	sadd.s32 s2, s4;
	[dreg:$0x0] =	wrdreg $0x0  }
0xa8: {  	s4 =	sshll.u32 s28, $0x1;
	[dreg:$0x2] =	wrdreg s2  }
0xa9: {  	[dreg:$0x3] =	wrdreg s4  }
0xaa: {  	[dreg:$0x4] =	wrdreg $0xC0  }
0xab: {  	_ =	task [dreg:s6], $0x5FFFF  }
0xac: {  	[dreg:$0x1] =	wrdreg $0xFFFFFFFF  }
0xad: {  	[dreg:$0x0] =	wrdreg $0x60  }
0xae: {  	[dreg:$0x2] =	wrdreg s24  }
0xaf: {  	[dreg:$0x3] =	wrdreg $0x90000  }
0xb0: {  	[dreg:$0x4] =	wrdreg $0x9  }
0xb1: {  	_ =	task.clear_ibuf [dreg:s6], $0x5FFFF;
	_ =	strace $0x90000049  }
0xb2: {  	s29 =	simm.s32 $0x9;
	_ =	strace $0x8000004B  }
0xb3: {  	_ =	swait.ge [sflag:s29], $0x1  }
0xb4: {  	[sflag:s29] =	ssyncadd.s32 $0xFFFFFFFF  }
0xb5: {  	_ =	strace $0x9000004B  }
0xb6: {  	_ =	sfence  }
0xb7: {  	s30 =	sld [smem:$0x0];
	_ =	sdelay $0x2  }
0xb8: {  	s31 =	sshll.u32 s1, $0xD;
	s1 =	sshrl.u32 s1, $0x2  }
0xb9: {  	s3 =	sand.u32 $0x4000, s31;
	s1 =	sadd.s32 s1, s30  }
0xba: {  	s0 =	sor.u32 s3, s0;
	s1 =	sshll.u32 s1, $0x11  }
0xbb: {  	s0 =	sor.u32 s1, s0  }
0xbc: {  	s0 =	sadd.s32 $0x8F2B, s0  }
0xbd: {  	[sflag:s0] =	ssyncadd.remote.s32 $0x1  }
0xbe: {  	_ =	sfence.sel $0xFFFF  }
0xbf: {  	[dreg:$0x0] =	wrdreg $0xFFFFFFFF;
	(pc) =	sbr.abs _section_cstart, $3  }
0xc0: {  	[dreg:$0x1] =	wrdreg $0xFFFFFFFF  }
0xc1: {  	_ =	task.clear_ibuf [dreg:s6], $0x2FFFF;
	_ =	strace $0x9FFFFFFF  }
0xc2: {  	(tm) =	ssettm $0x7FFFFFFF  }
0xc3: {  	_ =	shalt  }
tec
execute0_lowered:
.L_overlay_start_1:
0x0: {  	(tag) =	ssettag $0x1  }
0x1: {  	s0 =	rddreg [dreg:$0x0]  }
0x2: {  	s2 =	rddreg [dreg:$0x1];
	s3 =	simm.s32 $0x0  }
0x3: {  	s10 =	stileid.u32;
	s1 =	srdreg.scid;
	s23 =	simm.s32 $0x5  }
0x4: {  	s14 =	simm.s32 $0x1000;
	s15 =	simm.s32 $0x4;
	s16 =	simm.s32 $0x800  }
0x5: {  	s17 =	simm.s32 $0x80;
	s18 =	simm.s32 $0x5000;
	s19 =	simm.s32 $0x1  }
0x6: {  	s20 =	simm.s32 $0x2;
	s13 =	simm.s32 $0x880;
	s28 =	simm.s32 $0x280  }
0x7: {  	s29 =	simm.s32 $0xA00;
	s30 =	simm.s32 $0xA80;
	s31 =	simm.s32 $0x400  }
0x8: {  	[smem:$0x7FF] =	sst s3;
	s6 =	smul.u32 $0xA00, s10;
	s1 =	sand.u32 $0x1, s1  }
0x9: {  	s4 =	sadd.s32 $0x18000, s0;
	s5 =	sadd.s32 $0x3F200, s0;
	s22 =	smul.u32 $0x50000, s10  }
0xa: {  	s7 =	sadd.s32 $0x17800, s0;
	p0 =	seq.s32 s10, $0xF;
	s25 =	smul.u32 $0x14000, s10  }
0xb: {  	s10 =	simm.s32 $0x0;
	_ =	strace $0x8000004A;
	s8 =	ssub.s32 $0x2, s1  }
0xc: {  	[dreg:$0x3] =	wrdreg s7;
	s7 =	sadd.s32 $0xB4C00, s0;
	s23 =	simm.s32 @!p0 $0x8  }
0xd: {  	p0 =	seq.s32 s1, $0x1;
	s1 =	smul.u32 $0x138800, s1;
	s6 =	sadd.s32 s6, s0  }
0xe: {  	s9 =	sshrl.u32 s8, $0x1;
	s24 =	sshrl.u32 s22, $0x2;
	s22 =	simm.s32 $0x3  }
0xf: {  	[dreg:$0x4] =	wrdreg s23;
	s21 =	ssub.s32 s8, s9;
	s11 =	sadd.s32 $0xD800, s6  }
0x10: {  	s12 =	sadd.s32 $0x3800, s6;
	s26 =	sadd.s32 s25, s1;
	s25 =	simm.s32 $0x980  }
0x11: {  	s1 =	simm.s32 $0x380;
	s6 =	simm.s32 $0xB00;
	s9 =	simm.s32 $0xB80  }
0x12: {  	s0 =	smax.u32 s21, $0x1;
	[dreg:$0x7] =	wrdreg s26;
	s21 =	simm.s32 $0x180  }
0x13: {  	s26 =	simm.s32 $0x200;
	[dreg:$0x5] =	wrdreg s0;
	s0 =	sadd.s32 s24, s2  }
0x14: {  	s24 =	simm.s32 $0x900;
	[dreg:$0x6] =	wrdreg s0;
	s0 =	simm.s32 $0x300  }
.LBB2_1:
0x15: {  	[dreg:$0x8] =	wrdreg s10  }
0x16: {  	s8 =	rddreg [dreg:$0x3]  }
0x17: {  	[tilespmem:s14], [sflag:$0x4] =	stream.linear.gather [hbm4b:s8+s3], $0x4000, $0x38;
	[tilespmem:$0x1CA80] =	vst v63  }
0x18: {  	p1 =	sne.s32 s23, $0x1;
	_ =	swait.ge [sflag:s15], $0x4000  }
.Ltmp0:
0x19: {  	[sflag:s15] =	ssyncset.done $0x0;
	(pc) =	sbr.rel @!p1 .LBB2_3-.Ltmp0, $4  }
0x1a: {  	s10 =	rddreg [dreg:$0x6];
	[sflag:s15] =	ssyncadd.s32 $0xFFFFC000  }
0x1b: {  	[spmem:s10] =	stream.linear.scatter [tilespmem:s14], [sflag:$0x4], $0x2800, $0x38;
	[tilespmem:$0x1CA80] =	vst v63  }
0x1c: {  	_ =	swait.ge [sflag:s15], $0x2800  }
0x1d: {  	s8 =	sadd.s32 $0xFFFFFFFF, s23;
	[sflag:s15] =	ssyncset.done $0x0  }
.LBB2_2:
0x1e: {  	p2 =	sne.s32 s8, $0x1;
	[sflag:s15] =	ssyncadd.s32 $0xFFFFD800;
	s10 =	sadd.s32 $0x2800, s10  }
.Ltmp1:
0x1f: {  	s8 =	sadd.s32 $0xFFFFFFFF, s8;
	(pc) =	sbr.rel @p2 .LBB2_2-.Ltmp1, $4  }
0x20: {  	_ = 	snop  }
0x21: {  	[spmem:s10] =	stream.linear.scatter [tilespmem:s14], [sflag:$0x4], $0x2800, $0x38;
	[tilespmem:$0x1CA80] =	vst v63  }
0x22: {  	_ =	swait.ge [sflag:s15], $0x2800  }
0x23: {  	[sflag:s15] =	ssyncset.done $0x0  }
.LBB2_3:
.Ltmp2:
0x24: {  	(pc) =	sbr.rel @!p0 .LBB2_4-.Ltmp2, $4  }
0x25: {  	_ = 	snop  }
0x26: {  	[sflag:s15] =	ssyncadd.s32 $0xFFFFD800  }
0x27: {  	[bflag:$0x0] =	sbarrier.arrive $0xFFFF  }
0x28: {  	s8 =	sadd.s32 $0x0, s12  }
0x29: {  	[tilespmem:s3], [sflag:$0x4] =	stream.linear.gather [hbm4b:s8+s3], $0x800, $0x38;
	[tilespmem:$0x1CA80] =	vst v63  }
0x2a: {  	_ =	swait.ge [sflag:s15], $0x800  }
0x2b: {  	[sflag:s15] =	ssyncset.done $0x0  }
0x2c: {  	s10 =	sadd.s32 $0x0, s11;
	[sflag:s15] =	ssyncadd.s32 $0xFFFFF800  }
0x2d: {  	[tilespmem:s16], [sflag:$0x4] =	stream.linear.gather [hbm4b:s10+s3], $0x800, $0x38;
	[tilespmem:$0x1CA80] =	vst v63  }
0x2e: {  	_ =	swait.ge [sflag:s15], $0x800  }
0x2f: {  	[sflag:s15] =	ssyncset.done $0x0  }
0x30: {  	[sflag:s15] =	ssyncadd.s32 $0xFFFFF800  }
0x31: {  	[tilespmem:s14], [sflag:$0x1] =	stream.indirect.gather [hbm4b:s5+s17], $0x80, s3, s17, $0xb8;
	[tilespmem:$0x1CA80] =	vst v63  }
0x32: {  	_ = 	snop  }
0x33: {  	[tilespmem:s18], [sflag:$0x2] =	stream.indirect.gather [hbm4b:s5+s17], $0x80, s17, s17, $0xb8;
	[tilespmem:$0x1CA80] =	vst v63  }
0x34: {  	_ =	swait.ge [sflag:s19], $0x4000  }
0x35: {  	[sflag:s19] =	ssyncset.done $0x0  }
0x36: {  	[sflag:s19] =	ssyncadd.s32 $0xFFFFC000  }
0x37: {  	[spmem:s2] =	stream.indirect.scatter.add.f32 [tilespmem:s14], [sflag:$0x3], $0x80, s16, s17, $0xb8;
	[tilespmem:$0x1CA80] =	vst v63  }
0x38: {  	_ =	swait.ge [sflag:s20], $0x4000  }
0x39: {  	[sflag:s20] =	ssyncset.done $0x0  }
0x3a: {  	[sflag:s20] =	ssyncadd.s32 $0xFFFFC000  }
0x3b: {  	[spmem:s2] =	stream.indirect.scatter.add.f32 [tilespmem:s18], [sflag:$0x3], $0x80, s13, s17, $0xb8;
	[tilespmem:$0x1CA80] =	vst v63  }
0x3c: {  	_ =	swait.ge [sflag:s22], $0x4000  }
0x3d: {  	[sflag:s22] =	ssyncset.done $0x0  }
0x3e: {  	[sflag:s22] =	ssyncadd.s32 $0xFFFFC000  }
0x3f: {  	_ =	swait.ge [sflag:s22], $0x4000  }
0x40: {  	[sflag:s22] =	ssyncset.done $0x0  }
0x41: {  	s13 =	simm.s32 $0x100;
	[sflag:s22] =	ssyncadd.s32 $0xFFFFC000  }
0x42: {  	[tilespmem:s14], [sflag:$0x1] =	stream.indirect.gather [hbm4b:s5+s17], $0x80, s13, s17, $0xb8;
	[tilespmem:$0x1CA80] =	vst v63  }
0x43: {  	_ = 	snop  }
0x44: {  	[tilespmem:s18], [sflag:$0x2] =	stream.indirect.gather [hbm4b:s5+s17], $0x80, s21, s17, $0xb8;
	[tilespmem:$0x1CA80] =	vst v63  }
0x45: {  	_ =	swait.ge [sflag:s19], $0x4000  }
0x46: {  	[sflag:s19] =	ssyncset.done $0x0  }
0x47: {  	[sflag:s19] =	ssyncadd.s32 $0xFFFFC000  }
0x48: {  	[spmem:s2] =	stream.indirect.scatter.add.f32 [tilespmem:s14], [sflag:$0x3], $0x80, s24, s17, $0xb8;
	[tilespmem:$0x1CA80] =	vst v63  }
0x49: {  	_ =	swait.ge [sflag:s20], $0x4000  }
0x4a: {  	[sflag:s20] =	ssyncset.done $0x0  }
0x4b: {  	[sflag:s20] =	ssyncadd.s32 $0xFFFFC000  }
0x4c: {  	[spmem:s2] =	stream.indirect.scatter.add.f32 [tilespmem:s18], [sflag:$0x3], $0x80, s25, s17, $0xb8;
	[tilespmem:$0x1CA80] =	vst v63  }
0x4d: {  	_ =	swait.ge [sflag:s22], $0x4000  }
0x4e: {  	[sflag:s22] =	ssyncset.done $0x0  }
0x4f: {  	[sflag:s22] =	ssyncadd.s32 $0xFFFFC000  }
0x50: {  	_ =	swait.ge [sflag:s22], $0x4000  }
0x51: {  	[sflag:s22] =	ssyncset.done $0x0  }
0x52: {  	[sflag:s22] =	ssyncadd.s32 $0xFFFFC000  }
0x53: {  	[tilespmem:s14], [sflag:$0x1] =	stream.indirect.gather [hbm4b:s5+s17], $0x80, s26, s17, $0xb8;
	[tilespmem:$0x1CA80] =	vst v63  }
0x54: {  	_ = 	snop  }
0x55: {  	[tilespmem:s18], [sflag:$0x2] =	stream.indirect.gather [hbm4b:s5+s17], $0x80, s28, s17, $0xb8;
	[tilespmem:$0x1CA80] =	vst v63  }
0x56: {  	_ =	swait.ge [sflag:s19], $0x4000  }
0x57: {  	[sflag:s19] =	ssyncset.done $0x0  }
0x58: {  	[sflag:s19] =	ssyncadd.s32 $0xFFFFC000  }
0x59: {  	[spmem:s2] =	stream.indirect.scatter.add.f32 [tilespmem:s14], [sflag:$0x3], $0x80, s29, s17, $0xb8;
	[tilespmem:$0x1CA80] =	vst v63  }
0x5a: {  	_ =	swait.ge [sflag:s20], $0x4000  }
0x5b: {  	[sflag:s20] =	ssyncset.done $0x0  }
0x5c: {  	[sflag:s20] =	ssyncadd.s32 $0xFFFFC000  }
0x5d: {  	[spmem:s2] =	stream.indirect.scatter.add.f32 [tilespmem:s18], [sflag:$0x3], $0x80, s30, s17, $0xb8;
	[tilespmem:$0x1CA80] =	vst v63  }
0x5e: {  	_ =	swait.ge [sflag:s22], $0x4000  }
0x5f: {  	[sflag:s22] =	ssyncset.done $0x0  }
0x60: {  	[sflag:s22] =	ssyncadd.s32 $0xFFFFC000  }
0x61: {  	_ =	swait.ge [sflag:s22], $0x4000  }
0x62: {  	[sflag:s22] =	ssyncset.done $0x0  }
0x63: {  	[sflag:s22] =	ssyncadd.s32 $0xFFFFC000  }
0x64: {  	[tilespmem:s14], [sflag:$0x1] =	stream.indirect.gather [hbm4b:s5+s17], $0x80, s0, s17, $0xb8;
	[tilespmem:$0x1CA80] =	vst v63  }
0x65: {  	_ = 	snop  }
0x66: {  	[tilespmem:s18], [sflag:$0x2] =	stream.indirect.gather [hbm4b:s5+s17], $0x80, s1, s17, $0xb8;
	[tilespmem:$0x1CA80] =	vst v63  }
0x67: {  	_ =	swait.ge [sflag:s19], $0x4000  }
0x68: {  	[sflag:s19] =	ssyncset.done $0x0  }
0x69: {  	[sflag:s19] =	ssyncadd.s32 $0xFFFFC000  }
0x6a: {  	[spmem:s2] =	stream.indirect.scatter.add.f32 [tilespmem:s14], [sflag:$0x3], $0x80, s6, s17, $0xb8;
	[tilespmem:$0x1CA80] =	vst v63  }
0x6b: {  	_ =	swait.ge [sflag:s20], $0x4000  }
0x6c: {  	[sflag:s20] =	ssyncset.done $0x0  }
0x6d: {  	[sflag:s20] =	ssyncadd.s32 $0xFFFFC000  }
0x6e: {  	[spmem:s2] =	stream.indirect.scatter.add.f32 [tilespmem:s18], [sflag:$0x3], $0x80, s9, s17, $0xb8;
	[tilespmem:$0x1CA80] =	vst v63  }
0x6f: {  	_ =	swait.ge [sflag:s22], $0x4000  }
0x70: {  	[sflag:s22] =	ssyncset.done $0x0  }
0x71: {  	[sflag:s22] =	ssyncadd.s32 $0xFFFFC000  }
0x72: {  	_ =	swait.ge [sflag:s22], $0x4000  }
0x73: {  	[sflag:s22] =	ssyncset.done $0x0  }
0x74: {  	[sflag:s22] =	ssyncadd.s32 $0xFFFFC000  }
0x75: {  	[tilespmem:s14], [sflag:$0x1] =	stream.indirect.gather [hbm4b:s5+s17], $0x80, s31, s17, $0xb8;
	[tilespmem:$0x1CA80] =	vst v63  }
0x76: {  	s23 =	simm.s32 $0x480  }
0x77: {  	[tilespmem:s18], [sflag:$0x2] =	stream.indirect.gather [hbm4b:s5+s17], $0x80, s23, s17, $0xb8;
	[tilespmem:$0x1CA80] =	vst v63  }
0x78: {  	_ =	swait.ge [sflag:s19], $0x4000  }
0x79: {  	[sflag:s19] =	ssyncset.done $0x0  }
0x7a: {  	s24 =	simm.s32 $0xC00;
	[sflag:s19] =	ssyncadd.s32 $0xFFFFC000  }
0x7b: {  	[spmem:s2] =	stream.indirect.scatter.add.f32 [tilespmem:s14], [sflag:$0x3], $0x80, s24, s17, $0xb8;
	[tilespmem:$0x1CA80] =	vst v63  }
0x7c: {  	_ =	swait.ge [sflag:s20], $0x4000  }
0x7d: {  	[sflag:s20] =	ssyncset.done $0x0  }
0x7e: {  	s25 =	simm.s32 $0xC80;
	[sflag:s20] =	ssyncadd.s32 $0xFFFFC000  }
0x7f: {  	[spmem:s2] =	stream.indirect.scatter.add.f32 [tilespmem:s18], [sflag:$0x3], $0x80, s25, s17, $0xb8;
	[tilespmem:$0x1CA80] =	vst v63  }
0x80: {  	_ =	swait.ge [sflag:s22], $0x4000  }
0x81: {  	[sflag:s22] =	ssyncset.done $0x0  }
0x82: {  	[sflag:s22] =	ssyncadd.s32 $0xFFFFC000  }
0x83: {  	_ =	swait.ge [sflag:s22], $0x4000  }
0x84: {  	[sflag:s22] =	ssyncset.done $0x0  }
0x85: {  	s26 =	simm.s32 $0x500;
	[sflag:s22] =	ssyncadd.s32 $0xFFFFC000  }
0x86: {  	[tilespmem:s14], [sflag:$0x1] =	stream.indirect.gather [hbm4b:s5+s17], $0x80, s26, s17, $0xb8;
	[tilespmem:$0x1CA80] =	vst v63  }
0x87: {  	s1 =	simm.s32 $0x580  }
0x88: {  	[tilespmem:s18], [sflag:$0x2] =	stream.indirect.gather [hbm4b:s5+s17], $0x80, s1, s17, $0xb8;
	[tilespmem:$0x1CA80] =	vst v63  }
0x89: {  	_ =	swait.ge [sflag:s19], $0x4000  }
0x8a: {  	[sflag:s19] =	ssyncset.done $0x0  }
0x8b: {  	s6 =	simm.s32 $0xD00;
	[sflag:s19] =	ssyncadd.s32 $0xFFFFC000  }
0x8c: {  	[spmem:s2] =	stream.indirect.scatter.add.f32 [tilespmem:s14], [sflag:$0x3], $0x80, s6, s17, $0xb8;
	[tilespmem:$0x1CA80] =	vst v63  }
0x8d: {  	_ =	swait.ge [sflag:s20], $0x4000  }
0x8e: {  	[sflag:s20] =	ssyncset.done $0x0  }
0x8f: {  	s8 =	simm.s32 $0xD80;
	[sflag:s20] =	ssyncadd.s32 $0xFFFFC000  }
0x90: {  	[spmem:s2] =	stream.indirect.scatter.add.f32 [tilespmem:s18], [sflag:$0x3], $0x80, s8, s17, $0xb8;
	[tilespmem:$0x1CA80] =	vst v63  }
0x91: {  	_ =	swait.ge [sflag:s22], $0x4000  }
0x92: {  	[sflag:s22] =	ssyncset.done $0x0  }
0x93: {  	[sflag:s22] =	ssyncadd.s32 $0xFFFFC000  }
0x94: {  	_ =	swait.ge [sflag:s22], $0x4000  }
0x95: {  	[sflag:s22] =	ssyncset.done $0x0  }
0x96: {  	s9 =	simm.s32 $0x600;
	[sflag:s22] =	ssyncadd.s32 $0xFFFFC000  }
0x97: {  	[tilespmem:s14], [sflag:$0x1] =	stream.indirect.gather [hbm4b:s5+s17], $0x80, s9, s17, $0xb8;
	[tilespmem:$0x1CA80] =	vst v63  }
0x98: {  	s10 =	simm.s32 $0x680  }
0x99: {  	[tilespmem:s18], [sflag:$0x2] =	stream.indirect.gather [hbm4b:s5+s17], $0x80, s10, s17, $0xb8;
	[tilespmem:$0x1CA80] =	vst v63  }
0x9a: {  	_ =	swait.ge [sflag:s19], $0x4000  }
0x9b: {  	[sflag:s19] =	ssyncset.done $0x0  }
0x9c: {  	s13 =	simm.s32 $0xE00;
	[sflag:s19] =	ssyncadd.s32 $0xFFFFC000  }
0x9d: {  	[spmem:s2] =	stream.indirect.scatter.add.f32 [tilespmem:s14], [sflag:$0x3], $0x80, s13, s17, $0xb8;
	[tilespmem:$0x1CA80] =	vst v63  }
0x9e: {  	_ =	swait.ge [sflag:s20], $0x4000  }
0x9f: {  	[sflag:s20] =	ssyncset.done $0x0  }
0xa0: {  	s21 =	simm.s32 $0xE80;
	[sflag:s20] =	ssyncadd.s32 $0xFFFFC000  }
0xa1: {  	[spmem:s2] =	stream.indirect.scatter.add.f32 [tilespmem:s18], [sflag:$0x3], $0x80, s21, s17, $0xb8;
	[tilespmem:$0x1CA80] =	vst v63  }
0xa2: {  	_ =	swait.ge [sflag:s22], $0x4000  }
0xa3: {  	[sflag:s22] =	ssyncset.done $0x0  }
0xa4: {  	[sflag:s22] =	ssyncadd.s32 $0xFFFFC000  }
0xa5: {  	_ =	swait.ge [sflag:s22], $0x4000  }
0xa6: {  	[sflag:s22] =	ssyncset.done $0x0  }
0xa7: {  	s23 =	simm.s32 $0x700;
	[sflag:s22] =	ssyncadd.s32 $0xFFFFC000  }
0xa8: {  	[tilespmem:s14], [sflag:$0x1] =	stream.indirect.gather [hbm4b:s5+s17], $0x80, s23, s17, $0xb8;
	[tilespmem:$0x1CA80] =	vst v63  }
0xa9: {  	s24 =	simm.s32 $0x780  }
0xaa: {  	[tilespmem:s18], [sflag:$0x2] =	stream.indirect.gather [hbm4b:s5+s17], $0x80, s24, s17, $0xb8;
	[tilespmem:$0x1CA80] =	vst v63  }
0xab: {  	_ =	swait.ge [sflag:s19], $0x4000  }
0xac: {  	[sflag:s19] =	ssyncset.done $0x0  }
0xad: {  	s25 =	simm.s32 $0xF00;
	[sflag:s19] =	ssyncadd.s32 $0xFFFFC000  }
0xae: {  	[spmem:s2] =	stream.indirect.scatter.add.f32 [tilespmem:s14], [sflag:$0x3], $0x80, s25, s17, $0xb8;
	[tilespmem:$0x1CA80] =	vst v63  }
0xaf: {  	_ =	swait.ge [sflag:s20], $0x4000  }
0xb0: {  	s28 =	simm.s32 $0x200;
	s29 =	simm.s32 $0x280;
	[sflag:s20] =	ssyncset.done $0x0  }
0xb1: {  	s30 =	simm.s32 $0xA00;
	s26 =	simm.s32 $0xF80;
	[sflag:s20] =	ssyncadd.s32 $0xFFFFC000  }
0xb2: {  	[spmem:s2] =	stream.indirect.scatter.add.f32 [tilespmem:s18], [sflag:$0x3], $0x80, s26, s17, $0xb8;
	[tilespmem:$0x1CA80] =	vst v63  }
0xb3: {  	s0 =	simm.s32 $0x300;
	s31 =	simm.s32 $0xA80;
	_ =	swait.ge [sflag:s22], $0x4000  }
0xb4: {  	s1 =	simm.s32 $0x380;
	s6 =	simm.s32 $0xB00;
	[sflag:s22] =	ssyncset.done $0x0  }
0xb5: {  	s9 =	simm.s32 $0xB80;
	s10 =	simm.s32 $0x200;
	[sflag:s22] =	ssyncadd.s32 $0xFFFFC000  }
0xb6: {  	s13 =	simm.s32 $0x100;
	s24 =	simm.s32 $0x180;
	_ =	swait.ge [sflag:s22], $0x4000  }
0xb7: {  	s25 =	simm.s32 $0x900;
	s26 =	simm.s32 $0x980;
	[sflag:s22] =	ssyncset.done $0x0  }
.LBB2_8:
0xb8: {  	s21 =	sadd.s32 s13, s12  }
0xb9: {  	[sflag:s22] =	ssyncadd.s32 $0xFFFFC000;
	s23 =	smov.u32 s10;
	s8 =	sadd.s32 $0x100, s10  }
0xba: {  	[tilespmem:s3], [sflag:$0x4] =	stream.linear.gather [hbm4b:s21+s3], $0x800, $0x38;
	[tilespmem:$0x1CA80] =	vst v63  }
0xbb: {  	s21 =	simm.s32 $0x880  }
0xbc: {  	p2 =	sne.s32 s10, $0x900;
	_ =	swait.ge [sflag:s15], $0x800  }
0xbd: {  	s10 =	sadd.s32 s13, s11;
	[sflag:s15] =	ssyncset.done $0x0  }
0xbe: {  	s13 =	smov.u32 s23;
	s23 =	simm.s32 $0x100;
	[sflag:s15] =	ssyncadd.s32 $0xFFFFF800  }
0xbf: {  	[tilespmem:s16], [sflag:$0x4] =	stream.linear.gather [hbm4b:s10+s3], $0x800, $0x38;
	[tilespmem:$0x1CA80] =	vst v63  }
0xc0: {  	_ =	swait.ge [sflag:s15], $0x800  }
0xc1: {  	[sflag:s15] =	ssyncset.done $0x0  }
0xc2: {  	[sflag:s15] =	ssyncadd.s32 $0xFFFFF800  }
0xc3: {  	[tilespmem:s14], [sflag:$0x1] =	stream.indirect.gather [hbm4b:s5+s17], $0x80, s3, s17, $0xb8;
	[tilespmem:$0x1CA80] =	vst v63  }
0xc4: {  	_ = 	snop  }
0xc5: {  	[tilespmem:s18], [sflag:$0x2] =	stream.indirect.gather [hbm4b:s5+s17], $0x80, s17, s17, $0xb8;
	[tilespmem:$0x1CA80] =	vst v63  }
0xc6: {  	_ =	swait.ge [sflag:s19], $0x4000  }
0xc7: {  	[sflag:s19] =	ssyncset.done $0x0  }
0xc8: {  	[sflag:s19] =	ssyncadd.s32 $0xFFFFC000  }
0xc9: {  	[spmem:s2] =	stream.indirect.scatter.add.f32 [tilespmem:s14], [sflag:$0x3], $0x80, s16, s17, $0xb8;
	[tilespmem:$0x1CA80] =	vst v63  }
0xca: {  	_ =	swait.ge [sflag:s20], $0x4000  }
0xcb: {  	[sflag:s20] =	ssyncset.done $0x0  }
0xcc: {  	[sflag:s20] =	ssyncadd.s32 $0xFFFFC000  }
0xcd: {  	[spmem:s2] =	stream.indirect.scatter.add.f32 [tilespmem:s18], [sflag:$0x3], $0x80, s21, s17, $0xb8;
	[tilespmem:$0x1CA80] =	vst v63  }
0xce: {  	_ =	swait.ge [sflag:s22], $0x4000  }
0xcf: {  	[sflag:s22] =	ssyncset.done $0x0  }
0xd0: {  	[sflag:s22] =	ssyncadd.s32 $0xFFFFC000  }
0xd1: {  	_ =	swait.ge [sflag:s22], $0x4000  }
0xd2: {  	[sflag:s22] =	ssyncset.done $0x0  }
0xd3: {  	[sflag:s22] =	ssyncadd.s32 $0xFFFFC000  }
0xd4: {  	[tilespmem:s14], [sflag:$0x1] =	stream.indirect.gather [hbm4b:s5+s17], $0x80, s23, s17, $0xb8;
	[tilespmem:$0x1CA80] =	vst v63  }
0xd5: {  	_ = 	snop  }
0xd6: {  	[tilespmem:s18], [sflag:$0x2] =	stream.indirect.gather [hbm4b:s5+s17], $0x80, s24, s17, $0xb8;
	[tilespmem:$0x1CA80] =	vst v63  }
0xd7: {  	_ =	swait.ge [sflag:s19], $0x4000  }
0xd8: {  	[sflag:s19] =	ssyncset.done $0x0  }
0xd9: {  	[sflag:s19] =	ssyncadd.s32 $0xFFFFC000  }
0xda: {  	[spmem:s2] =	stream.indirect.scatter.add.f32 [tilespmem:s14], [sflag:$0x3], $0x80, s25, s17, $0xb8;
	[tilespmem:$0x1CA80] =	vst v63  }
0xdb: {  	_ =	swait.ge [sflag:s20], $0x4000  }
0xdc: {  	[sflag:s20] =	ssyncset.done $0x0  }
0xdd: {  	[sflag:s20] =	ssyncadd.s32 $0xFFFFC000  }
0xde: {  	[spmem:s2] =	stream.indirect.scatter.add.f32 [tilespmem:s18], [sflag:$0x3], $0x80, s26, s17, $0xb8;
	[tilespmem:$0x1CA80] =	vst v63  }
0xdf: {  	_ =	swait.ge [sflag:s22], $0x4000  }
0xe0: {  	[sflag:s22] =	ssyncset.done $0x0  }
0xe1: {  	[sflag:s22] =	ssyncadd.s32 $0xFFFFC000  }
0xe2: {  	_ =	swait.ge [sflag:s22], $0x4000  }
0xe3: {  	[sflag:s22] =	ssyncset.done $0x0  }
0xe4: {  	[sflag:s22] =	ssyncadd.s32 $0xFFFFC000  }
0xe5: {  	[tilespmem:s14], [sflag:$0x1] =	stream.indirect.gather [hbm4b:s5+s17], $0x80, s28, s17, $0xb8;
	[tilespmem:$0x1CA80] =	vst v63  }
0xe6: {  	_ = 	snop  }
0xe7: {  	[tilespmem:s18], [sflag:$0x2] =	stream.indirect.gather [hbm4b:s5+s17], $0x80, s29, s17, $0xb8;
	[tilespmem:$0x1CA80] =	vst v63  }
0xe8: {  	_ =	swait.ge [sflag:s19], $0x4000  }
0xe9: {  	[sflag:s19] =	ssyncset.done $0x0  }
0xea: {  	[sflag:s19] =	ssyncadd.s32 $0xFFFFC000  }
0xeb: {  	[spmem:s2] =	stream.indirect.scatter.add.f32 [tilespmem:s14], [sflag:$0x3], $0x80, s30, s17, $0xb8;
	[tilespmem:$0x1CA80] =	vst v63  }
0xec: {  	_ =	swait.ge [sflag:s20], $0x4000  }
0xed: {  	[sflag:s20] =	ssyncset.done $0x0  }
0xee: {  	[sflag:s20] =	ssyncadd.s32 $0xFFFFC000  }
0xef: {  	[spmem:s2] =	stream.indirect.scatter.add.f32 [tilespmem:s18], [sflag:$0x3], $0x80, s31, s17, $0xb8;
	[tilespmem:$0x1CA80] =	vst v63  }
0xf0: {  	_ =	swait.ge [sflag:s22], $0x4000  }
0xf1: {  	[sflag:s22] =	ssyncset.done $0x0  }
0xf2: {  	[sflag:s22] =	ssyncadd.s32 $0xFFFFC000  }
0xf3: {  	_ =	swait.ge [sflag:s22], $0x4000  }
0xf4: {  	[sflag:s22] =	ssyncset.done $0x0  }
0xf5: {  	[sflag:s22] =	ssyncadd.s32 $0xFFFFC000  }
0xf6: {  	[tilespmem:s14], [sflag:$0x1] =	stream.indirect.gather [hbm4b:s5+s17], $0x80, s0, s17, $0xb8;
	[tilespmem:$0x1CA80] =	vst v63  }
0xf7: {  	_ = 	snop  }
0xf8: {  	[tilespmem:s18], [sflag:$0x2] =	stream.indirect.gather [hbm4b:s5+s17], $0x80, s1, s17, $0xb8;
	[tilespmem:$0x1CA80] =	vst v63  }
0xf9: {  	_ =	swait.ge [sflag:s19], $0x4000  }
0xfa: {  	[sflag:s19] =	ssyncset.done $0x0  }
0xfb: {  	[sflag:s19] =	ssyncadd.s32 $0xFFFFC000  }
0xfc: {  	[spmem:s2] =	stream.indirect.scatter.add.f32 [tilespmem:s14], [sflag:$0x3], $0x80, s6, s17, $0xb8;
	[tilespmem:$0x1CA80] =	vst v63  }
0xfd: {  	_ =	swait.ge [sflag:s20], $0x4000  }
0xfe: {  	[sflag:s20] =	ssyncset.done $0x0  }
0xff: {  	[sflag:s20] =	ssyncadd.s32 $0xFFFFC000  }
0x100: {  	[spmem:s2] =	stream.indirect.scatter.add.f32 [tilespmem:s18], [sflag:$0x3], $0x80, s9, s17, $0xb8;
	[tilespmem:$0x1CA80] =	vst v63  }
0x101: {  	_ =	swait.ge [sflag:s22], $0x4000  }
0x102: {  	[sflag:s22] =	ssyncset.done $0x0  }
0x103: {  	[sflag:s22] =	ssyncadd.s32 $0xFFFFC000  }
0x104: {  	_ =	swait.ge [sflag:s22], $0x4000  }
0x105: {  	[sflag:s22] =	ssyncset.done $0x0  }
0x106: {  	s10 =	simm.s32 $0x400;
	[sflag:s22] =	ssyncadd.s32 $0xFFFFC000  }
0x107: {  	[tilespmem:s14], [sflag:$0x1] =	stream.indirect.gather [hbm4b:s5+s17], $0x80, s10, s17, $0xb8;
	[tilespmem:$0x1CA80] =	vst v63  }
0x108: {  	s10 =	simm.s32 $0x480  }
0x109: {  	[tilespmem:s18], [sflag:$0x2] =	stream.indirect.gather [hbm4b:s5+s17], $0x80, s10, s17, $0xb8;
	[tilespmem:$0x1CA80] =	vst v63  }
0x10a: {  	_ =	swait.ge [sflag:s19], $0x4000  }
0x10b: {  	[sflag:s19] =	ssyncset.done $0x0  }
0x10c: {  	s10 =	simm.s32 $0xC00;
	[sflag:s19] =	ssyncadd.s32 $0xFFFFC000  }
0x10d: {  	[spmem:s2] =	stream.indirect.scatter.add.f32 [tilespmem:s14], [sflag:$0x3], $0x80, s10, s17, $0xb8;
	[tilespmem:$0x1CA80] =	vst v63  }
0x10e: {  	_ =	swait.ge [sflag:s20], $0x4000  }
0x10f: {  	[sflag:s20] =	ssyncset.done $0x0  }
0x110: {  	s10 =	simm.s32 $0xC80;
	[sflag:s20] =	ssyncadd.s32 $0xFFFFC000  }
0x111: {  	[spmem:s2] =	stream.indirect.scatter.add.f32 [tilespmem:s18], [sflag:$0x3], $0x80, s10, s17, $0xb8;
	[tilespmem:$0x1CA80] =	vst v63  }
0x112: {  	_ =	swait.ge [sflag:s22], $0x4000  }
0x113: {  	[sflag:s22] =	ssyncset.done $0x0  }
0x114: {  	[sflag:s22] =	ssyncadd.s32 $0xFFFFC000  }
0x115: {  	_ =	swait.ge [sflag:s22], $0x4000  }
0x116: {  	[sflag:s22] =	ssyncset.done $0x0  }
0x117: {  	s10 =	simm.s32 $0x500;
	[sflag:s22] =	ssyncadd.s32 $0xFFFFC000  }
0x118: {  	[tilespmem:s14], [sflag:$0x1] =	stream.indirect.gather [hbm4b:s5+s17], $0x80, s10, s17, $0xb8;
	[tilespmem:$0x1CA80] =	vst v63  }
0x119: {  	s10 =	simm.s32 $0x580  }
0x11a: {  	[tilespmem:s18], [sflag:$0x2] =	stream.indirect.gather [hbm4b:s5+s17], $0x80, s10, s17, $0xb8;
	[tilespmem:$0x1CA80] =	vst v63  }
0x11b: {  	_ =	swait.ge [sflag:s19], $0x4000  }
0x11c: {  	[sflag:s19] =	ssyncset.done $0x0  }
0x11d: {  	s10 =	simm.s32 $0xD00;
	[sflag:s19] =	ssyncadd.s32 $0xFFFFC000  }
0x11e: {  	[spmem:s2] =	stream.indirect.scatter.add.f32 [tilespmem:s14], [sflag:$0x3], $0x80, s10, s17, $0xb8;
	[tilespmem:$0x1CA80] =	vst v63  }
0x11f: {  	_ =	swait.ge [sflag:s20], $0x4000  }
0x120: {  	[sflag:s20] =	ssyncset.done $0x0  }
0x121: {  	s10 =	simm.s32 $0xD80;
	[sflag:s20] =	ssyncadd.s32 $0xFFFFC000  }
0x122: {  	[spmem:s2] =	stream.indirect.scatter.add.f32 [tilespmem:s18], [sflag:$0x3], $0x80, s10, s17, $0xb8;
	[tilespmem:$0x1CA80] =	vst v63  }
0x123: {  	_ =	swait.ge [sflag:s22], $0x4000  }
0x124: {  	[sflag:s22] =	ssyncset.done $0x0  }
0x125: {  	[sflag:s22] =	ssyncadd.s32 $0xFFFFC000  }
0x126: {  	_ =	swait.ge [sflag:s22], $0x4000  }
0x127: {  	[sflag:s22] =	ssyncset.done $0x0  }
0x128: {  	s10 =	simm.s32 $0x600;
	[sflag:s22] =	ssyncadd.s32 $0xFFFFC000  }
0x129: {  	[tilespmem:s14], [sflag:$0x1] =	stream.indirect.gather [hbm4b:s5+s17], $0x80, s10, s17, $0xb8;
	[tilespmem:$0x1CA80] =	vst v63  }
0x12a: {  	s10 =	simm.s32 $0x680  }
0x12b: {  	[tilespmem:s18], [sflag:$0x2] =	stream.indirect.gather [hbm4b:s5+s17], $0x80, s10, s17, $0xb8;
	[tilespmem:$0x1CA80] =	vst v63  }
0x12c: {  	_ =	swait.ge [sflag:s19], $0x4000  }
0x12d: {  	[sflag:s19] =	ssyncset.done $0x0  }
0x12e: {  	s10 =	simm.s32 $0xE00;
	[sflag:s19] =	ssyncadd.s32 $0xFFFFC000  }
0x12f: {  	[spmem:s2] =	stream.indirect.scatter.add.f32 [tilespmem:s14], [sflag:$0x3], $0x80, s10, s17, $0xb8;
	[tilespmem:$0x1CA80] =	vst v63  }
0x130: {  	_ =	swait.ge [sflag:s20], $0x4000  }
0x131: {  	[sflag:s20] =	ssyncset.done $0x0  }
0x132: {  	s10 =	simm.s32 $0xE80;
	[sflag:s20] =	ssyncadd.s32 $0xFFFFC000  }
0x133: {  	[spmem:s2] =	stream.indirect.scatter.add.f32 [tilespmem:s18], [sflag:$0x3], $0x80, s10, s17, $0xb8;
	[tilespmem:$0x1CA80] =	vst v63  }
0x134: {  	_ =	swait.ge [sflag:s22], $0x4000  }
0x135: {  	[sflag:s22] =	ssyncset.done $0x0  }
0x136: {  	[sflag:s22] =	ssyncadd.s32 $0xFFFFC000  }
0x137: {  	_ =	swait.ge [sflag:s22], $0x4000  }
0x138: {  	[sflag:s22] =	ssyncset.done $0x0  }
0x139: {  	s10 =	simm.s32 $0x700;
	[sflag:s22] =	ssyncadd.s32 $0xFFFFC000  }
0x13a: {  	[tilespmem:s14], [sflag:$0x1] =	stream.indirect.gather [hbm4b:s5+s17], $0x80, s10, s17, $0xb8;
	[tilespmem:$0x1CA80] =	vst v63  }
0x13b: {  	s10 =	simm.s32 $0x780  }
0x13c: {  	[tilespmem:s18], [sflag:$0x2] =	stream.indirect.gather [hbm4b:s5+s17], $0x80, s10, s17, $0xb8;
	[tilespmem:$0x1CA80] =	vst v63  }
0x13d: {  	_ =	swait.ge [sflag:s19], $0x4000  }
0x13e: {  	[sflag:s19] =	ssyncset.done $0x0  }
0x13f: {  	s10 =	simm.s32 $0xF00;
	[sflag:s19] =	ssyncadd.s32 $0xFFFFC000  }
0x140: {  	[spmem:s2] =	stream.indirect.scatter.add.f32 [tilespmem:s14], [sflag:$0x3], $0x80, s10, s17, $0xb8;
	[tilespmem:$0x1CA80] =	vst v63  }
0x141: {  	_ =	swait.ge [sflag:s20], $0x4000  }
0x142: {  	[sflag:s20] =	ssyncset.done $0x0  }
0x143: {  	s10 =	simm.s32 $0xF80;
	[sflag:s20] =	ssyncadd.s32 $0xFFFFC000  }
0x144: {  	[spmem:s2] =	stream.indirect.scatter.add.f32 [tilespmem:s18], [sflag:$0x3], $0x80, s10, s17, $0xb8;
	[tilespmem:$0x1CA80] =	vst v63  }
.Ltmp3:
0x145: {  	_ =	swait.ge [sflag:s22], $0x4000;
	(pc) =	sbr.rel @p2 .LBB2_8-.Ltmp3, $4  }
0x146: {  	[sflag:s22] =	ssyncset.done $0x0  }
0x147: {  	[sflag:s22] =	ssyncadd.s32 $0xFFFFC000  }
0x148: {  	_ =	swait.ge [sflag:s22], $0x4000  }
0x149: {  	s10 =	smov.u32 s8;
	[sflag:s22] =	ssyncset.done $0x0  }
0x14a: {  	s8 =	sadd.s32 s13, s12;
	[sflag:s22] =	ssyncadd.s32 $0xFFFFC000  }
0x14b: {  	[tilespmem:s3], [sflag:$0x4] =	stream.linear.gather [hbm4b:s8+s3], $0x800, $0x38;
	[tilespmem:$0x1CA80] =	vst v63  }
0x14c: {  	_ =	swait.ge [sflag:s15], $0x800  }
0x14d: {  	[sflag:s15] =	ssyncset.done $0x0  }
0x14e: {  	s13 =	sadd.s32 s13, s11;
	[sflag:s15] =	ssyncadd.s32 $0xFFFFF800  }
0x14f: {  	[tilespmem:s16], [sflag:$0x4] =	stream.linear.gather [hbm4b:s13+s3], $0x800, $0x38;
	[tilespmem:$0x1CA80] =	vst v63  }
0x150: {  	_ =	swait.ge [sflag:s15], $0x800  }
0x151: {  	[sflag:s15] =	ssyncset.done $0x0  }
0x152: {  	[sflag:s15] =	ssyncadd.s32 $0xFFFFF800  }
0x153: {  	[tilespmem:s14], [sflag:$0x1] =	stream.indirect.gather [hbm4b:s5+s17], $0x80, s3, s17, $0xb8;
	[tilespmem:$0x1CA80] =	vst v63  }
0x154: {  	_ = 	snop  }
0x155: {  	[tilespmem:s18], [sflag:$0x2] =	stream.indirect.gather [hbm4b:s5+s17], $0x80, s17, s17, $0xb8;
	[tilespmem:$0x1CA80] =	vst v63  }
0x156: {  	_ =	swait.ge [sflag:s19], $0x4000  }
0x157: {  	[sflag:s19] =	ssyncset.done $0x0  }
0x158: {  	[sflag:s19] =	ssyncadd.s32 $0xFFFFC000  }
0x159: {  	[spmem:s2] =	stream.indirect.scatter.add.f32 [tilespmem:s14], [sflag:$0x3], $0x80, s16, s17, $0xb8;
	[tilespmem:$0x1CA80] =	vst v63  }
0x15a: {  	_ =	swait.ge [sflag:s20], $0x4000  }
0x15b: {  	[sflag:s20] =	ssyncset.done $0x0  }
0x15c: {  	[sflag:s20] =	ssyncadd.s32 $0xFFFFC000  }
0x15d: {  	[spmem:s2] =	stream.indirect.scatter.add.f32 [tilespmem:s18], [sflag:$0x3], $0x80, s21, s17, $0xb8;
	[tilespmem:$0x1CA80] =	vst v63  }
0x15e: {  	_ =	swait.ge [sflag:s22], $0x4000  }
0x15f: {  	[sflag:s22] =	ssyncset.done $0x0  }
0x160: {  	[sflag:s22] =	ssyncadd.s32 $0xFFFFC000  }
0x161: {  	_ =	swait.ge [sflag:s22], $0x4000  }
0x162: {  	[sflag:s22] =	ssyncset.done $0x0  }
0x163: {  	[sflag:s22] =	ssyncadd.s32 $0xFFFFC000  }
0x164: {  	[tilespmem:s14], [sflag:$0x1] =	stream.indirect.gather [hbm4b:s5+s17], $0x80, s23, s17, $0xb8;
	[tilespmem:$0x1CA80] =	vst v63  }
0x165: {  	_ = 	snop  }
0x166: {  	[tilespmem:s18], [sflag:$0x2] =	stream.indirect.gather [hbm4b:s5+s17], $0x80, s24, s17, $0xb8;
	[tilespmem:$0x1CA80] =	vst v63  }
0x167: {  	_ =	swait.ge [sflag:s19], $0x4000  }
0x168: {  	[sflag:s19] =	ssyncset.done $0x0  }
0x169: {  	[sflag:s19] =	ssyncadd.s32 $0xFFFFC000  }
0x16a: {  	[spmem:s2] =	stream.indirect.scatter.add.f32 [tilespmem:s14], [sflag:$0x3], $0x80, s25, s17, $0xb8;
	[tilespmem:$0x1CA80] =	vst v63  }
0x16b: {  	_ =	swait.ge [sflag:s20], $0x4000  }
0x16c: {  	[sflag:s20] =	ssyncset.done $0x0  }
0x16d: {  	[sflag:s20] =	ssyncadd.s32 $0xFFFFC000  }
0x16e: {  	[spmem:s2] =	stream.indirect.scatter.add.f32 [tilespmem:s18], [sflag:$0x3], $0x80, s26, s17, $0xb8;
	[tilespmem:$0x1CA80] =	vst v63  }
0x16f: {  	_ =	swait.ge [sflag:s22], $0x4000  }
0x170: {  	[sflag:s22] =	ssyncset.done $0x0  }
0x171: {  	[sflag:s22] =	ssyncadd.s32 $0xFFFFC000  }
0x172: {  	_ =	swait.ge [sflag:s22], $0x4000  }
0x173: {  	[sflag:s22] =	ssyncset.done $0x0  }
0x174: {  	[sflag:s22] =	ssyncadd.s32 $0xFFFFC000  }
0x175: {  	[tilespmem:s14], [sflag:$0x1] =	stream.indirect.gather [hbm4b:s5+s17], $0x80, s28, s17, $0xb8;
	[tilespmem:$0x1CA80] =	vst v63  }
0x176: {  	_ = 	snop  }
0x177: {  	[tilespmem:s18], [sflag:$0x2] =	stream.indirect.gather [hbm4b:s5+s17], $0x80, s29, s17, $0xb8;
	[tilespmem:$0x1CA80] =	vst v63  }
0x178: {  	_ =	swait.ge [sflag:s19], $0x4000  }
0x179: {  	[sflag:s19] =	ssyncset.done $0x0  }
0x17a: {  	[sflag:s19] =	ssyncadd.s32 $0xFFFFC000  }
0x17b: {  	[spmem:s2] =	stream.indirect.scatter.add.f32 [tilespmem:s14], [sflag:$0x3], $0x80, s30, s17, $0xb8;
	[tilespmem:$0x1CA80] =	vst v63  }
0x17c: {  	_ =	swait.ge [sflag:s20], $0x4000  }
0x17d: {  	[sflag:s20] =	ssyncset.done $0x0  }
0x17e: {  	[sflag:s20] =	ssyncadd.s32 $0xFFFFC000  }
0x17f: {  	[spmem:s2] =	stream.indirect.scatter.add.f32 [tilespmem:s18], [sflag:$0x3], $0x80, s31, s17, $0xb8;
	[tilespmem:$0x1CA80] =	vst v63  }
0x180: {  	_ =	swait.ge [sflag:s22], $0x4000  }
0x181: {  	[sflag:s22] =	ssyncset.done $0x0  }
0x182: {  	[sflag:s22] =	ssyncadd.s32 $0xFFFFC000  }
0x183: {  	_ =	swait.ge [sflag:s22], $0x4000  }
0x184: {  	[sflag:s22] =	ssyncset.done $0x0  }
0x185: {  	[sflag:s22] =	ssyncadd.s32 $0xFFFFC000  }
0x186: {  	[tilespmem:s14], [sflag:$0x1] =	stream.indirect.gather [hbm4b:s5+s17], $0x80, s0, s17, $0xb8;
	[tilespmem:$0x1CA80] =	vst v63  }
0x187: {  	_ = 	snop  }
0x188: {  	[tilespmem:s18], [sflag:$0x2] =	stream.indirect.gather [hbm4b:s5+s17], $0x80, s1, s17, $0xb8;
	[tilespmem:$0x1CA80] =	vst v63  }
0x189: {  	_ =	swait.ge [sflag:s19], $0x4000  }
0x18a: {  	[sflag:s19] =	ssyncset.done $0x0  }
0x18b: {  	[sflag:s19] =	ssyncadd.s32 $0xFFFFC000  }
0x18c: {  	[spmem:s2] =	stream.indirect.scatter.add.f32 [tilespmem:s14], [sflag:$0x3], $0x80, s6, s17, $0xb8;
	[tilespmem:$0x1CA80] =	vst v63  }
0x18d: {  	_ =	swait.ge [sflag:s20], $0x4000  }
0x18e: {  	[sflag:s20] =	ssyncset.done $0x0  }
0x18f: {  	[sflag:s20] =	ssyncadd.s32 $0xFFFFC000  }
0x190: {  	[spmem:s2] =	stream.indirect.scatter.add.f32 [tilespmem:s18], [sflag:$0x3], $0x80, s9, s17, $0xb8;
	[tilespmem:$0x1CA80] =	vst v63  }
0x191: {  	_ =	swait.ge [sflag:s22], $0x4000  }
0x192: {  	[sflag:s22] =	ssyncset.done $0x0  }
0x193: {  	[sflag:s22] =	ssyncadd.s32 $0xFFFFC000  }
0x194: {  	_ =	swait.ge [sflag:s22], $0x4000  }
0x195: {  	[sflag:s22] =	ssyncset.done $0x0  }
0x196: {  	s21 =	simm.s32 $0x400;
	[sflag:s22] =	ssyncadd.s32 $0xFFFFC000  }
0x197: {  	[tilespmem:s14], [sflag:$0x1] =	stream.indirect.gather [hbm4b:s5+s17], $0x80, s21, s17, $0xb8;
	[tilespmem:$0x1CA80] =	vst v63  }
0x198: {  	s23 =	simm.s32 $0x480  }
0x199: {  	[tilespmem:s18], [sflag:$0x2] =	stream.indirect.gather [hbm4b:s5+s17], $0x80, s23, s17, $0xb8;
	[tilespmem:$0x1CA80] =	vst v63  }
0x19a: {  	_ =	swait.ge [sflag:s19], $0x4000  }
0x19b: {  	[sflag:s19] =	ssyncset.done $0x0  }
0x19c: {  	s24 =	simm.s32 $0xC00;
	[sflag:s19] =	ssyncadd.s32 $0xFFFFC000  }
0x19d: {  	[spmem:s2] =	stream.indirect.scatter.add.f32 [tilespmem:s14], [sflag:$0x3], $0x80, s24, s17, $0xb8;
	[tilespmem:$0x1CA80] =	vst v63  }
0x19e: {  	_ =	swait.ge [sflag:s20], $0x4000  }
0x19f: {  	[sflag:s20] =	ssyncset.done $0x0  }
0x1a0: {  	s25 =	simm.s32 $0xC80;
	[sflag:s20] =	ssyncadd.s32 $0xFFFFC000  }
0x1a1: {  	[spmem:s2] =	stream.indirect.scatter.add.f32 [tilespmem:s18], [sflag:$0x3], $0x80, s25, s17, $0xb8;
	[tilespmem:$0x1CA80] =	vst v63  }
0x1a2: {  	_ =	swait.ge [sflag:s22], $0x4000  }
0x1a3: {  	[sflag:s22] =	ssyncset.done $0x0  }
0x1a4: {  	[sflag:s22] =	ssyncadd.s32 $0xFFFFC000  }
0x1a5: {  	_ =	swait.ge [sflag:s22], $0x4000  }
0x1a6: {  	[sflag:s22] =	ssyncset.done $0x0  }
0x1a7: {  	s26 =	simm.s32 $0x500;
	[sflag:s22] =	ssyncadd.s32 $0xFFFFC000  }
0x1a8: {  	[tilespmem:s14], [sflag:$0x1] =	stream.indirect.gather [hbm4b:s5+s17], $0x80, s26, s17, $0xb8;
	[tilespmem:$0x1CA80] =	vst v63  }
0x1a9: {  	s1 =	simm.s32 $0x580  }
0x1aa: {  	[tilespmem:s18], [sflag:$0x2] =	stream.indirect.gather [hbm4b:s5+s17], $0x80, s1, s17, $0xb8;
	[tilespmem:$0x1CA80] =	vst v63  }
0x1ab: {  	_ =	swait.ge [sflag:s19], $0x4000  }
0x1ac: {  	[sflag:s19] =	ssyncset.done $0x0  }
0x1ad: {  	s6 =	simm.s32 $0xD00;
	[sflag:s19] =	ssyncadd.s32 $0xFFFFC000  }
0x1ae: {  	[spmem:s2] =	stream.indirect.scatter.add.f32 [tilespmem:s14], [sflag:$0x3], $0x80, s6, s17, $0xb8;
	[tilespmem:$0x1CA80] =	vst v63  }
0x1af: {  	_ =	swait.ge [sflag:s20], $0x4000  }
0x1b0: {  	[sflag:s20] =	ssyncset.done $0x0  }
0x1b1: {  	s8 =	simm.s32 $0xD80;
	[sflag:s20] =	ssyncadd.s32 $0xFFFFC000  }
0x1b2: {  	[spmem:s2] =	stream.indirect.scatter.add.f32 [tilespmem:s18], [sflag:$0x3], $0x80, s8, s17, $0xb8;
	[tilespmem:$0x1CA80] =	vst v63  }
0x1b3: {  	_ =	swait.ge [sflag:s22], $0x4000  }
0x1b4: {  	[sflag:s22] =	ssyncset.done $0x0  }
0x1b5: {  	[sflag:s22] =	ssyncadd.s32 $0xFFFFC000  }
0x1b6: {  	_ =	swait.ge [sflag:s22], $0x4000  }
0x1b7: {  	[sflag:s22] =	ssyncset.done $0x0  }
0x1b8: {  	s9 =	simm.s32 $0x600;
	[sflag:s22] =	ssyncadd.s32 $0xFFFFC000  }
0x1b9: {  	[tilespmem:s14], [sflag:$0x1] =	stream.indirect.gather [hbm4b:s5+s17], $0x80, s9, s17, $0xb8;
	[tilespmem:$0x1CA80] =	vst v63  }
0x1ba: {  	s10 =	simm.s32 $0x680  }
0x1bb: {  	[tilespmem:s18], [sflag:$0x2] =	stream.indirect.gather [hbm4b:s5+s17], $0x80, s10, s17, $0xb8;
	[tilespmem:$0x1CA80] =	vst v63  }
0x1bc: {  	_ =	swait.ge [sflag:s19], $0x4000  }
0x1bd: {  	[sflag:s19] =	ssyncset.done $0x0  }
0x1be: {  	s13 =	simm.s32 $0xE00;
	[sflag:s19] =	ssyncadd.s32 $0xFFFFC000  }
0x1bf: {  	[spmem:s2] =	stream.indirect.scatter.add.f32 [tilespmem:s14], [sflag:$0x3], $0x80, s13, s17, $0xb8;
	[tilespmem:$0x1CA80] =	vst v63  }
0x1c0: {  	_ =	swait.ge [sflag:s20], $0x4000  }
0x1c1: {  	[sflag:s20] =	ssyncset.done $0x0  }
0x1c2: {  	s21 =	simm.s32 $0xE80;
	[sflag:s20] =	ssyncadd.s32 $0xFFFFC000  }
0x1c3: {  	[spmem:s2] =	stream.indirect.scatter.add.f32 [tilespmem:s18], [sflag:$0x3], $0x80, s21, s17, $0xb8;
	[tilespmem:$0x1CA80] =	vst v63  }
0x1c4: {  	_ =	swait.ge [sflag:s22], $0x4000  }
0x1c5: {  	[sflag:s22] =	ssyncset.done $0x0  }
0x1c6: {  	[sflag:s22] =	ssyncadd.s32 $0xFFFFC000  }
0x1c7: {  	_ =	swait.ge [sflag:s22], $0x4000  }
0x1c8: {  	[sflag:s22] =	ssyncset.done $0x0  }
0x1c9: {  	s23 =	simm.s32 $0x700;
	[sflag:s22] =	ssyncadd.s32 $0xFFFFC000  }
0x1ca: {  	[tilespmem:s14], [sflag:$0x1] =	stream.indirect.gather [hbm4b:s5+s17], $0x80, s23, s17, $0xb8;
	[tilespmem:$0x1CA80] =	vst v63  }
0x1cb: {  	s24 =	simm.s32 $0x780  }
0x1cc: {  	[tilespmem:s18], [sflag:$0x2] =	stream.indirect.gather [hbm4b:s5+s17], $0x80, s24, s17, $0xb8;
	[tilespmem:$0x1CA80] =	vst v63  }
0x1cd: {  	_ =	swait.ge [sflag:s19], $0x4000  }
0x1ce: {  	[sflag:s19] =	ssyncset.done $0x0  }
0x1cf: {  	s25 =	simm.s32 $0xF00;
	[sflag:s19] =	ssyncadd.s32 $0xFFFFC000  }
0x1d0: {  	[spmem:s2] =	stream.indirect.scatter.add.f32 [tilespmem:s14], [sflag:$0x3], $0x80, s25, s17, $0xb8;
	[tilespmem:$0x1CA80] =	vst v63  }
0x1d1: {  	_ =	swait.ge [sflag:s20], $0x4000  }
0x1d2: {  	[sflag:s20] =	ssyncset.done $0x0  }
0x1d3: {  	s26 =	simm.s32 $0xF80;
	[sflag:s20] =	ssyncadd.s32 $0xFFFFC000  }
0x1d4: {  	[spmem:s2] =	stream.indirect.scatter.add.f32 [tilespmem:s18], [sflag:$0x3], $0x80, s26, s17, $0xb8;
	[tilespmem:$0x1CA80] =	vst v63  }
0x1d5: {  	s28 =	simm.s32 $0x280;
	s29 =	simm.s32 $0xA00;
	_ =	swait.ge [sflag:s22], $0x4000  }
.Ltmp4:
0x1d6: {  	s30 =	simm.s32 $0xA80;
	[sflag:s22] =	ssyncset.done $0x0;
	(pc) =	sbr.rel .LBB2_10-.Ltmp4, $4  }
0x1d7: {  	s31 =	simm.s32 $0x400;
	s0 =	simm.s32 $0x300;
	[sflag:s22] =	ssyncadd.s32 $0xFFFFC000  }
0x1d8: {  	s1 =	simm.s32 $0x380;
	s6 =	simm.s32 $0xB00;
	_ =	swait.ge [sflag:s22], $0x4000  }
0x1d9: {  	s9 =	simm.s32 $0xB80;
	s24 =	simm.s32 $0x900;
	[sflag:s22] =	ssyncset.done $0x0  }
0x1da: {  	s25 =	simm.s32 $0x980;
	s26 =	simm.s32 $0x200;
	[sflag:s22] =	ssyncadd.s32 $0xFFFFC000  }
.LBB2_4:
0x1db: {  	[tilespmem:s3], [sflag:$0x4] =	stream.linear.gather [hbm4b:s8+s3], $0x800, $0x38;
	[tilespmem:$0x1CA80] =	vst v63  }
0x1dc: {  	_ =	swait.ge [sflag:s15], $0x800  }
0x1dd: {  	[sflag:s15] =	ssyncset.done $0x0  }
0x1de: {  	s10 =	sadd.s32 $0x0, s11;
	[sflag:s15] =	ssyncadd.s32 $0xFFFFF800  }
0x1df: {  	[tilespmem:s16], [sflag:$0x4] =	stream.linear.gather [hbm4b:s10+s3], $0x800, $0x38;
	[tilespmem:$0x1CA80] =	vst v63  }
0x1e0: {  	_ =	swait.ge [sflag:s15], $0x800  }
0x1e1: {  	[sflag:s15] =	ssyncset.done $0x0  }
0x1e2: {  	[sflag:s15] =	ssyncadd.s32 $0xFFFFF800  }
0x1e3: {  	[tilespmem:s14], [sflag:$0x1] =	stream.indirect.gather [hbm4b:s4+s17], $0x80, s3, s17, $0xb8;
	[tilespmem:$0x1CA80] =	vst v63  }
0x1e4: {  	_ = 	snop  }
0x1e5: {  	[tilespmem:s18], [sflag:$0x2] =	stream.indirect.gather [hbm4b:s4+s17], $0x80, s17, s17, $0xb8;
	[tilespmem:$0x1CA80] =	vst v63  }
0x1e6: {  	_ =	swait.ge [sflag:s19], $0x4000  }
0x1e7: {  	[sflag:s19] =	ssyncset.done $0x0  }
0x1e8: {  	[sflag:s19] =	ssyncadd.s32 $0xFFFFC000  }
0x1e9: {  	[spmem:s2] =	stream.indirect.scatter.add.f32 [tilespmem:s14], [sflag:$0x3], $0x80, s16, s17, $0xb8;
	[tilespmem:$0x1CA80] =	vst v63  }
0x1ea: {  	_ =	swait.ge [sflag:s20], $0x4000  }
0x1eb: {  	[sflag:s20] =	ssyncset.done $0x0  }
0x1ec: {  	[sflag:s20] =	ssyncadd.s32 $0xFFFFC000  }
0x1ed: {  	[spmem:s2] =	stream.indirect.scatter.add.f32 [tilespmem:s18], [sflag:$0x3], $0x80, s13, s17, $0xb8;
	[tilespmem:$0x1CA80] =	vst v63  }
0x1ee: {  	_ =	swait.ge [sflag:s22], $0x4000  }
0x1ef: {  	[sflag:s22] =	ssyncset.done $0x0  }
0x1f0: {  	[sflag:s22] =	ssyncadd.s32 $0xFFFFC000  }
0x1f1: {  	_ =	swait.ge [sflag:s22], $0x4000  }
0x1f2: {  	[sflag:s22] =	ssyncset.done $0x0  }
0x1f3: {  	s13 =	simm.s32 $0x100;
	[sflag:s22] =	ssyncadd.s32 $0xFFFFC000  }
0x1f4: {  	[tilespmem:s14], [sflag:$0x1] =	stream.indirect.gather [hbm4b:s4+s17], $0x80, s13, s17, $0xb8;
	[tilespmem:$0x1CA80] =	vst v63  }
0x1f5: {  	_ = 	snop  }
0x1f6: {  	[tilespmem:s18], [sflag:$0x2] =	stream.indirect.gather [hbm4b:s4+s17], $0x80, s21, s17, $0xb8;
	[tilespmem:$0x1CA80] =	vst v63  }
0x1f7: {  	_ =	swait.ge [sflag:s19], $0x4000  }
0x1f8: {  	[sflag:s19] =	ssyncset.done $0x0  }
0x1f9: {  	[sflag:s19] =	ssyncadd.s32 $0xFFFFC000  }
0x1fa: {  	[spmem:s2] =	stream.indirect.scatter.add.f32 [tilespmem:s14], [sflag:$0x3], $0x80, s24, s17, $0xb8;
	[tilespmem:$0x1CA80] =	vst v63  }
0x1fb: {  	_ =	swait.ge [sflag:s20], $0x4000  }
0x1fc: {  	[sflag:s20] =	ssyncset.done $0x0  }
0x1fd: {  	[sflag:s20] =	ssyncadd.s32 $0xFFFFC000  }
0x1fe: {  	[spmem:s2] =	stream.indirect.scatter.add.f32 [tilespmem:s18], [sflag:$0x3], $0x80, s25, s17, $0xb8;
	[tilespmem:$0x1CA80] =	vst v63  }
0x1ff: {  	_ =	swait.ge [sflag:s22], $0x4000  }
0x200: {  	[sflag:s22] =	ssyncset.done $0x0  }
0x201: {  	[sflag:s22] =	ssyncadd.s32 $0xFFFFC000  }
0x202: {  	_ =	swait.ge [sflag:s22], $0x4000  }
0x203: {  	[sflag:s22] =	ssyncset.done $0x0  }
0x204: {  	[sflag:s22] =	ssyncadd.s32 $0xFFFFC000  }
0x205: {  	[tilespmem:s14], [sflag:$0x1] =	stream.indirect.gather [hbm4b:s4+s17], $0x80, s26, s17, $0xb8;
	[tilespmem:$0x1CA80] =	vst v63  }
0x206: {  	_ = 	snop  }
0x207: {  	[tilespmem:s18], [sflag:$0x2] =	stream.indirect.gather [hbm4b:s4+s17], $0x80, s28, s17, $0xb8;
	[tilespmem:$0x1CA80] =	vst v63  }
0x208: {  	_ =	swait.ge [sflag:s19], $0x4000  }
0x209: {  	[sflag:s19] =	ssyncset.done $0x0  }
0x20a: {  	[sflag:s19] =	ssyncadd.s32 $0xFFFFC000  }
0x20b: {  	[spmem:s2] =	stream.indirect.scatter.add.f32 [tilespmem:s14], [sflag:$0x3], $0x80, s29, s17, $0xb8;
	[tilespmem:$0x1CA80] =	vst v63  }
0x20c: {  	_ =	swait.ge [sflag:s20], $0x4000  }
0x20d: {  	[sflag:s20] =	ssyncset.done $0x0  }
0x20e: {  	[sflag:s20] =	ssyncadd.s32 $0xFFFFC000  }
0x20f: {  	[spmem:s2] =	stream.indirect.scatter.add.f32 [tilespmem:s18], [sflag:$0x3], $0x80, s30, s17, $0xb8;
	[tilespmem:$0x1CA80] =	vst v63  }
0x210: {  	_ =	swait.ge [sflag:s22], $0x4000  }
0x211: {  	[sflag:s22] =	ssyncset.done $0x0  }
0x212: {  	[sflag:s22] =	ssyncadd.s32 $0xFFFFC000  }
0x213: {  	_ =	swait.ge [sflag:s22], $0x4000  }
0x214: {  	[sflag:s22] =	ssyncset.done $0x0  }
0x215: {  	[sflag:s22] =	ssyncadd.s32 $0xFFFFC000  }
0x216: {  	[tilespmem:s14], [sflag:$0x1] =	stream.indirect.gather [hbm4b:s4+s17], $0x80, s0, s17, $0xb8;
	[tilespmem:$0x1CA80] =	vst v63  }
0x217: {  	_ = 	snop  }
0x218: {  	[tilespmem:s18], [sflag:$0x2] =	stream.indirect.gather [hbm4b:s4+s17], $0x80, s1, s17, $0xb8;
	[tilespmem:$0x1CA80] =	vst v63  }
0x219: {  	_ =	swait.ge [sflag:s19], $0x4000  }
0x21a: {  	[sflag:s19] =	ssyncset.done $0x0  }
0x21b: {  	[sflag:s19] =	ssyncadd.s32 $0xFFFFC000  }
0x21c: {  	[spmem:s2] =	stream.indirect.scatter.add.f32 [tilespmem:s14], [sflag:$0x3], $0x80, s6, s17, $0xb8;
	[tilespmem:$0x1CA80] =	vst v63  }
0x21d: {  	_ =	swait.ge [sflag:s20], $0x4000  }
0x21e: {  	[sflag:s20] =	ssyncset.done $0x0  }
0x21f: {  	[sflag:s20] =	ssyncadd.s32 $0xFFFFC000  }
0x220: {  	[spmem:s2] =	stream.indirect.scatter.add.f32 [tilespmem:s18], [sflag:$0x3], $0x80, s9, s17, $0xb8;
	[tilespmem:$0x1CA80] =	vst v63  }
0x221: {  	_ =	swait.ge [sflag:s22], $0x4000  }
0x222: {  	[sflag:s22] =	ssyncset.done $0x0  }
0x223: {  	[sflag:s22] =	ssyncadd.s32 $0xFFFFC000  }
0x224: {  	_ =	swait.ge [sflag:s22], $0x4000  }
0x225: {  	[sflag:s22] =	ssyncset.done $0x0  }
0x226: {  	[sflag:s22] =	ssyncadd.s32 $0xFFFFC000  }
0x227: {  	[tilespmem:s14], [sflag:$0x1] =	stream.indirect.gather [hbm4b:s4+s17], $0x80, s31, s17, $0xb8;
	[tilespmem:$0x1CA80] =	vst v63  }
0x228: {  	s23 =	simm.s32 $0x480  }
0x229: {  	[tilespmem:s18], [sflag:$0x2] =	stream.indirect.gather [hbm4b:s4+s17], $0x80, s23, s17, $0xb8;
	[tilespmem:$0x1CA80] =	vst v63  }
0x22a: {  	_ =	swait.ge [sflag:s19], $0x4000  }
0x22b: {  	[sflag:s19] =	ssyncset.done $0x0  }
0x22c: {  	s24 =	simm.s32 $0xC00;
	[sflag:s19] =	ssyncadd.s32 $0xFFFFC000  }
0x22d: {  	[spmem:s2] =	stream.indirect.scatter.add.f32 [tilespmem:s14], [sflag:$0x3], $0x80, s24, s17, $0xb8;
	[tilespmem:$0x1CA80] =	vst v63  }
0x22e: {  	_ =	swait.ge [sflag:s20], $0x4000  }
0x22f: {  	[sflag:s20] =	ssyncset.done $0x0  }
0x230: {  	s25 =	simm.s32 $0xC80;
	[sflag:s20] =	ssyncadd.s32 $0xFFFFC000  }
0x231: {  	[spmem:s2] =	stream.indirect.scatter.add.f32 [tilespmem:s18], [sflag:$0x3], $0x80, s25, s17, $0xb8;
	[tilespmem:$0x1CA80] =	vst v63  }
0x232: {  	_ =	swait.ge [sflag:s22], $0x4000  }
0x233: {  	[sflag:s22] =	ssyncset.done $0x0  }
0x234: {  	[sflag:s22] =	ssyncadd.s32 $0xFFFFC000  }
0x235: {  	_ =	swait.ge [sflag:s22], $0x4000  }
0x236: {  	[sflag:s22] =	ssyncset.done $0x0  }
0x237: {  	s26 =	simm.s32 $0x500;
	[sflag:s22] =	ssyncadd.s32 $0xFFFFC000  }
0x238: {  	[tilespmem:s14], [sflag:$0x1] =	stream.indirect.gather [hbm4b:s4+s17], $0x80, s26, s17, $0xb8;
	[tilespmem:$0x1CA80] =	vst v63  }
0x239: {  	s1 =	simm.s32 $0x580  }
0x23a: {  	[tilespmem:s18], [sflag:$0x2] =	stream.indirect.gather [hbm4b:s4+s17], $0x80, s1, s17, $0xb8;
	[tilespmem:$0x1CA80] =	vst v63  }
0x23b: {  	_ =	swait.ge [sflag:s19], $0x4000  }
0x23c: {  	[sflag:s19] =	ssyncset.done $0x0  }
0x23d: {  	s6 =	simm.s32 $0xD00;
	[sflag:s19] =	ssyncadd.s32 $0xFFFFC000  }
0x23e: {  	[spmem:s2] =	stream.indirect.scatter.add.f32 [tilespmem:s14], [sflag:$0x3], $0x80, s6, s17, $0xb8;
	[tilespmem:$0x1CA80] =	vst v63  }
0x23f: {  	_ =	swait.ge [sflag:s20], $0x4000  }
0x240: {  	[sflag:s20] =	ssyncset.done $0x0  }
0x241: {  	s8 =	simm.s32 $0xD80;
	[sflag:s20] =	ssyncadd.s32 $0xFFFFC000  }
0x242: {  	[spmem:s2] =	stream.indirect.scatter.add.f32 [tilespmem:s18], [sflag:$0x3], $0x80, s8, s17, $0xb8;
	[tilespmem:$0x1CA80] =	vst v63  }
0x243: {  	_ =	swait.ge [sflag:s22], $0x4000  }
0x244: {  	[sflag:s22] =	ssyncset.done $0x0  }
0x245: {  	[sflag:s22] =	ssyncadd.s32 $0xFFFFC000  }
0x246: {  	_ =	swait.ge [sflag:s22], $0x4000  }
0x247: {  	[sflag:s22] =	ssyncset.done $0x0  }
0x248: {  	s9 =	simm.s32 $0x600;
	[sflag:s22] =	ssyncadd.s32 $0xFFFFC000  }
0x249: {  	[tilespmem:s14], [sflag:$0x1] =	stream.indirect.gather [hbm4b:s4+s17], $0x80, s9, s17, $0xb8;
	[tilespmem:$0x1CA80] =	vst v63  }
0x24a: {  	s10 =	simm.s32 $0x680  }
0x24b: {  	[tilespmem:s18], [sflag:$0x2] =	stream.indirect.gather [hbm4b:s4+s17], $0x80, s10, s17, $0xb8;
	[tilespmem:$0x1CA80] =	vst v63  }
0x24c: {  	_ =	swait.ge [sflag:s19], $0x4000  }
0x24d: {  	[sflag:s19] =	ssyncset.done $0x0  }
0x24e: {  	s13 =	simm.s32 $0xE00;
	[sflag:s19] =	ssyncadd.s32 $0xFFFFC000  }
0x24f: {  	[spmem:s2] =	stream.indirect.scatter.add.f32 [tilespmem:s14], [sflag:$0x3], $0x80, s13, s17, $0xb8;
	[tilespmem:$0x1CA80] =	vst v63  }
0x250: {  	_ =	swait.ge [sflag:s20], $0x4000  }
0x251: {  	[sflag:s20] =	ssyncset.done $0x0  }
0x252: {  	s21 =	simm.s32 $0xE80;
	[sflag:s20] =	ssyncadd.s32 $0xFFFFC000  }
0x253: {  	[spmem:s2] =	stream.indirect.scatter.add.f32 [tilespmem:s18], [sflag:$0x3], $0x80, s21, s17, $0xb8;
	[tilespmem:$0x1CA80] =	vst v63  }
0x254: {  	_ =	swait.ge [sflag:s22], $0x4000  }
0x255: {  	[sflag:s22] =	ssyncset.done $0x0  }
0x256: {  	[sflag:s22] =	ssyncadd.s32 $0xFFFFC000  }
0x257: {  	_ =	swait.ge [sflag:s22], $0x4000  }
0x258: {  	[sflag:s22] =	ssyncset.done $0x0  }
0x259: {  	s23 =	simm.s32 $0x700;
	[sflag:s22] =	ssyncadd.s32 $0xFFFFC000  }
0x25a: {  	[tilespmem:s14], [sflag:$0x1] =	stream.indirect.gather [hbm4b:s4+s17], $0x80, s23, s17, $0xb8;
	[tilespmem:$0x1CA80] =	vst v63  }
0x25b: {  	s24 =	simm.s32 $0x780  }
0x25c: {  	[tilespmem:s18], [sflag:$0x2] =	stream.indirect.gather [hbm4b:s4+s17], $0x80, s24, s17, $0xb8;
	[tilespmem:$0x1CA80] =	vst v63  }
0x25d: {  	_ =	swait.ge [sflag:s19], $0x4000  }
0x25e: {  	[sflag:s19] =	ssyncset.done $0x0  }
0x25f: {  	s25 =	simm.s32 $0xF00;
	[sflag:s19] =	ssyncadd.s32 $0xFFFFC000  }
0x260: {  	[spmem:s2] =	stream.indirect.scatter.add.f32 [tilespmem:s14], [sflag:$0x3], $0x80, s25, s17, $0xb8;
	[tilespmem:$0x1CA80] =	vst v63  }
0x261: {  	_ =	swait.ge [sflag:s20], $0x4000  }
0x262: {  	s28 =	simm.s32 $0x200;
	s29 =	simm.s32 $0x280;
	[sflag:s20] =	ssyncset.done $0x0  }
0x263: {  	s30 =	simm.s32 $0xA00;
	s26 =	simm.s32 $0xF80;
	[sflag:s20] =	ssyncadd.s32 $0xFFFFC000  }
0x264: {  	[spmem:s2] =	stream.indirect.scatter.add.f32 [tilespmem:s18], [sflag:$0x3], $0x80, s26, s17, $0xb8;
	[tilespmem:$0x1CA80] =	vst v63  }
0x265: {  	s0 =	simm.s32 $0x300;
	s31 =	simm.s32 $0xA80;
	_ =	swait.ge [sflag:s22], $0x4000  }
0x266: {  	s1 =	simm.s32 $0x380;
	s6 =	simm.s32 $0xB00;
	[sflag:s22] =	ssyncset.done $0x0  }
0x267: {  	s9 =	simm.s32 $0xB80;
	s10 =	simm.s32 $0x200;
	[sflag:s22] =	ssyncadd.s32 $0xFFFFC000  }
0x268: {  	s13 =	simm.s32 $0x100;
	s24 =	simm.s32 $0x180;
	_ =	swait.ge [sflag:s22], $0x4000  }
0x269: {  	s25 =	simm.s32 $0x900;
	s26 =	simm.s32 $0x980;
	[sflag:s22] =	ssyncset.done $0x0  }
.LBB2_5:
0x26a: {  	s21 =	sadd.s32 s13, s12  }
0x26b: {  	[sflag:s22] =	ssyncadd.s32 $0xFFFFC000;
	s23 =	smov.u32 s10;
	s8 =	sadd.s32 $0x100, s10  }
0x26c: {  	[tilespmem:s3], [sflag:$0x4] =	stream.linear.gather [hbm4b:s21+s3], $0x800, $0x38;
	[tilespmem:$0x1CA80] =	vst v63  }
0x26d: {  	s21 =	simm.s32 $0x880  }
0x26e: {  	p2 =	seq.s32 s10, $0x900;
	_ =	swait.ge [sflag:s15], $0x800  }
0x26f: {  	s10 =	sadd.s32 s13, s11;
	[sflag:s15] =	ssyncset.done $0x0  }
0x270: {  	s13 =	smov.u32 s23;
	s23 =	simm.s32 $0x100;
	[sflag:s15] =	ssyncadd.s32 $0xFFFFF800  }
0x271: {  	[tilespmem:s16], [sflag:$0x4] =	stream.linear.gather [hbm4b:s10+s3], $0x800, $0x38;
	[tilespmem:$0x1CA80] =	vst v63  }
0x272: {  	_ =	swait.ge [sflag:s15], $0x800  }
0x273: {  	[sflag:s15] =	ssyncset.done $0x0  }
0x274: {  	[sflag:s15] =	ssyncadd.s32 $0xFFFFF800  }
0x275: {  	[tilespmem:s14], [sflag:$0x1] =	stream.indirect.gather [hbm4b:s4+s17], $0x80, s3, s17, $0xb8;
	[tilespmem:$0x1CA80] =	vst v63  }
0x276: {  	_ = 	snop  }
0x277: {  	[tilespmem:s18], [sflag:$0x2] =	stream.indirect.gather [hbm4b:s4+s17], $0x80, s17, s17, $0xb8;
	[tilespmem:$0x1CA80] =	vst v63  }
0x278: {  	_ =	swait.ge [sflag:s19], $0x4000  }
0x279: {  	[sflag:s19] =	ssyncset.done $0x0  }
0x27a: {  	[sflag:s19] =	ssyncadd.s32 $0xFFFFC000  }
0x27b: {  	[spmem:s2] =	stream.indirect.scatter.add.f32 [tilespmem:s14], [sflag:$0x3], $0x80, s16, s17, $0xb8;
	[tilespmem:$0x1CA80] =	vst v63  }
0x27c: {  	_ =	swait.ge [sflag:s20], $0x4000  }
0x27d: {  	[sflag:s20] =	ssyncset.done $0x0  }
0x27e: {  	[sflag:s20] =	ssyncadd.s32 $0xFFFFC000  }
0x27f: {  	[spmem:s2] =	stream.indirect.scatter.add.f32 [tilespmem:s18], [sflag:$0x3], $0x80, s21, s17, $0xb8;
	[tilespmem:$0x1CA80] =	vst v63  }
0x280: {  	_ =	swait.ge [sflag:s22], $0x4000  }
0x281: {  	[sflag:s22] =	ssyncset.done $0x0  }
0x282: {  	[sflag:s22] =	ssyncadd.s32 $0xFFFFC000  }
0x283: {  	_ =	swait.ge [sflag:s22], $0x4000  }
0x284: {  	[sflag:s22] =	ssyncset.done $0x0  }
0x285: {  	[sflag:s22] =	ssyncadd.s32 $0xFFFFC000  }
0x286: {  	[tilespmem:s14], [sflag:$0x1] =	stream.indirect.gather [hbm4b:s4+s17], $0x80, s23, s17, $0xb8;
	[tilespmem:$0x1CA80] =	vst v63  }
0x287: {  	_ = 	snop  }
0x288: {  	[tilespmem:s18], [sflag:$0x2] =	stream.indirect.gather [hbm4b:s4+s17], $0x80, s24, s17, $0xb8;
	[tilespmem:$0x1CA80] =	vst v63  }
0x289: {  	_ =	swait.ge [sflag:s19], $0x4000  }
0x28a: {  	[sflag:s19] =	ssyncset.done $0x0  }
0x28b: {  	[sflag:s19] =	ssyncadd.s32 $0xFFFFC000  }
0x28c: {  	[spmem:s2] =	stream.indirect.scatter.add.f32 [tilespmem:s14], [sflag:$0x3], $0x80, s25, s17, $0xb8;
	[tilespmem:$0x1CA80] =	vst v63  }
0x28d: {  	_ =	swait.ge [sflag:s20], $0x4000  }
0x28e: {  	[sflag:s20] =	ssyncset.done $0x0  }
0x28f: {  	[sflag:s20] =	ssyncadd.s32 $0xFFFFC000  }
0x290: {  	[spmem:s2] =	stream.indirect.scatter.add.f32 [tilespmem:s18], [sflag:$0x3], $0x80, s26, s17, $0xb8;
	[tilespmem:$0x1CA80] =	vst v63  }
0x291: {  	_ =	swait.ge [sflag:s22], $0x4000  }
0x292: {  	[sflag:s22] =	ssyncset.done $0x0  }
0x293: {  	[sflag:s22] =	ssyncadd.s32 $0xFFFFC000  }
0x294: {  	_ =	swait.ge [sflag:s22], $0x4000  }
0x295: {  	[sflag:s22] =	ssyncset.done $0x0  }
0x296: {  	[sflag:s22] =	ssyncadd.s32 $0xFFFFC000  }
0x297: {  	[tilespmem:s14], [sflag:$0x1] =	stream.indirect.gather [hbm4b:s4+s17], $0x80, s28, s17, $0xb8;
	[tilespmem:$0x1CA80] =	vst v63  }
0x298: {  	_ = 	snop  }
0x299: {  	[tilespmem:s18], [sflag:$0x2] =	stream.indirect.gather [hbm4b:s4+s17], $0x80, s29, s17, $0xb8;
	[tilespmem:$0x1CA80] =	vst v63  }
0x29a: {  	_ =	swait.ge [sflag:s19], $0x4000  }
0x29b: {  	[sflag:s19] =	ssyncset.done $0x0  }
0x29c: {  	[sflag:s19] =	ssyncadd.s32 $0xFFFFC000  }
0x29d: {  	[spmem:s2] =	stream.indirect.scatter.add.f32 [tilespmem:s14], [sflag:$0x3], $0x80, s30, s17, $0xb8;
	[tilespmem:$0x1CA80] =	vst v63  }
0x29e: {  	_ =	swait.ge [sflag:s20], $0x4000  }
0x29f: {  	[sflag:s20] =	ssyncset.done $0x0  }
0x2a0: {  	[sflag:s20] =	ssyncadd.s32 $0xFFFFC000  }
0x2a1: {  	[spmem:s2] =	stream.indirect.scatter.add.f32 [tilespmem:s18], [sflag:$0x3], $0x80, s31, s17, $0xb8;
	[tilespmem:$0x1CA80] =	vst v63  }
0x2a2: {  	_ =	swait.ge [sflag:s22], $0x4000  }
0x2a3: {  	[sflag:s22] =	ssyncset.done $0x0  }
0x2a4: {  	[sflag:s22] =	ssyncadd.s32 $0xFFFFC000  }
0x2a5: {  	_ =	swait.ge [sflag:s22], $0x4000  }
0x2a6: {  	[sflag:s22] =	ssyncset.done $0x0  }
0x2a7: {  	[sflag:s22] =	ssyncadd.s32 $0xFFFFC000  }
0x2a8: {  	[tilespmem:s14], [sflag:$0x1] =	stream.indirect.gather [hbm4b:s4+s17], $0x80, s0, s17, $0xb8;
	[tilespmem:$0x1CA80] =	vst v63  }
0x2a9: {  	_ = 	snop  }
0x2aa: {  	[tilespmem:s18], [sflag:$0x2] =	stream.indirect.gather [hbm4b:s4+s17], $0x80, s1, s17, $0xb8;
	[tilespmem:$0x1CA80] =	vst v63  }
0x2ab: {  	_ =	swait.ge [sflag:s19], $0x4000  }
0x2ac: {  	[sflag:s19] =	ssyncset.done $0x0  }
0x2ad: {  	[sflag:s19] =	ssyncadd.s32 $0xFFFFC000  }
0x2ae: {  	[spmem:s2] =	stream.indirect.scatter.add.f32 [tilespmem:s14], [sflag:$0x3], $0x80, s6, s17, $0xb8;
	[tilespmem:$0x1CA80] =	vst v63  }
0x2af: {  	_ =	swait.ge [sflag:s20], $0x4000  }
0x2b0: {  	[sflag:s20] =	ssyncset.done $0x0  }
0x2b1: {  	[sflag:s20] =	ssyncadd.s32 $0xFFFFC000  }
0x2b2: {  	[spmem:s2] =	stream.indirect.scatter.add.f32 [tilespmem:s18], [sflag:$0x3], $0x80, s9, s17, $0xb8;
	[tilespmem:$0x1CA80] =	vst v63  }
0x2b3: {  	_ =	swait.ge [sflag:s22], $0x4000  }
0x2b4: {  	[sflag:s22] =	ssyncset.done $0x0  }
0x2b5: {  	[sflag:s22] =	ssyncadd.s32 $0xFFFFC000  }
0x2b6: {  	_ =	swait.ge [sflag:s22], $0x4000  }
0x2b7: {  	[sflag:s22] =	ssyncset.done $0x0  }
0x2b8: {  	s10 =	simm.s32 $0x400;
	[sflag:s22] =	ssyncadd.s32 $0xFFFFC000  }
0x2b9: {  	[tilespmem:s14], [sflag:$0x1] =	stream.indirect.gather [hbm4b:s4+s17], $0x80, s10, s17, $0xb8;
	[tilespmem:$0x1CA80] =	vst v63  }
0x2ba: {  	s10 =	simm.s32 $0x480  }
0x2bb: {  	[tilespmem:s18], [sflag:$0x2] =	stream.indirect.gather [hbm4b:s4+s17], $0x80, s10, s17, $0xb8;
	[tilespmem:$0x1CA80] =	vst v63  }
0x2bc: {  	_ =	swait.ge [sflag:s19], $0x4000  }
0x2bd: {  	[sflag:s19] =	ssyncset.done $0x0  }
0x2be: {  	s10 =	simm.s32 $0xC00;
	[sflag:s19] =	ssyncadd.s32 $0xFFFFC000  }
0x2bf: {  	[spmem:s2] =	stream.indirect.scatter.add.f32 [tilespmem:s14], [sflag:$0x3], $0x80, s10, s17, $0xb8;
	[tilespmem:$0x1CA80] =	vst v63  }
0x2c0: {  	_ =	swait.ge [sflag:s20], $0x4000  }
0x2c1: {  	[sflag:s20] =	ssyncset.done $0x0  }
0x2c2: {  	s10 =	simm.s32 $0xC80;
	[sflag:s20] =	ssyncadd.s32 $0xFFFFC000  }
0x2c3: {  	[spmem:s2] =	stream.indirect.scatter.add.f32 [tilespmem:s18], [sflag:$0x3], $0x80, s10, s17, $0xb8;
	[tilespmem:$0x1CA80] =	vst v63  }
0x2c4: {  	_ =	swait.ge [sflag:s22], $0x4000  }
0x2c5: {  	[sflag:s22] =	ssyncset.done $0x0  }
0x2c6: {  	[sflag:s22] =	ssyncadd.s32 $0xFFFFC000  }
0x2c7: {  	_ =	swait.ge [sflag:s22], $0x4000  }
0x2c8: {  	[sflag:s22] =	ssyncset.done $0x0  }
0x2c9: {  	s10 =	simm.s32 $0x500;
	[sflag:s22] =	ssyncadd.s32 $0xFFFFC000  }
0x2ca: {  	[tilespmem:s14], [sflag:$0x1] =	stream.indirect.gather [hbm4b:s4+s17], $0x80, s10, s17, $0xb8;
	[tilespmem:$0x1CA80] =	vst v63  }
0x2cb: {  	s10 =	simm.s32 $0x580  }
0x2cc: {  	[tilespmem:s18], [sflag:$0x2] =	stream.indirect.gather [hbm4b:s4+s17], $0x80, s10, s17, $0xb8;
	[tilespmem:$0x1CA80] =	vst v63  }
0x2cd: {  	_ =	swait.ge [sflag:s19], $0x4000  }
0x2ce: {  	[sflag:s19] =	ssyncset.done $0x0  }
0x2cf: {  	s10 =	simm.s32 $0xD00;
	[sflag:s19] =	ssyncadd.s32 $0xFFFFC000  }
0x2d0: {  	[spmem:s2] =	stream.indirect.scatter.add.f32 [tilespmem:s14], [sflag:$0x3], $0x80, s10, s17, $0xb8;
	[tilespmem:$0x1CA80] =	vst v63  }
0x2d1: {  	_ =	swait.ge [sflag:s20], $0x4000  }
0x2d2: {  	[sflag:s20] =	ssyncset.done $0x0  }
0x2d3: {  	s10 =	simm.s32 $0xD80;
	[sflag:s20] =	ssyncadd.s32 $0xFFFFC000  }
0x2d4: {  	[spmem:s2] =	stream.indirect.scatter.add.f32 [tilespmem:s18], [sflag:$0x3], $0x80, s10, s17, $0xb8;
	[tilespmem:$0x1CA80] =	vst v63  }
0x2d5: {  	_ =	swait.ge [sflag:s22], $0x4000  }
0x2d6: {  	[sflag:s22] =	ssyncset.done $0x0  }
0x2d7: {  	[sflag:s22] =	ssyncadd.s32 $0xFFFFC000  }
0x2d8: {  	_ =	swait.ge [sflag:s22], $0x4000  }
0x2d9: {  	[sflag:s22] =	ssyncset.done $0x0  }
0x2da: {  	s10 =	simm.s32 $0x600;
	[sflag:s22] =	ssyncadd.s32 $0xFFFFC000  }
0x2db: {  	[tilespmem:s14], [sflag:$0x1] =	stream.indirect.gather [hbm4b:s4+s17], $0x80, s10, s17, $0xb8;
	[tilespmem:$0x1CA80] =	vst v63  }
0x2dc: {  	s10 =	simm.s32 $0x680  }
0x2dd: {  	[tilespmem:s18], [sflag:$0x2] =	stream.indirect.gather [hbm4b:s4+s17], $0x80, s10, s17, $0xb8;
	[tilespmem:$0x1CA80] =	vst v63  }
0x2de: {  	_ =	swait.ge [sflag:s19], $0x4000  }
0x2df: {  	[sflag:s19] =	ssyncset.done $0x0  }
0x2e0: {  	s10 =	simm.s32 $0xE00;
	[sflag:s19] =	ssyncadd.s32 $0xFFFFC000  }
0x2e1: {  	[spmem:s2] =	stream.indirect.scatter.add.f32 [tilespmem:s14], [sflag:$0x3], $0x80, s10, s17, $0xb8;
	[tilespmem:$0x1CA80] =	vst v63  }
0x2e2: {  	_ =	swait.ge [sflag:s20], $0x4000  }
0x2e3: {  	[sflag:s20] =	ssyncset.done $0x0  }
0x2e4: {  	s10 =	simm.s32 $0xE80;
	[sflag:s20] =	ssyncadd.s32 $0xFFFFC000  }
0x2e5: {  	[spmem:s2] =	stream.indirect.scatter.add.f32 [tilespmem:s18], [sflag:$0x3], $0x80, s10, s17, $0xb8;
	[tilespmem:$0x1CA80] =	vst v63  }
0x2e6: {  	_ =	swait.ge [sflag:s22], $0x4000  }
0x2e7: {  	[sflag:s22] =	ssyncset.done $0x0  }
0x2e8: {  	[sflag:s22] =	ssyncadd.s32 $0xFFFFC000  }
0x2e9: {  	_ =	swait.ge [sflag:s22], $0x4000  }
0x2ea: {  	[sflag:s22] =	ssyncset.done $0x0  }
0x2eb: {  	s10 =	simm.s32 $0x700;
	[sflag:s22] =	ssyncadd.s32 $0xFFFFC000  }
0x2ec: {  	[tilespmem:s14], [sflag:$0x1] =	stream.indirect.gather [hbm4b:s4+s17], $0x80, s10, s17, $0xb8;
	[tilespmem:$0x1CA80] =	vst v63  }
0x2ed: {  	s10 =	simm.s32 $0x780  }
0x2ee: {  	[tilespmem:s18], [sflag:$0x2] =	stream.indirect.gather [hbm4b:s4+s17], $0x80, s10, s17, $0xb8;
	[tilespmem:$0x1CA80] =	vst v63  }
0x2ef: {  	_ =	swait.ge [sflag:s19], $0x4000  }
0x2f0: {  	[sflag:s19] =	ssyncset.done $0x0  }
0x2f1: {  	s10 =	simm.s32 $0xF00;
	[sflag:s19] =	ssyncadd.s32 $0xFFFFC000  }
0x2f2: {  	[spmem:s2] =	stream.indirect.scatter.add.f32 [tilespmem:s14], [sflag:$0x3], $0x80, s10, s17, $0xb8;
	[tilespmem:$0x1CA80] =	vst v63  }
0x2f3: {  	_ =	swait.ge [sflag:s20], $0x4000  }
0x2f4: {  	[sflag:s20] =	ssyncset.done $0x0  }
0x2f5: {  	s10 =	simm.s32 $0xF80;
	[sflag:s20] =	ssyncadd.s32 $0xFFFFC000  }
0x2f6: {  	[spmem:s2] =	stream.indirect.scatter.add.f32 [tilespmem:s18], [sflag:$0x3], $0x80, s10, s17, $0xb8;
	[tilespmem:$0x1CA80] =	vst v63  }
.Ltmp5:
0x2f7: {  	_ =	swait.ge [sflag:s22], $0x4000;
	(pc) =	sbr.rel @!p2 .LBB2_5-.Ltmp5, $4  }
0x2f8: {  	[sflag:s22] =	ssyncset.done $0x0  }
0x2f9: {  	[sflag:s22] =	ssyncadd.s32 $0xFFFFC000  }
0x2fa: {  	_ =	swait.ge [sflag:s22], $0x4000  }
0x2fb: {  	s10 =	smov.u32 s8;
	[sflag:s22] =	ssyncset.done $0x0  }
0x2fc: {  	s8 =	sadd.s32 s13, s12;
	[sflag:s22] =	ssyncadd.s32 $0xFFFFC000  }
0x2fd: {  	[tilespmem:s3], [sflag:$0x4] =	stream.linear.gather [hbm4b:s8+s3], $0x800, $0x38;
	[tilespmem:$0x1CA80] =	vst v63  }
0x2fe: {  	_ =	swait.ge [sflag:s15], $0x800  }
0x2ff: {  	[sflag:s15] =	ssyncset.done $0x0  }
0x300: {  	s13 =	sadd.s32 s13, s11;
	[sflag:s15] =	ssyncadd.s32 $0xFFFFF800  }
0x301: {  	[tilespmem:s16], [sflag:$0x4] =	stream.linear.gather [hbm4b:s13+s3], $0x800, $0x38;
	[tilespmem:$0x1CA80] =	vst v63  }
0x302: {  	_ =	swait.ge [sflag:s15], $0x800  }
0x303: {  	[sflag:s15] =	ssyncset.done $0x0  }
0x304: {  	[sflag:s15] =	ssyncadd.s32 $0xFFFFF800  }
0x305: {  	[tilespmem:s14], [sflag:$0x1] =	stream.indirect.gather [hbm4b:s4+s17], $0x80, s3, s17, $0xb8;
	[tilespmem:$0x1CA80] =	vst v63  }
0x306: {  	_ = 	snop  }
0x307: {  	[tilespmem:s18], [sflag:$0x2] =	stream.indirect.gather [hbm4b:s4+s17], $0x80, s17, s17, $0xb8;
	[tilespmem:$0x1CA80] =	vst v63  }
0x308: {  	_ =	swait.ge [sflag:s19], $0x4000  }
0x309: {  	[sflag:s19] =	ssyncset.done $0x0  }
0x30a: {  	[sflag:s19] =	ssyncadd.s32 $0xFFFFC000  }
0x30b: {  	[spmem:s2] =	stream.indirect.scatter.add.f32 [tilespmem:s14], [sflag:$0x3], $0x80, s16, s17, $0xb8;
	[tilespmem:$0x1CA80] =	vst v63  }
0x30c: {  	_ =	swait.ge [sflag:s20], $0x4000  }
0x30d: {  	[sflag:s20] =	ssyncset.done $0x0  }
0x30e: {  	[sflag:s20] =	ssyncadd.s32 $0xFFFFC000  }
0x30f: {  	[spmem:s2] =	stream.indirect.scatter.add.f32 [tilespmem:s18], [sflag:$0x3], $0x80, s21, s17, $0xb8;
	[tilespmem:$0x1CA80] =	vst v63  }
0x310: {  	_ =	swait.ge [sflag:s22], $0x4000  }
0x311: {  	[sflag:s22] =	ssyncset.done $0x0  }
0x312: {  	[sflag:s22] =	ssyncadd.s32 $0xFFFFC000  }
0x313: {  	_ =	swait.ge [sflag:s22], $0x4000  }
0x314: {  	[sflag:s22] =	ssyncset.done $0x0  }
0x315: {  	[sflag:s22] =	ssyncadd.s32 $0xFFFFC000  }
0x316: {  	[tilespmem:s14], [sflag:$0x1] =	stream.indirect.gather [hbm4b:s4+s17], $0x80, s23, s17, $0xb8;
	[tilespmem:$0x1CA80] =	vst v63  }
0x317: {  	_ = 	snop  }
0x318: {  	[tilespmem:s18], [sflag:$0x2] =	stream.indirect.gather [hbm4b:s4+s17], $0x80, s24, s17, $0xb8;
	[tilespmem:$0x1CA80] =	vst v63  }
0x319: {  	_ =	swait.ge [sflag:s19], $0x4000  }
0x31a: {  	[sflag:s19] =	ssyncset.done $0x0  }
0x31b: {  	[sflag:s19] =	ssyncadd.s32 $0xFFFFC000  }
0x31c: {  	[spmem:s2] =	stream.indirect.scatter.add.f32 [tilespmem:s14], [sflag:$0x3], $0x80, s25, s17, $0xb8;
	[tilespmem:$0x1CA80] =	vst v63  }
0x31d: {  	_ =	swait.ge [sflag:s20], $0x4000  }
0x31e: {  	[sflag:s20] =	ssyncset.done $0x0  }
0x31f: {  	[sflag:s20] =	ssyncadd.s32 $0xFFFFC000  }
0x320: {  	[spmem:s2] =	stream.indirect.scatter.add.f32 [tilespmem:s18], [sflag:$0x3], $0x80, s26, s17, $0xb8;
	[tilespmem:$0x1CA80] =	vst v63  }
0x321: {  	_ =	swait.ge [sflag:s22], $0x4000  }
0x322: {  	[sflag:s22] =	ssyncset.done $0x0  }
0x323: {  	[sflag:s22] =	ssyncadd.s32 $0xFFFFC000  }
0x324: {  	_ =	swait.ge [sflag:s22], $0x4000  }
0x325: {  	[sflag:s22] =	ssyncset.done $0x0  }
0x326: {  	[sflag:s22] =	ssyncadd.s32 $0xFFFFC000  }
0x327: {  	[tilespmem:s14], [sflag:$0x1] =	stream.indirect.gather [hbm4b:s4+s17], $0x80, s28, s17, $0xb8;
	[tilespmem:$0x1CA80] =	vst v63  }
0x328: {  	_ = 	snop  }
0x329: {  	[tilespmem:s18], [sflag:$0x2] =	stream.indirect.gather [hbm4b:s4+s17], $0x80, s29, s17, $0xb8;
	[tilespmem:$0x1CA80] =	vst v63  }
0x32a: {  	_ =	swait.ge [sflag:s19], $0x4000  }
0x32b: {  	[sflag:s19] =	ssyncset.done $0x0  }
0x32c: {  	[sflag:s19] =	ssyncadd.s32 $0xFFFFC000  }
0x32d: {  	[spmem:s2] =	stream.indirect.scatter.add.f32 [tilespmem:s14], [sflag:$0x3], $0x80, s30, s17, $0xb8;
	[tilespmem:$0x1CA80] =	vst v63  }
0x32e: {  	_ =	swait.ge [sflag:s20], $0x4000  }
0x32f: {  	[sflag:s20] =	ssyncset.done $0x0  }
0x330: {  	[sflag:s20] =	ssyncadd.s32 $0xFFFFC000  }
0x331: {  	[spmem:s2] =	stream.indirect.scatter.add.f32 [tilespmem:s18], [sflag:$0x3], $0x80, s31, s17, $0xb8;
	[tilespmem:$0x1CA80] =	vst v63  }
0x332: {  	_ =	swait.ge [sflag:s22], $0x4000  }
0x333: {  	[sflag:s22] =	ssyncset.done $0x0  }
0x334: {  	[sflag:s22] =	ssyncadd.s32 $0xFFFFC000  }
0x335: {  	_ =	swait.ge [sflag:s22], $0x4000  }
0x336: {  	[sflag:s22] =	ssyncset.done $0x0  }
0x337: {  	[sflag:s22] =	ssyncadd.s32 $0xFFFFC000  }
0x338: {  	[tilespmem:s14], [sflag:$0x1] =	stream.indirect.gather [hbm4b:s4+s17], $0x80, s0, s17, $0xb8;
	[tilespmem:$0x1CA80] =	vst v63  }
0x339: {  	_ = 	snop  }
0x33a: {  	[tilespmem:s18], [sflag:$0x2] =	stream.indirect.gather [hbm4b:s4+s17], $0x80, s1, s17, $0xb8;
	[tilespmem:$0x1CA80] =	vst v63  }
0x33b: {  	_ =	swait.ge [sflag:s19], $0x4000  }
0x33c: {  	[sflag:s19] =	ssyncset.done $0x0  }
0x33d: {  	[sflag:s19] =	ssyncadd.s32 $0xFFFFC000  }
0x33e: {  	[spmem:s2] =	stream.indirect.scatter.add.f32 [tilespmem:s14], [sflag:$0x3], $0x80, s6, s17, $0xb8;
	[tilespmem:$0x1CA80] =	vst v63  }
0x33f: {  	_ =	swait.ge [sflag:s20], $0x4000  }
0x340: {  	[sflag:s20] =	ssyncset.done $0x0  }
0x341: {  	[sflag:s20] =	ssyncadd.s32 $0xFFFFC000  }
0x342: {  	[spmem:s2] =	stream.indirect.scatter.add.f32 [tilespmem:s18], [sflag:$0x3], $0x80, s9, s17, $0xb8;
	[tilespmem:$0x1CA80] =	vst v63  }
0x343: {  	_ =	swait.ge [sflag:s22], $0x4000  }
0x344: {  	[sflag:s22] =	ssyncset.done $0x0  }
0x345: {  	[sflag:s22] =	ssyncadd.s32 $0xFFFFC000  }
0x346: {  	_ =	swait.ge [sflag:s22], $0x4000  }
0x347: {  	[sflag:s22] =	ssyncset.done $0x0  }
0x348: {  	s21 =	simm.s32 $0x400;
	[sflag:s22] =	ssyncadd.s32 $0xFFFFC000  }
0x349: {  	[tilespmem:s14], [sflag:$0x1] =	stream.indirect.gather [hbm4b:s4+s17], $0x80, s21, s17, $0xb8;
	[tilespmem:$0x1CA80] =	vst v63  }
0x34a: {  	s23 =	simm.s32 $0x480  }
0x34b: {  	[tilespmem:s18], [sflag:$0x2] =	stream.indirect.gather [hbm4b:s4+s17], $0x80, s23, s17, $0xb8;
	[tilespmem:$0x1CA80] =	vst v63  }
0x34c: {  	_ =	swait.ge [sflag:s19], $0x4000  }
0x34d: {  	[sflag:s19] =	ssyncset.done $0x0  }
0x34e: {  	s24 =	simm.s32 $0xC00;
	[sflag:s19] =	ssyncadd.s32 $0xFFFFC000  }
0x34f: {  	[spmem:s2] =	stream.indirect.scatter.add.f32 [tilespmem:s14], [sflag:$0x3], $0x80, s24, s17, $0xb8;
	[tilespmem:$0x1CA80] =	vst v63  }
0x350: {  	_ =	swait.ge [sflag:s20], $0x4000  }
0x351: {  	[sflag:s20] =	ssyncset.done $0x0  }
0x352: {  	s25 =	simm.s32 $0xC80;
	[sflag:s20] =	ssyncadd.s32 $0xFFFFC000  }
0x353: {  	[spmem:s2] =	stream.indirect.scatter.add.f32 [tilespmem:s18], [sflag:$0x3], $0x80, s25, s17, $0xb8;
	[tilespmem:$0x1CA80] =	vst v63  }
0x354: {  	_ =	swait.ge [sflag:s22], $0x4000  }
0x355: {  	[sflag:s22] =	ssyncset.done $0x0  }
0x356: {  	[sflag:s22] =	ssyncadd.s32 $0xFFFFC000  }
0x357: {  	_ =	swait.ge [sflag:s22], $0x4000  }
0x358: {  	[sflag:s22] =	ssyncset.done $0x0  }
0x359: {  	s26 =	simm.s32 $0x500;
	[sflag:s22] =	ssyncadd.s32 $0xFFFFC000  }
0x35a: {  	[tilespmem:s14], [sflag:$0x1] =	stream.indirect.gather [hbm4b:s4+s17], $0x80, s26, s17, $0xb8;
	[tilespmem:$0x1CA80] =	vst v63  }
0x35b: {  	s1 =	simm.s32 $0x580  }
0x35c: {  	[tilespmem:s18], [sflag:$0x2] =	stream.indirect.gather [hbm4b:s4+s17], $0x80, s1, s17, $0xb8;
	[tilespmem:$0x1CA80] =	vst v63  }
0x35d: {  	_ =	swait.ge [sflag:s19], $0x4000  }
0x35e: {  	[sflag:s19] =	ssyncset.done $0x0  }
0x35f: {  	s6 =	simm.s32 $0xD00;
	[sflag:s19] =	ssyncadd.s32 $0xFFFFC000  }
0x360: {  	[spmem:s2] =	stream.indirect.scatter.add.f32 [tilespmem:s14], [sflag:$0x3], $0x80, s6, s17, $0xb8;
	[tilespmem:$0x1CA80] =	vst v63  }
0x361: {  	_ =	swait.ge [sflag:s20], $0x4000  }
0x362: {  	[sflag:s20] =	ssyncset.done $0x0  }
0x363: {  	s8 =	simm.s32 $0xD80;
	[sflag:s20] =	ssyncadd.s32 $0xFFFFC000  }
0x364: {  	[spmem:s2] =	stream.indirect.scatter.add.f32 [tilespmem:s18], [sflag:$0x3], $0x80, s8, s17, $0xb8;
	[tilespmem:$0x1CA80] =	vst v63  }
0x365: {  	_ =	swait.ge [sflag:s22], $0x4000  }
0x366: {  	[sflag:s22] =	ssyncset.done $0x0  }
0x367: {  	[sflag:s22] =	ssyncadd.s32 $0xFFFFC000  }
0x368: {  	_ =	swait.ge [sflag:s22], $0x4000  }
0x369: {  	[sflag:s22] =	ssyncset.done $0x0  }
0x36a: {  	s9 =	simm.s32 $0x600;
	[sflag:s22] =	ssyncadd.s32 $0xFFFFC000  }
0x36b: {  	[tilespmem:s14], [sflag:$0x1] =	stream.indirect.gather [hbm4b:s4+s17], $0x80, s9, s17, $0xb8;
	[tilespmem:$0x1CA80] =	vst v63  }
0x36c: {  	s10 =	simm.s32 $0x680  }
0x36d: {  	[tilespmem:s18], [sflag:$0x2] =	stream.indirect.gather [hbm4b:s4+s17], $0x80, s10, s17, $0xb8;
	[tilespmem:$0x1CA80] =	vst v63  }
0x36e: {  	_ =	swait.ge [sflag:s19], $0x4000  }
0x36f: {  	[sflag:s19] =	ssyncset.done $0x0  }
0x370: {  	s13 =	simm.s32 $0xE00;
	[sflag:s19] =	ssyncadd.s32 $0xFFFFC000  }
0x371: {  	[spmem:s2] =	stream.indirect.scatter.add.f32 [tilespmem:s14], [sflag:$0x3], $0x80, s13, s17, $0xb8;
	[tilespmem:$0x1CA80] =	vst v63  }
0x372: {  	_ =	swait.ge [sflag:s20], $0x4000  }
0x373: {  	[sflag:s20] =	ssyncset.done $0x0  }
0x374: {  	s21 =	simm.s32 $0xE80;
	[sflag:s20] =	ssyncadd.s32 $0xFFFFC000  }
0x375: {  	[spmem:s2] =	stream.indirect.scatter.add.f32 [tilespmem:s18], [sflag:$0x3], $0x80, s21, s17, $0xb8;
	[tilespmem:$0x1CA80] =	vst v63  }
0x376: {  	_ =	swait.ge [sflag:s22], $0x4000  }
0x377: {  	[sflag:s22] =	ssyncset.done $0x0  }
0x378: {  	[sflag:s22] =	ssyncadd.s32 $0xFFFFC000  }
0x379: {  	_ =	swait.ge [sflag:s22], $0x4000  }
0x37a: {  	[sflag:s22] =	ssyncset.done $0x0  }
0x37b: {  	s23 =	simm.s32 $0x700;
	[sflag:s22] =	ssyncadd.s32 $0xFFFFC000  }
0x37c: {  	[tilespmem:s14], [sflag:$0x1] =	stream.indirect.gather [hbm4b:s4+s17], $0x80, s23, s17, $0xb8;
	[tilespmem:$0x1CA80] =	vst v63  }
0x37d: {  	s24 =	simm.s32 $0x780  }
0x37e: {  	[tilespmem:s18], [sflag:$0x2] =	stream.indirect.gather [hbm4b:s4+s17], $0x80, s24, s17, $0xb8;
	[tilespmem:$0x1CA80] =	vst v63  }
0x37f: {  	_ =	swait.ge [sflag:s19], $0x4000  }
0x380: {  	[sflag:s19] =	ssyncset.done $0x0  }
0x381: {  	s25 =	simm.s32 $0xF00;
	[sflag:s19] =	ssyncadd.s32 $0xFFFFC000  }
0x382: {  	[spmem:s2] =	stream.indirect.scatter.add.f32 [tilespmem:s14], [sflag:$0x3], $0x80, s25, s17, $0xb8;
	[tilespmem:$0x1CA80] =	vst v63  }
0x383: {  	_ =	swait.ge [sflag:s20], $0x4000  }
0x384: {  	[sflag:s20] =	ssyncset.done $0x0  }
0x385: {  	s26 =	simm.s32 $0xF80;
	[sflag:s20] =	ssyncadd.s32 $0xFFFFC000  }
0x386: {  	[spmem:s2] =	stream.indirect.scatter.add.f32 [tilespmem:s18], [sflag:$0x3], $0x80, s26, s17, $0xb8;
	[tilespmem:$0x1CA80] =	vst v63  }
0x387: {  	s28 =	simm.s32 $0x280;
	_ =	swait.ge [sflag:s22], $0x4000  }
0x388: {  	s29 =	simm.s32 $0xA00;
	s30 =	simm.s32 $0xA80;
	[sflag:s22] =	ssyncset.done $0x0  }
0x389: {  	s31 =	simm.s32 $0x400;
	s0 =	simm.s32 $0x300;
	[sflag:s22] =	ssyncadd.s32 $0xFFFFC000  }
0x38a: {  	s1 =	simm.s32 $0x380;
	s6 =	simm.s32 $0xB00;
	_ =	swait.ge [sflag:s22], $0x4000  }
0x38b: {  	s9 =	simm.s32 $0xB80;
	s24 =	simm.s32 $0x900;
	[sflag:s22] =	ssyncset.done $0x0  }
0x38c: {  	s25 =	simm.s32 $0x980;
	s26 =	simm.s32 $0x200;
	[sflag:s22] =	ssyncadd.s32 $0xFFFFC000  }
.LBB2_10:
0x38d: {  	[bflag:$0x0] =	sbarrier.arrive $0xFFFF  }
0x38e: {  	s10 =	rddreg [dreg:$0x6]  }
0x38f: {  	[tilespmem:s14], [sflag:$0x4] =	stream.linear.gather [spmem:s10], $0x2800, $0x38;
	[tilespmem:$0x1CA80] =	vst v63  }
0x390: {  	_ =	swait.ge [sflag:s15], $0x2800  }
0x391: {  	s13 =	rddreg [dreg:$0x7]  }
0x392: {  	[sflag:s15] =	ssyncset.done $0x0;
	s8 =	sshrl.u32 s13, $0x3  }
.Ltmp6:
0x393: {  	[sflag:s15] =	ssyncadd.s32 $0xFFFFD800;
	s8 =	sadd.s32 s7, s8;
	(pc) =	sbr.rel @!p1 .LBB2_12-.Ltmp6, $4  }
0x394: {  	[hbm4b:s8+s3] =	stream.linear.scatter [tilespmem:s14], [sflag:$0x4], $0x2800, $0x38;
	[tilespmem:$0x1CA80] =	vst v63  }
0x395: {  	_ =	swait.ge [sflag:s15], $0x2800  }
0x396: {  	s23 =	rddreg [dreg:$0x4]  }
0x397: {  	[sflag:s15] =	ssyncset.done $0x0;
	s8 =	sadd.s32 $0xFFFFFFFF, s23  }
.LBB2_11:
0x398: {  	[sflag:s15] =	ssyncadd.s32 $0xFFFFD800;
	s13 =	sadd.s32 $0x2800, s13;
	s10 =	sadd.s32 $0x2800, s10  }
0x399: {  	[tilespmem:s14], [sflag:$0x4] =	stream.linear.gather [spmem:s10], $0x2800, $0x38;
	[tilespmem:$0x1CA80] =	vst v63  }
0x39a: {  	p1 =	sne.s32 s8, $0x1;
	s8 =	sadd.s32 $0xFFFFFFFF, s8;
	_ =	swait.ge [sflag:s15], $0x2800  }
.Ltmp7:
0x39b: {  	s21 =	sshrl.u32 s13, $0x3;
	[sflag:s15] =	ssyncset.done $0x0;
	(pc) =	sbr.rel @p1 .LBB2_11-.Ltmp7, $4  }
0x39c: {  	s21 =	sadd.s32 s7, s21;
	[sflag:s15] =	ssyncadd.s32 $0xFFFFD800  }
0x39d: {  	[hbm4b:s21+s3] =	stream.linear.scatter [tilespmem:s14], [sflag:$0x4], $0x2800, $0x38;
	[tilespmem:$0x1CA80] =	vst v63  }
0x39e: {  	_ =	swait.ge [sflag:s15], $0x2800  }
0x39f: {  	[sflag:s15] =	ssyncset.done $0x0  }
.LBB2_12:
0x3a0: {  	s10 =	rddreg [dreg:$0x8]  }
0x3a1: {  	s8 =	rddreg [dreg:$0x5];
	s10 =	sadd.s32 $0x1, s10  }
0x3a2: {  	p1 =	sne.s32 s10, s8  }
.Ltmp8:
0x3a3: {  	_ = 	snop;
	(pc) =	sbr.rel @p1 .LBB2_1-.Ltmp8, $2  }
0x3a4: {  	_ =	sdelay $0x2  }
0x3a5: {  	[sflag:s15] =	ssyncadd.s32 $0xFFFFD800;
	s13 =	simm.s32 $0x880;
	s21 =	simm.s32 $0x180  }
0x3a6: {  	_ =	sfence.sel $0x180000  }
0x3a7: {  	[bflag:$0x0] =	sbarrier.arrive $0xFFFF  }
0x3a8: {  	_ =	strace $0x9000004A  }
0x3a9: {  	s0 =	stileid.u32;
	[bflag:$0x2] =	sbarrier.arrive $0xFFFF  }
0x3aa: {  	p0 =	sne.s32 s0, $0x0;
	s0 =	rddreg [dreg:$0x2]  }
0x3ab: {  	s0 =	sadd.s32 @!p0 $0x100000, s0  }
0x3ac: {  	[sflag:s0] =	ssyncadd.tile.s32 @!p0 $0x1;
	_ =	shalt  }
.Lfunc_end2:
_tile_overlayer_lowered:
.L_overlay_start_2:
0x3ad: {  	(tag) =	ssettag $0x2  }
0x3ae: {  	s0 =	rddreg [dreg:$0x0];
	s2 =	stileid.u32  }
0x3af: {  	s1 =	rddreg [dreg:$0x1];
	p0 =	sne.s32 s2, $0x0  }
0x3b0: {  	s3 =	rddreg [dreg:$0x2];
	[bflag:$0x3] =	sbarrier.arrive $0xFFFF;
	s2 =	simm.s32 @!p0 $0x1C04  }
0x3b1: {  	[timem:s3], [sflag:s2] =	dma.local @!p0 [hbm:s0], s1  }
0x3b2: {  	s0 =	simm.s32 @!p0 $0x4  }
0x3b3: {  	_ =	swait.ge @!p0 [sflag:s0], s1  }
0x3b4: {  	s1 =	ssub.s32 @!p0 $0x0, s1;
	[sflag:s0] =	ssyncset.done @!p0 $0x0  }
0x3b5: {  	[sflag:s0] =	ssyncadd.s32 @!p0 s1  }
0x3b6: {  	[bflag:$0x3] =	sbarrier.arrive $0xFFFF  }
0x3b7: {  	_ =	shalt  }

</sc_bundles>
